<compile_context>
chip_gen: v7x
topology: tpu7x:2x2x1
jax: 0.10.2.dev20260603
libtpu: 0.0.44.dev20260713+nightly
codegen_flags: <defaults>
</compile_context>

<pallas_src>
import functools

import jax
import jax.numpy as jnp
from jax import lax
from jax.experimental import pallas as pl
from jax.experimental.pallas import tpu as pltpu
from jax.experimental.pallas import tpu_sc as plsc

_NC = 2
_NS = 16
_NW = _NC * _NS
_CH = 128
_H = 128

_mesh = plsc.VectorSubcoreMesh(core_axis_name="c", subcore_axis_name="s")


def _zero_rows(buf, nrows, ncols16):
    z = jnp.zeros((16,), jnp.float32)

    def body(i, _):
        r = i // ncols16
        k = i % ncols16
        buf[r, pl.ds(k * 16, 16)] = z
        return 0

    lax.fori_loop(0, nrows * ncols16, body, 0)


_NB = 32


def _make_spmm(n, cpw0, cpw1):
    npad = ((n + 8 * _NS - 1) // (8 * _NS)) * (8 * _NS)
    rpt = npad // _NS

    @functools.partial(
        pl.kernel,
        mesh=_mesh,
        out_type=jax.ShapeDtypeStruct((_NC, npad, _H), jnp.float32),
        scratch_types=[
            pltpu.VMEM((_NB, _CH), jnp.int32),
            pltpu.VMEM((_NB, _CH), jnp.int32),
            pltpu.VMEM((_CH, _H), jnp.float32),
            pltpu.VMEM((_CH, _H), jnp.float32),
            pltpu.VMEM_SHARED((npad, _H), jnp.float32),
            pltpu.SemaphoreType.DMA,
            pltpu.SemaphoreType.DMA,
        ],
    )
    def spmm_kernel(g_hbm, srca_hbm, dsta_hbm, srcb_hbm, dstb_hbm, out_hbm,
                    srcb, dstb, rows_a, rows_b, acc_sh, sem_a, sem_b):
        c = lax.axis_index("c")
        s = lax.axis_index("s")

        _zero_rows(rows_a, _CH, _H // 16)

        nfull = rpt // _CH
        rem = rpt - nfull * _CH
        for k in range(nfull):
            pltpu.sync_copy(rows_a, acc_sh.at[pl.ds(s * rpt + k * _CH, _CH)])
        if rem:
            pltpu.sync_copy(rows_a.at[pl.ds(0, rem)],
                            acc_sh.at[pl.ds(s * rpt + nfull * _CH, rem)])
        plsc.subcore_barrier()

        def gather_a(j):
            pltpu.async_copy(g_hbm.at[srcb.at[j]], rows_a, sem_a)

        def gather_b(j):
            pltpu.async_copy(g_hbm.at[srcb.at[j]], rows_b, sem_b)

        def wait_a(j):
            pltpu.make_async_copy(g_hbm.at[srcb.at[j]], rows_a, sem_a).wait()

        def wait_b(j):
            pltpu.make_async_copy(g_hbm.at[srcb.at[j]], rows_b, sem_b).wait()

        def scat_a(j):
            pltpu.sync_copy(rows_a, acc_sh.at[dstb.at[j]], add=True)

        def scat_b(j):
            pltpu.sync_copy(rows_b, acc_sh.at[dstb.at[j]], add=True)

        def run_edges(src_hbm, dst_hbm, nb):
            def batch_body(b, _):
                pltpu.sync_copy(src_hbm.at[s, pl.ds(b * _NB, _NB)], srcb)
                pltpu.sync_copy(dst_hbm.at[s, pl.ds(b * _NB, _NB)], dstb)

                gather_a(0)

                def pair_body(p, _):
                    gather_b(2 * p + 1)
                    wait_a(2 * p)
                    scat_a(2 * p)
                    gather_a(2 * p + 2)
                    wait_b(2 * p + 1)
                    scat_b(2 * p + 1)
                    return 0

                lax.fori_loop(0, _NB // 2 - 1, pair_body, 0)
                gather_b(_NB - 1)
                wait_a(_NB - 2)
                scat_a(_NB - 2)
                wait_b(_NB - 1)
                scat_b(_NB - 1)
                return 0

            lax.fori_loop(0, nb, batch_body, 0)

        @pl.when(c == 0)
        def _():
            run_edges(srca_hbm, dsta_hbm, cpw0 // _NB)

        @pl.when(c == 1)
        def _():
            run_edges(srcb_hbm, dstb_hbm, cpw1 // _NB)

        plsc.subcore_barrier()

        done = 0
        while done < rpt:
            oc = min(_CH, rpt - done)
            off = s * rpt + done
            pltpu.sync_copy(acc_sh.at[pl.ds(off, oc)], rows_a.at[pl.ds(0, oc)])
            pltpu.sync_copy(rows_a.at[pl.ds(0, oc)], out_hbm.at[c, pl.ds(off, oc)])
            done += oc

    return spmm_kernel


def _make_deg(n, cpw0, cpw1):
    npad = ((n + 8 * _NS - 1) // (8 * _NS)) * (8 * _NS)
    rpt = npad // _NS

    @functools.partial(
        pl.kernel,
        mesh=_mesh,
        out_type=jax.ShapeDtypeStruct((_NC, npad, _H), jnp.float32),
        scratch_types=[
            pltpu.VMEM((_NB, _CH), jnp.int32),
            pltpu.VMEM((_CH, _H), jnp.float32),
            pltpu.VMEM_SHARED((npad, _H), jnp.float32),
        ],
    )
    def deg_kernel(dsta_hbm, dstb_hbm, out_hbm, dstb, ones_v, acc_sh):
        c = lax.axis_index("c")
        s = lax.axis_index("s")

        _zero_rows(ones_v, _CH, _H // 16)

        nfull = rpt // _CH
        rem = rpt - nfull * _CH
        for k in range(nfull):
            pltpu.sync_copy(ones_v, acc_sh.at[pl.ds(s * rpt + k * _CH, _CH)])
        if rem:
            pltpu.sync_copy(ones_v.at[pl.ds(0, rem)],
                            acc_sh.at[pl.ds(s * rpt + nfull * _CH, rem)])

        one = jnp.ones((16,), jnp.float32)

        def fill_ones(i, _):
            r = i // (_H // 16)
            k = i % (_H // 16)
            ones_v[r, pl.ds(k * 16, 16)] = one
            return 0

        lax.fori_loop(0, _CH * (_H // 16), fill_ones, 0)
        plsc.subcore_barrier()

        def run_edges(dst_hbm, nb):
            def batch_body(b, _):
                pltpu.sync_copy(dst_hbm.at[s, pl.ds(b * _NB, _NB)], dstb)

                def body(j, _):
                    pltpu.sync_copy(ones_v, acc_sh.at[dstb.at[j]], add=True)
                    return 0

                lax.fori_loop(0, _NB, body, 0)
                return 0

            lax.fori_loop(0, nb, batch_body, 0)

        @pl.when(c == 0)
        def _():
            run_edges(dsta_hbm, cpw0 // _NB)

        @pl.when(c == 1)
        def _():
            run_edges(dstb_hbm, cpw1 // _NB)

        plsc.subcore_barrier()

        done = 0
        while done < rpt:
            oc = min(_CH, rpt - done)
            off = s * rpt + done
            pltpu.sync_copy(acc_sh.at[pl.ds(off, oc)], ones_v.at[pl.ds(0, oc)])
            pltpu.sync_copy(ones_v.at[pl.ds(0, oc)], out_hbm.at[c, pl.ds(off, oc)])
            done += oc

    return deg_kernel



_BLK = 400


def _mm1_body(x_ref, w_ref, o_ref):
    o_ref[...] = lax.dot_general(
        x_ref[...], w_ref[...], (((1,), (0,)), ((), ())),
        preferred_element_type=jnp.float32, precision=lax.Precision.HIGHEST)


def _scale_body(degp_ref, h_ref, dinv_ref, g_ref):
    deg = degp_ref[0, :, 0:1] + degp_ref[1, :, 0:1] + 1.0
    dinv = lax.rsqrt(deg)
    dinvb = jnp.broadcast_to(dinv, h_ref.shape)
    dinv_ref[...] = dinvb
    g_ref[...] = h_ref[...] * dinvb


def _mid_body(p_ref, g_ref, dinv_ref, b_ref, w_ref, o_ref):
    t = dinv_ref[...] * (p_ref[0] + p_ref[1] + g_ref[...]) + b_ref[...]
    t = jnp.maximum(t, 0.0)
    o_ref[...] = dinv_ref[...] * lax.dot_general(
        t, w_ref[...], (((1,), (0,)), ((), ())),
        preferred_element_type=jnp.float32, precision=lax.Precision.HIGHEST)


def _fin_body(p_ref, g_ref, dinv_ref, b_ref, w_ref, bf_ref, o_ref):
    t = dinv_ref[...] * (p_ref[0] + p_ref[1] + g_ref[...]) + b_ref[...]
    t = jnp.maximum(t, 0.0)
    o_ref[...] = lax.dot_general(
        t, w_ref[...], (((1,), (0,)), ((), ())),
        preferred_element_type=jnp.float32, precision=lax.Precision.HIGHEST) + bf_ref[...]


def _row_block(n, d):
    return pl.BlockSpec((_BLK, d), lambda i: (i, 0))


def _full_block(shape):
    nd = len(shape)
    return pl.BlockSpec(shape, lambda i, _nd=nd: (0,) * nd)


def kernel(x, edge_index, W1, b1, W2, b2, Wfc, bfc):
    n, d_in = x.shape
    e = edge_index.shape[1]
    grid = (n // _BLK,)

    chunks = -(-e // _CH)
    cpw = -(-chunks // _NW)
    cpw = ((cpw + _NB - 1) // _NB) * _NB
    cpw0 = ((2 * cpw * 9 // 10 + _NB - 1) // _NB) * _NB
    cpw1 = 2 * cpw - cpw0
    ep = _NW * cpw * _CH
    src = jnp.concatenate([edge_index[0], jnp.zeros((ep - e,), jnp.int32)])
    dst = jnp.concatenate([edge_index[1], jnp.full((ep - e,), n, jnp.int32)])
    na = _NS * cpw0 * _CH
    src3a = src[:na].reshape(_NS, cpw0, _CH)
    dst3a = dst[:na].reshape(_NS, cpw0, _CH)
    src3b = src[na:].reshape(_NS, cpw1, _CH)
    dst3b = dst[na:].reshape(_NS, cpw1, _CH)
    nh = _NS * cpw * _CH
    ddeg_a = dst[:nh].reshape(_NS, cpw, _CH)
    ddeg_b = dst[nh:].reshape(_NS, cpw, _CH)

    spmm_call = _make_spmm(n, cpw0, cpw1)
    deg_call = _make_deg(n, cpw, cpw)

    degp = deg_call(ddeg_a, ddeg_b)

    h1 = pl.pallas_call(
        _mm1_body,
        grid=grid,
        in_specs=[_row_block(n, d_in), _full_block((d_in, _H))],
        out_specs=_row_block(n, _H),
        out_shape=jax.ShapeDtypeStruct((n, _H), jnp.float32),
    )(x, W1)

    dinvb, g1 = pl.pallas_call(
        _scale_body,
        grid=grid,
        in_specs=[pl.BlockSpec((_NC, _BLK, _H), lambda i: (0, i, 0)),
                  _row_block(n, _H)],
        out_specs=[_row_block(n, _H), _row_block(n, _H)],
        out_shape=[jax.ShapeDtypeStruct((n, _H), jnp.float32),
                   jax.ShapeDtypeStruct((n, _H), jnp.float32)],
    )(degp, h1)

    s1 = spmm_call(g1, src3a, dst3a, src3b, dst3b)

    g2 = pl.pallas_call(
        _mid_body,
        grid=grid,
        in_specs=[pl.BlockSpec((_NC, _BLK, _H), lambda i: (0, i, 0)),
                  _row_block(n, _H), _row_block(n, _H),
                  _full_block((1, _H)), _full_block((_H, _H))],
        out_specs=_row_block(n, _H),
        out_shape=jax.ShapeDtypeStruct((n, _H), jnp.float32),
    )(s1, g1, dinvb, b1.reshape(1, _H), W2)

    s2 = spmm_call(g2, src3a, dst3a, src3b, dst3b)

    c = Wfc.shape[1]
    wpad = jnp.pad(Wfc, ((0, 0), (0, _H - c)))
    bpad = jnp.pad(bfc, (0, _H - c)).reshape(1, _H)
    y = pl.pallas_call(
        _fin_body,
        grid=grid,
        in_specs=[pl.BlockSpec((_NC, _BLK, _H), lambda i: (0, i, 0)),
                  _row_block(n, _H), _row_block(n, _H),
                  _full_block((1, _H)), _full_block((_H, _H)),
                  _full_block((1, _H))],
        out_specs=_row_block(n, _H),
        out_shape=jax.ShapeDtypeStruct((n, _H), jnp.float32),
    )(s2, g2, dinvb, b2.reshape(1, _H), wpad, bpad)

    return y[:, :c]

# --- scband reference (transcript-rebuilt; emitter-appended) ---
"""Pipeline reference for scband-bert-gnnclassifier-87557203296773 (READ-ONLY COPY).

The authoritative reference and input builder live on the scoring server;
editing this copy changes nothing except your own understanding.
"""

import jax, jax.numpy as jnp
import numpy as np

N = 10000
E = 640000
D_IN = 768
H = 128
C = 10


def setup_inputs(seed: int = 0) -> dict:
    key = jax.random.key(seed)
    ks = jax.random.split(key, 8)
    x = jax.random.normal(ks[0], (N, D_IN), dtype=jnp.float32)
    edge_index = jax.random.randint(ks[1], (2, E), 0, N, dtype=jnp.int32)
    s1 = 1.0 / np.sqrt(D_IN)
    s2 = 1.0 / np.sqrt(H)
    W1 = jax.random.uniform(ks[2], (D_IN, H), jnp.float32, -s1, s1)
    b1 = jnp.zeros((H,), jnp.float32)
    W2 = jax.random.uniform(ks[3], (H, H), jnp.float32, -s2, s2)
    b2 = jnp.zeros((H,), jnp.float32)
    Wfc = jax.random.uniform(ks[4], (H, C), jnp.float32, -s2, s2)
    bfc = jax.random.uniform(ks[5], (C,), jnp.float32, -s2, s2)
    return {"x": x, "edge_index": edge_index, "W1": W1, "b1": b1, "W2": W2, "b2": b2, "Wfc": Wfc, "bfc": bfc}


def _gcn_layer(x, src, dst, norm, W, b):
    # PyG GCNConv: linear first, then normalized scatter-add aggregation, then bias
    h = x @ W
    msg = h[src] * norm[:, None]
    out = jnp.zeros((N, W.shape[1]), h.dtype).at[dst].add(msg)
    return out + b


def reference(x, edge_index, W1, b1, W2, b2, Wfc, bfc):
    loop = jnp.arange(N, dtype=edge_index.dtype)
    src = jnp.concatenate([edge_index[0], loop])
    dst = jnp.concatenate([edge_index[1], loop])
    deg = jnp.zeros((N,), jnp.float32).at[dst].add(1.0)
    dinv = jnp.where(deg > 0, 1.0 / jnp.sqrt(deg), 0.0)
    norm = dinv[src] * dinv[dst]
    h = jax.nn.relu(_gcn_layer(x, src, dst, norm, W1, b1))
    h = jax.nn.relu(_gcn_layer(h, src, dst, norm, W2, b2))
    return h @ Wfc + bfc

if __name__ == "__main__":
    import jax
    _d = setup_inputs()
    print(jax.jit(kernel)(*tuple(_d.values())))

</pallas_src>

<mosaic_0001>
#map = affine_map<(d0, d1) -> (0, 0)>
#map1 = affine_map<(d0, d1) -> (0, 0, 0)>
module attributes {stable_mosaic.version = 14 : i64} {
  func.func @spmm_kernel(%arg0: i32, %arg1: i32, %arg2: memref<10000x128xf32, #tpu.memory_space<hbm>>, %arg3: memref<16x288x128xi32, #tpu.memory_space<hbm>>, %arg4: memref<16x288x128xi32, #tpu.memory_space<hbm>>, %arg5: memref<16x32x128xi32, #tpu.memory_space<hbm>>, %arg6: memref<16x32x128xi32, #tpu.memory_space<hbm>>, %arg7: memref<2x10112x128xf32, #tpu.memory_space<hbm>>, %arg8: memref<32x128xi32, #tpu.memory_space<vmem>>, %arg9: memref<32x128xi32, #tpu.memory_space<vmem>>, %arg10: memref<128x128xf32, #tpu.memory_space<vmem>>, %arg11: memref<128x128xf32, #tpu.memory_space<vmem>>, %arg12: memref<10112x128xf32, #tpu.memory_space<vmem_shared>>, %arg13: memref<!tpu.dma_semaphore, #tpu.memory_space<semaphore_mem>>, %arg14: memref<!tpu.dma_semaphore, #tpu.memory_space<semaphore_mem>>) attributes {dimension_semantics = [#tpu.dimension_semantics<core_parallel>, #tpu.dimension_semantics<subcore_parallel>], iteration_bounds = array<i64: 2, 16>, scalar_prefetch = 0 : i64, scratch_operands = 7 : i64, tpu.core_type = #tpu.core_type<sc_vector_subcore>, window_params = [{transform_indices = #map}, {transform_indices = #map1}, {transform_indices = #map1}, {transform_indices = #map1}, {transform_indices = #map1}, {transform_indices = #map1}]} {
    %broadcast_in_dim3A = arith.constant 0.000000e+00 : f32
    %broadcast_in_dim3A_0 = vector.broadcast %broadcast_in_dim3A : f32 to vector<16xf32>
    %scan3A = arith.constant 0 : i32
    %scan3A_1 = arith.constant 0 : i32
    %scan3A_2 = arith.constant 1024 : i32
    %scan3A_3 = arith.addi %scan3A_1, %scan3A_2 : i32
    %scan3A_4 = arith.constant 1 : i32
    %scan3A_5 = scf.for %scan3A_53 = %scan3A_1 to %scan3A_3 step %scan3A_4 iter_args(%scan3A_54 = %scan3A) -> (i32)  : i32 {
      %jit3A = arith.constant 8 : i32
      %div3A = arith.divsi %scan3A_53, %jit3A : i32
      %sign3A = arith.constant 0 : i32
      %sign3A_55 = arith.cmpi sgt, %scan3A_53, %sign3A : i32
      %sign3A_56 = arith.extui %sign3A_55 : i1 to i32
      %sign3A_57 = arith.constant 0 : i32
      %sign3A_58 = arith.cmpi slt, %scan3A_53, %sign3A_57 : i32
      %sign3A_59 = arith.extui %sign3A_58 : i1 to i32
      %sign3A_60 = arith.subi %sign3A_56, %sign3A_59 : i32
      %sign3A_61 = arith.constant 0 : i32
      %sign3A_62 = arith.cmpi sgt, %jit3A, %sign3A_61 : i32
      %sign3A_63 = arith.extui %sign3A_62 : i1 to i32
      %sign3A_64 = arith.constant 0 : i32
      %sign3A_65 = arith.cmpi slt, %jit3A, %sign3A_64 : i32
      %sign3A_66 = arith.extui %sign3A_65 : i1 to i32
      %sign3A_67 = arith.subi %sign3A_63, %sign3A_66 : i32
      %ne3A = arith.cmpi ne, %sign3A_60, %sign3A_67 : i32
      %rem3A = arith.remsi %scan3A_53, %jit3A : i32
      %ne3A_68 = arith.constant 0 : i32
      %ne3A_69 = arith.cmpi ne, %rem3A, %ne3A_68 : i32
      %and3A = arith.andi %ne3A, %ne3A_69 : i1
      %sub3A = arith.constant 1 : i32
      %sub3A_70 = arith.subi %div3A, %sub3A : i32
      %select_n3A = arith.select %and3A, %sub3A_70, %div3A : i32
      %jit3A_71 = arith.constant 8 : i32
      %eq3A_72 = arith.constant 0 : i32
      %eq3A_73 = arith.cmpi eq, %jit3A_71, %eq3A_72 : i32
      %jit3A_74 = arith.constant 1 : i32
      %select_n3A_75 = arith.select %eq3A_73, %jit3A_74, %jit3A_71 : i32
      %rem3A_76 = arith.remsi %scan3A_53, %select_n3A_75 : i32
      %ne3A_77 = arith.constant 0 : i32
      %ne3A_78 = arith.cmpi ne, %rem3A_76, %ne3A_77 : i32
      %lt3A = arith.constant 0 : i32
      %lt3A_79 = arith.cmpi slt, %rem3A_76, %lt3A : i32
      %lt3A_80 = arith.constant 0 : i32
      %lt3A_81 = arith.cmpi slt, %select_n3A_75, %lt3A_80 : i32
      %ne3A_82 = arith.xori %lt3A_79, %lt3A_81 : i1
      %and3A_83 = arith.andi %ne3A_82, %ne3A_78 : i1
      %add3A_84 = arith.addi %rem3A_76, %select_n3A_75 : i32
      %select_n3A_85 = arith.select %and3A_83, %add3A_84, %rem3A_76 : i32
      %mul3A_86 = arith.constant 16 : i32
      %mul3A_87 = arith.muli %select_n3A_85, %mul3A_86 : i32
      %swap3A = arith.index_cast %select_n3A : i32 to index
      %swap3A_88 = arith.index_cast %mul3A_87 : i32 to index
      %swap3A_89 = tpu.vector_load %arg10[%swap3A, %swap3A_88] {strides = array<i32>} : memref<128x128xf32, #tpu.memory_space<vmem>>, vector<1x16xf32>,
      %swap3A_90 = vector.shape_cast %swap3A_89 : vector<1x16xf32> to vector<16xf32>
      %swap3A_91 = vector.shape_cast %broadcast_in_dim3A_0 : vector<16xf32> to vector<1x16xf32>
      tpu.vector_store %arg10[%swap3A, %swap3A_88], %swap3A_91 {strides = array<i32>} : memref<128x128xf32, #tpu.memory_space<vmem>>, vector<1x16xf32>,
      %scan3A_92 = arith.constant 0 : i32
      scf.yield %scan3A_92 : i32
    }
    %scan3A_6 = arith.constant 1024 : i32
    %mul3A = arith.constant 632 : i32
    %mul3A_7 = arith.muli %arg1, %mul3A : i32
    %add3A = arith.constant 0 : i32
    %add3A_8 = arith.addi %mul3A_7, %add3A : i32
    "tpu.region"() ({
      %run_scoped3A = tpu.sem_alloc : memref<!tpu.dma_semaphore, #tpu.memory_space<semaphore_mem>>
      %dma_start3A = arith.constant 0 : i32
      %dma_start3A_53 = tpu.memref_slice %arg12[%add3A_8, %dma_start3A] : memref<10112x128xf32, #tpu.memory_space<vmem_shared>> -> memref<128x128xf32, #tpu.memory_space<vmem_shared>>
      %dma_start3A_54 = arith.constant 0 : i32
      %dma_start3A_55 = tpu.memref_slice %arg12[%add3A_8, %dma_start3A_54] : memref<10112x128xf32, #tpu.memory_space<vmem_shared>> -> memref<128x128xf32, #tpu.memory_space<vmem_shared>>
      tpu.enqueue_dma source(%arg10 : memref<128x128xf32, #tpu.memory_space<vmem>>) target(%dma_start3A_55 : memref<128x128xf32, #tpu.memory_space<vmem_shared>>) target_semaphore(%run_scoped3A : memref<!tpu.dma_semaphore, #tpu.memory_space<semaphore_mem>>)
      %dma_wait3A = arith.constant 0 : i32
      %dma_wait3A_56 = tpu.memref_slice %arg12[%add3A_8, %dma_wait3A] : memref<10112x128xf32, #tpu.memory_space<vmem_shared>> -> memref<128x128xf32, #tpu.memory_space<vmem_shared>>
      %dma_wait3A_57 = arith.constant 0 : i32
      %dma_wait3A_58 = tpu.memref_slice %arg12[%add3A_8, %dma_wait3A_57] : memref<10112x128xf32, #tpu.memory_space<vmem_shared>> -> memref<128x128xf32, #tpu.memory_space<vmem_shared>>
      tpu.wait_dma2 semaphore(%run_scoped3A : memref<!tpu.dma_semaphore, #tpu.memory_space<semaphore_mem>>) src(%arg10 : memref<128x128xf32, #tpu.memory_space<vmem>>) dst(%dma_wait3A_58 : memref<128x128xf32, #tpu.memory_space<vmem_shared>>)
      tpu.yield
    }) : () -> ()
    %mul3A_9 = arith.constant 632 : i32
    %mul3A_10 = arith.muli %arg1, %mul3A_9 : i32
    %add3A_11 = arith.constant 128 : i32
    %add3A_12 = arith.addi %mul3A_10, %add3A_11 : i32
    "tpu.region"() ({
      %run_scoped3A = tpu.sem_alloc : memref<!tpu.dma_semaphore, #tpu.memory_space<semaphore_mem>>
      %dma_start3A = arith.constant 0 : i32
      %dma_start3A_53 = tpu.memref_slice %arg12[%add3A_12, %dma_start3A] : memref<10112x128xf32, #tpu.memory_space<vmem_shared>> -> memref<128x128xf32, #tpu.memory_space<vmem_shared>>
      %dma_start3A_54 = arith.constant 0 : i32
      %dma_start3A_55 = tpu.memref_slice %arg12[%add3A_12, %dma_start3A_54] : memref<10112x128xf32, #tpu.memory_space<vmem_shared>> -> memref<128x128xf32, #tpu.memory_space<vmem_shared>>
      tpu.enqueue_dma source(%arg10 : memref<128x128xf32, #tpu.memory_space<vmem>>) target(%dma_start3A_55 : memref<128x128xf32, #tpu.memory_space<vmem_shared>>) target_semaphore(%run_scoped3A : memref<!tpu.dma_semaphore, #tpu.memory_space<semaphore_mem>>)
      %dma_wait3A = arith.constant 0 : i32
      %dma_wait3A_56 = tpu.memref_slice %arg12[%add3A_12, %dma_wait3A] : memref<10112x128xf32, #tpu.memory_space<vmem_shared>> -> memref<128x128xf32, #tpu.memory_space<vmem_shared>>
      %dma_wait3A_57 = arith.constant 0 : i32
      %dma_wait3A_58 = tpu.memref_slice %arg12[%add3A_12, %dma_wait3A_57] : memref<10112x128xf32, #tpu.memory_space<vmem_shared>> -> memref<128x128xf32, #tpu.memory_space<vmem_shared>>
      tpu.wait_dma2 semaphore(%run_scoped3A : memref<!tpu.dma_semaphore, #tpu.memory_space<semaphore_mem>>) src(%arg10 : memref<128x128xf32, #tpu.memory_space<vmem>>) dst(%dma_wait3A_58 : memref<128x128xf32, #tpu.memory_space<vmem_shared>>)
      tpu.yield
    }) : () -> ()
    %mul3A_13 = arith.constant 632 : i32
    %mul3A_14 = arith.muli %arg1, %mul3A_13 : i32
    %add3A_15 = arith.constant 256 : i32
    %add3A_16 = arith.addi %mul3A_14, %add3A_15 : i32
    "tpu.region"() ({
      %run_scoped3A = tpu.sem_alloc : memref<!tpu.dma_semaphore, #tpu.memory_space<semaphore_mem>>
      %dma_start3A = arith.constant 0 : i32
      %dma_start3A_53 = tpu.memref_slice %arg12[%add3A_16, %dma_start3A] : memref<10112x128xf32, #tpu.memory_space<vmem_shared>> -> memref<128x128xf32, #tpu.memory_space<vmem_shared>>
      %dma_start3A_54 = arith.constant 0 : i32
      %dma_start3A_55 = tpu.memref_slice %arg12[%add3A_16, %dma_start3A_54] : memref<10112x128xf32, #tpu.memory_space<vmem_shared>> -> memref<128x128xf32, #tpu.memory_space<vmem_shared>>
      tpu.enqueue_dma source(%arg10 : memref<128x128xf32, #tpu.memory_space<vmem>>) target(%dma_start3A_55 : memref<128x128xf32, #tpu.memory_space<vmem_shared>>) target_semaphore(%run_scoped3A : memref<!tpu.dma_semaphore, #tpu.memory_space<semaphore_mem>>)
      %dma_wait3A = arith.constant 0 : i32
      %dma_wait3A_56 = tpu.memref_slice %arg12[%add3A_16, %dma_wait3A] : memref<10112x128xf32, #tpu.memory_space<vmem_shared>> -> memref<128x128xf32, #tpu.memory_space<vmem_shared>>
      %dma_wait3A_57 = arith.constant 0 : i32
      %dma_wait3A_58 = tpu.memref_slice %arg12[%add3A_16, %dma_wait3A_57] : memref<10112x128xf32, #tpu.memory_space<vmem_shared>> -> memref<128x128xf32, #tpu.memory_space<vmem_shared>>
      tpu.wait_dma2 semaphore(%run_scoped3A : memref<!tpu.dma_semaphore, #tpu.memory_space<semaphore_mem>>) src(%arg10 : memref<128x128xf32, #tpu.memory_space<vmem>>) dst(%dma_wait3A_58 : memref<128x128xf32, #tpu.memory_space<vmem_shared>>)
      tpu.yield
    }) : () -> ()
    %mul3A_17 = arith.constant 632 : i32
    %mul3A_18 = arith.muli %arg1, %mul3A_17 : i32
    %add3A_19 = arith.constant 384 : i32
    %add3A_20 = arith.addi %mul3A_18, %add3A_19 : i32
    "tpu.region"() ({
      %run_scoped3A = tpu.sem_alloc : memref<!tpu.dma_semaphore, #tpu.memory_space<semaphore_mem>>
      %dma_start3A = arith.constant 0 : i32
      %dma_start3A_53 = tpu.memref_slice %arg12[%add3A_20, %dma_start3A] : memref<10112x128xf32, #tpu.memory_space<vmem_shared>> -> memref<128x128xf32, #tpu.memory_space<vmem_shared>>
      %dma_start3A_54 = arith.constant 0 : i32
      %dma_start3A_55 = tpu.memref_slice %arg12[%add3A_20, %dma_start3A_54] : memref<10112x128xf32, #tpu.memory_space<vmem_shared>> -> memref<128x128xf32, #tpu.memory_space<vmem_shared>>
      tpu.enqueue_dma source(%arg10 : memref<128x128xf32, #tpu.memory_space<vmem>>) target(%dma_start3A_55 : memref<128x128xf32, #tpu.memory_space<vmem_shared>>) target_semaphore(%run_scoped3A : memref<!tpu.dma_semaphore, #tpu.memory_space<semaphore_mem>>)
      %dma_wait3A = arith.constant 0 : i32
      %dma_wait3A_56 = tpu.memref_slice %arg12[%add3A_20, %dma_wait3A] : memref<10112x128xf32, #tpu.memory_space<vmem_shared>> -> memref<128x128xf32, #tpu.memory_space<vmem_shared>>
      %dma_wait3A_57 = arith.constant 0 : i32
      %dma_wait3A_58 = tpu.memref_slice %arg12[%add3A_20, %dma_wait3A_57] : memref<10112x128xf32, #tpu.memory_space<vmem_shared>> -> memref<128x128xf32, #tpu.memory_space<vmem_shared>>
      tpu.wait_dma2 semaphore(%run_scoped3A : memref<!tpu.dma_semaphore, #tpu.memory_space<semaphore_mem>>) src(%arg10 : memref<128x128xf32, #tpu.memory_space<vmem>>) dst(%dma_wait3A_58 : memref<128x128xf32, #tpu.memory_space<vmem_shared>>)
      tpu.yield
    }) : () -> ()
    %mul3A_21 = arith.constant 632 : i32
    %mul3A_22 = arith.muli %arg1, %mul3A_21 : i32
    %add3A_23 = arith.constant 512 : i32
    %add3A_24 = arith.addi %mul3A_22, %add3A_23 : i32
    "tpu.region"() ({
      %run_scoped3A = tpu.sem_alloc : memref<!tpu.dma_semaphore, #tpu.memory_space<semaphore_mem>>
      %dma_start3A = arith.constant 0 : i32
      %dma_start3A_53 = arith.constant 0 : i32
      %dma_start3A_54 = tpu.memref_slice %arg10[%dma_start3A, %dma_start3A_53] : memref<128x128xf32, #tpu.memory_space<vmem>> -> memref<120x128xf32, #tpu.memory_space<vmem>>
      %dma_start3A_55 = arith.constant 0 : i32
      %dma_start3A_56 = tpu.memref_slice %arg12[%add3A_24, %dma_start3A_55] : memref<10112x128xf32, #tpu.memory_space<vmem_shared>> -> memref<120x128xf32, #tpu.memory_space<vmem_shared>>
      %dma_start3A_57 = arith.constant 0 : i32
      %dma_start3A_58 = tpu.memref_slice %arg12[%add3A_24, %dma_start3A_57] : memref<10112x128xf32, #tpu.memory_space<vmem_shared>> -> memref<120x128xf32, #tpu.memory_space<vmem_shared>>
      %dma_start3A_59 = arith.constant 0 : i32
      %dma_start3A_60 = arith.constant 0 : i32
      %dma_start3A_61 = tpu.memref_slice %arg10[%dma_start3A_59, %dma_start3A_60] : memref<128x128xf32, #tpu.memory_space<vmem>> -> memref<120x128xf32, #tpu.memory_space<vmem>>
      tpu.enqueue_dma source(%dma_start3A_61 : memref<120x128xf32, #tpu.memory_space<vmem>>) target(%dma_start3A_58 : memref<120x128xf32, #tpu.memory_space<vmem_shared>>) target_semaphore(%run_scoped3A : memref<!tpu.dma_semaphore, #tpu.memory_space<semaphore_mem>>)
      %dma_wait3A = arith.constant 0 : i32
      %dma_wait3A_62 = arith.constant 0 : i32
      %dma_wait3A_63 = tpu.memref_slice %arg10[%dma_wait3A, %dma_wait3A_62] : memref<128x128xf32, #tpu.memory_space<vmem>> -> memref<120x128xf32, #tpu.memory_space<vmem>>
      %dma_wait3A_64 = arith.constant 0 : i32
      %dma_wait3A_65 = tpu.memref_slice %arg12[%add3A_24, %dma_wait3A_64] : memref<10112x128xf32, #tpu.memory_space<vmem_shared>> -> memref<120x128xf32, #tpu.memory_space<vmem_shared>>
      %dma_wait3A_66 = arith.constant 0 : i32
      %dma_wait3A_67 = tpu.memref_slice %arg12[%add3A_24, %dma_wait3A_66] : memref<10112x128xf32, #tpu.memory_space<vmem_shared>> -> memref<120x128xf32, #tpu.memory_space<vmem_shared>>
      %dma_wait3A_68 = arith.constant 0 : i32
      %dma_wait3A_69 = arith.constant 0 : i32
      %dma_wait3A_70 = tpu.memref_slice %arg10[%dma_wait3A_68, %dma_wait3A_69] : memref<128x128xf32, #tpu.memory_space<vmem>> -> memref<120x128xf32, #tpu.memory_space<vmem>>
      tpu.wait_dma2 semaphore(%run_scoped3A : memref<!tpu.dma_semaphore, #tpu.memory_space<semaphore_mem>>) src(%dma_wait3A_70 : memref<120x128xf32, #tpu.memory_space<vmem>>) dst(%dma_wait3A_67 : memref<120x128xf32, #tpu.memory_space<vmem_shared>>)
      tpu.yield
    }) : () -> ()
    %barrier3A = arith.constant 0 : index
    tpu.barrier barrier_id(%barrier3A)
    %eq3A = arith.constant 0 : i32
    %eq3A_25 = arith.cmpi eq, %arg0, %eq3A : i32
    %convert_element_type3A = arith.extui %eq3A_25 : i1 to i32
    %cond3A = arith.constant 0 : i32
    %cond3A_26 = arith.cmpi ne, %convert_element_type3A, %cond3A : i32
    scf.if %cond3A_26 {
      %scan3A_53 = arith.constant 0 : i32
      %scan3A_54 = arith.constant 0 : i32
      %scan3A_55 = arith.constant 9 : i32
      %scan3A_56 = arith.addi %scan3A_54, %scan3A_55 : i32
      %scan3A_57 = arith.constant 1 : i32
      %scan3A_58 = scf.for %scan3A_60 = %scan3A_54 to %scan3A_56 step %scan3A_57 iter_args(%scan3A_61 = %scan3A_53) -> (i32)  : i32 {
        %mul3A_62 = arith.constant 32 : i32
        %mul3A_63 = arith.muli %scan3A_60, %mul3A_62 : i32
        "tpu.region"() ({
          %run_scoped3A_101 = tpu.sem_alloc : memref<!tpu.dma_semaphore, #tpu.memory_space<semaphore_mem>>
          %dma_start3A_102 = arith.constant 0 : i32
          %dma_start3A_103 = tpu.memref_slice %arg3[%arg1, %mul3A_63, %dma_start3A_102] : memref<16x288x128xi32, #tpu.memory_space<hbm>> -> memref<1x32x128xi32, #tpu.memory_space<hbm>>
          %dma_start3A_104 = tpu.memref_squeeze %dma_start3A_103 : memref<1x32x128xi32, #tpu.memory_space<hbm>> -> memref<32x128xi32, #tpu.memory_space<hbm>>
          %dma_start3A_105 = arith.constant 0 : i32
          %dma_start3A_106 = tpu.memref_slice %arg3[%arg1, %mul3A_63, %dma_start3A_105] : memref<16x288x128xi32, #tpu.memory_space<hbm>> -> memref<1x32x128xi32, #tpu.memory_space<hbm>>
          %dma_start3A_107 = tpu.memref_squeeze %dma_start3A_106 : memref<1x32x128xi32, #tpu.memory_space<hbm>> -> memref<32x128xi32, #tpu.memory_space<hbm>>
          tpu.enqueue_dma source(%dma_start3A_107 : memref<32x128xi32, #tpu.memory_space<hbm>>) target(%arg8 : memref<32x128xi32, #tpu.memory_space<vmem>>) target_semaphore(%run_scoped3A_101 : memref<!tpu.dma_semaphore, #tpu.memory_space<semaphore_mem>>)
          %dma_wait3A_108 = arith.constant 0 : i32
          %dma_wait3A_109 = tpu.memref_slice %arg3[%arg1, %mul3A_63, %dma_wait3A_108] : memref<16x288x128xi32, #tpu.memory_space<hbm>> -> memref<1x32x128xi32, #tpu.memory_space<hbm>>
          %dma_wait3A_110 = tpu.memref_squeeze %dma_wait3A_109 : memref<1x32x128xi32, #tpu.memory_space<hbm>> -> memref<32x128xi32, #tpu.memory_space<hbm>>
          %dma_wait3A_111 = arith.constant 0 : i32
          %dma_wait3A_112 = tpu.memref_slice %arg3[%arg1, %mul3A_63, %dma_wait3A_111] : memref<16x288x128xi32, #tpu.memory_space<hbm>> -> memref<1x32x128xi32, #tpu.memory_space<hbm>>
          %dma_wait3A_113 = tpu.memref_squeeze %dma_wait3A_112 : memref<1x32x128xi32, #tpu.memory_space<hbm>> -> memref<32x128xi32, #tpu.memory_space<hbm>>
          tpu.wait_dma2 semaphore(%run_scoped3A_101 : memref<!tpu.dma_semaphore, #tpu.memory_space<semaphore_mem>>) src(%dma_wait3A_113 : memref<32x128xi32, #tpu.memory_space<hbm>>) dst(%arg8 : memref<32x128xi32, #tpu.memory_space<vmem>>)
          tpu.yield
        }) : () -> ()
        %mul3A_64 = arith.constant 32 : i32
        %mul3A_65 = arith.muli %scan3A_60, %mul3A_64 : i32
        "tpu.region"() ({
          %run_scoped3A_101 = tpu.sem_alloc : memref<!tpu.dma_semaphore, #tpu.memory_space<semaphore_mem>>
          %dma_start3A_102 = arith.constant 0 : i32
          %dma_start3A_103 = tpu.memref_slice %arg4[%arg1, %mul3A_65, %dma_start3A_102] : memref<16x288x128xi32, #tpu.memory_space<hbm>> -> memref<1x32x128xi32, #tpu.memory_space<hbm>>
          %dma_start3A_104 = tpu.memref_squeeze %dma_start3A_103 : memref<1x32x128xi32, #tpu.memory_space<hbm>> -> memref<32x128xi32, #tpu.memory_space<hbm>>
          %dma_start3A_105 = arith.constant 0 : i32
          %dma_start3A_106 = tpu.memref_slice %arg4[%arg1, %mul3A_65, %dma_start3A_105] : memref<16x288x128xi32, #tpu.memory_space<hbm>> -> memref<1x32x128xi32, #tpu.memory_space<hbm>>
          %dma_start3A_107 = tpu.memref_squeeze %dma_start3A_106 : memref<1x32x128xi32, #tpu.memory_space<hbm>> -> memref<32x128xi32, #tpu.memory_space<hbm>>
          tpu.enqueue_dma source(%dma_start3A_107 : memref<32x128xi32, #tpu.memory_space<hbm>>) target(%arg9 : memref<32x128xi32, #tpu.memory_space<vmem>>) target_semaphore(%run_scoped3A_101 : memref<!tpu.dma_semaphore, #tpu.memory_space<semaphore_mem>>)
          %dma_wait3A_108 = arith.constant 0 : i32
          %dma_wait3A_109 = tpu.memref_slice %arg4[%arg1, %mul3A_65, %dma_wait3A_108] : memref<16x288x128xi32, #tpu.memory_space<hbm>> -> memref<1x32x128xi32, #tpu.memory_space<hbm>>
          %dma_wait3A_110 = tpu.memref_squeeze %dma_wait3A_109 : memref<1x32x128xi32, #tpu.memory_space<hbm>> -> memref<32x128xi32, #tpu.memory_space<hbm>>
          %dma_wait3A_111 = arith.constant 0 : i32
          %dma_wait3A_112 = tpu.memref_slice %arg4[%arg1, %mul3A_65, %dma_wait3A_111] : memref<16x288x128xi32, #tpu.memory_space<hbm>> -> memref<1x32x128xi32, #tpu.memory_space<hbm>>
          %dma_wait3A_113 = tpu.memref_squeeze %dma_wait3A_112 : memref<1x32x128xi32, #tpu.memory_space<hbm>> -> memref<32x128xi32, #tpu.memory_space<hbm>>
          tpu.wait_dma2 semaphore(%run_scoped3A_101 : memref<!tpu.dma_semaphore, #tpu.memory_space<semaphore_mem>>) src(%dma_wait3A_113 : memref<32x128xi32, #tpu.memory_space<hbm>>) dst(%arg9 : memref<32x128xi32, #tpu.memory_space<vmem>>)
          tpu.yield
        }) : () -> ()
        %dma_start3A = arith.constant 0 : i32
        %dma_start3A_66 = arith.constant 0 : i32
        %dma_start3A_67 = tpu.memref_slice %arg8[%dma_start3A, %dma_start3A_66] : memref<32x128xi32, #tpu.memory_space<vmem>> -> memref<1x128xi32, #tpu.memory_space<vmem>>
        %dma_start3A_68 = tpu.memref_squeeze %dma_start3A_67 : memref<1x128xi32, #tpu.memory_space<vmem>> -> memref<128xi32, #tpu.memory_space<vmem>>
        %dma_start3A_69 = arith.constant 0 : i32
        %dma_start3A_70 = arith.constant 0 : i32
        %dma_start3A_71 = tpu.memref_slice %arg2[%dma_start3A_69, %dma_start3A_70] : memref<10000x128xf32, #tpu.memory_space<hbm>> -> memref<10000x128xf32, #tpu.memory_space<hbm>>
        tpu.enqueue_indirect_dma source(%dma_start3A_71 : memref<10000x128xf32, #tpu.memory_space<hbm>>) target(%arg10 : memref<128x128xf32, #tpu.memory_space<vmem>>) offsets(%dma_start3A_68 : memref<128xi32, #tpu.memory_space<vmem>>) semaphore(%arg13 : memref<!tpu.dma_semaphore, #tpu.memory_space<semaphore_mem>>)
        %scan3A_72 = arith.constant 0 : i32
        %scan3A_73 = arith.constant 0 : i32
        %scan3A_74 = arith.constant 15 : i32
        %scan3A_75 = arith.addi %scan3A_73, %scan3A_74 : i32
        %scan3A_76 = arith.constant 1 : i32
        %scan3A_77 = scf.for %scan3A_101 = %scan3A_73 to %scan3A_75 step %scan3A_76 iter_args(%scan3A_102 = %scan3A_72) -> (i32)  : i32 {
          %mul3A_103 = arith.constant 2 : i32
          %mul3A_104 = arith.muli %mul3A_103, %scan3A_101 : i32
          %add3A_105 = arith.constant 1 : i32
          %add3A_106 = arith.addi %mul3A_104, %add3A_105 : i32
          %dma_start3A_107 = arith.constant 0 : i32
          %dma_start3A_108 = tpu.memref_slice %arg8[%add3A_106, %dma_start3A_107] : memref<32x128xi32, #tpu.memory_space<vmem>> -> memref<1x128xi32, #tpu.memory_space<vmem>>
          %dma_start3A_109 = tpu.memref_squeeze %dma_start3A_108 : memref<1x128xi32, #tpu.memory_space<vmem>> -> memref<128xi32, #tpu.memory_space<vmem>>
          %dma_start3A_110 = arith.constant 0 : i32
          %dma_start3A_111 = arith.constant 0 : i32
          %dma_start3A_112 = tpu.memref_slice %arg2[%dma_start3A_110, %dma_start3A_111] : memref<10000x128xf32, #tpu.memory_space<hbm>> -> memref<10000x128xf32, #tpu.memory_space<hbm>>
          tpu.enqueue_indirect_dma source(%dma_start3A_112 : memref<10000x128xf32, #tpu.memory_space<hbm>>) target(%arg11 : memref<128x128xf32, #tpu.memory_space<vmem>>) offsets(%dma_start3A_109 : memref<128xi32, #tpu.memory_space<vmem>>) semaphore(%arg14 : memref<!tpu.dma_semaphore, #tpu.memory_space<semaphore_mem>>)
          %mul3A_113 = arith.constant 2 : i32
          %mul3A_114 = arith.muli %mul3A_113, %scan3A_101 : i32
          %dma_wait3A_115 = arith.constant 0 : i32
          %dma_wait3A_116 = tpu.memref_slice %arg8[%mul3A_114, %dma_wait3A_115] : memref<32x128xi32, #tpu.memory_space<vmem>> -> memref<1x128xi32, #tpu.memory_space<vmem>>
          %dma_wait3A_117 = tpu.memref_squeeze %dma_wait3A_116 : memref<1x128xi32, #tpu.memory_space<vmem>> -> memref<128xi32, #tpu.memory_space<vmem>>
          %dma_wait3A_118 = arith.constant 0 : i32
          %dma_wait3A_119 = arith.constant 0 : i32
          %dma_wait3A_120 = tpu.memref_slice %arg2[%dma_wait3A_118, %dma_wait3A_119] : memref<10000x128xf32, #tpu.memory_space<hbm>> -> memref<10000x128xf32, #tpu.memory_space<hbm>>
          tpu.wait_indirect_dma semaphore(%arg13 : memref<!tpu.dma_semaphore, #tpu.memory_space<semaphore_mem>>) src(%dma_wait3A_120 : memref<10000x128xf32, #tpu.memory_space<hbm>>) dst(%arg10 : memref<128x128xf32, #tpu.memory_space<vmem>>)
          %mul3A_121 = arith.constant 2 : i32
          %mul3A_122 = arith.muli %mul3A_121, %scan3A_101 : i32
          "tpu.region"() ({
            %run_scoped3A_148 = tpu.sem_alloc : memref<!tpu.dma_semaphore, #tpu.memory_space<semaphore_mem>>
            %dma_start3A_149 = arith.constant 0 : i32
            %dma_start3A_150 = tpu.memref_slice %arg9[%mul3A_122, %dma_start3A_149] : memref<32x128xi32, #tpu.memory_space<vmem>> -> memref<1x128xi32, #tpu.memory_space<vmem>>
            %dma_start3A_151 = tpu.memref_squeeze %dma_start3A_150 : memref<1x128xi32, #tpu.memory_space<vmem>> -> memref<128xi32, #tpu.memory_space<vmem>>
            %dma_start3A_152 = arith.constant 0 : i32
            %dma_start3A_153 = arith.constant 0 : i32
            %dma_start3A_154 = tpu.memref_slice %arg12[%dma_start3A_152, %dma_start3A_153] : memref<10112x128xf32, #tpu.memory_space<vmem_shared>> -> memref<10112x128xf32, #tpu.memory_space<vmem_shared>>
            tpu.enqueue_indirect_dma source(%arg10 : memref<128x128xf32, #tpu.memory_space<vmem>>) target(%dma_start3A_154 : memref<10112x128xf32, #tpu.memory_space<vmem_shared>>) offsets(%dma_start3A_151 : memref<128xi32, #tpu.memory_space<vmem>>) semaphore(%run_scoped3A_148 : memref<!tpu.dma_semaphore, #tpu.memory_space<semaphore_mem>>) {add = true}
            %dma_wait3A_155 = arith.constant 0 : i32
            %dma_wait3A_156 = tpu.memref_slice %arg9[%mul3A_122, %dma_wait3A_155] : memref<32x128xi32, #tpu.memory_space<vmem>> -> memref<1x128xi32, #tpu.memory_space<vmem>>
            %dma_wait3A_157 = tpu.memref_squeeze %dma_wait3A_156 : memref<1x128xi32, #tpu.memory_space<vmem>> -> memref<128xi32, #tpu.memory_space<vmem>>
            %dma_wait3A_158 = arith.constant 0 : i32
            %dma_wait3A_159 = arith.constant 0 : i32
            %dma_wait3A_160 = tpu.memref_slice %arg12[%dma_wait3A_158, %dma_wait3A_159] : memref<10112x128xf32, #tpu.memory_space<vmem_shared>> -> memref<10112x128xf32, #tpu.memory_space<vmem_shared>>
            tpu.wait_indirect_dma semaphore(%run_scoped3A_148 : memref<!tpu.dma_semaphore, #tpu.memory_space<semaphore_mem>>) src(%arg10 : memref<128x128xf32, #tpu.memory_space<vmem>>) dst(%dma_wait3A_160 : memref<10112x128xf32, #tpu.memory_space<vmem_shared>>)
            tpu.yield
          }) : () -> ()
          %mul3A_123 = arith.constant 2 : i32
          %mul3A_124 = arith.muli %mul3A_123, %scan3A_101 : i32
          %add3A_125 = arith.constant 2 : i32
          %add3A_126 = arith.addi %mul3A_124, %add3A_125 : i32
          %dma_start3A_127 = arith.constant 0 : i32
          %dma_start3A_128 = tpu.memref_slice %arg8[%add3A_126, %dma_start3A_127] : memref<32x128xi32, #tpu.memory_space<vmem>> -> memref<1x128xi32, #tpu.memory_space<vmem>>
          %dma_start3A_129 = tpu.memref_squeeze %dma_start3A_128 : memref<1x128xi32, #tpu.memory_space<vmem>> -> memref<128xi32, #tpu.memory_space<vmem>>
          %dma_start3A_130 = arith.constant 0 : i32
          %dma_start3A_131 = arith.constant 0 : i32
          %dma_start3A_132 = tpu.memref_slice %arg2[%dma_start3A_130, %dma_start3A_131] : memref<10000x128xf32, #tpu.memory_space<hbm>> -> memref<10000x128xf32, #tpu.memory_space<hbm>>
          tpu.enqueue_indirect_dma source(%dma_start3A_132 : memref<10000x128xf32, #tpu.memory_space<hbm>>) target(%arg10 : memref<128x128xf32, #tpu.memory_space<vmem>>) offsets(%dma_start3A_129 : memref<128xi32, #tpu.memory_space<vmem>>) semaphore(%arg13 : memref<!tpu.dma_semaphore, #tpu.memory_space<semaphore_mem>>)
          %mul3A_133 = arith.constant 2 : i32
          %mul3A_134 = arith.muli %mul3A_133, %scan3A_101 : i32
          %add3A_135 = arith.constant 1 : i32
          %add3A_136 = arith.addi %mul3A_134, %add3A_135 : i32
          %dma_wait3A_137 = arith.constant 0 : i32
          %dma_wait3A_138 = tpu.memref_slice %arg8[%add3A_136, %dma_wait3A_137] : memref<32x128xi32, #tpu.memory_space<vmem>> -> memref<1x128xi32, #tpu.memory_space<vmem>>
          %dma_wait3A_139 = tpu.memref_squeeze %dma_wait3A_138 : memref<1x128xi32, #tpu.memory_space<vmem>> -> memref<128xi32, #tpu.memory_space<vmem>>
          %dma_wait3A_140 = arith.constant 0 : i32
          %dma_wait3A_141 = arith.constant 0 : i32
          %dma_wait3A_142 = tpu.memref_slice %arg2[%dma_wait3A_140, %dma_wait3A_141] : memref<10000x128xf32, #tpu.memory_space<hbm>> -> memref<10000x128xf32, #tpu.memory_space<hbm>>
          tpu.wait_indirect_dma semaphore(%arg14 : memref<!tpu.dma_semaphore, #tpu.memory_space<semaphore_mem>>) src(%dma_wait3A_142 : memref<10000x128xf32, #tpu.memory_space<hbm>>) dst(%arg11 : memref<128x128xf32, #tpu.memory_space<vmem>>)
          %mul3A_143 = arith.constant 2 : i32
          %mul3A_144 = arith.muli %mul3A_143, %scan3A_101 : i32
          %add3A_145 = arith.constant 1 : i32
          %add3A_146 = arith.addi %mul3A_144, %add3A_145 : i32
          "tpu.region"() ({
            %run_scoped3A_148 = tpu.sem_alloc : memref<!tpu.dma_semaphore, #tpu.memory_space<semaphore_mem>>
            %dma_start3A_149 = arith.constant 0 : i32
            %dma_start3A_150 = tpu.memref_slice %arg9[%add3A_146, %dma_start3A_149] : memref<32x128xi32, #tpu.memory_space<vmem>> -> memref<1x128xi32, #tpu.memory_space<vmem>>
            %dma_start3A_151 = tpu.memref_squeeze %dma_start3A_150 : memref<1x128xi32, #tpu.memory_space<vmem>> -> memref<128xi32, #tpu.memory_space<vmem>>
            %dma_start3A_152 = arith.constant 0 : i32
            %dma_start3A_153 = arith.constant 0 : i32
            %dma_start3A_154 = tpu.memref_slice %arg12[%dma_start3A_152, %dma_start3A_153] : memref<10112x128xf32, #tpu.memory_space<vmem_shared>> -> memref<10112x128xf32, #tpu.memory_space<vmem_shared>>
            tpu.enqueue_indirect_dma source(%arg11 : memref<128x128xf32, #tpu.memory_space<vmem>>) target(%dma_start3A_154 : memref<10112x128xf32, #tpu.memory_space<vmem_shared>>) offsets(%dma_start3A_151 : memref<128xi32, #tpu.memory_space<vmem>>) semaphore(%run_scoped3A_148 : memref<!tpu.dma_semaphore, #tpu.memory_space<semaphore_mem>>) {add = true}
            %dma_wait3A_155 = arith.constant 0 : i32
            %dma_wait3A_156 = tpu.memref_slice %arg9[%add3A_146, %dma_wait3A_155] : memref<32x128xi32, #tpu.memory_space<vmem>> -> memref<1x128xi32, #tpu.memory_space<vmem>>
            %dma_wait3A_157 = tpu.memref_squeeze %dma_wait3A_156 : memref<1x128xi32, #tpu.memory_space<vmem>> -> memref<128xi32, #tpu.memory_space<vmem>>
            %dma_wait3A_158 = arith.constant 0 : i32
            %dma_wait3A_159 = arith.constant 0 : i32
            %dma_wait3A_160 = tpu.memref_slice %arg12[%dma_wait3A_158, %dma_wait3A_159] : memref<10112x128xf32, #tpu.memory_space<vmem_shared>> -> memref<10112x128xf32, #tpu.memory_space<vmem_shared>>
            tpu.wait_indirect_dma semaphore(%run_scoped3A_148 : memref<!tpu.dma_semaphore, #tpu.memory_space<semaphore_mem>>) src(%arg11 : memref<128x128xf32, #tpu.memory_space<vmem>>) dst(%dma_wait3A_160 : memref<10112x128xf32, #tpu.memory_space<vmem_shared>>)
            tpu.yield
          }) : () -> ()
          %scan3A_147 = arith.constant 0 : i32
          scf.yield %scan3A_147 : i32
        }
        %scan3A_78 = arith.constant 15 : i32
        %dma_start3A_79 = arith.constant 31 : i32
        %dma_start3A_80 = arith.constant 0 : i32
        %dma_start3A_81 = tpu.memref_slice %arg8[%dma_start3A_79, %dma_start3A_80] : memref<32x128xi32, #tpu.memory_space<vmem>> -> memref<1x128xi32, #tpu.memory_space<vmem>>
        %dma_start3A_82 = tpu.memref_squeeze %dma_start3A_81 : memref<1x128xi32, #tpu.memory_space<vmem>> -> memref<128xi32, #tpu.memory_space<vmem>>
        %dma_start3A_83 = arith.constant 0 : i32
        %dma_start3A_84 = arith.constant 0 : i32
        %dma_start3A_85 = tpu.memref_slice %arg2[%dma_start3A_83, %dma_start3A_84] : memref<10000x128xf32, #tpu.memory_space<hbm>> -> memref<10000x128xf32, #tpu.memory_space<hbm>>
        tpu.enqueue_indirect_dma source(%dma_start3A_85 : memref<10000x128xf32, #tpu.memory_space<hbm>>) target(%arg11 : memref<128x128xf32, #tpu.memory_space<vmem>>) offsets(%dma_start3A_82 : memref<128xi32, #tpu.memory_space<vmem>>) semaphore(%arg14 : memref<!tpu.dma_semaphore, #tpu.memory_space<semaphore_mem>>)
        %dma_wait3A = arith.constant 30 : i32
        %dma_wait3A_86 = arith.constant 0 : i32
        %dma_wait3A_87 = tpu.memref_slice %arg8[%dma_wait3A, %dma_wait3A_86] : memref<32x128xi32, #tpu.memory_space<vmem>> -> memref<1x128xi32, #tpu.memory_space<vmem>>
        %dma_wait3A_88 = tpu.memref_squeeze %dma_wait3A_87 : memref<1x128xi32, #tpu.memory_space<vmem>> -> memref<128xi32, #tpu.memory_space<vmem>>
        %dma_wait3A_89 = arith.constant 0 : i32
        %dma_wait3A_90 = arith.constant 0 : i32
        %dma_wait3A_91 = tpu.memref_slice %arg2[%dma_wait3A_89, %dma_wait3A_90] : memref<10000x128xf32, #tpu.memory_space<hbm>> -> memref<10000x128xf32, #tpu.memory_space<hbm>>
        tpu.wait_indirect_dma semaphore(%arg13 : memref<!tpu.dma_semaphore, #tpu.memory_space<semaphore_mem>>) src(%dma_wait3A_91 : memref<10000x128xf32, #tpu.memory_space<hbm>>) dst(%arg10 : memref<128x128xf32, #tpu.memory_space<vmem>>)
        %run_scoped3A = arith.constant 30 : i32
        "tpu.region"() ({
          %run_scoped3A_101 = tpu.sem_alloc : memref<!tpu.dma_semaphore, #tpu.memory_space<semaphore_mem>>
          %dma_start3A_102 = arith.constant 0 : i32
          %dma_start3A_103 = tpu.memref_slice %arg9[%run_scoped3A, %dma_start3A_102] : memref<32x128xi32, #tpu.memory_space<vmem>> -> memref<1x128xi32, #tpu.memory_space<vmem>>
          %dma_start3A_104 = tpu.memref_squeeze %dma_start3A_103 : memref<1x128xi32, #tpu.memory_space<vmem>> -> memref<128xi32, #tpu.memory_space<vmem>>
          %dma_start3A_105 = arith.constant 0 : i32
          %dma_start3A_106 = arith.constant 0 : i32
          %dma_start3A_107 = tpu.memref_slice %arg12[%dma_start3A_105, %dma_start3A_106] : memref<10112x128xf32, #tpu.memory_space<vmem_shared>> -> memref<10112x128xf32, #tpu.memory_space<vmem_shared>>
          tpu.enqueue_indirect_dma source(%arg10 : memref<128x128xf32, #tpu.memory_space<vmem>>) target(%dma_start3A_107 : memref<10112x128xf32, #tpu.memory_space<vmem_shared>>) offsets(%dma_start3A_104 : memref<128xi32, #tpu.memory_space<vmem>>) semaphore(%run_scoped3A_101 : memref<!tpu.dma_semaphore, #tpu.memory_space<semaphore_mem>>) {add = true}
          %dma_wait3A_108 = arith.constant 0 : i32
          %dma_wait3A_109 = tpu.memref_slice %arg9[%run_scoped3A, %dma_wait3A_108] : memref<32x128xi32, #tpu.memory_space<vmem>> -> memref<1x128xi32, #tpu.memory_space<vmem>>
          %dma_wait3A_110 = tpu.memref_squeeze %dma_wait3A_109 : memref<1x128xi32, #tpu.memory_space<vmem>> -> memref<128xi32, #tpu.memory_space<vmem>>
          %dma_wait3A_111 = arith.constant 0 : i32
          %dma_wait3A_112 = arith.constant 0 : i32
          %dma_wait3A_113 = tpu.memref_slice %arg12[%dma_wait3A_111, %dma_wait3A_112] : memref<10112x128xf32, #tpu.memory_space<vmem_shared>> -> memref<10112x128xf32, #tpu.memory_space<vmem_shared>>
          tpu.wait_indirect_dma semaphore(%run_scoped3A_101 : memref<!tpu.dma_semaphore, #tpu.memory_space<semaphore_mem>>) src(%arg10 : memref<128x128xf32, #tpu.memory_space<vmem>>) dst(%dma_wait3A_113 : memref<10112x128xf32, #tpu.memory_space<vmem_shared>>)
          tpu.yield
        }) : () -> ()
        %dma_wait3A_92 = arith.constant 31 : i32
        %dma_wait3A_93 = arith.constant 0 : i32
        %dma_wait3A_94 = tpu.memref_slice %arg8[%dma_wait3A_92, %dma_wait3A_93] : memref<32x128xi32, #tpu.memory_space<vmem>> -> memref<1x128xi32, #tpu.memory_space<vmem>>
        %dma_wait3A_95 = tpu.memref_squeeze %dma_wait3A_94 : memref<1x128xi32, #tpu.memory_space<vmem>> -> memref<128xi32, #tpu.memory_space<vmem>>
        %dma_wait3A_96 = arith.constant 0 : i32
        %dma_wait3A_97 = arith.constant 0 : i32
        %dma_wait3A_98 = tpu.memref_slice %arg2[%dma_wait3A_96, %dma_wait3A_97] : memref<10000x128xf32, #tpu.memory_space<hbm>> -> memref<10000x128xf32, #tpu.memory_space<hbm>>
        tpu.wait_indirect_dma semaphore(%arg14 : memref<!tpu.dma_semaphore, #tpu.memory_space<semaphore_mem>>) src(%dma_wait3A_98 : memref<10000x128xf32, #tpu.memory_space<hbm>>) dst(%arg11 : memref<128x128xf32, #tpu.memory_space<vmem>>)
        %run_scoped3A_99 = arith.constant 31 : i32
        "tpu.region"() ({
          %run_scoped3A_101 = tpu.sem_alloc : memref<!tpu.dma_semaphore, #tpu.memory_space<semaphore_mem>>
          %dma_start3A_102 = arith.constant 0 : i32
          %dma_start3A_103 = tpu.memref_slice %arg9[%run_scoped3A_99, %dma_start3A_102] : memref<32x128xi32, #tpu.memory_space<vmem>> -> memref<1x128xi32, #tpu.memory_space<vmem>>
          %dma_start3A_104 = tpu.memref_squeeze %dma_start3A_103 : memref<1x128xi32, #tpu.memory_space<vmem>> -> memref<128xi32, #tpu.memory_space<vmem>>
          %dma_start3A_105 = arith.constant 0 : i32
          %dma_start3A_106 = arith.constant 0 : i32
          %dma_start3A_107 = tpu.memref_slice %arg12[%dma_start3A_105, %dma_start3A_106] : memref<10112x128xf32, #tpu.memory_space<vmem_shared>> -> memref<10112x128xf32, #tpu.memory_space<vmem_shared>>
          tpu.enqueue_indirect_dma source(%arg11 : memref<128x128xf32, #tpu.memory_space<vmem>>) target(%dma_start3A_107 : memref<10112x128xf32, #tpu.memory_space<vmem_shared>>) offsets(%dma_start3A_104 : memref<128xi32, #tpu.memory_space<vmem>>) semaphore(%run_scoped3A_101 : memref<!tpu.dma_semaphore, #tpu.memory_space<semaphore_mem>>) {add = true}
          %dma_wait3A_108 = arith.constant 0 : i32
          %dma_wait3A_109 = tpu.memref_slice %arg9[%run_scoped3A_99, %dma_wait3A_108] : memref<32x128xi32, #tpu.memory_space<vmem>> -> memref<1x128xi32, #tpu.memory_space<vmem>>
          %dma_wait3A_110 = tpu.memref_squeeze %dma_wait3A_109 : memref<1x128xi32, #tpu.memory_space<vmem>> -> memref<128xi32, #tpu.memory_space<vmem>>
          %dma_wait3A_111 = arith.constant 0 : i32
          %dma_wait3A_112 = arith.constant 0 : i32
          %dma_wait3A_113 = tpu.memref_slice %arg12[%dma_wait3A_111, %dma_wait3A_112] : memref<10112x128xf32, #tpu.memory_space<vmem_shared>> -> memref<10112x128xf32, #tpu.memory_space<vmem_shared>>
          tpu.wait_indirect_dma semaphore(%run_scoped3A_101 : memref<!tpu.dma_semaphore, #tpu.memory_space<semaphore_mem>>) src(%arg11 : memref<128x128xf32, #tpu.memory_space<vmem>>) dst(%dma_wait3A_113 : memref<10112x128xf32, #tpu.memory_space<vmem_shared>>)
          tpu.yield
        }) : () -> ()
        %scan3A_100 = arith.constant 0 : i32
        scf.yield %scan3A_100 : i32
      }
      %scan3A_59 = arith.constant 9 : i32
    } else {
    }
    %eq3A_27 = arith.constant 1 : i32
    %eq3A_28 = arith.cmpi eq, %arg0, %eq3A_27 : i32
    %convert_element_type3A_29 = arith.extui %eq3A_28 : i1 to i32
    %cond3A_30 = arith.constant 0 : i32
    %cond3A_31 = arith.cmpi ne, %convert_element_type3A_29, %cond3A_30 : i32
    scf.if %cond3A_31 {
      %scan3A_53 = arith.constant 0 : i32
      %scan3A_54 = arith.constant 0 : i32
      %mul3A_55 = arith.constant 32 : i32
      %mul3A_56 = arith.muli %scan3A_54, %mul3A_55 : i32
      "tpu.region"() ({
        %run_scoped3A_95 = tpu.sem_alloc : memref<!tpu.dma_semaphore, #tpu.memory_space<semaphore_mem>>
        %dma_start3A_96 = arith.constant 0 : i32
        %dma_start3A_97 = tpu.memref_slice %arg5[%arg1, %mul3A_56, %dma_start3A_96] : memref<16x32x128xi32, #tpu.memory_space<hbm>> -> memref<1x32x128xi32, #tpu.memory_space<hbm>>
        %dma_start3A_98 = tpu.memref_squeeze %dma_start3A_97 : memref<1x32x128xi32, #tpu.memory_space<hbm>> -> memref<32x128xi32, #tpu.memory_space<hbm>>
        %dma_start3A_99 = arith.constant 0 : i32
        %dma_start3A_100 = tpu.memref_slice %arg5[%arg1, %mul3A_56, %dma_start3A_99] : memref<16x32x128xi32, #tpu.memory_space<hbm>> -> memref<1x32x128xi32, #tpu.memory_space<hbm>>
        %dma_start3A_101 = tpu.memref_squeeze %dma_start3A_100 : memref<1x32x128xi32, #tpu.memory_space<hbm>> -> memref<32x128xi32, #tpu.memory_space<hbm>>
        tpu.enqueue_dma source(%dma_start3A_101 : memref<32x128xi32, #tpu.memory_space<hbm>>) target(%arg8 : memref<32x128xi32, #tpu.memory_space<vmem>>) target_semaphore(%run_scoped3A_95 : memref<!tpu.dma_semaphore, #tpu.memory_space<semaphore_mem>>)
        %dma_wait3A_102 = arith.constant 0 : i32
        %dma_wait3A_103 = tpu.memref_slice %arg5[%arg1, %mul3A_56, %dma_wait3A_102] : memref<16x32x128xi32, #tpu.memory_space<hbm>> -> memref<1x32x128xi32, #tpu.memory_space<hbm>>
        %dma_wait3A_104 = tpu.memref_squeeze %dma_wait3A_103 : memref<1x32x128xi32, #tpu.memory_space<hbm>> -> memref<32x128xi32, #tpu.memory_space<hbm>>
        %dma_wait3A_105 = arith.constant 0 : i32
        %dma_wait3A_106 = tpu.memref_slice %arg5[%arg1, %mul3A_56, %dma_wait3A_105] : memref<16x32x128xi32, #tpu.memory_space<hbm>> -> memref<1x32x128xi32, #tpu.memory_space<hbm>>
        %dma_wait3A_107 = tpu.memref_squeeze %dma_wait3A_106 : memref<1x32x128xi32, #tpu.memory_space<hbm>> -> memref<32x128xi32, #tpu.memory_space<hbm>>
        tpu.wait_dma2 semaphore(%run_scoped3A_95 : memref<!tpu.dma_semaphore, #tpu.memory_space<semaphore_mem>>) src(%dma_wait3A_107 : memref<32x128xi32, #tpu.memory_space<hbm>>) dst(%arg8 : memref<32x128xi32, #tpu.memory_space<vmem>>)
        tpu.yield
      }) : () -> ()
      %mul3A_57 = arith.constant 32 : i32
      %mul3A_58 = arith.muli %scan3A_54, %mul3A_57 : i32
      "tpu.region"() ({
        %run_scoped3A_95 = tpu.sem_alloc : memref<!tpu.dma_semaphore, #tpu.memory_space<semaphore_mem>>
        %dma_start3A_96 = arith.constant 0 : i32
        %dma_start3A_97 = tpu.memref_slice %arg6[%arg1, %mul3A_58, %dma_start3A_96] : memref<16x32x128xi32, #tpu.memory_space<hbm>> -> memref<1x32x128xi32, #tpu.memory_space<hbm>>
        %dma_start3A_98 = tpu.memref_squeeze %dma_start3A_97 : memref<1x32x128xi32, #tpu.memory_space<hbm>> -> memref<32x128xi32, #tpu.memory_space<hbm>>
        %dma_start3A_99 = arith.constant 0 : i32
        %dma_start3A_100 = tpu.memref_slice %arg6[%arg1, %mul3A_58, %dma_start3A_99] : memref<16x32x128xi32, #tpu.memory_space<hbm>> -> memref<1x32x128xi32, #tpu.memory_space<hbm>>
        %dma_start3A_101 = tpu.memref_squeeze %dma_start3A_100 : memref<1x32x128xi32, #tpu.memory_space<hbm>> -> memref<32x128xi32, #tpu.memory_space<hbm>>
        tpu.enqueue_dma source(%dma_start3A_101 : memref<32x128xi32, #tpu.memory_space<hbm>>) target(%arg9 : memref<32x128xi32, #tpu.memory_space<vmem>>) target_semaphore(%run_scoped3A_95 : memref<!tpu.dma_semaphore, #tpu.memory_space<semaphore_mem>>)
        %dma_wait3A_102 = arith.constant 0 : i32
        %dma_wait3A_103 = tpu.memref_slice %arg6[%arg1, %mul3A_58, %dma_wait3A_102] : memref<16x32x128xi32, #tpu.memory_space<hbm>> -> memref<1x32x128xi32, #tpu.memory_space<hbm>>
        %dma_wait3A_104 = tpu.memref_squeeze %dma_wait3A_103 : memref<1x32x128xi32, #tpu.memory_space<hbm>> -> memref<32x128xi32, #tpu.memory_space<hbm>>
        %dma_wait3A_105 = arith.constant 0 : i32
        %dma_wait3A_106 = tpu.memref_slice %arg6[%arg1, %mul3A_58, %dma_wait3A_105] : memref<16x32x128xi32, #tpu.memory_space<hbm>> -> memref<1x32x128xi32, #tpu.memory_space<hbm>>
        %dma_wait3A_107 = tpu.memref_squeeze %dma_wait3A_106 : memref<1x32x128xi32, #tpu.memory_space<hbm>> -> memref<32x128xi32, #tpu.memory_space<hbm>>
        tpu.wait_dma2 semaphore(%run_scoped3A_95 : memref<!tpu.dma_semaphore, #tpu.memory_space<semaphore_mem>>) src(%dma_wait3A_107 : memref<32x128xi32, #tpu.memory_space<hbm>>) dst(%arg9 : memref<32x128xi32, #tpu.memory_space<vmem>>)
        tpu.yield
      }) : () -> ()
      %dma_start3A = arith.constant 0 : i32
      %dma_start3A_59 = arith.constant 0 : i32
      %dma_start3A_60 = tpu.memref_slice %arg8[%dma_start3A, %dma_start3A_59] : memref<32x128xi32, #tpu.memory_space<vmem>> -> memref<1x128xi32, #tpu.memory_space<vmem>>
      %dma_start3A_61 = tpu.memref_squeeze %dma_start3A_60 : memref<1x128xi32, #tpu.memory_space<vmem>> -> memref<128xi32, #tpu.memory_space<vmem>>
      %dma_start3A_62 = arith.constant 0 : i32
      %dma_start3A_63 = arith.constant 0 : i32
      %dma_start3A_64 = tpu.memref_slice %arg2[%dma_start3A_62, %dma_start3A_63] : memref<10000x128xf32, #tpu.memory_space<hbm>> -> memref<10000x128xf32, #tpu.memory_space<hbm>>
      tpu.enqueue_indirect_dma source(%dma_start3A_64 : memref<10000x128xf32, #tpu.memory_space<hbm>>) target(%arg10 : memref<128x128xf32, #tpu.memory_space<vmem>>) offsets(%dma_start3A_61 : memref<128xi32, #tpu.memory_space<vmem>>) semaphore(%arg13 : memref<!tpu.dma_semaphore, #tpu.memory_space<semaphore_mem>>)
      %scan3A_65 = arith.constant 0 : i32
      %scan3A_66 = arith.constant 0 : i32
      %scan3A_67 = arith.constant 15 : i32
      %scan3A_68 = arith.addi %scan3A_66, %scan3A_67 : i32
      %scan3A_69 = arith.constant 1 : i32
      %scan3A_70 = scf.for %scan3A_95 = %scan3A_66 to %scan3A_68 step %scan3A_69 iter_args(%scan3A_96 = %scan3A_65) -> (i32)  : i32 {
        %mul3A_97 = arith.constant 2 : i32
        %mul3A_98 = arith.muli %mul3A_97, %scan3A_95 : i32
        %add3A_99 = arith.constant 1 : i32
        %add3A_100 = arith.addi %mul3A_98, %add3A_99 : i32
        %dma_start3A_101 = arith.constant 0 : i32
        %dma_start3A_102 = tpu.memref_slice %arg8[%add3A_100, %dma_start3A_101] : memref<32x128xi32, #tpu.memory_space<vmem>> -> memref<1x128xi32, #tpu.memory_space<vmem>>
        %dma_start3A_103 = tpu.memref_squeeze %dma_start3A_102 : memref<1x128xi32, #tpu.memory_space<vmem>> -> memref<128xi32, #tpu.memory_space<vmem>>
        %dma_start3A_104 = arith.constant 0 : i32
        %dma_start3A_105 = arith.constant 0 : i32
        %dma_start3A_106 = tpu.memref_slice %arg2[%dma_start3A_104, %dma_start3A_105] : memref<10000x128xf32, #tpu.memory_space<hbm>> -> memref<10000x128xf32, #tpu.memory_space<hbm>>
        tpu.enqueue_indirect_dma source(%dma_start3A_106 : memref<10000x128xf32, #tpu.memory_space<hbm>>) target(%arg11 : memref<128x128xf32, #tpu.memory_space<vmem>>) offsets(%dma_start3A_103 : memref<128xi32, #tpu.memory_space<vmem>>) semaphore(%arg14 : memref<!tpu.dma_semaphore, #tpu.memory_space<semaphore_mem>>)
        %mul3A_107 = arith.constant 2 : i32
        %mul3A_108 = arith.muli %mul3A_107, %scan3A_95 : i32
        %dma_wait3A_109 = arith.constant 0 : i32
        %dma_wait3A_110 = tpu.memref_slice %arg8[%mul3A_108, %dma_wait3A_109] : memref<32x128xi32, #tpu.memory_space<vmem>> -> memref<1x128xi32, #tpu.memory_space<vmem>>
        %dma_wait3A_111 = tpu.memref_squeeze %dma_wait3A_110 : memref<1x128xi32, #tpu.memory_space<vmem>> -> memref<128xi32, #tpu.memory_space<vmem>>
        %dma_wait3A_112 = arith.constant 0 : i32
        %dma_wait3A_113 = arith.constant 0 : i32
        %dma_wait3A_114 = tpu.memref_slice %arg2[%dma_wait3A_112, %dma_wait3A_113] : memref<10000x128xf32, #tpu.memory_space<hbm>> -> memref<10000x128xf32, #tpu.memory_space<hbm>>
        tpu.wait_indirect_dma semaphore(%arg13 : memref<!tpu.dma_semaphore, #tpu.memory_space<semaphore_mem>>) src(%dma_wait3A_114 : memref<10000x128xf32, #tpu.memory_space<hbm>>) dst(%arg10 : memref<128x128xf32, #tpu.memory_space<vmem>>)
        %mul3A_115 = arith.constant 2 : i32
        %mul3A_116 = arith.muli %mul3A_115, %scan3A_95 : i32
        "tpu.region"() ({
          %run_scoped3A_142 = tpu.sem_alloc : memref<!tpu.dma_semaphore, #tpu.memory_space<semaphore_mem>>
          %dma_start3A_143 = arith.constant 0 : i32
          %dma_start3A_144 = tpu.memref_slice %arg9[%mul3A_116, %dma_start3A_143] : memref<32x128xi32, #tpu.memory_space<vmem>> -> memref<1x128xi32, #tpu.memory_space<vmem>>
          %dma_start3A_145 = tpu.memref_squeeze %dma_start3A_144 : memref<1x128xi32, #tpu.memory_space<vmem>> -> memref<128xi32, #tpu.memory_space<vmem>>
          %dma_start3A_146 = arith.constant 0 : i32
          %dma_start3A_147 = arith.constant 0 : i32
          %dma_start3A_148 = tpu.memref_slice %arg12[%dma_start3A_146, %dma_start3A_147] : memref<10112x128xf32, #tpu.memory_space<vmem_shared>> -> memref<10112x128xf32, #tpu.memory_space<vmem_shared>>
          tpu.enqueue_indirect_dma source(%arg10 : memref<128x128xf32, #tpu.memory_space<vmem>>) target(%dma_start3A_148 : memref<10112x128xf32, #tpu.memory_space<vmem_shared>>) offsets(%dma_start3A_145 : memref<128xi32, #tpu.memory_space<vmem>>) semaphore(%run_scoped3A_142 : memref<!tpu.dma_semaphore, #tpu.memory_space<semaphore_mem>>) {add = true}
          %dma_wait3A_149 = arith.constant 0 : i32
          %dma_wait3A_150 = tpu.memref_slice %arg9[%mul3A_116, %dma_wait3A_149] : memref<32x128xi32, #tpu.memory_space<vmem>> -> memref<1x128xi32, #tpu.memory_space<vmem>>
          %dma_wait3A_151 = tpu.memref_squeeze %dma_wait3A_150 : memref<1x128xi32, #tpu.memory_space<vmem>> -> memref<128xi32, #tpu.memory_space<vmem>>
          %dma_wait3A_152 = arith.constant 0 : i32
          %dma_wait3A_153 = arith.constant 0 : i32
          %dma_wait3A_154 = tpu.memref_slice %arg12[%dma_wait3A_152, %dma_wait3A_153] : memref<10112x128xf32, #tpu.memory_space<vmem_shared>> -> memref<10112x128xf32, #tpu.memory_space<vmem_shared>>
          tpu.wait_indirect_dma semaphore(%run_scoped3A_142 : memref<!tpu.dma_semaphore, #tpu.memory_space<semaphore_mem>>) src(%arg10 : memref<128x128xf32, #tpu.memory_space<vmem>>) dst(%dma_wait3A_154 : memref<10112x128xf32, #tpu.memory_space<vmem_shared>>)
          tpu.yield
        }) : () -> ()
        %mul3A_117 = arith.constant 2 : i32
        %mul3A_118 = arith.muli %mul3A_117, %scan3A_95 : i32
        %add3A_119 = arith.constant 2 : i32
        %add3A_120 = arith.addi %mul3A_118, %add3A_119 : i32
        %dma_start3A_121 = arith.constant 0 : i32
        %dma_start3A_122 = tpu.memref_slice %arg8[%add3A_120, %dma_start3A_121] : memref<32x128xi32, #tpu.memory_space<vmem>> -> memref<1x128xi32, #tpu.memory_space<vmem>>
        %dma_start3A_123 = tpu.memref_squeeze %dma_start3A_122 : memref<1x128xi32, #tpu.memory_space<vmem>> -> memref<128xi32, #tpu.memory_space<vmem>>
        %dma_start3A_124 = arith.constant 0 : i32
        %dma_start3A_125 = arith.constant 0 : i32
        %dma_start3A_126 = tpu.memref_slice %arg2[%dma_start3A_124, %dma_start3A_125] : memref<10000x128xf32, #tpu.memory_space<hbm>> -> memref<10000x128xf32, #tpu.memory_space<hbm>>
        tpu.enqueue_indirect_dma source(%dma_start3A_126 : memref<10000x128xf32, #tpu.memory_space<hbm>>) target(%arg10 : memref<128x128xf32, #tpu.memory_space<vmem>>) offsets(%dma_start3A_123 : memref<128xi32, #tpu.memory_space<vmem>>) semaphore(%arg13 : memref<!tpu.dma_semaphore, #tpu.memory_space<semaphore_mem>>)
        %mul3A_127 = arith.constant 2 : i32
        %mul3A_128 = arith.muli %mul3A_127, %scan3A_95 : i32
        %add3A_129 = arith.constant 1 : i32
        %add3A_130 = arith.addi %mul3A_128, %add3A_129 : i32
        %dma_wait3A_131 = arith.constant 0 : i32
        %dma_wait3A_132 = tpu.memref_slice %arg8[%add3A_130, %dma_wait3A_131] : memref<32x128xi32, #tpu.memory_space<vmem>> -> memref<1x128xi32, #tpu.memory_space<vmem>>
        %dma_wait3A_133 = tpu.memref_squeeze %dma_wait3A_132 : memref<1x128xi32, #tpu.memory_space<vmem>> -> memref<128xi32, #tpu.memory_space<vmem>>
        %dma_wait3A_134 = arith.constant 0 : i32
        %dma_wait3A_135 = arith.constant 0 : i32
        %dma_wait3A_136 = tpu.memref_slice %arg2[%dma_wait3A_134, %dma_wait3A_135] : memref<10000x128xf32, #tpu.memory_space<hbm>> -> memref<10000x128xf32, #tpu.memory_space<hbm>>
        tpu.wait_indirect_dma semaphore(%arg14 : memref<!tpu.dma_semaphore, #tpu.memory_space<semaphore_mem>>) src(%dma_wait3A_136 : memref<10000x128xf32, #tpu.memory_space<hbm>>) dst(%arg11 : memref<128x128xf32, #tpu.memory_space<vmem>>)
        %mul3A_137 = arith.constant 2 : i32
        %mul3A_138 = arith.muli %mul3A_137, %scan3A_95 : i32
        %add3A_139 = arith.constant 1 : i32
        %add3A_140 = arith.addi %mul3A_138, %add3A_139 : i32
        "tpu.region"() ({
          %run_scoped3A_142 = tpu.sem_alloc : memref<!tpu.dma_semaphore, #tpu.memory_space<semaphore_mem>>
          %dma_start3A_143 = arith.constant 0 : i32
          %dma_start3A_144 = tpu.memref_slice %arg9[%add3A_140, %dma_start3A_143] : memref<32x128xi32, #tpu.memory_space<vmem>> -> memref<1x128xi32, #tpu.memory_space<vmem>>
          %dma_start3A_145 = tpu.memref_squeeze %dma_start3A_144 : memref<1x128xi32, #tpu.memory_space<vmem>> -> memref<128xi32, #tpu.memory_space<vmem>>
          %dma_start3A_146 = arith.constant 0 : i32
          %dma_start3A_147 = arith.constant 0 : i32
          %dma_start3A_148 = tpu.memref_slice %arg12[%dma_start3A_146, %dma_start3A_147] : memref<10112x128xf32, #tpu.memory_space<vmem_shared>> -> memref<10112x128xf32, #tpu.memory_space<vmem_shared>>
          tpu.enqueue_indirect_dma source(%arg11 : memref<128x128xf32, #tpu.memory_space<vmem>>) target(%dma_start3A_148 : memref<10112x128xf32, #tpu.memory_space<vmem_shared>>) offsets(%dma_start3A_145 : memref<128xi32, #tpu.memory_space<vmem>>) semaphore(%run_scoped3A_142 : memref<!tpu.dma_semaphore, #tpu.memory_space<semaphore_mem>>) {add = true}
          %dma_wait3A_149 = arith.constant 0 : i32
          %dma_wait3A_150 = tpu.memref_slice %arg9[%add3A_140, %dma_wait3A_149] : memref<32x128xi32, #tpu.memory_space<vmem>> -> memref<1x128xi32, #tpu.memory_space<vmem>>
          %dma_wait3A_151 = tpu.memref_squeeze %dma_wait3A_150 : memref<1x128xi32, #tpu.memory_space<vmem>> -> memref<128xi32, #tpu.memory_space<vmem>>
          %dma_wait3A_152 = arith.constant 0 : i32
          %dma_wait3A_153 = arith.constant 0 : i32
          %dma_wait3A_154 = tpu.memref_slice %arg12[%dma_wait3A_152, %dma_wait3A_153] : memref<10112x128xf32, #tpu.memory_space<vmem_shared>> -> memref<10112x128xf32, #tpu.memory_space<vmem_shared>>
          tpu.wait_indirect_dma semaphore(%run_scoped3A_142 : memref<!tpu.dma_semaphore, #tpu.memory_space<semaphore_mem>>) src(%arg11 : memref<128x128xf32, #tpu.memory_space<vmem>>) dst(%dma_wait3A_154 : memref<10112x128xf32, #tpu.memory_space<vmem_shared>>)
          tpu.yield
        }) : () -> ()
        %scan3A_141 = arith.constant 0 : i32
        scf.yield %scan3A_141 : i32
      }
      %scan3A_71 = arith.constant 15 : i32
      %dma_start3A_72 = arith.constant 31 : i32
      %dma_start3A_73 = arith.constant 0 : i32
      %dma_start3A_74 = tpu.memref_slice %arg8[%dma_start3A_72, %dma_start3A_73] : memref<32x128xi32, #tpu.memory_space<vmem>> -> memref<1x128xi32, #tpu.memory_space<vmem>>
      %dma_start3A_75 = tpu.memref_squeeze %dma_start3A_74 : memref<1x128xi32, #tpu.memory_space<vmem>> -> memref<128xi32, #tpu.memory_space<vmem>>
      %dma_start3A_76 = arith.constant 0 : i32
      %dma_start3A_77 = arith.constant 0 : i32
      %dma_start3A_78 = tpu.memref_slice %arg2[%dma_start3A_76, %dma_start3A_77] : memref<10000x128xf32, #tpu.memory_space<hbm>> -> memref<10000x128xf32, #tpu.memory_space<hbm>>
      tpu.enqueue_indirect_dma source(%dma_start3A_78 : memref<10000x128xf32, #tpu.memory_space<hbm>>) target(%arg11 : memref<128x128xf32, #tpu.memory_space<vmem>>) offsets(%dma_start3A_75 : memref<128xi32, #tpu.memory_space<vmem>>) semaphore(%arg14 : memref<!tpu.dma_semaphore, #tpu.memory_space<semaphore_mem>>)
      %dma_wait3A = arith.constant 30 : i32
      %dma_wait3A_79 = arith.constant 0 : i32
      %dma_wait3A_80 = tpu.memref_slice %arg8[%dma_wait3A, %dma_wait3A_79] : memref<32x128xi32, #tpu.memory_space<vmem>> -> memref<1x128xi32, #tpu.memory_space<vmem>>
      %dma_wait3A_81 = tpu.memref_squeeze %dma_wait3A_80 : memref<1x128xi32, #tpu.memory_space<vmem>> -> memref<128xi32, #tpu.memory_space<vmem>>
      %dma_wait3A_82 = arith.constant 0 : i32
      %dma_wait3A_83 = arith.constant 0 : i32
      %dma_wait3A_84 = tpu.memref_slice %arg2[%dma_wait3A_82, %dma_wait3A_83] : memref<10000x128xf32, #tpu.memory_space<hbm>> -> memref<10000x128xf32, #tpu.memory_space<hbm>>
      tpu.wait_indirect_dma semaphore(%arg13 : memref<!tpu.dma_semaphore, #tpu.memory_space<semaphore_mem>>) src(%dma_wait3A_84 : memref<10000x128xf32, #tpu.memory_space<hbm>>) dst(%arg10 : memref<128x128xf32, #tpu.memory_space<vmem>>)
      %run_scoped3A = arith.constant 30 : i32
      "tpu.region"() ({
        %run_scoped3A_95 = tpu.sem_alloc : memref<!tpu.dma_semaphore, #tpu.memory_space<semaphore_mem>>
        %dma_start3A_96 = arith.constant 0 : i32
        %dma_start3A_97 = tpu.memref_slice %arg9[%run_scoped3A, %dma_start3A_96] : memref<32x128xi32, #tpu.memory_space<vmem>> -> memref<1x128xi32, #tpu.memory_space<vmem>>
        %dma_start3A_98 = tpu.memref_squeeze %dma_start3A_97 : memref<1x128xi32, #tpu.memory_space<vmem>> -> memref<128xi32, #tpu.memory_space<vmem>>
        %dma_start3A_99 = arith.constant 0 : i32
        %dma_start3A_100 = arith.constant 0 : i32
        %dma_start3A_101 = tpu.memref_slice %arg12[%dma_start3A_99, %dma_start3A_100] : memref<10112x128xf32, #tpu.memory_space<vmem_shared>> -> memref<10112x128xf32, #tpu.memory_space<vmem_shared>>
        tpu.enqueue_indirect_dma source(%arg10 : memref<128x128xf32, #tpu.memory_space<vmem>>) target(%dma_start3A_101 : memref<10112x128xf32, #tpu.memory_space<vmem_shared>>) offsets(%dma_start3A_98 : memref<128xi32, #tpu.memory_space<vmem>>) semaphore(%run_scoped3A_95 : memref<!tpu.dma_semaphore, #tpu.memory_space<semaphore_mem>>) {add = true}
        %dma_wait3A_102 = arith.constant 0 : i32
        %dma_wait3A_103 = tpu.memref_slice %arg9[%run_scoped3A, %dma_wait3A_102] : memref<32x128xi32, #tpu.memory_space<vmem>> -> memref<1x128xi32, #tpu.memory_space<vmem>>
        %dma_wait3A_104 = tpu.memref_squeeze %dma_wait3A_103 : memref<1x128xi32, #tpu.memory_space<vmem>> -> memref<128xi32, #tpu.memory_space<vmem>>
        %dma_wait3A_105 = arith.constant 0 : i32
        %dma_wait3A_106 = arith.constant 0 : i32
        %dma_wait3A_107 = tpu.memref_slice %arg12[%dma_wait3A_105, %dma_wait3A_106] : memref<10112x128xf32, #tpu.memory_space<vmem_shared>> -> memref<10112x128xf32, #tpu.memory_space<vmem_shared>>
        tpu.wait_indirect_dma semaphore(%run_scoped3A_95 : memref<!tpu.dma_semaphore, #tpu.memory_space<semaphore_mem>>) src(%arg10 : memref<128x128xf32, #tpu.memory_space<vmem>>) dst(%dma_wait3A_107 : memref<10112x128xf32, #tpu.memory_space<vmem_shared>>)
        tpu.yield
      }) : () -> ()
      %dma_wait3A_85 = arith.constant 31 : i32
      %dma_wait3A_86 = arith.constant 0 : i32
      %dma_wait3A_87 = tpu.memref_slice %arg8[%dma_wait3A_85, %dma_wait3A_86] : memref<32x128xi32, #tpu.memory_space<vmem>> -> memref<1x128xi32, #tpu.memory_space<vmem>>
      %dma_wait3A_88 = tpu.memref_squeeze %dma_wait3A_87 : memref<1x128xi32, #tpu.memory_space<vmem>> -> memref<128xi32, #tpu.memory_space<vmem>>
      %dma_wait3A_89 = arith.constant 0 : i32
      %dma_wait3A_90 = arith.constant 0 : i32
      %dma_wait3A_91 = tpu.memref_slice %arg2[%dma_wait3A_89, %dma_wait3A_90] : memref<10000x128xf32, #tpu.memory_space<hbm>> -> memref<10000x128xf32, #tpu.memory_space<hbm>>
      tpu.wait_indirect_dma semaphore(%arg14 : memref<!tpu.dma_semaphore, #tpu.memory_space<semaphore_mem>>) src(%dma_wait3A_91 : memref<10000x128xf32, #tpu.memory_space<hbm>>) dst(%arg11 : memref<128x128xf32, #tpu.memory_space<vmem>>)
      %run_scoped3A_92 = arith.constant 31 : i32
      "tpu.region"() ({
        %run_scoped3A_95 = tpu.sem_alloc : memref<!tpu.dma_semaphore, #tpu.memory_space<semaphore_mem>>
        %dma_start3A_96 = arith.constant 0 : i32
        %dma_start3A_97 = tpu.memref_slice %arg9[%run_scoped3A_92, %dma_start3A_96] : memref<32x128xi32, #tpu.memory_space<vmem>> -> memref<1x128xi32, #tpu.memory_space<vmem>>
        %dma_start3A_98 = tpu.memref_squeeze %dma_start3A_97 : memref<1x128xi32, #tpu.memory_space<vmem>> -> memref<128xi32, #tpu.memory_space<vmem>>
        %dma_start3A_99 = arith.constant 0 : i32
        %dma_start3A_100 = arith.constant 0 : i32
        %dma_start3A_101 = tpu.memref_slice %arg12[%dma_start3A_99, %dma_start3A_100] : memref<10112x128xf32, #tpu.memory_space<vmem_shared>> -> memref<10112x128xf32, #tpu.memory_space<vmem_shared>>
        tpu.enqueue_indirect_dma source(%arg11 : memref<128x128xf32, #tpu.memory_space<vmem>>) target(%dma_start3A_101 : memref<10112x128xf32, #tpu.memory_space<vmem_shared>>) offsets(%dma_start3A_98 : memref<128xi32, #tpu.memory_space<vmem>>) semaphore(%run_scoped3A_95 : memref<!tpu.dma_semaphore, #tpu.memory_space<semaphore_mem>>) {add = true}
        %dma_wait3A_102 = arith.constant 0 : i32
        %dma_wait3A_103 = tpu.memref_slice %arg9[%run_scoped3A_92, %dma_wait3A_102] : memref<32x128xi32, #tpu.memory_space<vmem>> -> memref<1x128xi32, #tpu.memory_space<vmem>>
        %dma_wait3A_104 = tpu.memref_squeeze %dma_wait3A_103 : memref<1x128xi32, #tpu.memory_space<vmem>> -> memref<128xi32, #tpu.memory_space<vmem>>
        %dma_wait3A_105 = arith.constant 0 : i32
        %dma_wait3A_106 = arith.constant 0 : i32
        %dma_wait3A_107 = tpu.memref_slice %arg12[%dma_wait3A_105, %dma_wait3A_106] : memref<10112x128xf32, #tpu.memory_space<vmem_shared>> -> memref<10112x128xf32, #tpu.memory_space<vmem_shared>>
        tpu.wait_indirect_dma semaphore(%run_scoped3A_95 : memref<!tpu.dma_semaphore, #tpu.memory_space<semaphore_mem>>) src(%arg11 : memref<128x128xf32, #tpu.memory_space<vmem>>) dst(%dma_wait3A_107 : memref<10112x128xf32, #tpu.memory_space<vmem_shared>>)
        tpu.yield
      }) : () -> ()
      %scan3A_93 = arith.constant 0 : i32
      %scan3A_94 = arith.constant 1 : i32
    } else {
    }
    %barrier3A_32 = arith.constant 0 : index
    tpu.barrier barrier_id(%barrier3A_32)
    %mul3A_33 = arith.constant 632 : i32
    %mul3A_34 = arith.muli %arg1, %mul3A_33 : i32
    %add3A_35 = arith.constant 0 : i32
    %add3A_36 = arith.addi %mul3A_34, %add3A_35 : i32
    "tpu.region"() ({
      %run_scoped3A = tpu.sem_alloc : memref<!tpu.dma_semaphore, #tpu.memory_space<semaphore_mem>>
      %dma_start3A = arith.constant 0 : i32
      %dma_start3A_53 = arith.constant 0 : i32
      %dma_start3A_54 = tpu.memref_slice %arg10[%dma_start3A, %dma_start3A_53] : memref<128x128xf32, #tpu.memory_space<vmem>> -> memref<128x128xf32, #tpu.memory_space<vmem>>
      %dma_start3A_55 = arith.constant 0 : i32
      %dma_start3A_56 = tpu.memref_slice %arg12[%add3A_36, %dma_start3A_55] : memref<10112x128xf32, #tpu.memory_space<vmem_shared>> -> memref<128x128xf32, #tpu.memory_space<vmem_shared>>
      %dma_start3A_57 = arith.constant 0 : i32
      %dma_start3A_58 = arith.constant 0 : i32
      %dma_start3A_59 = tpu.memref_slice %arg10[%dma_start3A_57, %dma_start3A_58] : memref<128x128xf32, #tpu.memory_space<vmem>> -> memref<128x128xf32, #tpu.memory_space<vmem>>
      %dma_start3A_60 = arith.constant 0 : i32
      %dma_start3A_61 = tpu.memref_slice %arg12[%add3A_36, %dma_start3A_60] : memref<10112x128xf32, #tpu.memory_space<vmem_shared>> -> memref<128x128xf32, #tpu.memory_space<vmem_shared>>
      tpu.enqueue_dma source(%dma_start3A_61 : memref<128x128xf32, #tpu.memory_space<vmem_shared>>) target(%dma_start3A_59 : memref<128x128xf32, #tpu.memory_space<vmem>>) target_semaphore(%run_scoped3A : memref<!tpu.dma_semaphore, #tpu.memory_space<semaphore_mem>>)
      %dma_wait3A = arith.constant 0 : i32
      %dma_wait3A_62 = arith.constant 0 : i32
      %dma_wait3A_63 = tpu.memref_slice %arg10[%dma_wait3A, %dma_wait3A_62] : memref<128x128xf32, #tpu.memory_space<vmem>> -> memref<128x128xf32, #tpu.memory_space<vmem>>
      %dma_wait3A_64 = arith.constant 0 : i32
      %dma_wait3A_65 = tpu.memref_slice %arg12[%add3A_36, %dma_wait3A_64] : memref<10112x128xf32, #tpu.memory_space<vmem_shared>> -> memref<128x128xf32, #tpu.memory_space<vmem_shared>>
      %dma_wait3A_66 = arith.constant 0 : i32
      %dma_wait3A_67 = arith.constant 0 : i32
      %dma_wait3A_68 = tpu.memref_slice %arg10[%dma_wait3A_66, %dma_wait3A_67] : memref<128x128xf32, #tpu.memory_space<vmem>> -> memref<128x128xf32, #tpu.memory_space<vmem>>
      %dma_wait3A_69 = arith.constant 0 : i32
      %dma_wait3A_70 = tpu.memref_slice %arg12[%add3A_36, %dma_wait3A_69] : memref<10112x128xf32, #tpu.memory_space<vmem_shared>> -> memref<128x128xf32, #tpu.memory_space<vmem_shared>>
      tpu.wait_dma2 semaphore(%run_scoped3A : memref<!tpu.dma_semaphore, #tpu.memory_space<semaphore_mem>>) src(%dma_wait3A_70 : memref<128x128xf32, #tpu.memory_space<vmem_shared>>) dst(%dma_wait3A_68 : memref<128x128xf32, #tpu.memory_space<vmem>>)
      tpu.yield
    }) : () -> ()
    "tpu.region"() ({
      %run_scoped3A = tpu.sem_alloc : memref<!tpu.dma_semaphore, #tpu.memory_space<semaphore_mem>>
      %dma_start3A = arith.constant 0 : i32
      %dma_start3A_53 = arith.constant 0 : i32
      %dma_start3A_54 = tpu.memref_slice %arg10[%dma_start3A, %dma_start3A_53] : memref<128x128xf32, #tpu.memory_space<vmem>> -> memref<128x128xf32, #tpu.memory_space<vmem>>
      %dma_start3A_55 = arith.constant 0 : i32
      %dma_start3A_56 = tpu.memref_slice %arg7[%arg0, %add3A_36, %dma_start3A_55] : memref<2x10112x128xf32, #tpu.memory_space<hbm>> -> memref<1x128x128xf32, #tpu.memory_space<hbm>>
      %dma_start3A_57 = tpu.memref_squeeze %dma_start3A_56 : memref<1x128x128xf32, #tpu.memory_space<hbm>> -> memref<128x128xf32, #tpu.memory_space<hbm>>
      %dma_start3A_58 = arith.constant 0 : i32
      %dma_start3A_59 = tpu.memref_slice %arg7[%arg0, %add3A_36, %dma_start3A_58] : memref<2x10112x128xf32, #tpu.memory_space<hbm>> -> memref<1x128x128xf32, #tpu.memory_space<hbm>>
      %dma_start3A_60 = tpu.memref_squeeze %dma_start3A_59 : memref<1x128x128xf32, #tpu.memory_space<hbm>> -> memref<128x128xf32, #tpu.memory_space<hbm>>
      %dma_start3A_61 = arith.constant 0 : i32
      %dma_start3A_62 = arith.constant 0 : i32
      %dma_start3A_63 = tpu.memref_slice %arg10[%dma_start3A_61, %dma_start3A_62] : memref<128x128xf32, #tpu.memory_space<vmem>> -> memref<128x128xf32, #tpu.memory_space<vmem>>
      tpu.enqueue_dma source(%dma_start3A_63 : memref<128x128xf32, #tpu.memory_space<vmem>>) target(%dma_start3A_60 : memref<128x128xf32, #tpu.memory_space<hbm>>) target_semaphore(%run_scoped3A : memref<!tpu.dma_semaphore, #tpu.memory_space<semaphore_mem>>)
      %dma_wait3A = arith.constant 0 : i32
      %dma_wait3A_64 = arith.constant 0 : i32
      %dma_wait3A_65 = tpu.memref_slice %arg10[%dma_wait3A, %dma_wait3A_64] : memref<128x128xf32, #tpu.memory_space<vmem>> -> memref<128x128xf32, #tpu.memory_space<vmem>>
      %dma_wait3A_66 = arith.constant 0 : i32
      %dma_wait3A_67 = tpu.memref_slice %arg7[%arg0, %add3A_36, %dma_wait3A_66] : memref<2x10112x128xf32, #tpu.memory_space<hbm>> -> memref<1x128x128xf32, #tpu.memory_space<hbm>>
      %dma_wait3A_68 = tpu.memref_squeeze %dma_wait3A_67 : memref<1x128x128xf32, #tpu.memory_space<hbm>> -> memref<128x128xf32, #tpu.memory_space<hbm>>
      %dma_wait3A_69 = arith.constant 0 : i32
      %dma_wait3A_70 = tpu.memref_slice %arg7[%arg0, %add3A_36, %dma_wait3A_69] : memref<2x10112x128xf32, #tpu.memory_space<hbm>> -> memref<1x128x128xf32, #tpu.memory_space<hbm>>
      %dma_wait3A_71 = tpu.memref_squeeze %dma_wait3A_70 : memref<1x128x128xf32, #tpu.memory_space<hbm>> -> memref<128x128xf32, #tpu.memory_space<hbm>>
      %dma_wait3A_72 = arith.constant 0 : i32
      %dma_wait3A_73 = arith.constant 0 : i32
      %dma_wait3A_74 = tpu.memref_slice %arg10[%dma_wait3A_72, %dma_wait3A_73] : memref<128x128xf32, #tpu.memory_space<vmem>> -> memref<128x128xf32, #tpu.memory_space<vmem>>
      tpu.wait_dma2 semaphore(%run_scoped3A : memref<!tpu.dma_semaphore, #tpu.memory_space<semaphore_mem>>) src(%dma_wait3A_74 : memref<128x128xf32, #tpu.memory_space<vmem>>) dst(%dma_wait3A_71 : memref<128x128xf32, #tpu.memory_space<hbm>>)
      tpu.yield
    }) : () -> ()
    %mul3A_37 = arith.constant 632 : i32
    %mul3A_38 = arith.muli %arg1, %mul3A_37 : i32
    %add3A_39 = arith.constant 128 : i32
    %add3A_40 = arith.addi %mul3A_38, %add3A_39 : i32
    "tpu.region"() ({
      %run_scoped3A = tpu.sem_alloc : memref<!tpu.dma_semaphore, #tpu.memory_space<semaphore_mem>>
      %dma_start3A = arith.constant 0 : i32
      %dma_start3A_53 = arith.constant 0 : i32
      %dma_start3A_54 = tpu.memref_slice %arg10[%dma_start3A, %dma_start3A_53] : memref<128x128xf32, #tpu.memory_space<vmem>> -> memref<128x128xf32, #tpu.memory_space<vmem>>
      %dma_start3A_55 = arith.constant 0 : i32
      %dma_start3A_56 = tpu.memref_slice %arg12[%add3A_40, %dma_start3A_55] : memref<10112x128xf32, #tpu.memory_space<vmem_shared>> -> memref<128x128xf32, #tpu.memory_space<vmem_shared>>
      %dma_start3A_57 = arith.constant 0 : i32
      %dma_start3A_58 = arith.constant 0 : i32
      %dma_start3A_59 = tpu.memref_slice %arg10[%dma_start3A_57, %dma_start3A_58] : memref<128x128xf32, #tpu.memory_space<vmem>> -> memref<128x128xf32, #tpu.memory_space<vmem>>
      %dma_start3A_60 = arith.constant 0 : i32
      %dma_start3A_61 = tpu.memref_slice %arg12[%add3A_40, %dma_start3A_60] : memref<10112x128xf32, #tpu.memory_space<vmem_shared>> -> memref<128x128xf32, #tpu.memory_space<vmem_shared>>
      tpu.enqueue_dma source(%dma_start3A_61 : memref<128x128xf32, #tpu.memory_space<vmem_shared>>) target(%dma_start3A_59 : memref<128x128xf32, #tpu.memory_space<vmem>>) target_semaphore(%run_scoped3A : memref<!tpu.dma_semaphore, #tpu.memory_space<semaphore_mem>>)
      %dma_wait3A = arith.constant 0 : i32
      %dma_wait3A_62 = arith.constant 0 : i32
      %dma_wait3A_63 = tpu.memref_slice %arg10[%dma_wait3A, %dma_wait3A_62] : memref<128x128xf32, #tpu.memory_space<vmem>> -> memref<128x128xf32, #tpu.memory_space<vmem>>
      %dma_wait3A_64 = arith.constant 0 : i32
      %dma_wait3A_65 = tpu.memref_slice %arg12[%add3A_40, %dma_wait3A_64] : memref<10112x128xf32, #tpu.memory_space<vmem_shared>> -> memref<128x128xf32, #tpu.memory_space<vmem_shared>>
      %dma_wait3A_66 = arith.constant 0 : i32
      %dma_wait3A_67 = arith.constant 0 : i32
      %dma_wait3A_68 = tpu.memref_slice %arg10[%dma_wait3A_66, %dma_wait3A_67] : memref<128x128xf32, #tpu.memory_space<vmem>> -> memref<128x128xf32, #tpu.memory_space<vmem>>
      %dma_wait3A_69 = arith.constant 0 : i32
      %dma_wait3A_70 = tpu.memref_slice %arg12[%add3A_40, %dma_wait3A_69] : memref<10112x128xf32, #tpu.memory_space<vmem_shared>> -> memref<128x128xf32, #tpu.memory_space<vmem_shared>>
      tpu.wait_dma2 semaphore(%run_scoped3A : memref<!tpu.dma_semaphore, #tpu.memory_space<semaphore_mem>>) src(%dma_wait3A_70 : memref<128x128xf32, #tpu.memory_space<vmem_shared>>) dst(%dma_wait3A_68 : memref<128x128xf32, #tpu.memory_space<vmem>>)
      tpu.yield
    }) : () -> ()
    "tpu.region"() ({
      %run_scoped3A = tpu.sem_alloc : memref<!tpu.dma_semaphore, #tpu.memory_space<semaphore_mem>>
      %dma_start3A = arith.constant 0 : i32
      %dma_start3A_53 = arith.constant 0 : i32
      %dma_start3A_54 = tpu.memref_slice %arg10[%dma_start3A, %dma_start3A_53] : memref<128x128xf32, #tpu.memory_space<vmem>> -> memref<128x128xf32, #tpu.memory_space<vmem>>
      %dma_start3A_55 = arith.constant 0 : i32
      %dma_start3A_56 = tpu.memref_slice %arg7[%arg0, %add3A_40, %dma_start3A_55] : memref<2x10112x128xf32, #tpu.memory_space<hbm>> -> memref<1x128x128xf32, #tpu.memory_space<hbm>>
      %dma_start3A_57 = tpu.memref_squeeze %dma_start3A_56 : memref<1x128x128xf32, #tpu.memory_space<hbm>> -> memref<128x128xf32, #tpu.memory_space<hbm>>
      %dma_start3A_58 = arith.constant 0 : i32
      %dma_start3A_59 = tpu.memref_slice %arg7[%arg0, %add3A_40, %dma_start3A_58] : memref<2x10112x128xf32, #tpu.memory_space<hbm>> -> memref<1x128x128xf32, #tpu.memory_space<hbm>>
      %dma_start3A_60 = tpu.memref_squeeze %dma_start3A_59 : memref<1x128x128xf32, #tpu.memory_space<hbm>> -> memref<128x128xf32, #tpu.memory_space<hbm>>
      %dma_start3A_61 = arith.constant 0 : i32
      %dma_start3A_62 = arith.constant 0 : i32
      %dma_start3A_63 = tpu.memref_slice %arg10[%dma_start3A_61, %dma_start3A_62] : memref<128x128xf32, #tpu.memory_space<vmem>> -> memref<128x128xf32, #tpu.memory_space<vmem>>
      tpu.enqueue_dma source(%dma_start3A_63 : memref<128x128xf32, #tpu.memory_space<vmem>>) target(%dma_start3A_60 : memref<128x128xf32, #tpu.memory_space<hbm>>) target_semaphore(%run_scoped3A : memref<!tpu.dma_semaphore, #tpu.memory_space<semaphore_mem>>)
      %dma_wait3A = arith.constant 0 : i32
      %dma_wait3A_64 = arith.constant 0 : i32
      %dma_wait3A_65 = tpu.memref_slice %arg10[%dma_wait3A, %dma_wait3A_64] : memref<128x128xf32, #tpu.memory_space<vmem>> -> memref<128x128xf32, #tpu.memory_space<vmem>>
      %dma_wait3A_66 = arith.constant 0 : i32
      %dma_wait3A_67 = tpu.memref_slice %arg7[%arg0, %add3A_40, %dma_wait3A_66] : memref<2x10112x128xf32, #tpu.memory_space<hbm>> -> memref<1x128x128xf32, #tpu.memory_space<hbm>>
      %dma_wait3A_68 = tpu.memref_squeeze %dma_wait3A_67 : memref<1x128x128xf32, #tpu.memory_space<hbm>> -> memref<128x128xf32, #tpu.memory_space<hbm>>
      %dma_wait3A_69 = arith.constant 0 : i32
      %dma_wait3A_70 = tpu.memref_slice %arg7[%arg0, %add3A_40, %dma_wait3A_69] : memref<2x10112x128xf32, #tpu.memory_space<hbm>> -> memref<1x128x128xf32, #tpu.memory_space<hbm>>
      %dma_wait3A_71 = tpu.memref_squeeze %dma_wait3A_70 : memref<1x128x128xf32, #tpu.memory_space<hbm>> -> memref<128x128xf32, #tpu.memory_space<hbm>>
      %dma_wait3A_72 = arith.constant 0 : i32
      %dma_wait3A_73 = arith.constant 0 : i32
      %dma_wait3A_74 = tpu.memref_slice %arg10[%dma_wait3A_72, %dma_wait3A_73] : memref<128x128xf32, #tpu.memory_space<vmem>> -> memref<128x128xf32, #tpu.memory_space<vmem>>
      tpu.wait_dma2 semaphore(%run_scoped3A : memref<!tpu.dma_semaphore, #tpu.memory_space<semaphore_mem>>) src(%dma_wait3A_74 : memref<128x128xf32, #tpu.memory_space<vmem>>) dst(%dma_wait3A_71 : memref<128x128xf32, #tpu.memory_space<hbm>>)
      tpu.yield
    }) : () -> ()
    %mul3A_41 = arith.constant 632 : i32
    %mul3A_42 = arith.muli %arg1, %mul3A_41 : i32
    %add3A_43 = arith.constant 256 : i32
    %add3A_44 = arith.addi %mul3A_42, %add3A_43 : i32
    "tpu.region"() ({
      %run_scoped3A = tpu.sem_alloc : memref<!tpu.dma_semaphore, #tpu.memory_space<semaphore_mem>>
      %dma_start3A = arith.constant 0 : i32
      %dma_start3A_53 = arith.constant 0 : i32
      %dma_start3A_54 = tpu.memref_slice %arg10[%dma_start3A, %dma_start3A_53] : memref<128x128xf32, #tpu.memory_space<vmem>> -> memref<128x128xf32, #tpu.memory_space<vmem>>
      %dma_start3A_55 = arith.constant 0 : i32
      %dma_start3A_56 = tpu.memref_slice %arg12[%add3A_44, %dma_start3A_55] : memref<10112x128xf32, #tpu.memory_space<vmem_shared>> -> memref<128x128xf32, #tpu.memory_space<vmem_shared>>
      %dma_start3A_57 = arith.constant 0 : i32
      %dma_start3A_58 = arith.constant 0 : i32
      %dma_start3A_59 = tpu.memref_slice %arg10[%dma_start3A_57, %dma_start3A_58] : memref<128x128xf32, #tpu.memory_space<vmem>> -> memref<128x128xf32, #tpu.memory_space<vmem>>
      %dma_start3A_60 = arith.constant 0 : i32
      %dma_start3A_61 = tpu.memref_slice %arg12[%add3A_44, %dma_start3A_60] : memref<10112x128xf32, #tpu.memory_space<vmem_shared>> -> memref<128x128xf32, #tpu.memory_space<vmem_shared>>
      tpu.enqueue_dma source(%dma_start3A_61 : memref<128x128xf32, #tpu.memory_space<vmem_shared>>) target(%dma_start3A_59 : memref<128x128xf32, #tpu.memory_space<vmem>>) target_semaphore(%run_scoped3A : memref<!tpu.dma_semaphore, #tpu.memory_space<semaphore_mem>>)
      %dma_wait3A = arith.constant 0 : i32
      %dma_wait3A_62 = arith.constant 0 : i32
      %dma_wait3A_63 = tpu.memref_slice %arg10[%dma_wait3A, %dma_wait3A_62] : memref<128x128xf32, #tpu.memory_space<vmem>> -> memref<128x128xf32, #tpu.memory_space<vmem>>
      %dma_wait3A_64 = arith.constant 0 : i32
      %dma_wait3A_65 = tpu.memref_slice %arg12[%add3A_44, %dma_wait3A_64] : memref<10112x128xf32, #tpu.memory_space<vmem_shared>> -> memref<128x128xf32, #tpu.memory_space<vmem_shared>>
      %dma_wait3A_66 = arith.constant 0 : i32
      %dma_wait3A_67 = arith.constant 0 : i32
      %dma_wait3A_68 = tpu.memref_slice %arg10[%dma_wait3A_66, %dma_wait3A_67] : memref<128x128xf32, #tpu.memory_space<vmem>> -> memref<128x128xf32, #tpu.memory_space<vmem>>
      %dma_wait3A_69 = arith.constant 0 : i32
      %dma_wait3A_70 = tpu.memref_slice %arg12[%add3A_44, %dma_wait3A_69] : memref<10112x128xf32, #tpu.memory_space<vmem_shared>> -> memref<128x128xf32, #tpu.memory_space<vmem_shared>>
      tpu.wait_dma2 semaphore(%run_scoped3A : memref<!tpu.dma_semaphore, #tpu.memory_space<semaphore_mem>>) src(%dma_wait3A_70 : memref<128x128xf32, #tpu.memory_space<vmem_shared>>) dst(%dma_wait3A_68 : memref<128x128xf32, #tpu.memory_space<vmem>>)
      tpu.yield
    }) : () -> ()
    "tpu.region"() ({
      %run_scoped3A = tpu.sem_alloc : memref<!tpu.dma_semaphore, #tpu.memory_space<semaphore_mem>>
      %dma_start3A = arith.constant 0 : i32
      %dma_start3A_53 = arith.constant 0 : i32
      %dma_start3A_54 = tpu.memref_slice %arg10[%dma_start3A, %dma_start3A_53] : memref<128x128xf32, #tpu.memory_space<vmem>> -> memref<128x128xf32, #tpu.memory_space<vmem>>
      %dma_start3A_55 = arith.constant 0 : i32
      %dma_start3A_56 = tpu.memref_slice %arg7[%arg0, %add3A_44, %dma_start3A_55] : memref<2x10112x128xf32, #tpu.memory_space<hbm>> -> memref<1x128x128xf32, #tpu.memory_space<hbm>>
      %dma_start3A_57 = tpu.memref_squeeze %dma_start3A_56 : memref<1x128x128xf32, #tpu.memory_space<hbm>> -> memref<128x128xf32, #tpu.memory_space<hbm>>
      %dma_start3A_58 = arith.constant 0 : i32
      %dma_start3A_59 = tpu.memref_slice %arg7[%arg0, %add3A_44, %dma_start3A_58] : memref<2x10112x128xf32, #tpu.memory_space<hbm>> -> memref<1x128x128xf32, #tpu.memory_space<hbm>>
      %dma_start3A_60 = tpu.memref_squeeze %dma_start3A_59 : memref<1x128x128xf32, #tpu.memory_space<hbm>> -> memref<128x128xf32, #tpu.memory_space<hbm>>
      %dma_start3A_61 = arith.constant 0 : i32
      %dma_start3A_62 = arith.constant 0 : i32
      %dma_start3A_63 = tpu.memref_slice %arg10[%dma_start3A_61, %dma_start3A_62] : memref<128x128xf32, #tpu.memory_space<vmem>> -> memref<128x128xf32, #tpu.memory_space<vmem>>
      tpu.enqueue_dma source(%dma_start3A_63 : memref<128x128xf32, #tpu.memory_space<vmem>>) target(%dma_start3A_60 : memref<128x128xf32, #tpu.memory_space<hbm>>) target_semaphore(%run_scoped3A : memref<!tpu.dma_semaphore, #tpu.memory_space<semaphore_mem>>)
      %dma_wait3A = arith.constant 0 : i32
      %dma_wait3A_64 = arith.constant 0 : i32
      %dma_wait3A_65 = tpu.memref_slice %arg10[%dma_wait3A, %dma_wait3A_64] : memref<128x128xf32, #tpu.memory_space<vmem>> -> memref<128x128xf32, #tpu.memory_space<vmem>>
      %dma_wait3A_66 = arith.constant 0 : i32
      %dma_wait3A_67 = tpu.memref_slice %arg7[%arg0, %add3A_44, %dma_wait3A_66] : memref<2x10112x128xf32, #tpu.memory_space<hbm>> -> memref<1x128x128xf32, #tpu.memory_space<hbm>>
      %dma_wait3A_68 = tpu.memref_squeeze %dma_wait3A_67 : memref<1x128x128xf32, #tpu.memory_space<hbm>> -> memref<128x128xf32, #tpu.memory_space<hbm>>
      %dma_wait3A_69 = arith.constant 0 : i32
      %dma_wait3A_70 = tpu.memref_slice %arg7[%arg0, %add3A_44, %dma_wait3A_69] : memref<2x10112x128xf32, #tpu.memory_space<hbm>> -> memref<1x128x128xf32, #tpu.memory_space<hbm>>
      %dma_wait3A_71 = tpu.memref_squeeze %dma_wait3A_70 : memref<1x128x128xf32, #tpu.memory_space<hbm>> -> memref<128x128xf32, #tpu.memory_space<hbm>>
      %dma_wait3A_72 = arith.constant 0 : i32
      %dma_wait3A_73 = arith.constant 0 : i32
      %dma_wait3A_74 = tpu.memref_slice %arg10[%dma_wait3A_72, %dma_wait3A_73] : memref<128x128xf32, #tpu.memory_space<vmem>> -> memref<128x128xf32, #tpu.memory_space<vmem>>
      tpu.wait_dma2 semaphore(%run_scoped3A : memref<!tpu.dma_semaphore, #tpu.memory_space<semaphore_mem>>) src(%dma_wait3A_74 : memref<128x128xf32, #tpu.memory_space<vmem>>) dst(%dma_wait3A_71 : memref<128x128xf32, #tpu.memory_space<hbm>>)
      tpu.yield
    }) : () -> ()
    %mul3A_45 = arith.constant 632 : i32
    %mul3A_46 = arith.muli %arg1, %mul3A_45 : i32
    %add3A_47 = arith.constant 384 : i32
    %add3A_48 = arith.addi %mul3A_46, %add3A_47 : i32
    "tpu.region"() ({
      %run_scoped3A = tpu.sem_alloc : memref<!tpu.dma_semaphore, #tpu.memory_space<semaphore_mem>>
      %dma_start3A = arith.constant 0 : i32
      %dma_start3A_53 = arith.constant 0 : i32
      %dma_start3A_54 = tpu.memref_slice %arg10[%dma_start3A, %dma_start3A_53] : memref<128x128xf32, #tpu.memory_space<vmem>> -> memref<128x128xf32, #tpu.memory_space<vmem>>
      %dma_start3A_55 = arith.constant 0 : i32
      %dma_start3A_56 = tpu.memref_slice %arg12[%add3A_48, %dma_start3A_55] : memref<10112x128xf32, #tpu.memory_space<vmem_shared>> -> memref<128x128xf32, #tpu.memory_space<vmem_shared>>
      %dma_start3A_57 = arith.constant 0 : i32
      %dma_start3A_58 = arith.constant 0 : i32
      %dma_start3A_59 = tpu.memref_slice %arg10[%dma_start3A_57, %dma_start3A_58] : memref<128x128xf32, #tpu.memory_space<vmem>> -> memref<128x128xf32, #tpu.memory_space<vmem>>
      %dma_start3A_60 = arith.constant 0 : i32
      %dma_start3A_61 = tpu.memref_slice %arg12[%add3A_48, %dma_start3A_60] : memref<10112x128xf32, #tpu.memory_space<vmem_shared>> -> memref<128x128xf32, #tpu.memory_space<vmem_shared>>
      tpu.enqueue_dma source(%dma_start3A_61 : memref<128x128xf32, #tpu.memory_space<vmem_shared>>) target(%dma_start3A_59 : memref<128x128xf32, #tpu.memory_space<vmem>>) target_semaphore(%run_scoped3A : memref<!tpu.dma_semaphore, #tpu.memory_space<semaphore_mem>>)
      %dma_wait3A = arith.constant 0 : i32
      %dma_wait3A_62 = arith.constant 0 : i32
      %dma_wait3A_63 = tpu.memref_slice %arg10[%dma_wait3A, %dma_wait3A_62] : memref<128x128xf32, #tpu.memory_space<vmem>> -> memref<128x128xf32, #tpu.memory_space<vmem>>
      %dma_wait3A_64 = arith.constant 0 : i32
      %dma_wait3A_65 = tpu.memref_slice %arg12[%add3A_48, %dma_wait3A_64] : memref<10112x128xf32, #tpu.memory_space<vmem_shared>> -> memref<128x128xf32, #tpu.memory_space<vmem_shared>>
      %dma_wait3A_66 = arith.constant 0 : i32
      %dma_wait3A_67 = arith.constant 0 : i32
      %dma_wait3A_68 = tpu.memref_slice %arg10[%dma_wait3A_66, %dma_wait3A_67] : memref<128x128xf32, #tpu.memory_space<vmem>> -> memref<128x128xf32, #tpu.memory_space<vmem>>
      %dma_wait3A_69 = arith.constant 0 : i32
      %dma_wait3A_70 = tpu.memref_slice %arg12[%add3A_48, %dma_wait3A_69] : memref<10112x128xf32, #tpu.memory_space<vmem_shared>> -> memref<128x128xf32, #tpu.memory_space<vmem_shared>>
      tpu.wait_dma2 semaphore(%run_scoped3A : memref<!tpu.dma_semaphore, #tpu.memory_space<semaphore_mem>>) src(%dma_wait3A_70 : memref<128x128xf32, #tpu.memory_space<vmem_shared>>) dst(%dma_wait3A_68 : memref<128x128xf32, #tpu.memory_space<vmem>>)
      tpu.yield
    }) : () -> ()
    "tpu.region"() ({
      %run_scoped3A = tpu.sem_alloc : memref<!tpu.dma_semaphore, #tpu.memory_space<semaphore_mem>>
      %dma_start3A = arith.constant 0 : i32
      %dma_start3A_53 = arith.constant 0 : i32
      %dma_start3A_54 = tpu.memref_slice %arg10[%dma_start3A, %dma_start3A_53] : memref<128x128xf32, #tpu.memory_space<vmem>> -> memref<128x128xf32, #tpu.memory_space<vmem>>
      %dma_start3A_55 = arith.constant 0 : i32
      %dma_start3A_56 = tpu.memref_slice %arg7[%arg0, %add3A_48, %dma_start3A_55] : memref<2x10112x128xf32, #tpu.memory_space<hbm>> -> memref<1x128x128xf32, #tpu.memory_space<hbm>>
      %dma_start3A_57 = tpu.memref_squeeze %dma_start3A_56 : memref<1x128x128xf32, #tpu.memory_space<hbm>> -> memref<128x128xf32, #tpu.memory_space<hbm>>
      %dma_start3A_58 = arith.constant 0 : i32
      %dma_start3A_59 = tpu.memref_slice %arg7[%arg0, %add3A_48, %dma_start3A_58] : memref<2x10112x128xf32, #tpu.memory_space<hbm>> -> memref<1x128x128xf32, #tpu.memory_space<hbm>>
      %dma_start3A_60 = tpu.memref_squeeze %dma_start3A_59 : memref<1x128x128xf32, #tpu.memory_space<hbm>> -> memref<128x128xf32, #tpu.memory_space<hbm>>
      %dma_start3A_61 = arith.constant 0 : i32
      %dma_start3A_62 = arith.constant 0 : i32
      %dma_start3A_63 = tpu.memref_slice %arg10[%dma_start3A_61, %dma_start3A_62] : memref<128x128xf32, #tpu.memory_space<vmem>> -> memref<128x128xf32, #tpu.memory_space<vmem>>
      tpu.enqueue_dma source(%dma_start3A_63 : memref<128x128xf32, #tpu.memory_space<vmem>>) target(%dma_start3A_60 : memref<128x128xf32, #tpu.memory_space<hbm>>) target_semaphore(%run_scoped3A : memref<!tpu.dma_semaphore, #tpu.memory_space<semaphore_mem>>)
      %dma_wait3A = arith.constant 0 : i32
      %dma_wait3A_64 = arith.constant 0 : i32
      %dma_wait3A_65 = tpu.memref_slice %arg10[%dma_wait3A, %dma_wait3A_64] : memref<128x128xf32, #tpu.memory_space<vmem>> -> memref<128x128xf32, #tpu.memory_space<vmem>>
      %dma_wait3A_66 = arith.constant 0 : i32
      %dma_wait3A_67 = tpu.memref_slice %arg7[%arg0, %add3A_48, %dma_wait3A_66] : memref<2x10112x128xf32, #tpu.memory_space<hbm>> -> memref<1x128x128xf32, #tpu.memory_space<hbm>>
      %dma_wait3A_68 = tpu.memref_squeeze %dma_wait3A_67 : memref<1x128x128xf32, #tpu.memory_space<hbm>> -> memref<128x128xf32, #tpu.memory_space<hbm>>
      %dma_wait3A_69 = arith.constant 0 : i32
      %dma_wait3A_70 = tpu.memref_slice %arg7[%arg0, %add3A_48, %dma_wait3A_69] : memref<2x10112x128xf32, #tpu.memory_space<hbm>> -> memref<1x128x128xf32, #tpu.memory_space<hbm>>
      %dma_wait3A_71 = tpu.memref_squeeze %dma_wait3A_70 : memref<1x128x128xf32, #tpu.memory_space<hbm>> -> memref<128x128xf32, #tpu.memory_space<hbm>>
      %dma_wait3A_72 = arith.constant 0 : i32
      %dma_wait3A_73 = arith.constant 0 : i32
      %dma_wait3A_74 = tpu.memref_slice %arg10[%dma_wait3A_72, %dma_wait3A_73] : memref<128x128xf32, #tpu.memory_space<vmem>> -> memref<128x128xf32, #tpu.memory_space<vmem>>
      tpu.wait_dma2 semaphore(%run_scoped3A : memref<!tpu.dma_semaphore, #tpu.memory_space<semaphore_mem>>) src(%dma_wait3A_74 : memref<128x128xf32, #tpu.memory_space<vmem>>) dst(%dma_wait3A_71 : memref<128x128xf32, #tpu.memory_space<hbm>>)
      tpu.yield
    }) : () -> ()
    %mul3A_49 = arith.constant 632 : i32
    %mul3A_50 = arith.muli %arg1, %mul3A_49 : i32
    %add3A_51 = arith.constant 512 : i32
    %add3A_52 = arith.addi %mul3A_50, %add3A_51 : i32
    "tpu.region"() ({
      %run_scoped3A = tpu.sem_alloc : memref<!tpu.dma_semaphore, #tpu.memory_space<semaphore_mem>>
      %dma_start3A = arith.constant 0 : i32
      %dma_start3A_53 = arith.constant 0 : i32
      %dma_start3A_54 = tpu.memref_slice %arg10[%dma_start3A, %dma_start3A_53] : memref<128x128xf32, #tpu.memory_space<vmem>> -> memref<120x128xf32, #tpu.memory_space<vmem>>
      %dma_start3A_55 = arith.constant 0 : i32
      %dma_start3A_56 = tpu.memref_slice %arg12[%add3A_52, %dma_start3A_55] : memref<10112x128xf32, #tpu.memory_space<vmem_shared>> -> memref<120x128xf32, #tpu.memory_space<vmem_shared>>
      %dma_start3A_57 = arith.constant 0 : i32
      %dma_start3A_58 = arith.constant 0 : i32
      %dma_start3A_59 = tpu.memref_slice %arg10[%dma_start3A_57, %dma_start3A_58] : memref<128x128xf32, #tpu.memory_space<vmem>> -> memref<120x128xf32, #tpu.memory_space<vmem>>
      %dma_start3A_60 = arith.constant 0 : i32
      %dma_start3A_61 = tpu.memref_slice %arg12[%add3A_52, %dma_start3A_60] : memref<10112x128xf32, #tpu.memory_space<vmem_shared>> -> memref<120x128xf32, #tpu.memory_space<vmem_shared>>
      tpu.enqueue_dma source(%dma_start3A_61 : memref<120x128xf32, #tpu.memory_space<vmem_shared>>) target(%dma_start3A_59 : memref<120x128xf32, #tpu.memory_space<vmem>>) target_semaphore(%run_scoped3A : memref<!tpu.dma_semaphore, #tpu.memory_space<semaphore_mem>>)
      %dma_wait3A = arith.constant 0 : i32
      %dma_wait3A_62 = arith.constant 0 : i32
      %dma_wait3A_63 = tpu.memref_slice %arg10[%dma_wait3A, %dma_wait3A_62] : memref<128x128xf32, #tpu.memory_space<vmem>> -> memref<120x128xf32, #tpu.memory_space<vmem>>
      %dma_wait3A_64 = arith.constant 0 : i32
      %dma_wait3A_65 = tpu.memref_slice %arg12[%add3A_52, %dma_wait3A_64] : memref<10112x128xf32, #tpu.memory_space<vmem_shared>> -> memref<120x128xf32, #tpu.memory_space<vmem_shared>>
      %dma_wait3A_66 = arith.constant 0 : i32
      %dma_wait3A_67 = arith.constant 0 : i32
      %dma_wait3A_68 = tpu.memref_slice %arg10[%dma_wait3A_66, %dma_wait3A_67] : memref<128x128xf32, #tpu.memory_space<vmem>> -> memref<120x128xf32, #tpu.memory_space<vmem>>
      %dma_wait3A_69 = arith.constant 0 : i32
      %dma_wait3A_70 = tpu.memref_slice %arg12[%add3A_52, %dma_wait3A_69] : memref<10112x128xf32, #tpu.memory_space<vmem_shared>> -> memref<120x128xf32, #tpu.memory_space<vmem_shared>>
      tpu.wait_dma2 semaphore(%run_scoped3A : memref<!tpu.dma_semaphore, #tpu.memory_space<semaphore_mem>>) src(%dma_wait3A_70 : memref<120x128xf32, #tpu.memory_space<vmem_shared>>) dst(%dma_wait3A_68 : memref<120x128xf32, #tpu.memory_space<vmem>>)
      tpu.yield
    }) : () -> ()
    "tpu.region"() ({
      %run_scoped3A = tpu.sem_alloc : memref<!tpu.dma_semaphore, #tpu.memory_space<semaphore_mem>>
      %dma_start3A = arith.constant 0 : i32
      %dma_start3A_53 = arith.constant 0 : i32
      %dma_start3A_54 = tpu.memref_slice %arg10[%dma_start3A, %dma_start3A_53] : memref<128x128xf32, #tpu.memory_space<vmem>> -> memref<120x128xf32, #tpu.memory_space<vmem>>
      %dma_start3A_55 = arith.constant 0 : i32
      %dma_start3A_56 = tpu.memref_slice %arg7[%arg0, %add3A_52, %dma_start3A_55] : memref<2x10112x128xf32, #tpu.memory_space<hbm>> -> memref<1x120x128xf32, #tpu.memory_space<hbm>>
      %dma_start3A_57 = tpu.memref_squeeze %dma_start3A_56 : memref<1x120x128xf32, #tpu.memory_space<hbm>> -> memref<120x128xf32, #tpu.memory_space<hbm>>
      %dma_start3A_58 = arith.constant 0 : i32
      %dma_start3A_59 = tpu.memref_slice %arg7[%arg0, %add3A_52, %dma_start3A_58] : memref<2x10112x128xf32, #tpu.memory_space<hbm>> -> memref<1x120x128xf32, #tpu.memory_space<hbm>>
      %dma_start3A_60 = tpu.memref_squeeze %dma_start3A_59 : memref<1x120x128xf32, #tpu.memory_space<hbm>> -> memref<120x128xf32, #tpu.memory_space<hbm>>
      %dma_start3A_61 = arith.constant 0 : i32
      %dma_start3A_62 = arith.constant 0 : i32
      %dma_start3A_63 = tpu.memref_slice %arg10[%dma_start3A_61, %dma_start3A_62] : memref<128x128xf32, #tpu.memory_space<vmem>> -> memref<120x128xf32, #tpu.memory_space<vmem>>
      tpu.enqueue_dma source(%dma_start3A_63 : memref<120x128xf32, #tpu.memory_space<vmem>>) target(%dma_start3A_60 : memref<120x128xf32, #tpu.memory_space<hbm>>) target_semaphore(%run_scoped3A : memref<!tpu.dma_semaphore, #tpu.memory_space<semaphore_mem>>)
      %dma_wait3A = arith.constant 0 : i32
      %dma_wait3A_64 = arith.constant 0 : i32
      %dma_wait3A_65 = tpu.memref_slice %arg10[%dma_wait3A, %dma_wait3A_64] : memref<128x128xf32, #tpu.memory_space<vmem>> -> memref<120x128xf32, #tpu.memory_space<vmem>>
      %dma_wait3A_66 = arith.constant 0 : i32
      %dma_wait3A_67 = tpu.memref_slice %arg7[%arg0, %add3A_52, %dma_wait3A_66] : memref<2x10112x128xf32, #tpu.memory_space<hbm>> -> memref<1x120x128xf32, #tpu.memory_space<hbm>>
      %dma_wait3A_68 = tpu.memref_squeeze %dma_wait3A_67 : memref<1x120x128xf32, #tpu.memory_space<hbm>> -> memref<120x128xf32, #tpu.memory_space<hbm>>
      %dma_wait3A_69 = arith.constant 0 : i32
      %dma_wait3A_70 = tpu.memref_slice %arg7[%arg0, %add3A_52, %dma_wait3A_69] : memref<2x10112x128xf32, #tpu.memory_space<hbm>> -> memref<1x120x128xf32, #tpu.memory_space<hbm>>
      %dma_wait3A_71 = tpu.memref_squeeze %dma_wait3A_70 : memref<1x120x128xf32, #tpu.memory_space<hbm>> -> memref<120x128xf32, #tpu.memory_space<hbm>>
      %dma_wait3A_72 = arith.constant 0 : i32
      %dma_wait3A_73 = arith.constant 0 : i32
      %dma_wait3A_74 = tpu.memref_slice %arg10[%dma_wait3A_72, %dma_wait3A_73] : memref<128x128xf32, #tpu.memory_space<vmem>> -> memref<120x128xf32, #tpu.memory_space<vmem>>
      tpu.wait_dma2 semaphore(%run_scoped3A : memref<!tpu.dma_semaphore, #tpu.memory_space<semaphore_mem>>) src(%dma_wait3A_74 : memref<120x128xf32, #tpu.memory_space<vmem>>) dst(%dma_wait3A_71 : memref<120x128xf32, #tpu.memory_space<hbm>>)
      tpu.yield
    }) : () -> ()
    return
  }
}

#map = affine_map<(d0, d1) -> (0, 0)>
#map1 = affine_map<(d0, d1) -> (0, 0, 0)>
module attributes {stable_mosaic.version = 14 : i64} {
  func.func @spmm_kernel(%arg0: i32, %arg1: i32, %arg2: memref<10000x128xf32, #tpu.memory_space<hbm>>, %arg3: memref<16x288x128xi32, #tpu.memory_space<hbm>>, %arg4: memref<16x288x128xi32, #tpu.memory_space<hbm>>, %arg5: memref<16x32x128xi32, #tpu.memory_space<hbm>>, %arg6: memref<16x32x128xi32, #tpu.memory_space<hbm>>, %arg7: memref<2x10112x128xf32, #tpu.memory_space<hbm>>, %arg8: memref<32x128xi32, #tpu.memory_space<vmem>>, %arg9: memref<32x128xi32, #tpu.memory_space<vmem>>, %arg10: memref<128x128xf32, #tpu.memory_space<vmem>>, %arg11: memref<128x128xf32, #tpu.memory_space<vmem>>, %arg12: memref<10112x128xf32, #tpu.memory_space<vmem_shared>>, %arg13: memref<!tpu.dma_semaphore, #tpu.memory_space<semaphore_mem>>, %arg14: memref<!tpu.dma_semaphore, #tpu.memory_space<semaphore_mem>>) attributes {dimension_semantics = [#tpu.dimension_semantics<core_parallel>, #tpu.dimension_semantics<subcore_parallel>], iteration_bounds = array<i64: 2, 16>, scalar_prefetch = 0 : i64, scratch_operands = 7 : i64, tpu.core_type = #tpu.core_type<sc_vector_subcore>, window_params = [{transform_indices = #map}, {transform_indices = #map1}, {transform_indices = #map1}, {transform_indices = #map1}, {transform_indices = #map1}, {transform_indices = #map1}]} {
    %broadcast_in_dim3A = arith.constant 0.000000e+00 : f32
    %broadcast_in_dim3A_0 = vector.broadcast %broadcast_in_dim3A : f32 to vector<16xf32>
    %scan3A = arith.constant 0 : i32
    %scan3A_1 = arith.constant 0 : i32
    %scan3A_2 = arith.constant 1024 : i32
    %scan3A_3 = arith.addi %scan3A_1, %scan3A_2 : i32
    %scan3A_4 = arith.constant 1 : i32
    %scan3A_5 = scf.for %scan3A_53 = %scan3A_1 to %scan3A_3 step %scan3A_4 iter_args(%scan3A_54 = %scan3A) -> (i32)  : i32 {
      %jit3A = arith.constant 8 : i32
      %div3A = arith.divsi %scan3A_53, %jit3A : i32
      %sign3A = arith.constant 0 : i32
      %sign3A_55 = arith.cmpi sgt, %scan3A_53, %sign3A : i32
      %sign3A_56 = arith.extui %sign3A_55 : i1 to i32
      %sign3A_57 = arith.constant 0 : i32
      %sign3A_58 = arith.cmpi slt, %scan3A_53, %sign3A_57 : i32
      %sign3A_59 = arith.extui %sign3A_58 : i1 to i32
      %sign3A_60 = arith.subi %sign3A_56, %sign3A_59 : i32
      %sign3A_61 = arith.constant 0 : i32
      %sign3A_62 = arith.cmpi sgt, %jit3A, %sign3A_61 : i32
      %sign3A_63 = arith.extui %sign3A_62 : i1 to i32
      %sign3A_64 = arith.constant 0 : i32
      %sign3A_65 = arith.cmpi slt, %jit3A, %sign3A_64 : i32
      %sign3A_66 = arith.extui %sign3A_65 : i1 to i32
      %sign3A_67 = arith.subi %sign3A_63, %sign3A_66 : i32
      %ne3A = arith.cmpi ne, %sign3A_60, %sign3A_67 : i32
      %rem3A = arith.remsi %scan3A_53, %jit3A : i32
      %ne3A_68 = arith.constant 0 : i32
      %ne3A_69 = arith.cmpi ne, %rem3A, %ne3A_68 : i32
      %and3A = arith.andi %ne3A, %ne3A_69 : i1
      %sub3A = arith.constant 1 : i32
      %sub3A_70 = arith.subi %div3A, %sub3A : i32
      %select_n3A = arith.select %and3A, %sub3A_70, %div3A : i32
      %jit3A_71 = arith.constant 8 : i32
      %eq3A_72 = arith.constant 0 : i32
      %eq3A_73 = arith.cmpi eq, %jit3A_71, %eq3A_72 : i32
      %jit3A_74 = arith.constant 1 : i32
      %select_n3A_75 = arith.select %eq3A_73, %jit3A_74, %jit3A_71 : i32
      %rem3A_76 = arith.remsi %scan3A_53, %select_n3A_75 : i32
      %ne3A_77 = arith.constant 0 : i32
      %ne3A_78 = arith.cmpi ne, %rem3A_76, %ne3A_77 : i32
      %lt3A = arith.constant 0 : i32
      %lt3A_79 = arith.cmpi slt, %rem3A_76, %lt3A : i32
      %lt3A_80 = arith.constant 0 : i32
      %lt3A_81 = arith.cmpi slt, %select_n3A_75, %lt3A_80 : i32
      %ne3A_82 = arith.xori %lt3A_79, %lt3A_81 : i1
      %and3A_83 = arith.andi %ne3A_82, %ne3A_78 : i1
      %add3A_84 = arith.addi %rem3A_76, %select_n3A_75 : i32
      %select_n3A_85 = arith.select %and3A_83, %add3A_84, %rem3A_76 : i32
      %mul3A_86 = arith.constant 16 : i32
      %mul3A_87 = arith.muli %select_n3A_85, %mul3A_86 : i32
      %swap3A = arith.index_cast %select_n3A : i32 to index
      %swap3A_88 = arith.index_cast %mul3A_87 : i32 to index
      %swap3A_89 = tpu.vector_load %arg10[%swap3A, %swap3A_88] {strides = array<i32>} : memref<128x128xf32, #tpu.memory_space<vmem>>, vector<1x16xf32>,
      %swap3A_90 = vector.shape_cast %swap3A_89 : vector<1x16xf32> to vector<16xf32>
      %swap3A_91 = vector.shape_cast %broadcast_in_dim3A_0 : vector<16xf32> to vector<1x16xf32>
      tpu.vector_store %arg10[%swap3A, %swap3A_88], %swap3A_91 {strides = array<i32>} : memref<128x128xf32, #tpu.memory_space<vmem>>, vector<1x16xf32>,
      %scan3A_92 = arith.constant 0 : i32
      scf.yield %scan3A_92 : i32
    }
    %scan3A_6 = arith.constant 1024 : i32
    %mul3A = arith.constant 632 : i32
    %mul3A_7 = arith.muli %arg1, %mul3A : i32
    %add3A = arith.constant 0 : i32
    %add3A_8 = arith.addi %mul3A_7, %add3A : i32
    "tpu.region"() ({
      %run_scoped3A = tpu.sem_alloc : memref<!tpu.dma_semaphore, #tpu.memory_space<semaphore_mem>>
      %dma_start3A = arith.constant 0 : i32
      %dma_start3A_53 = tpu.memref_slice %arg12[%add3A_8, %dma_start3A] : memref<10112x128xf32, #tpu.memory_space<vmem_shared>> -> memref<128x128xf32, #tpu.memory_space<vmem_shared>>
      %dma_start3A_54 = arith.constant 0 : i32
      %dma_start3A_55 = tpu.memref_slice %arg12[%add3A_8, %dma_start3A_54] : memref<10112x128xf32, #tpu.memory_space<vmem_shared>> -> memref<128x128xf32, #tpu.memory_space<vmem_shared>>
      tpu.enqueue_dma source(%arg10 : memref<128x128xf32, #tpu.memory_space<vmem>>) target(%dma_start3A_55 : memref<128x128xf32, #tpu.memory_space<vmem_shared>>) target_semaphore(%run_scoped3A : memref<!tpu.dma_semaphore, #tpu.memory_space<semaphore_mem>>)
      %dma_wait3A = arith.constant 0 : i32
      %dma_wait3A_56 = tpu.memref_slice %arg12[%add3A_8, %dma_wait3A] : memref<10112x128xf32, #tpu.memory_space<vmem_shared>> -> memref<128x128xf32, #tpu.memory_space<vmem_shared>>
      %dma_wait3A_57 = arith.constant 0 : i32
      %dma_wait3A_58 = tpu.memref_slice %arg12[%add3A_8, %dma_wait3A_57] : memref<10112x128xf32, #tpu.memory_space<vmem_shared>> -> memref<128x128xf32, #tpu.memory_space<vmem_shared>>
      tpu.wait_dma2 semaphore(%run_scoped3A : memref<!tpu.dma_semaphore, #tpu.memory_space<semaphore_mem>>) src(%arg10 : memref<128x128xf32, #tpu.memory_space<vmem>>) dst(%dma_wait3A_58 : memref<128x128xf32, #tpu.memory_space<vmem_shared>>)
      tpu.yield
    }) : () -> ()
    %mul3A_9 = arith.constant 632 : i32
    %mul3A_10 = arith.muli %arg1, %mul3A_9 : i32
    %add3A_11 = arith.constant 128 : i32
    %add3A_12 = arith.addi %mul3A_10, %add3A_11 : i32
    "tpu.region"() ({
      %run_scoped3A = tpu.sem_alloc : memref<!tpu.dma_semaphore, #tpu.memory_space<semaphore_mem>>
      %dma_start3A = arith.constant 0 : i32
      %dma_start3A_53 = tpu.memref_slice %arg12[%add3A_12, %dma_start3A] : memref<10112x128xf32, #tpu.memory_space<vmem_shared>> -> memref<128x128xf32, #tpu.memory_space<vmem_shared>>
      %dma_start3A_54 = arith.constant 0 : i32
      %dma_start3A_55 = tpu.memref_slice %arg12[%add3A_12, %dma_start3A_54] : memref<10112x128xf32, #tpu.memory_space<vmem_shared>> -> memref<128x128xf32, #tpu.memory_space<vmem_shared>>
      tpu.enqueue_dma source(%arg10 : memref<128x128xf32, #tpu.memory_space<vmem>>) target(%dma_start3A_55 : memref<128x128xf32, #tpu.memory_space<vmem_shared>>) target_semaphore(%run_scoped3A : memref<!tpu.dma_semaphore, #tpu.memory_space<semaphore_mem>>)
      %dma_wait3A = arith.constant 0 : i32
      %dma_wait3A_56 = tpu.memref_slice %arg12[%add3A_12, %dma_wait3A] : memref<10112x128xf32, #tpu.memory_space<vmem_shared>> -> memref<128x128xf32, #tpu.memory_space<vmem_shared>>
      %dma_wait3A_57 = arith.constant 0 : i32
      %dma_wait3A_58 = tpu.memref_slice %arg12[%add3A_12, %dma_wait3A_57] : memref<10112x128xf32, #tpu.memory_space<vmem_shared>> -> memref<128x128xf32, #tpu.memory_space<vmem_shared>>
      tpu.wait_dma2 semaphore(%run_scoped3A : memref<!tpu.dma_semaphore, #tpu.memory_space<semaphore_mem>>) src(%arg10 : memref<128x128xf32, #tpu.memory_space<vmem>>) dst(%dma_wait3A_58 : memref<128x128xf32, #tpu.memory_space<vmem_shared>>)
      tpu.yield
    }) : () -> ()
    %mul3A_13 = arith.constant 632 : i32
    %mul3A_14 = arith.muli %arg1, %mul3A_13 : i32
    %add3A_15 = arith.constant 256 : i32
    %add3A_16 = arith.addi %mul3A_14, %add3A_15 : i32
    "tpu.region"() ({
      %run_scoped3A = tpu.sem_alloc : memref<!tpu.dma_semaphore, #tpu.memory_space<semaphore_mem>>
      %dma_start3A = arith.constant 0 : i32
      %dma_start3A_53 = tpu.memref_slice %arg12[%add3A_16, %dma_start3A] : memref<10112x128xf32, #tpu.memory_space<vmem_shared>> -> memref<128x128xf32, #tpu.memory_space<vmem_shared>>
      %dma_start3A_54 = arith.constant 0 : i32
      %dma_start3A_55 = tpu.memref_slice %arg12[%add3A_16, %dma_start3A_54] : memref<10112x128xf32, #tpu.memory_space<vmem_shared>> -> memref<128x128xf32, #tpu.memory_space<vmem_shared>>
      tpu.enqueue_dma source(%arg10 : memref<128x128xf32, #tpu.memory_space<vmem>>) target(%dma_start3A_55 : memref<128x128xf32, #tpu.memory_space<vmem_shared>>) target_semaphore(%run_scoped3A : memref<!tpu.dma_semaphore, #tpu.memory_space<semaphore_mem>>)
      %dma_wait3A = arith.constant 0 : i32
      %dma_wait3A_56 = tpu.memref_slice %arg12[%add3A_16, %dma_wait3A] : memref<10112x128xf32, #tpu.memory_space<vmem_shared>> -> memref<128x128xf32, #tpu.memory_space<vmem_shared>>
      %dma_wait3A_57 = arith.constant 0 : i32
      %dma_wait3A_58 = tpu.memref_slice %arg12[%add3A_16, %dma_wait3A_57] : memref<10112x128xf32, #tpu.memory_space<vmem_shared>> -> memref<128x128xf32, #tpu.memory_space<vmem_shared>>
      tpu.wait_dma2 semaphore(%run_scoped3A : memref<!tpu.dma_semaphore, #tpu.memory_space<semaphore_mem>>) src(%arg10 : memref<128x128xf32, #tpu.memory_space<vmem>>) dst(%dma_wait3A_58 : memref<128x128xf32, #tpu.memory_space<vmem_shared>>)
      tpu.yield
    }) : () -> ()
    %mul3A_17 = arith.constant 632 : i32
    %mul3A_18 = arith.muli %arg1, %mul3A_17 : i32
    %add3A_19 = arith.constant 384 : i32
    %add3A_20 = arith.addi %mul3A_18, %add3A_19 : i32
    "tpu.region"() ({
      %run_scoped3A = tpu.sem_alloc : memref<!tpu.dma_semaphore, #tpu.memory_space<semaphore_mem>>
      %dma_start3A = arith.constant 0 : i32
      %dma_start3A_53 = tpu.memref_slice %arg12[%add3A_20, %dma_start3A] : memref<10112x128xf32, #tpu.memory_space<vmem_shared>> -> memref<128x128xf32, #tpu.memory_space<vmem_shared>>
      %dma_start3A_54 = arith.constant 0 : i32
      %dma_start3A_55 = tpu.memref_slice %arg12[%add3A_20, %dma_start3A_54] : memref<10112x128xf32, #tpu.memory_space<vmem_shared>> -> memref<128x128xf32, #tpu.memory_space<vmem_shared>>
      tpu.enqueue_dma source(%arg10 : memref<128x128xf32, #tpu.memory_space<vmem>>) target(%dma_start3A_55 : memref<128x128xf32, #tpu.memory_space<vmem_shared>>) target_semaphore(%run_scoped3A : memref<!tpu.dma_semaphore, #tpu.memory_space<semaphore_mem>>)
      %dma_wait3A = arith.constant 0 : i32
      %dma_wait3A_56 = tpu.memref_slice %arg12[%add3A_20, %dma_wait3A] : memref<10112x128xf32, #tpu.memory_space<vmem_shared>> -> memref<128x128xf32, #tpu.memory_space<vmem_shared>>
      %dma_wait3A_57 = arith.constant 0 : i32
      %dma_wait3A_58 = tpu.memref_slice %arg12[%add3A_20, %dma_wait3A_57] : memref<10112x128xf32, #tpu.memory_space<vmem_shared>> -> memref<128x128xf32, #tpu.memory_space<vmem_shared>>
      tpu.wait_dma2 semaphore(%run_scoped3A : memref<!tpu.dma_semaphore, #tpu.memory_space<semaphore_mem>>) src(%arg10 : memref<128x128xf32, #tpu.memory_space<vmem>>) dst(%dma_wait3A_58 : memref<128x128xf32, #tpu.memory_space<vmem_shared>>)
      tpu.yield
    }) : () -> ()
    %mul3A_21 = arith.constant 632 : i32
    %mul3A_22 = arith.muli %arg1, %mul3A_21 : i32
    %add3A_23 = arith.constant 512 : i32
    %add3A_24 = arith.addi %mul3A_22, %add3A_23 : i32
    "tpu.region"() ({
      %run_scoped3A = tpu.sem_alloc : memref<!tpu.dma_semaphore, #tpu.memory_space<semaphore_mem>>
      %dma_start3A = arith.constant 0 : i32
      %dma_start3A_53 = arith.constant 0 : i32
      %dma_start3A_54 = tpu.memref_slice %arg10[%dma_start3A, %dma_start3A_53] : memref<128x128xf32, #tpu.memory_space<vmem>> -> memref<120x128xf32, #tpu.memory_space<vmem>>
      %dma_start3A_55 = arith.constant 0 : i32
      %dma_start3A_56 = tpu.memref_slice %arg12[%add3A_24, %dma_start3A_55] : memref<10112x128xf32, #tpu.memory_space<vmem_shared>> -> memref<120x128xf32, #tpu.memory_space<vmem_shared>>
      %dma_start3A_57 = arith.constant 0 : i32
      %dma_start3A_58 = tpu.memref_slice %arg12[%add3A_24, %dma_start3A_57] : memref<10112x128xf32, #tpu.memory_space<vmem_shared>> -> memref<120x128xf32, #tpu.memory_space<vmem_shared>>
      %dma_start3A_59 = arith.constant 0 : i32
      %dma_start3A_60 = arith.constant 0 : i32
      %dma_start3A_61 = tpu.memref_slice %arg10[%dma_start3A_59, %dma_start3A_60] : memref<128x128xf32, #tpu.memory_space<vmem>> -> memref<120x128xf32, #tpu.memory_space<vmem>>
      tpu.enqueue_dma source(%dma_start3A_61 : memref<120x128xf32, #tpu.memory_space<vmem>>) target(%dma_start3A_58 : memref<120x128xf32, #tpu.memory_space<vmem_shared>>) target_semaphore(%run_scoped3A : memref<!tpu.dma_semaphore, #tpu.memory_space<semaphore_mem>>)
      %dma_wait3A = arith.constant 0 : i32
      %dma_wait3A_62 = arith.constant 0 : i32
      %dma_wait3A_63 = tpu.memref_slice %arg10[%dma_wait3A, %dma_wait3A_62] : memref<128x128xf32, #tpu.memory_space<vmem>> -> memref<120x128xf32, #tpu.memory_space<vmem>>
      %dma_wait3A_64 = arith.constant 0 : i32
      %dma_wait3A_65 = tpu.memref_slice %arg12[%add3A_24, %dma_wait3A_64] : memref<10112x128xf32, #tpu.memory_space<vmem_shared>> -> memref<120x128xf32, #tpu.memory_space<vmem_shared>>
      %dma_wait3A_66 = arith.constant 0 : i32
      %dma_wait3A_67 = tpu.memref_slice %arg12[%add3A_24, %dma_wait3A_66] : memref<10112x128xf32, #tpu.memory_space<vmem_shared>> -> memref<120x128xf32, #tpu.memory_space<vmem_shared>>
      %dma_wait3A_68 = arith.constant 0 : i32
      %dma_wait3A_69 = arith.constant 0 : i32
      %dma_wait3A_70 = tpu.memref_slice %arg10[%dma_wait3A_68, %dma_wait3A_69] : memref<128x128xf32, #tpu.memory_space<vmem>> -> memref<120x128xf32, #tpu.memory_space<vmem>>
      tpu.wait_dma2 semaphore(%run_scoped3A : memref<!tpu.dma_semaphore, #tpu.memory_space<semaphore_mem>>) src(%dma_wait3A_70 : memref<120x128xf32, #tpu.memory_space<vmem>>) dst(%dma_wait3A_67 : memref<120x128xf32, #tpu.memory_space<vmem_shared>>)
      tpu.yield
    }) : () -> ()
    %barrier3A = arith.constant 0 : index
    tpu.barrier barrier_id(%barrier3A)
    %eq3A = arith.constant 0 : i32
    %eq3A_25 = arith.cmpi eq, %arg0, %eq3A : i32
    %convert_element_type3A = arith.extui %eq3A_25 : i1 to i32
    %cond3A = arith.constant 0 : i32
    %cond3A_26 = arith.cmpi ne, %convert_element_type3A, %cond3A : i32
    scf.if %cond3A_26 {
      %scan3A_53 = arith.constant 0 : i32
      %scan3A_54 = arith.constant 0 : i32
      %scan3A_55 = arith.constant 9 : i32
      %scan3A_56 = arith.addi %scan3A_54, %scan3A_55 : i32
      %scan3A_57 = arith.constant 1 : i32
      %scan3A_58 = scf.for %scan3A_60 = %scan3A_54 to %scan3A_56 step %scan3A_57 iter_args(%scan3A_61 = %scan3A_53) -> (i32)  : i32 {
        %mul3A_62 = arith.constant 32 : i32
        %mul3A_63 = arith.muli %scan3A_60, %mul3A_62 : i32
        "tpu.region"() ({
          %run_scoped3A_101 = tpu.sem_alloc : memref<!tpu.dma_semaphore, #tpu.memory_space<semaphore_mem>>
          %dma_start3A_102 = arith.constant 0 : i32
          %dma_start3A_103 = tpu.memref_slice %arg3[%arg1, %mul3A_63, %dma_start3A_102] : memref<16x288x128xi32, #tpu.memory_space<hbm>> -> memref<1x32x128xi32, #tpu.memory_space<hbm>>
          %dma_start3A_104 = tpu.memref_squeeze %dma_start3A_103 : memref<1x32x128xi32, #tpu.memory_space<hbm>> -> memref<32x128xi32, #tpu.memory_space<hbm>>
          %dma_start3A_105 = arith.constant 0 : i32
          %dma_start3A_106 = tpu.memref_slice %arg3[%arg1, %mul3A_63, %dma_start3A_105] : memref<16x288x128xi32, #tpu.memory_space<hbm>> -> memref<1x32x128xi32, #tpu.memory_space<hbm>>
          %dma_start3A_107 = tpu.memref_squeeze %dma_start3A_106 : memref<1x32x128xi32, #tpu.memory_space<hbm>> -> memref<32x128xi32, #tpu.memory_space<hbm>>
          tpu.enqueue_dma source(%dma_start3A_107 : memref<32x128xi32, #tpu.memory_space<hbm>>) target(%arg8 : memref<32x128xi32, #tpu.memory_space<vmem>>) target_semaphore(%run_scoped3A_101 : memref<!tpu.dma_semaphore, #tpu.memory_space<semaphore_mem>>)
          %dma_wait3A_108 = arith.constant 0 : i32
          %dma_wait3A_109 = tpu.memref_slice %arg3[%arg1, %mul3A_63, %dma_wait3A_108] : memref<16x288x128xi32, #tpu.memory_space<hbm>> -> memref<1x32x128xi32, #tpu.memory_space<hbm>>
          %dma_wait3A_110 = tpu.memref_squeeze %dma_wait3A_109 : memref<1x32x128xi32, #tpu.memory_space<hbm>> -> memref<32x128xi32, #tpu.memory_space<hbm>>
          %dma_wait3A_111 = arith.constant 0 : i32
          %dma_wait3A_112 = tpu.memref_slice %arg3[%arg1, %mul3A_63, %dma_wait3A_111] : memref<16x288x128xi32, #tpu.memory_space<hbm>> -> memref<1x32x128xi32, #tpu.memory_space<hbm>>
          %dma_wait3A_113 = tpu.memref_squeeze %dma_wait3A_112 : memref<1x32x128xi32, #tpu.memory_space<hbm>> -> memref<32x128xi32, #tpu.memory_space<hbm>>
          tpu.wait_dma2 semaphore(%run_scoped3A_101 : memref<!tpu.dma_semaphore, #tpu.memory_space<semaphore_mem>>) src(%dma_wait3A_113 : memref<32x128xi32, #tpu.memory_space<hbm>>) dst(%arg8 : memref<32x128xi32, #tpu.memory_space<vmem>>)
          tpu.yield
        }) : () -> ()
        %mul3A_64 = arith.constant 32 : i32
        %mul3A_65 = arith.muli %scan3A_60, %mul3A_64 : i32
        "tpu.region"() ({
          %run_scoped3A_101 = tpu.sem_alloc : memref<!tpu.dma_semaphore, #tpu.memory_space<semaphore_mem>>
          %dma_start3A_102 = arith.constant 0 : i32
          %dma_start3A_103 = tpu.memref_slice %arg4[%arg1, %mul3A_65, %dma_start3A_102] : memref<16x288x128xi32, #tpu.memory_space<hbm>> -> memref<1x32x128xi32, #tpu.memory_space<hbm>>
          %dma_start3A_104 = tpu.memref_squeeze %dma_start3A_103 : memref<1x32x128xi32, #tpu.memory_space<hbm>> -> memref<32x128xi32, #tpu.memory_space<hbm>>
          %dma_start3A_105 = arith.constant 0 : i32
          %dma_start3A_106 = tpu.memref_slice %arg4[%arg1, %mul3A_65, %dma_start3A_105] : memref<16x288x128xi32, #tpu.memory_space<hbm>> -> memref<1x32x128xi32, #tpu.memory_space<hbm>>
          %dma_start3A_107 = tpu.memref_squeeze %dma_start3A_106 : memref<1x32x128xi32, #tpu.memory_space<hbm>> -> memref<32x128xi32, #tpu.memory_space<hbm>>
          tpu.enqueue_dma source(%dma_start3A_107 : memref<32x128xi32, #tpu.memory_space<hbm>>) target(%arg9 : memref<32x128xi32, #tpu.memory_space<vmem>>) target_semaphore(%run_scoped3A_101 : memref<!tpu.dma_semaphore, #tpu.memory_space<semaphore_mem>>)
          %dma_wait3A_108 = arith.constant 0 : i32
          %dma_wait3A_109 = tpu.memref_slice %arg4[%arg1, %mul3A_65, %dma_wait3A_108] : memref<16x288x128xi32, #tpu.memory_space<hbm>> -> memref<1x32x128xi32, #tpu.memory_space<hbm>>
          %dma_wait3A_110 = tpu.memref_squeeze %dma_wait3A_109 : memref<1x32x128xi32, #tpu.memory_space<hbm>> -> memref<32x128xi32, #tpu.memory_space<hbm>>
          %dma_wait3A_111 = arith.constant 0 : i32
          %dma_wait3A_112 = tpu.memref_slice %arg4[%arg1, %mul3A_65, %dma_wait3A_111] : memref<16x288x128xi32, #tpu.memory_space<hbm>> -> memref<1x32x128xi32, #tpu.memory_space<hbm>>
          %dma_wait3A_113 = tpu.memref_squeeze %dma_wait3A_112 : memref<1x32x128xi32, #tpu.memory_space<hbm>> -> memref<32x128xi32, #tpu.memory_space<hbm>>
          tpu.wait_dma2 semaphore(%run_scoped3A_101 : memref<!tpu.dma_semaphore, #tpu.memory_space<semaphore_mem>>) src(%dma_wait3A_113 : memref<32x128xi32, #tpu.memory_space<hbm>>) dst(%arg9 : memref<32x128xi32, #tpu.memory_space<vmem>>)
          tpu.yield
        }) : () -> ()
        %dma_start3A = arith.constant 0 : i32
        %dma_start3A_66 = arith.constant 0 : i32
        %dma_start3A_67 = tpu.memref_slice %arg8[%dma_start3A, %dma_start3A_66] : memref<32x128xi32, #tpu.memory_space<vmem>> -> memref<1x128xi32, #tpu.memory_space<vmem>>
        %dma_start3A_68 = tpu.memref_squeeze %dma_start3A_67 : memref<1x128xi32, #tpu.memory_space<vmem>> -> memref<128xi32, #tpu.memory_space<vmem>>
        %dma_start3A_69 = arith.constant 0 : i32
        %dma_start3A_70 = arith.constant 0 : i32
        %dma_start3A_71 = tpu.memref_slice %arg2[%dma_start3A_69, %dma_start3A_70] : memref<10000x128xf32, #tpu.memory_space<hbm>> -> memref<10000x128xf32, #tpu.memory_space<hbm>>
        tpu.enqueue_indirect_dma source(%dma_start3A_71 : memref<10000x128xf32, #tpu.memory_space<hbm>>) target(%arg10 : memref<128x128xf32, #tpu.memory_space<vmem>>) offsets(%dma_start3A_68 : memref<128xi32, #tpu.memory_space<vmem>>) semaphore(%arg13 : memref<!tpu.dma_semaphore, #tpu.memory_space<semaphore_mem>>)
        %scan3A_72 = arith.constant 0 : i32
        %scan3A_73 = arith.constant 0 : i32
        %scan3A_74 = arith.constant 15 : i32
        %scan3A_75 = arith.addi %scan3A_73, %scan3A_74 : i32
        %scan3A_76 = arith.constant 1 : i32
        %scan3A_77 = scf.for %scan3A_101 = %scan3A_73 to %scan3A_75 step %scan3A_76 iter_args(%scan3A_102 = %scan3A_72) -> (i32)  : i32 {
          %mul3A_103 = arith.constant 2 : i32
          %mul3A_104 = arith.muli %mul3A_103, %scan3A_101 : i32
          %add3A_105 = arith.constant 1 : i32
          %add3A_106 = arith.addi %mul3A_104, %add3A_105 : i32
          %dma_start3A_107 = arith.constant 0 : i32
          %dma_start3A_108 = tpu.memref_slice %arg8[%add3A_106, %dma_start3A_107] : memref<32x128xi32, #tpu.memory_space<vmem>> -> memref<1x128xi32, #tpu.memory_space<vmem>>
          %dma_start3A_109 = tpu.memref_squeeze %dma_start3A_108 : memref<1x128xi32, #tpu.memory_space<vmem>> -> memref<128xi32, #tpu.memory_space<vmem>>
          %dma_start3A_110 = arith.constant 0 : i32
          %dma_start3A_111 = arith.constant 0 : i32
          %dma_start3A_112 = tpu.memref_slice %arg2[%dma_start3A_110, %dma_start3A_111] : memref<10000x128xf32, #tpu.memory_space<hbm>> -> memref<10000x128xf32, #tpu.memory_space<hbm>>
          tpu.enqueue_indirect_dma source(%dma_start3A_112 : memref<10000x128xf32, #tpu.memory_space<hbm>>) target(%arg11 : memref<128x128xf32, #tpu.memory_space<vmem>>) offsets(%dma_start3A_109 : memref<128xi32, #tpu.memory_space<vmem>>) semaphore(%arg14 : memref<!tpu.dma_semaphore, #tpu.memory_space<semaphore_mem>>)
          %mul3A_113 = arith.constant 2 : i32
          %mul3A_114 = arith.muli %mul3A_113, %scan3A_101 : i32
          %dma_wait3A_115 = arith.constant 0 : i32
          %dma_wait3A_116 = tpu.memref_slice %arg8[%mul3A_114, %dma_wait3A_115] : memref<32x128xi32, #tpu.memory_space<vmem>> -> memref<1x128xi32, #tpu.memory_space<vmem>>
          %dma_wait3A_117 = tpu.memref_squeeze %dma_wait3A_116 : memref<1x128xi32, #tpu.memory_space<vmem>> -> memref<128xi32, #tpu.memory_space<vmem>>
          %dma_wait3A_118 = arith.constant 0 : i32
          %dma_wait3A_119 = arith.constant 0 : i32
          %dma_wait3A_120 = tpu.memref_slice %arg2[%dma_wait3A_118, %dma_wait3A_119] : memref<10000x128xf32, #tpu.memory_space<hbm>> -> memref<10000x128xf32, #tpu.memory_space<hbm>>
          tpu.wait_indirect_dma semaphore(%arg13 : memref<!tpu.dma_semaphore, #tpu.memory_space<semaphore_mem>>) src(%dma_wait3A_120 : memref<10000x128xf32, #tpu.memory_space<hbm>>) dst(%arg10 : memref<128x128xf32, #tpu.memory_space<vmem>>)
          %mul3A_121 = arith.constant 2 : i32
          %mul3A_122 = arith.muli %mul3A_121, %scan3A_101 : i32
          "tpu.region"() ({
            %run_scoped3A_148 = tpu.sem_alloc : memref<!tpu.dma_semaphore, #tpu.memory_space<semaphore_mem>>
            %dma_start3A_149 = arith.constant 0 : i32
            %dma_start3A_150 = tpu.memref_slice %arg9[%mul3A_122, %dma_start3A_149] : memref<32x128xi32, #tpu.memory_space<vmem>> -> memref<1x128xi32, #tpu.memory_space<vmem>>
            %dma_start3A_151 = tpu.memref_squeeze %dma_start3A_150 : memref<1x128xi32, #tpu.memory_space<vmem>> -> memref<128xi32, #tpu.memory_space<vmem>>
            %dma_start3A_152 = arith.constant 0 : i32
            %dma_start3A_153 = arith.constant 0 : i32
            %dma_start3A_154 = tpu.memref_slice %arg12[%dma_start3A_152, %dma_start3A_153] : memref<10112x128xf32, #tpu.memory_space<vmem_shared>> -> memref<10112x128xf32, #tpu.memory_space<vmem_shared>>
            tpu.enqueue_indirect_dma source(%arg10 : memref<128x128xf32, #tpu.memory_space<vmem>>) target(%dma_start3A_154 : memref<10112x128xf32, #tpu.memory_space<vmem_shared>>) offsets(%dma_start3A_151 : memref<128xi32, #tpu.memory_space<vmem>>) semaphore(%run_scoped3A_148 : memref<!tpu.dma_semaphore, #tpu.memory_space<semaphore_mem>>) {add = true}
            %dma_wait3A_155 = arith.constant 0 : i32
            %dma_wait3A_156 = tpu.memref_slice %arg9[%mul3A_122, %dma_wait3A_155] : memref<32x128xi32, #tpu.memory_space<vmem>> -> memref<1x128xi32, #tpu.memory_space<vmem>>
            %dma_wait3A_157 = tpu.memref_squeeze %dma_wait3A_156 : memref<1x128xi32, #tpu.memory_space<vmem>> -> memref<128xi32, #tpu.memory_space<vmem>>
            %dma_wait3A_158 = arith.constant 0 : i32
            %dma_wait3A_159 = arith.constant 0 : i32
            %dma_wait3A_160 = tpu.memref_slice %arg12[%dma_wait3A_158, %dma_wait3A_159] : memref<10112x128xf32, #tpu.memory_space<vmem_shared>> -> memref<10112x128xf32, #tpu.memory_space<vmem_shared>>
            tpu.wait_indirect_dma semaphore(%run_scoped3A_148 : memref<!tpu.dma_semaphore, #tpu.memory_space<semaphore_mem>>) src(%arg10 : memref<128x128xf32, #tpu.memory_space<vmem>>) dst(%dma_wait3A_160 : memref<10112x128xf32, #tpu.memory_space<vmem_shared>>)
            tpu.yield
          }) : () -> ()
          %mul3A_123 = arith.constant 2 : i32
          %mul3A_124 = arith.muli %mul3A_123, %scan3A_101 : i32
          %add3A_125 = arith.constant 2 : i32
          %add3A_126 = arith.addi %mul3A_124, %add3A_125 : i32
          %dma_start3A_127 = arith.constant 0 : i32
          %dma_start3A_128 = tpu.memref_slice %arg8[%add3A_126, %dma_start3A_127] : memref<32x128xi32, #tpu.memory_space<vmem>> -> memref<1x128xi32, #tpu.memory_space<vmem>>
          %dma_start3A_129 = tpu.memref_squeeze %dma_start3A_128 : memref<1x128xi32, #tpu.memory_space<vmem>> -> memref<128xi32, #tpu.memory_space<vmem>>
          %dma_start3A_130 = arith.constant 0 : i32
          %dma_start3A_131 = arith.constant 0 : i32
          %dma_start3A_132 = tpu.memref_slice %arg2[%dma_start3A_130, %dma_start3A_131] : memref<10000x128xf32, #tpu.memory_space<hbm>> -> memref<10000x128xf32, #tpu.memory_space<hbm>>
          tpu.enqueue_indirect_dma source(%dma_start3A_132 : memref<10000x128xf32, #tpu.memory_space<hbm>>) target(%arg10 : memref<128x128xf32, #tpu.memory_space<vmem>>) offsets(%dma_start3A_129 : memref<128xi32, #tpu.memory_space<vmem>>) semaphore(%arg13 : memref<!tpu.dma_semaphore, #tpu.memory_space<semaphore_mem>>)
          %mul3A_133 = arith.constant 2 : i32
          %mul3A_134 = arith.muli %mul3A_133, %scan3A_101 : i32
          %add3A_135 = arith.constant 1 : i32
          %add3A_136 = arith.addi %mul3A_134, %add3A_135 : i32
          %dma_wait3A_137 = arith.constant 0 : i32
          %dma_wait3A_138 = tpu.memref_slice %arg8[%add3A_136, %dma_wait3A_137] : memref<32x128xi32, #tpu.memory_space<vmem>> -> memref<1x128xi32, #tpu.memory_space<vmem>>
          %dma_wait3A_139 = tpu.memref_squeeze %dma_wait3A_138 : memref<1x128xi32, #tpu.memory_space<vmem>> -> memref<128xi32, #tpu.memory_space<vmem>>
          %dma_wait3A_140 = arith.constant 0 : i32
          %dma_wait3A_141 = arith.constant 0 : i32
          %dma_wait3A_142 = tpu.memref_slice %arg2[%dma_wait3A_140, %dma_wait3A_141] : memref<10000x128xf32, #tpu.memory_space<hbm>> -> memref<10000x128xf32, #tpu.memory_space<hbm>>
          tpu.wait_indirect_dma semaphore(%arg14 : memref<!tpu.dma_semaphore, #tpu.memory_space<semaphore_mem>>) src(%dma_wait3A_142 : memref<10000x128xf32, #tpu.memory_space<hbm>>) dst(%arg11 : memref<128x128xf32, #tpu.memory_space<vmem>>)
          %mul3A_143 = arith.constant 2 : i32
          %mul3A_144 = arith.muli %mul3A_143, %scan3A_101 : i32
          %add3A_145 = arith.constant 1 : i32
          %add3A_146 = arith.addi %mul3A_144, %add3A_145 : i32
          "tpu.region"() ({
            %run_scoped3A_148 = tpu.sem_alloc : memref<!tpu.dma_semaphore, #tpu.memory_space<semaphore_mem>>
            %dma_start3A_149 = arith.constant 0 : i32
            %dma_start3A_150 = tpu.memref_slice %arg9[%add3A_146, %dma_start3A_149] : memref<32x128xi32, #tpu.memory_space<vmem>> -> memref<1x128xi32, #tpu.memory_space<vmem>>
            %dma_start3A_151 = tpu.memref_squeeze %dma_start3A_150 : memref<1x128xi32, #tpu.memory_space<vmem>> -> memref<128xi32, #tpu.memory_space<vmem>>
            %dma_start3A_152 = arith.constant 0 : i32
            %dma_start3A_153 = arith.constant 0 : i32
            %dma_start3A_154 = tpu.memref_slice %arg12[%dma_start3A_152, %dma_start3A_153] : memref<10112x128xf32, #tpu.memory_space<vmem_shared>> -> memref<10112x128xf32, #tpu.memory_space<vmem_shared>>
            tpu.enqueue_indirect_dma source(%arg11 : memref<128x128xf32, #tpu.memory_space<vmem>>) target(%dma_start3A_154 : memref<10112x128xf32, #tpu.memory_space<vmem_shared>>) offsets(%dma_start3A_151 : memref<128xi32, #tpu.memory_space<vmem>>) semaphore(%run_scoped3A_148 : memref<!tpu.dma_semaphore, #tpu.memory_space<semaphore_mem>>) {add = true}
            %dma_wait3A_155 = arith.constant 0 : i32
            %dma_wait3A_156 = tpu.memref_slice %arg9[%add3A_146, %dma_wait3A_155] : memref<32x128xi32, #tpu.memory_space<vmem>> -> memref<1x128xi32, #tpu.memory_space<vmem>>
            %dma_wait3A_157 = tpu.memref_squeeze %dma_wait3A_156 : memref<1x128xi32, #tpu.memory_space<vmem>> -> memref<128xi32, #tpu.memory_space<vmem>>
            %dma_wait3A_158 = arith.constant 0 : i32
            %dma_wait3A_159 = arith.constant 0 : i32
            %dma_wait3A_160 = tpu.memref_slice %arg12[%dma_wait3A_158, %dma_wait3A_159] : memref<10112x128xf32, #tpu.memory_space<vmem_shared>> -> memref<10112x128xf32, #tpu.memory_space<vmem_shared>>
            tpu.wait_indirect_dma semaphore(%run_scoped3A_148 : memref<!tpu.dma_semaphore, #tpu.memory_space<semaphore_mem>>) src(%arg11 : memref<128x128xf32, #tpu.memory_space<vmem>>) dst(%dma_wait3A_160 : memref<10112x128xf32, #tpu.memory_space<vmem_shared>>)
            tpu.yield
          }) : () -> ()
          %scan3A_147 = arith.constant 0 : i32
          scf.yield %scan3A_147 : i32
        }
        %scan3A_78 = arith.constant 15 : i32
        %dma_start3A_79 = arith.constant 31 : i32
        %dma_start3A_80 = arith.constant 0 : i32
        %dma_start3A_81 = tpu.memref_slice %arg8[%dma_start3A_79, %dma_start3A_80] : memref<32x128xi32, #tpu.memory_space<vmem>> -> memref<1x128xi32, #tpu.memory_space<vmem>>
        %dma_start3A_82 = tpu.memref_squeeze %dma_start3A_81 : memref<1x128xi32, #tpu.memory_space<vmem>> -> memref<128xi32, #tpu.memory_space<vmem>>
        %dma_start3A_83 = arith.constant 0 : i32
        %dma_start3A_84 = arith.constant 0 : i32
        %dma_start3A_85 = tpu.memref_slice %arg2[%dma_start3A_83, %dma_start3A_84] : memref<10000x128xf32, #tpu.memory_space<hbm>> -> memref<10000x128xf32, #tpu.memory_space<hbm>>
        tpu.enqueue_indirect_dma source(%dma_start3A_85 : memref<10000x128xf32, #tpu.memory_space<hbm>>) target(%arg11 : memref<128x128xf32, #tpu.memory_space<vmem>>) offsets(%dma_start3A_82 : memref<128xi32, #tpu.memory_space<vmem>>) semaphore(%arg14 : memref<!tpu.dma_semaphore, #tpu.memory_space<semaphore_mem>>)
        %dma_wait3A = arith.constant 30 : i32
        %dma_wait3A_86 = arith.constant 0 : i32
        %dma_wait3A_87 = tpu.memref_slice %arg8[%dma_wait3A, %dma_wait3A_86] : memref<32x128xi32, #tpu.memory_space<vmem>> -> memref<1x128xi32, #tpu.memory_space<vmem>>
        %dma_wait3A_88 = tpu.memref_squeeze %dma_wait3A_87 : memref<1x128xi32, #tpu.memory_space<vmem>> -> memref<128xi32, #tpu.memory_space<vmem>>
        %dma_wait3A_89 = arith.constant 0 : i32
        %dma_wait3A_90 = arith.constant 0 : i32
        %dma_wait3A_91 = tpu.memref_slice %arg2[%dma_wait3A_89, %dma_wait3A_90] : memref<10000x128xf32, #tpu.memory_space<hbm>> -> memref<10000x128xf32, #tpu.memory_space<hbm>>
        tpu.wait_indirect_dma semaphore(%arg13 : memref<!tpu.dma_semaphore, #tpu.memory_space<semaphore_mem>>) src(%dma_wait3A_91 : memref<10000x128xf32, #tpu.memory_space<hbm>>) dst(%arg10 : memref<128x128xf32, #tpu.memory_space<vmem>>)
        %run_scoped3A = arith.constant 30 : i32
        "tpu.region"() ({
          %run_scoped3A_101 = tpu.sem_alloc : memref<!tpu.dma_semaphore, #tpu.memory_space<semaphore_mem>>
          %dma_start3A_102 = arith.constant 0 : i32
          %dma_start3A_103 = tpu.memref_slice %arg9[%run_scoped3A, %dma_start3A_102] : memref<32x128xi32, #tpu.memory_space<vmem>> -> memref<1x128xi32, #tpu.memory_space<vmem>>
          %dma_start3A_104 = tpu.memref_squeeze %dma_start3A_103 : memref<1x128xi32, #tpu.memory_space<vmem>> -> memref<128xi32, #tpu.memory_space<vmem>>
          %dma_start3A_105 = arith.constant 0 : i32
          %dma_start3A_106 = arith.constant 0 : i32
          %dma_start3A_107 = tpu.memref_slice %arg12[%dma_start3A_105, %dma_start3A_106] : memref<10112x128xf32, #tpu.memory_space<vmem_shared>> -> memref<10112x128xf32, #tpu.memory_space<vmem_shared>>
          tpu.enqueue_indirect_dma source(%arg10 : memref<128x128xf32, #tpu.memory_space<vmem>>) target(%dma_start3A_107 : memref<10112x128xf32, #tpu.memory_space<vmem_shared>>) offsets(%dma_start3A_104 : memref<128xi32, #tpu.memory_space<vmem>>) semaphore(%run_scoped3A_101 : memref<!tpu.dma_semaphore, #tpu.memory_space<semaphore_mem>>) {add = true}
          %dma_wait3A_108 = arith.constant 0 : i32
          %dma_wait3A_109 = tpu.memref_slice %arg9[%run_scoped3A, %dma_wait3A_108] : memref<32x128xi32, #tpu.memory_space<vmem>> -> memref<1x128xi32, #tpu.memory_space<vmem>>
          %dma_wait3A_110 = tpu.memref_squeeze %dma_wait3A_109 : memref<1x128xi32, #tpu.memory_space<vmem>> -> memref<128xi32, #tpu.memory_space<vmem>>
          %dma_wait3A_111 = arith.constant 0 : i32
          %dma_wait3A_112 = arith.constant 0 : i32
          %dma_wait3A_113 = tpu.memref_slice %arg12[%dma_wait3A_111, %dma_wait3A_112] : memref<10112x128xf32, #tpu.memory_space<vmem_shared>> -> memref<10112x128xf32, #tpu.memory_space<vmem_shared>>
          tpu.wait_indirect_dma semaphore(%run_scoped3A_101 : memref<!tpu.dma_semaphore, #tpu.memory_space<semaphore_mem>>) src(%arg10 : memref<128x128xf32, #tpu.memory_space<vmem>>) dst(%dma_wait3A_113 : memref<10112x128xf32, #tpu.memory_space<vmem_shared>>)
          tpu.yield
        }) : () -> ()
        %dma_wait3A_92 = arith.constant 31 : i32
        %dma_wait3A_93 = arith.constant 0 : i32
        %dma_wait3A_94 = tpu.memref_slice %arg8[%dma_wait3A_92, %dma_wait3A_93] : memref<32x128xi32, #tpu.memory_space<vmem>> -> memref<1x128xi32, #tpu.memory_space<vmem>>
        %dma_wait3A_95 = tpu.memref_squeeze %dma_wait3A_94 : memref<1x128xi32, #tpu.memory_space<vmem>> -> memref<128xi32, #tpu.memory_space<vmem>>
        %dma_wait3A_96 = arith.constant 0 : i32
        %dma_wait3A_97 = arith.constant 0 : i32
        %dma_wait3A_98 = tpu.memref_slice %arg2[%dma_wait3A_96, %dma_wait3A_97] : memref<10000x128xf32, #tpu.memory_space<hbm>> -> memref<10000x128xf32, #tpu.memory_space<hbm>>
        tpu.wait_indirect_dma semaphore(%arg14 : memref<!tpu.dma_semaphore, #tpu.memory_space<semaphore_mem>>) src(%dma_wait3A_98 : memref<10000x128xf32, #tpu.memory_space<hbm>>) dst(%arg11 : memref<128x128xf32, #tpu.memory_space<vmem>>)
        %run_scoped3A_99 = arith.constant 31 : i32
        "tpu.region"() ({
          %run_scoped3A_101 = tpu.sem_alloc : memref<!tpu.dma_semaphore, #tpu.memory_space<semaphore_mem>>
          %dma_start3A_102 = arith.constant 0 : i32
          %dma_start3A_103 = tpu.memref_slice %arg9[%run_scoped3A_99, %dma_start3A_102] : memref<32x128xi32, #tpu.memory_space<vmem>> -> memref<1x128xi32, #tpu.memory_space<vmem>>
          %dma_start3A_104 = tpu.memref_squeeze %dma_start3A_103 : memref<1x128xi32, #tpu.memory_space<vmem>> -> memref<128xi32, #tpu.memory_space<vmem>>
          %dma_start3A_105 = arith.constant 0 : i32
          %dma_start3A_106 = arith.constant 0 : i32
          %dma_start3A_107 = tpu.memref_slice %arg12[%dma_start3A_105, %dma_start3A_106] : memref<10112x128xf32, #tpu.memory_space<vmem_shared>> -> memref<10112x128xf32, #tpu.memory_space<vmem_shared>>
          tpu.enqueue_indirect_dma source(%arg11 : memref<128x128xf32, #tpu.memory_space<vmem>>) target(%dma_start3A_107 : memref<10112x128xf32, #tpu.memory_space<vmem_shared>>) offsets(%dma_start3A_104 : memref<128xi32, #tpu.memory_space<vmem>>) semaphore(%run_scoped3A_101 : memref<!tpu.dma_semaphore, #tpu.memory_space<semaphore_mem>>) {add = true}
          %dma_wait3A_108 = arith.constant 0 : i32
          %dma_wait3A_109 = tpu.memref_slice %arg9[%run_scoped3A_99, %dma_wait3A_108] : memref<32x128xi32, #tpu.memory_space<vmem>> -> memref<1x128xi32, #tpu.memory_space<vmem>>
          %dma_wait3A_110 = tpu.memref_squeeze %dma_wait3A_109 : memref<1x128xi32, #tpu.memory_space<vmem>> -> memref<128xi32, #tpu.memory_space<vmem>>
          %dma_wait3A_111 = arith.constant 0 : i32
          %dma_wait3A_112 = arith.constant 0 : i32
          %dma_wait3A_113 = tpu.memref_slice %arg12[%dma_wait3A_111, %dma_wait3A_112] : memref<10112x128xf32, #tpu.memory_space<vmem_shared>> -> memref<10112x128xf32, #tpu.memory_space<vmem_shared>>
          tpu.wait_indirect_dma semaphore(%run_scoped3A_101 : memref<!tpu.dma_semaphore, #tpu.memory_space<semaphore_mem>>) src(%arg11 : memref<128x128xf32, #tpu.memory_space<vmem>>) dst(%dma_wait3A_113 : memref<10112x128xf32, #tpu.memory_space<vmem_shared>>)
          tpu.yield
        }) : () -> ()
        %scan3A_100 = arith.constant 0 : i32
        scf.yield %scan3A_100 : i32
      }
      %scan3A_59 = arith.constant 9 : i32
    } else {
    }
    %eq3A_27 = arith.constant 1 : i32
    %eq3A_28 = arith.cmpi eq, %arg0, %eq3A_27 : i32
    %convert_element_type3A_29 = arith.extui %eq3A_28 : i1 to i32
    %cond3A_30 = arith.constant 0 : i32
    %cond3A_31 = arith.cmpi ne, %convert_element_type3A_29, %cond3A_30 : i32
    scf.if %cond3A_31 {
      %scan3A_53 = arith.constant 0 : i32
      %scan3A_54 = arith.constant 0 : i32
      %mul3A_55 = arith.constant 32 : i32
      %mul3A_56 = arith.muli %scan3A_54, %mul3A_55 : i32
      "tpu.region"() ({
        %run_scoped3A_95 = tpu.sem_alloc : memref<!tpu.dma_semaphore, #tpu.memory_space<semaphore_mem>>
        %dma_start3A_96 = arith.constant 0 : i32
        %dma_start3A_97 = tpu.memref_slice %arg5[%arg1, %mul3A_56, %dma_start3A_96] : memref<16x32x128xi32, #tpu.memory_space<hbm>> -> memref<1x32x128xi32, #tpu.memory_space<hbm>>
        %dma_start3A_98 = tpu.memref_squeeze %dma_start3A_97 : memref<1x32x128xi32, #tpu.memory_space<hbm>> -> memref<32x128xi32, #tpu.memory_space<hbm>>
        %dma_start3A_99 = arith.constant 0 : i32
        %dma_start3A_100 = tpu.memref_slice %arg5[%arg1, %mul3A_56, %dma_start3A_99] : memref<16x32x128xi32, #tpu.memory_space<hbm>> -> memref<1x32x128xi32, #tpu.memory_space<hbm>>
        %dma_start3A_101 = tpu.memref_squeeze %dma_start3A_100 : memref<1x32x128xi32, #tpu.memory_space<hbm>> -> memref<32x128xi32, #tpu.memory_space<hbm>>
        tpu.enqueue_dma source(%dma_start3A_101 : memref<32x128xi32, #tpu.memory_space<hbm>>) target(%arg8 : memref<32x128xi32, #tpu.memory_space<vmem>>) target_semaphore(%run_scoped3A_95 : memref<!tpu.dma_semaphore, #tpu.memory_space<semaphore_mem>>)
        %dma_wait3A_102 = arith.constant 0 : i32
        %dma_wait3A_103 = tpu.memref_slice %arg5[%arg1, %mul3A_56, %dma_wait3A_102] : memref<16x32x128xi32, #tpu.memory_space<hbm>> -> memref<1x32x128xi32, #tpu.memory_space<hbm>>
        %dma_wait3A_104 = tpu.memref_squeeze %dma_wait3A_103 : memref<1x32x128xi32, #tpu.memory_space<hbm>> -> memref<32x128xi32, #tpu.memory_space<hbm>>
        %dma_wait3A_105 = arith.constant 0 : i32
        %dma_wait3A_106 = tpu.memref_slice %arg5[%arg1, %mul3A_56, %dma_wait3A_105] : memref<16x32x128xi32, #tpu.memory_space<hbm>> -> memref<1x32x128xi32, #tpu.memory_space<hbm>>
        %dma_wait3A_107 = tpu.memref_squeeze %dma_wait3A_106 : memref<1x32x128xi32, #tpu.memory_space<hbm>> -> memref<32x128xi32, #tpu.memory_space<hbm>>
        tpu.wait_dma2 semaphore(%run_scoped3A_95 : memref<!tpu.dma_semaphore, #tpu.memory_space<semaphore_mem>>) src(%dma_wait3A_107 : memref<32x128xi32, #tpu.memory_space<hbm>>) dst(%arg8 : memref<32x128xi32, #tpu.memory_space<vmem>>)
        tpu.yield
      }) : () -> ()
      %mul3A_57 = arith.constant 32 : i32
      %mul3A_58 = arith.muli %scan3A_54, %mul3A_57 : i32
      "tpu.region"() ({
        %run_scoped3A_95 = tpu.sem_alloc : memref<!tpu.dma_semaphore, #tpu.memory_space<semaphore_mem>>
        %dma_start3A_96 = arith.constant 0 : i32
        %dma_start3A_97 = tpu.memref_slice %arg6[%arg1, %mul3A_58, %dma_start3A_96] : memref<16x32x128xi32, #tpu.memory_space<hbm>> -> memref<1x32x128xi32, #tpu.memory_space<hbm>>
        %dma_start3A_98 = tpu.memref_squeeze %dma_start3A_97 : memref<1x32x128xi32, #tpu.memory_space<hbm>> -> memref<32x128xi32, #tpu.memory_space<hbm>>
        %dma_start3A_99 = arith.constant 0 : i32
        %dma_start3A_100 = tpu.memref_slice %arg6[%arg1, %mul3A_58, %dma_start3A_99] : memref<16x32x128xi32, #tpu.memory_space<hbm>> -> memref<1x32x128xi32, #tpu.memory_space<hbm>>
        %dma_start3A_101 = tpu.memref_squeeze %dma_start3A_100 : memref<1x32x128xi32, #tpu.memory_space<hbm>> -> memref<32x128xi32, #tpu.memory_space<hbm>>
        tpu.enqueue_dma source(%dma_start3A_101 : memref<32x128xi32, #tpu.memory_space<hbm>>) target(%arg9 : memref<32x128xi32, #tpu.memory_space<vmem>>) target_semaphore(%run_scoped3A_95 : memref<!tpu.dma_semaphore, #tpu.memory_space<semaphore_mem>>)
        %dma_wait3A_102 = arith.constant 0 : i32
        %dma_wait3A_103 = tpu.memref_slice %arg6[%arg1, %mul3A_58, %dma_wait3A_102] : memref<16x32x128xi32, #tpu.memory_space<hbm>> -> memref<1x32x128xi32, #tpu.memory_space<hbm>>
        %dma_wait3A_104 = tpu.memref_squeeze %dma_wait3A_103 : memref<1x32x128xi32, #tpu.memory_space<hbm>> -> memref<32x128xi32, #tpu.memory_space<hbm>>
        %dma_wait3A_105 = arith.constant 0 : i32
        %dma_wait3A_106 = tpu.memref_slice %arg6[%arg1, %mul3A_58, %dma_wait3A_105] : memref<16x32x128xi32, #tpu.memory_space<hbm>> -> memref<1x32x128xi32, #tpu.memory_space<hbm>>
        %dma_wait3A_107 = tpu.memref_squeeze %dma_wait3A_106 : memref<1x32x128xi32, #tpu.memory_space<hbm>> -> memref<32x128xi32, #tpu.memory_space<hbm>>
        tpu.wait_dma2 semaphore(%run_scoped3A_95 : memref<!tpu.dma_semaphore, #tpu.memory_space<semaphore_mem>>) src(%dma_wait3A_107 : memref<32x128xi32, #tpu.memory_space<hbm>>) dst(%arg9 : memref<32x128xi32, #tpu.memory_space<vmem>>)
        tpu.yield
      }) : () -> ()
      %dma_start3A = arith.constant 0 : i32
      %dma_start3A_59 = arith.constant 0 : i32
      %dma_start3A_60 = tpu.memref_slice %arg8[%dma_start3A, %dma_start3A_59] : memref<32x128xi32, #tpu.memory_space<vmem>> -> memref<1x128xi32, #tpu.memory_space<vmem>>
      %dma_start3A_61 = tpu.memref_squeeze %dma_start3A_60 : memref<1x128xi32, #tpu.memory_space<vmem>> -> memref<128xi32, #tpu.memory_space<vmem>>
      %dma_start3A_62 = arith.constant 0 : i32
      %dma_start3A_63 = arith.constant 0 : i32
      %dma_start3A_64 = tpu.memref_slice %arg2[%dma_start3A_62, %dma_start3A_63] : memref<10000x128xf32, #tpu.memory_space<hbm>> -> memref<10000x128xf32, #tpu.memory_space<hbm>>
      tpu.enqueue_indirect_dma source(%dma_start3A_64 : memref<10000x128xf32, #tpu.memory_space<hbm>>) target(%arg10 : memref<128x128xf32, #tpu.memory_space<vmem>>) offsets(%dma_start3A_61 : memref<128xi32, #tpu.memory_space<vmem>>) semaphore(%arg13 : memref<!tpu.dma_semaphore, #tpu.memory_space<semaphore_mem>>)
      %scan3A_65 = arith.constant 0 : i32
      %scan3A_66 = arith.constant 0 : i32
      %scan3A_67 = arith.constant 15 : i32
      %scan3A_68 = arith.addi %scan3A_66, %scan3A_67 : i32
      %scan3A_69 = arith.constant 1 : i32
      %scan3A_70 = scf.for %scan3A_95 = %scan3A_66 to %scan3A_68 step %scan3A_69 iter_args(%scan3A_96 = %scan3A_65) -> (i32)  : i32 {
        %mul3A_97 = arith.constant 2 : i32
        %mul3A_98 = arith.muli %mul3A_97, %scan3A_95 : i32
        %add3A_99 = arith.constant 1 : i32
        %add3A_100 = arith.addi %mul3A_98, %add3A_99 : i32
        %dma_start3A_101 = arith.constant 0 : i32
        %dma_start3A_102 = tpu.memref_slice %arg8[%add3A_100, %dma_start3A_101] : memref<32x128xi32, #tpu.memory_space<vmem>> -> memref<1x128xi32, #tpu.memory_space<vmem>>
        %dma_start3A_103 = tpu.memref_squeeze %dma_start3A_102 : memref<1x128xi32, #tpu.memory_space<vmem>> -> memref<128xi32, #tpu.memory_space<vmem>>
        %dma_start3A_104 = arith.constant 0 : i32
        %dma_start3A_105 = arith.constant 0 : i32
        %dma_start3A_106 = tpu.memref_slice %arg2[%dma_start3A_104, %dma_start3A_105] : memref<10000x128xf32, #tpu.memory_space<hbm>> -> memref<10000x128xf32, #tpu.memory_space<hbm>>
        tpu.enqueue_indirect_dma source(%dma_start3A_106 : memref<10000x128xf32, #tpu.memory_space<hbm>>) target(%arg11 : memref<128x128xf32, #tpu.memory_space<vmem>>) offsets(%dma_start3A_103 : memref<128xi32, #tpu.memory_space<vmem>>) semaphore(%arg14 : memref<!tpu.dma_semaphore, #tpu.memory_space<semaphore_mem>>)
        %mul3A_107 = arith.constant 2 : i32
        %mul3A_108 = arith.muli %mul3A_107, %scan3A_95 : i32
        %dma_wait3A_109 = arith.constant 0 : i32
        %dma_wait3A_110 = tpu.memref_slice %arg8[%mul3A_108, %dma_wait3A_109] : memref<32x128xi32, #tpu.memory_space<vmem>> -> memref<1x128xi32, #tpu.memory_space<vmem>>
        %dma_wait3A_111 = tpu.memref_squeeze %dma_wait3A_110 : memref<1x128xi32, #tpu.memory_space<vmem>> -> memref<128xi32, #tpu.memory_space<vmem>>
        %dma_wait3A_112 = arith.constant 0 : i32
        %dma_wait3A_113 = arith.constant 0 : i32
        %dma_wait3A_114 = tpu.memref_slice %arg2[%dma_wait3A_112, %dma_wait3A_113] : memref<10000x128xf32, #tpu.memory_space<hbm>> -> memref<10000x128xf32, #tpu.memory_space<hbm>>
        tpu.wait_indirect_dma semaphore(%arg13 : memref<!tpu.dma_semaphore, #tpu.memory_space<semaphore_mem>>) src(%dma_wait3A_114 : memref<10000x128xf32, #tpu.memory_space<hbm>>) dst(%arg10 : memref<128x128xf32, #tpu.memory_space<vmem>>)
        %mul3A_115 = arith.constant 2 : i32
        %mul3A_116 = arith.muli %mul3A_115, %scan3A_95 : i32
        "tpu.region"() ({
          %run_scoped3A_142 = tpu.sem_alloc : memref<!tpu.dma_semaphore, #tpu.memory_space<semaphore_mem>>
          %dma_start3A_143 = arith.constant 0 : i32
          %dma_start3A_144 = tpu.memref_slice %arg9[%mul3A_116, %dma_start3A_143] : memref<32x128xi32, #tpu.memory_space<vmem>> -> memref<1x128xi32, #tpu.memory_space<vmem>>
          %dma_start3A_145 = tpu.memref_squeeze %dma_start3A_144 : memref<1x128xi32, #tpu.memory_space<vmem>> -> memref<128xi32, #tpu.memory_space<vmem>>
          %dma_start3A_146 = arith.constant 0 : i32
          %dma_start3A_147 = arith.constant 0 : i32
          %dma_start3A_148 = tpu.memref_slice %arg12[%dma_start3A_146, %dma_start3A_147] : memref<10112x128xf32, #tpu.memory_space<vmem_shared>> -> memref<10112x128xf32, #tpu.memory_space<vmem_shared>>
          tpu.enqueue_indirect_dma source(%arg10 : memref<128x128xf32, #tpu.memory_space<vmem>>) target(%dma_start3A_148 : memref<10112x128xf32, #tpu.memory_space<vmem_shared>>) offsets(%dma_start3A_145 : memref<128xi32, #tpu.memory_space<vmem>>) semaphore(%run_scoped3A_142 : memref<!tpu.dma_semaphore, #tpu.memory_space<semaphore_mem>>) {add = true}
          %dma_wait3A_149 = arith.constant 0 : i32
          %dma_wait3A_150 = tpu.memref_slice %arg9[%mul3A_116, %dma_wait3A_149] : memref<32x128xi32, #tpu.memory_space<vmem>> -> memref<1x128xi32, #tpu.memory_space<vmem>>
          %dma_wait3A_151 = tpu.memref_squeeze %dma_wait3A_150 : memref<1x128xi32, #tpu.memory_space<vmem>> -> memref<128xi32, #tpu.memory_space<vmem>>
          %dma_wait3A_152 = arith.constant 0 : i32
          %dma_wait3A_153 = arith.constant 0 : i32
          %dma_wait3A_154 = tpu.memref_slice %arg12[%dma_wait3A_152, %dma_wait3A_153] : memref<10112x128xf32, #tpu.memory_space<vmem_shared>> -> memref<10112x128xf32, #tpu.memory_space<vmem_shared>>
          tpu.wait_indirect_dma semaphore(%run_scoped3A_142 : memref<!tpu.dma_semaphore, #tpu.memory_space<semaphore_mem>>) src(%arg10 : memref<128x128xf32, #tpu.memory_space<vmem>>) dst(%dma_wait3A_154 : memref<10112x128xf32, #tpu.memory_space<vmem_shared>>)
          tpu.yield
        }) : () -> ()
        %mul3A_117 = arith.constant 2 : i32
        %mul3A_118 = arith.muli %mul3A_117, %scan3A_95 : i32
        %add3A_119 = arith.constant 2 : i32
        %add3A_120 = arith.addi %mul3A_118, %add3A_119 : i32
        %dma_start3A_121 = arith.constant 0 : i32
        %dma_start3A_122 = tpu.memref_slice %arg8[%add3A_120, %dma_start3A_121] : memref<32x128xi32, #tpu.memory_space<vmem>> -> memref<1x128xi32, #tpu.memory_space<vmem>>
        %dma_start3A_123 = tpu.memref_squeeze %dma_start3A_122 : memref<1x128xi32, #tpu.memory_space<vmem>> -> memref<128xi32, #tpu.memory_space<vmem>>
        %dma_start3A_124 = arith.constant 0 : i32
        %dma_start3A_125 = arith.constant 0 : i32
        %dma_start3A_126 = tpu.memref_slice %arg2[%dma_start3A_124, %dma_start3A_125] : memref<10000x128xf32, #tpu.memory_space<hbm>> -> memref<10000x128xf32, #tpu.memory_space<hbm>>
        tpu.enqueue_indirect_dma source(%dma_start3A_126 : memref<10000x128xf32, #tpu.memory_space<hbm>>) target(%arg10 : memref<128x128xf32, #tpu.memory_space<vmem>>) offsets(%dma_start3A_123 : memref<128xi32, #tpu.memory_space<vmem>>) semaphore(%arg13 : memref<!tpu.dma_semaphore, #tpu.memory_space<semaphore_mem>>)
        %mul3A_127 = arith.constant 2 : i32
        %mul3A_128 = arith.muli %mul3A_127, %scan3A_95 : i32
        %add3A_129 = arith.constant 1 : i32
        %add3A_130 = arith.addi %mul3A_128, %add3A_129 : i32
        %dma_wait3A_131 = arith.constant 0 : i32
        %dma_wait3A_132 = tpu.memref_slice %arg8[%add3A_130, %dma_wait3A_131] : memref<32x128xi32, #tpu.memory_space<vmem>> -> memref<1x128xi32, #tpu.memory_space<vmem>>
        %dma_wait3A_133 = tpu.memref_squeeze %dma_wait3A_132 : memref<1x128xi32, #tpu.memory_space<vmem>> -> memref<128xi32, #tpu.memory_space<vmem>>
        %dma_wait3A_134 = arith.constant 0 : i32
        %dma_wait3A_135 = arith.constant 0 : i32
        %dma_wait3A_136 = tpu.memref_slice %arg2[%dma_wait3A_134, %dma_wait3A_135] : memref<10000x128xf32, #tpu.memory_space<hbm>> -> memref<10000x128xf32, #tpu.memory_space<hbm>>
        tpu.wait_indirect_dma semaphore(%arg14 : memref<!tpu.dma_semaphore, #tpu.memory_space<semaphore_mem>>) src(%dma_wait3A_136 : memref<10000x128xf32, #tpu.memory_space<hbm>>) dst(%arg11 : memref<128x128xf32, #tpu.memory_space<vmem>>)
        %mul3A_137 = arith.constant 2 : i32
        %mul3A_138 = arith.muli %mul3A_137, %scan3A_95 : i32
        %add3A_139 = arith.constant 1 : i32
        %add3A_140 = arith.addi %mul3A_138, %add3A_139 : i32
        "tpu.region"() ({
          %run_scoped3A_142 = tpu.sem_alloc : memref<!tpu.dma_semaphore, #tpu.memory_space<semaphore_mem>>
          %dma_start3A_143 = arith.constant 0 : i32
          %dma_start3A_144 = tpu.memref_slice %arg9[%add3A_140, %dma_start3A_143] : memref<32x128xi32, #tpu.memory_space<vmem>> -> memref<1x128xi32, #tpu.memory_space<vmem>>
          %dma_start3A_145 = tpu.memref_squeeze %dma_start3A_144 : memref<1x128xi32, #tpu.memory_space<vmem>> -> memref<128xi32, #tpu.memory_space<vmem>>
          %dma_start3A_146 = arith.constant 0 : i32
          %dma_start3A_147 = arith.constant 0 : i32
          %dma_start3A_148 = tpu.memref_slice %arg12[%dma_start3A_146, %dma_start3A_147] : memref<10112x128xf32, #tpu.memory_space<vmem_shared>> -> memref<10112x128xf32, #tpu.memory_space<vmem_shared>>
          tpu.enqueue_indirect_dma source(%arg11 : memref<128x128xf32, #tpu.memory_space<vmem>>) target(%dma_start3A_148 : memref<10112x128xf32, #tpu.memory_space<vmem_shared>>) offsets(%dma_start3A_145 : memref<128xi32, #tpu.memory_space<vmem>>) semaphore(%run_scoped3A_142 : memref<!tpu.dma_semaphore, #tpu.memory_space<semaphore_mem>>) {add = true}
          %dma_wait3A_149 = arith.constant 0 : i32
          %dma_wait3A_150 = tpu.memref_slice %arg9[%add3A_140, %dma_wait3A_149] : memref<32x128xi32, #tpu.memory_space<vmem>> -> memref<1x128xi32, #tpu.memory_space<vmem>>
          %dma_wait3A_151 = tpu.memref_squeeze %dma_wait3A_150 : memref<1x128xi32, #tpu.memory_space<vmem>> -> memref<128xi32, #tpu.memory_space<vmem>>
          %dma_wait3A_152 = arith.constant 0 : i32
          %dma_wait3A_153 = arith.constant 0 : i32
          %dma_wait3A_154 = tpu.memref_slice %arg12[%dma_wait3A_152, %dma_wait3A_153] : memref<10112x128xf32, #tpu.memory_space<vmem_shared>> -> memref<10112x128xf32, #tpu.memory_space<vmem_shared>>
          tpu.wait_indirect_dma semaphore(%run_scoped3A_142 : memref<!tpu.dma_semaphore, #tpu.memory_space<semaphore_mem>>) src(%arg11 : memref<128x128xf32, #tpu.memory_space<vmem>>) dst(%dma_wait3A_154 : memref<10112x128xf32, #tpu.memory_space<vmem_shared>>)
          tpu.yield
        }) : () -> ()
        %scan3A_141 = arith.constant 0 : i32
        scf.yield %scan3A_141 : i32
      }
      %scan3A_71 = arith.constant 15 : i32
      %dma_start3A_72 = arith.constant 31 : i32
      %dma_start3A_73 = arith.constant 0 : i32
      %dma_start3A_74 = tpu.memref_slice %arg8[%dma_start3A_72, %dma_start3A_73] : memref<32x128xi32, #tpu.memory_space<vmem>> -> memref<1x128xi32, #tpu.memory_space<vmem>>
      %dma_start3A_75 = tpu.memref_squeeze %dma_start3A_74 : memref<1x128xi32, #tpu.memory_space<vmem>> -> memref<128xi32, #tpu.memory_space<vmem>>
      %dma_start3A_76 = arith.constant 0 : i32
      %dma_start3A_77 = arith.constant 0 : i32
      %dma_start3A_78 = tpu.memref_slice %arg2[%dma_start3A_76, %dma_start3A_77] : memref<10000x128xf32, #tpu.memory_space<hbm>> -> memref<10000x128xf32, #tpu.memory_space<hbm>>
      tpu.enqueue_indirect_dma source(%dma_start3A_78 : memref<10000x128xf32, #tpu.memory_space<hbm>>) target(%arg11 : memref<128x128xf32, #tpu.memory_space<vmem>>) offsets(%dma_start3A_75 : memref<128xi32, #tpu.memory_space<vmem>>) semaphore(%arg14 : memref<!tpu.dma_semaphore, #tpu.memory_space<semaphore_mem>>)
      %dma_wait3A = arith.constant 30 : i32
      %dma_wait3A_79 = arith.constant 0 : i32
      %dma_wait3A_80 = tpu.memref_slice %arg8[%dma_wait3A, %dma_wait3A_79] : memref<32x128xi32, #tpu.memory_space<vmem>> -> memref<1x128xi32, #tpu.memory_space<vmem>>
      %dma_wait3A_81 = tpu.memref_squeeze %dma_wait3A_80 : memref<1x128xi32, #tpu.memory_space<vmem>> -> memref<128xi32, #tpu.memory_space<vmem>>
      %dma_wait3A_82 = arith.constant 0 : i32
      %dma_wait3A_83 = arith.constant 0 : i32
      %dma_wait3A_84 = tpu.memref_slice %arg2[%dma_wait3A_82, %dma_wait3A_83] : memref<10000x128xf32, #tpu.memory_space<hbm>> -> memref<10000x128xf32, #tpu.memory_space<hbm>>
      tpu.wait_indirect_dma semaphore(%arg13 : memref<!tpu.dma_semaphore, #tpu.memory_space<semaphore_mem>>) src(%dma_wait3A_84 : memref<10000x128xf32, #tpu.memory_space<hbm>>) dst(%arg10 : memref<128x128xf32, #tpu.memory_space<vmem>>)
      %run_scoped3A = arith.constant 30 : i32
      "tpu.region"() ({
        %run_scoped3A_95 = tpu.sem_alloc : memref<!tpu.dma_semaphore, #tpu.memory_space<semaphore_mem>>
        %dma_start3A_96 = arith.constant 0 : i32
        %dma_start3A_97 = tpu.memref_slice %arg9[%run_scoped3A, %dma_start3A_96] : memref<32x128xi32, #tpu.memory_space<vmem>> -> memref<1x128xi32, #tpu.memory_space<vmem>>
        %dma_start3A_98 = tpu.memref_squeeze %dma_start3A_97 : memref<1x128xi32, #tpu.memory_space<vmem>> -> memref<128xi32, #tpu.memory_space<vmem>>
        %dma_start3A_99 = arith.constant 0 : i32
        %dma_start3A_100 = arith.constant 0 : i32
        %dma_start3A_101 = tpu.memref_slice %arg12[%dma_start3A_99, %dma_start3A_100] : memref<10112x128xf32, #tpu.memory_space<vmem_shared>> -> memref<10112x128xf32, #tpu.memory_space<vmem_shared>>
        tpu.enqueue_indirect_dma source(%arg10 : memref<128x128xf32, #tpu.memory_space<vmem>>) target(%dma_start3A_101 : memref<10112x128xf32, #tpu.memory_space<vmem_shared>>) offsets(%dma_start3A_98 : memref<128xi32, #tpu.memory_space<vmem>>) semaphore(%run_scoped3A_95 : memref<!tpu.dma_semaphore, #tpu.memory_space<semaphore_mem>>) {add = true}
        %dma_wait3A_102 = arith.constant 0 : i32
        %dma_wait3A_103 = tpu.memref_slice %arg9[%run_scoped3A, %dma_wait3A_102] : memref<32x128xi32, #tpu.memory_space<vmem>> -> memref<1x128xi32, #tpu.memory_space<vmem>>
        %dma_wait3A_104 = tpu.memref_squeeze %dma_wait3A_103 : memref<1x128xi32, #tpu.memory_space<vmem>> -> memref<128xi32, #tpu.memory_space<vmem>>
        %dma_wait3A_105 = arith.constant 0 : i32
        %dma_wait3A_106 = arith.constant 0 : i32
        %dma_wait3A_107 = tpu.memref_slice %arg12[%dma_wait3A_105, %dma_wait3A_106] : memref<10112x128xf32, #tpu.memory_space<vmem_shared>> -> memref<10112x128xf32, #tpu.memory_space<vmem_shared>>
        tpu.wait_indirect_dma semaphore(%run_scoped3A_95 : memref<!tpu.dma_semaphore, #tpu.memory_space<semaphore_mem>>) src(%arg10 : memref<128x128xf32, #tpu.memory_space<vmem>>) dst(%dma_wait3A_107 : memref<10112x128xf32, #tpu.memory_space<vmem_shared>>)
        tpu.yield
      }) : () -> ()
      %dma_wait3A_85 = arith.constant 31 : i32
      %dma_wait3A_86 = arith.constant 0 : i32
      %dma_wait3A_87 = tpu.memref_slice %arg8[%dma_wait3A_85, %dma_wait3A_86] : memref<32x128xi32, #tpu.memory_space<vmem>> -> memref<1x128xi32, #tpu.memory_space<vmem>>
      %dma_wait3A_88 = tpu.memref_squeeze %dma_wait3A_87 : memref<1x128xi32, #tpu.memory_space<vmem>> -> memref<128xi32, #tpu.memory_space<vmem>>
      %dma_wait3A_89 = arith.constant 0 : i32
      %dma_wait3A_90 = arith.constant 0 : i32
      %dma_wait3A_91 = tpu.memref_slice %arg2[%dma_wait3A_89, %dma_wait3A_90] : memref<10000x128xf32, #tpu.memory_space<hbm>> -> memref<10000x128xf32, #tpu.memory_space<hbm>>
      tpu.wait_indirect_dma semaphore(%arg14 : memref<!tpu.dma_semaphore, #tpu.memory_space<semaphore_mem>>) src(%dma_wait3A_91 : memref<10000x128xf32, #tpu.memory_space<hbm>>) dst(%arg11 : memref<128x128xf32, #tpu.memory_space<vmem>>)
      %run_scoped3A_92 = arith.constant 31 : i32
      "tpu.region"() ({
        %run_scoped3A_95 = tpu.sem_alloc : memref<!tpu.dma_semaphore, #tpu.memory_space<semaphore_mem>>
        %dma_start3A_96 = arith.constant 0 : i32
        %dma_start3A_97 = tpu.memref_slice %arg9[%run_scoped3A_92, %dma_start3A_96] : memref<32x128xi32, #tpu.memory_space<vmem>> -> memref<1x128xi32, #tpu.memory_space<vmem>>
        %dma_start3A_98 = tpu.memref_squeeze %dma_start3A_97 : memref<1x128xi32, #tpu.memory_space<vmem>> -> memref<128xi32, #tpu.memory_space<vmem>>
        %dma_start3A_99 = arith.constant 0 : i32
        %dma_start3A_100 = arith.constant 0 : i32
        %dma_start3A_101 = tpu.memref_slice %arg12[%dma_start3A_99, %dma_start3A_100] : memref<10112x128xf32, #tpu.memory_space<vmem_shared>> -> memref<10112x128xf32, #tpu.memory_space<vmem_shared>>
        tpu.enqueue_indirect_dma source(%arg11 : memref<128x128xf32, #tpu.memory_space<vmem>>) target(%dma_start3A_101 : memref<10112x128xf32, #tpu.memory_space<vmem_shared>>) offsets(%dma_start3A_98 : memref<128xi32, #tpu.memory_space<vmem>>) semaphore(%run_scoped3A_95 : memref<!tpu.dma_semaphore, #tpu.memory_space<semaphore_mem>>) {add = true}
        %dma_wait3A_102 = arith.constant 0 : i32
        %dma_wait3A_103 = tpu.memref_slice %arg9[%run_scoped3A_92, %dma_wait3A_102] : memref<32x128xi32, #tpu.memory_space<vmem>> -> memref<1x128xi32, #tpu.memory_space<vmem>>
        %dma_wait3A_104 = tpu.memref_squeeze %dma_wait3A_103 : memref<1x128xi32, #tpu.memory_space<vmem>> -> memref<128xi32, #tpu.memory_space<vmem>>
        %dma_wait3A_105 = arith.constant 0 : i32
        %dma_wait3A_106 = arith.constant 0 : i32
        %dma_wait3A_107 = tpu.memref_slice %arg12[%dma_wait3A_105, %dma_wait3A_106] : memref<10112x128xf32, #tpu.memory_space<vmem_shared>> -> memref<10112x128xf32, #tpu.memory_space<vmem_shared>>
        tpu.wait_indirect_dma semaphore(%run_scoped3A_95 : memref<!tpu.dma_semaphore, #tpu.memory_space<semaphore_mem>>) src(%arg11 : memref<128x128xf32, #tpu.memory_space<vmem>>) dst(%dma_wait3A_107 : memref<10112x128xf32, #tpu.memory_space<vmem_shared>>)
        tpu.yield
      }) : () -> ()
      %scan3A_93 = arith.constant 0 : i32
      %scan3A_94 = arith.constant 1 : i32
    } else {
    }
    %barrier3A_32 = arith.constant 0 : index
    tpu.barrier barrier_id(%barrier3A_32)
    %mul3A_33 = arith.constant 632 : i32
    %mul3A_34 = arith.muli %arg1, %mul3A_33 : i32
    %add3A_35 = arith.constant 0 : i32
    %add3A_36 = arith.addi %mul3A_34, %add3A_35 : i32
    "tpu.region"() ({
      %run_scoped3A = tpu.sem_alloc : memref<!tpu.dma_semaphore, #tpu.memory_space<semaphore_mem>>
      %dma_start3A = arith.constant 0 : i32
      %dma_start3A_53 = arith.constant 0 : i32
      %dma_start3A_54 = tpu.memref_slice %arg10[%dma_start3A, %dma_start3A_53] : memref<128x128xf32, #tpu.memory_space<vmem>> -> memref<128x128xf32, #tpu.memory_space<vmem>>
      %dma_start3A_55 = arith.constant 0 : i32
      %dma_start3A_56 = tpu.memref_slice %arg12[%add3A_36, %dma_start3A_55] : memref<10112x128xf32, #tpu.memory_space<vmem_shared>> -> memref<128x128xf32, #tpu.memory_space<vmem_shared>>
      %dma_start3A_57 = arith.constant 0 : i32
      %dma_start3A_58 = arith.constant 0 : i32
      %dma_start3A_59 = tpu.memref_slice %arg10[%dma_start3A_57, %dma_start3A_58] : memref<128x128xf32, #tpu.memory_space<vmem>> -> memref<128x128xf32, #tpu.memory_space<vmem>>
      %dma_start3A_60 = arith.constant 0 : i32
      %dma_start3A_61 = tpu.memref_slice %arg12[%add3A_36, %dma_start3A_60] : memref<10112x128xf32, #tpu.memory_space<vmem_shared>> -> memref<128x128xf32, #tpu.memory_space<vmem_shared>>
      tpu.enqueue_dma source(%dma_start3A_61 : memref<128x128xf32, #tpu.memory_space<vmem_shared>>) target(%dma_start3A_59 : memref<128x128xf32, #tpu.memory_space<vmem>>) target_semaphore(%run_scoped3A : memref<!tpu.dma_semaphore, #tpu.memory_space<semaphore_mem>>)
      %dma_wait3A = arith.constant 0 : i32
      %dma_wait3A_62 = arith.constant 0 : i32
      %dma_wait3A_63 = tpu.memref_slice %arg10[%dma_wait3A, %dma_wait3A_62] : memref<128x128xf32, #tpu.memory_space<vmem>> -> memref<128x128xf32, #tpu.memory_space<vmem>>
      %dma_wait3A_64 = arith.constant 0 : i32
      %dma_wait3A_65 = tpu.memref_slice %arg12[%add3A_36, %dma_wait3A_64] : memref<10112x128xf32, #tpu.memory_space<vmem_shared>> -> memref<128x128xf32, #tpu.memory_space<vmem_shared>>
      %dma_wait3A_66 = arith.constant 0 : i32
      %dma_wait3A_67 = arith.constant 0 : i32
      %dma_wait3A_68 = tpu.memref_slice %arg10[%dma_wait3A_66, %dma_wait3A_67] : memref<128x128xf32, #tpu.memory_space<vmem>> -> memref<128x128xf32, #tpu.memory_space<vmem>>
      %dma_wait3A_69 = arith.constant 0 : i32
      %dma_wait3A_70 = tpu.memref_slice %arg12[%add3A_36, %dma_wait3A_69] : memref<10112x128xf32, #tpu.memory_space<vmem_shared>> -> memref<128x128xf32, #tpu.memory_space<vmem_shared>>
      tpu.wait_dma2 semaphore(%run_scoped3A : memref<!tpu.dma_semaphore, #tpu.memory_space<semaphore_mem>>) src(%dma_wait3A_70 : memref<128x128xf32, #tpu.memory_space<vmem_shared>>) dst(%dma_wait3A_68 : memref<128x128xf32, #tpu.memory_space<vmem>>)
      tpu.yield
    }) : () -> ()
    "tpu.region"() ({
      %run_scoped3A = tpu.sem_alloc : memref<!tpu.dma_semaphore, #tpu.memory_space<semaphore_mem>>
      %dma_start3A = arith.constant 0 : i32
      %dma_start3A_53 = arith.constant 0 : i32
      %dma_start3A_54 = tpu.memref_slice %arg10[%dma_start3A, %dma_start3A_53] : memref<128x128xf32, #tpu.memory_space<vmem>> -> memref<128x128xf32, #tpu.memory_space<vmem>>
      %dma_start3A_55 = arith.constant 0 : i32
      %dma_start3A_56 = tpu.memref_slice %arg7[%arg0, %add3A_36, %dma_start3A_55] : memref<2x10112x128xf32, #tpu.memory_space<hbm>> -> memref<1x128x128xf32, #tpu.memory_space<hbm>>
      %dma_start3A_57 = tpu.memref_squeeze %dma_start3A_56 : memref<1x128x128xf32, #tpu.memory_space<hbm>> -> memref<128x128xf32, #tpu.memory_space<hbm>>
      %dma_start3A_58 = arith.constant 0 : i32
      %dma_start3A_59 = tpu.memref_slice %arg7[%arg0, %add3A_36, %dma_start3A_58] : memref<2x10112x128xf32, #tpu.memory_space<hbm>> -> memref<1x128x128xf32, #tpu.memory_space<hbm>>
      %dma_start3A_60 = tpu.memref_squeeze %dma_start3A_59 : memref<1x128x128xf32, #tpu.memory_space<hbm>> -> memref<128x128xf32, #tpu.memory_space<hbm>>
      %dma_start3A_61 = arith.constant 0 : i32
      %dma_start3A_62 = arith.constant 0 : i32
      %dma_start3A_63 = tpu.memref_slice %arg10[%dma_start3A_61, %dma_start3A_62] : memref<128x128xf32, #tpu.memory_space<vmem>> -> memref<128x128xf32, #tpu.memory_space<vmem>>
      tpu.enqueue_dma source(%dma_start3A_63 : memref<128x128xf32, #tpu.memory_space<vmem>>) target(%dma_start3A_60 : memref<128x128xf32, #tpu.memory_space<hbm>>) target_semaphore(%run_scoped3A : memref<!tpu.dma_semaphore, #tpu.memory_space<semaphore_mem>>)
      %dma_wait3A = arith.constant 0 : i32
      %dma_wait3A_64 = arith.constant 0 : i32
      %dma_wait3A_65 = tpu.memref_slice %arg10[%dma_wait3A, %dma_wait3A_64] : memref<128x128xf32, #tpu.memory_space<vmem>> -> memref<128x128xf32, #tpu.memory_space<vmem>>
      %dma_wait3A_66 = arith.constant 0 : i32
      %dma_wait3A_67 = tpu.memref_slice %arg7[%arg0, %add3A_36, %dma_wait3A_66] : memref<2x10112x128xf32, #tpu.memory_space<hbm>> -> memref<1x128x128xf32, #tpu.memory_space<hbm>>
      %dma_wait3A_68 = tpu.memref_squeeze %dma_wait3A_67 : memref<1x128x128xf32, #tpu.memory_space<hbm>> -> memref<128x128xf32, #tpu.memory_space<hbm>>
      %dma_wait3A_69 = arith.constant 0 : i32
      %dma_wait3A_70 = tpu.memref_slice %arg7[%arg0, %add3A_36, %dma_wait3A_69] : memref<2x10112x128xf32, #tpu.memory_space<hbm>> -> memref<1x128x128xf32, #tpu.memory_space<hbm>>
      %dma_wait3A_71 = tpu.memref_squeeze %dma_wait3A_70 : memref<1x128x128xf32, #tpu.memory_space<hbm>> -> memref<128x128xf32, #tpu.memory_space<hbm>>
      %dma_wait3A_72 = arith.constant 0 : i32
      %dma_wait3A_73 = arith.constant 0 : i32
      %dma_wait3A_74 = tpu.memref_slice %arg10[%dma_wait3A_72, %dma_wait3A_73] : memref<128x128xf32, #tpu.memory_space<vmem>> -> memref<128x128xf32, #tpu.memory_space<vmem>>
      tpu.wait_dma2 semaphore(%run_scoped3A : memref<!tpu.dma_semaphore, #tpu.memory_space<semaphore_mem>>) src(%dma_wait3A_74 : memref<128x128xf32, #tpu.memory_space<vmem>>) dst(%dma_wait3A_71 : memref<128x128xf32, #tpu.memory_space<hbm>>)
      tpu.yield
    }) : () -> ()
    %mul3A_37 = arith.constant 632 : i32
    %mul3A_38 = arith.muli %arg1, %mul3A_37 : i32
    %add3A_39 = arith.constant 128 : i32
    %add3A_40 = arith.addi %mul3A_38, %add3A_39 : i32
    "tpu.region"() ({
      %run_scoped3A = tpu.sem_alloc : memref<!tpu.dma_semaphore, #tpu.memory_space<semaphore_mem>>
      %dma_start3A = arith.constant 0 : i32
      %dma_start3A_53 = arith.constant 0 : i32
      %dma_start3A_54 = tpu.memref_slice %arg10[%dma_start3A, %dma_start3A_53] : memref<128x128xf32, #tpu.memory_space<vmem>> -> memref<128x128xf32, #tpu.memory_space<vmem>>
      %dma_start3A_55 = arith.constant 0 : i32
      %dma_start3A_56 = tpu.memref_slice %arg12[%add3A_40, %dma_start3A_55] : memref<10112x128xf32, #tpu.memory_space<vmem_shared>> -> memref<128x128xf32, #tpu.memory_space<vmem_shared>>
      %dma_start3A_57 = arith.constant 0 : i32
      %dma_start3A_58 = arith.constant 0 : i32
      %dma_start3A_59 = tpu.memref_slice %arg10[%dma_start3A_57, %dma_start3A_58] : memref<128x128xf32, #tpu.memory_space<vmem>> -> memref<128x128xf32, #tpu.memory_space<vmem>>
      %dma_start3A_60 = arith.constant 0 : i32
      %dma_start3A_61 = tpu.memref_slice %arg12[%add3A_40, %dma_start3A_60] : memref<10112x128xf32, #tpu.memory_space<vmem_shared>> -> memref<128x128xf32, #tpu.memory_space<vmem_shared>>
      tpu.enqueue_dma source(%dma_start3A_61 : memref<128x128xf32, #tpu.memory_space<vmem_shared>>) target(%dma_start3A_59 : memref<128x128xf32, #tpu.memory_space<vmem>>) target_semaphore(%run_scoped3A : memref<!tpu.dma_semaphore, #tpu.memory_space<semaphore_mem>>)
      %dma_wait3A = arith.constant 0 : i32
      %dma_wait3A_62 = arith.constant 0 : i32
      %dma_wait3A_63 = tpu.memref_slice %arg10[%dma_wait3A, %dma_wait3A_62] : memref<128x128xf32, #tpu.memory_space<vmem>> -> memref<128x128xf32, #tpu.memory_space<vmem>>
      %dma_wait3A_64 = arith.constant 0 : i32
      %dma_wait3A_65 = tpu.memref_slice %arg12[%add3A_40, %dma_wait3A_64] : memref<10112x128xf32, #tpu.memory_space<vmem_shared>> -> memref<128x128xf32, #tpu.memory_space<vmem_shared>>
      %dma_wait3A_66 = arith.constant 0 : i32
      %dma_wait3A_67 = arith.constant 0 : i32
      %dma_wait3A_68 = tpu.memref_slice %arg10[%dma_wait3A_66, %dma_wait3A_67] : memref<128x128xf32, #tpu.memory_space<vmem>> -> memref<128x128xf32, #tpu.memory_space<vmem>>
      %dma_wait3A_69 = arith.constant 0 : i32
      %dma_wait3A_70 = tpu.memref_slice %arg12[%add3A_40, %dma_wait3A_69] : memref<10112x128xf32, #tpu.memory_space<vmem_shared>> -> memref<128x128xf32, #tpu.memory_space<vmem_shared>>
      tpu.wait_dma2 semaphore(%run_scoped3A : memref<!tpu.dma_semaphore, #tpu.memory_space<semaphore_mem>>) src(%dma_wait3A_70 : memref<128x128xf32, #tpu.memory_space<vmem_shared>>) dst(%dma_wait3A_68 : memref<128x128xf32, #tpu.memory_space<vmem>>)
      tpu.yield
    }) : () -> ()
    "tpu.region"() ({
      %run_scoped3A = tpu.sem_alloc : memref<!tpu.dma_semaphore, #tpu.memory_space<semaphore_mem>>
      %dma_start3A = arith.constant 0 : i32
      %dma_start3A_53 = arith.constant 0 : i32
      %dma_start3A_54 = tpu.memref_slice %arg10[%dma_start3A, %dma_start3A_53] : memref<128x128xf32, #tpu.memory_space<vmem>> -> memref<128x128xf32, #tpu.memory_space<vmem>>
      %dma_start3A_55 = arith.constant 0 : i32
      %dma_start3A_56 = tpu.memref_slice %arg7[%arg0, %add3A_40, %dma_start3A_55] : memref<2x10112x128xf32, #tpu.memory_space<hbm>> -> memref<1x128x128xf32, #tpu.memory_space<hbm>>
      %dma_start3A_57 = tpu.memref_squeeze %dma_start3A_56 : memref<1x128x128xf32, #tpu.memory_space<hbm>> -> memref<128x128xf32, #tpu.memory_space<hbm>>
      %dma_start3A_58 = arith.constant 0 : i32
      %dma_start3A_59 = tpu.memref_slice %arg7[%arg0, %add3A_40, %dma_start3A_58] : memref<2x10112x128xf32, #tpu.memory_space<hbm>> -> memref<1x128x128xf32, #tpu.memory_space<hbm>>
      %dma_start3A_60 = tpu.memref_squeeze %dma_start3A_59 : memref<1x128x128xf32, #tpu.memory_space<hbm>> -> memref<128x128xf32, #tpu.memory_space<hbm>>
      %dma_start3A_61 = arith.constant 0 : i32
      %dma_start3A_62 = arith.constant 0 : i32
      %dma_start3A_63 = tpu.memref_slice %arg10[%dma_start3A_61, %dma_start3A_62] : memref<128x128xf32, #tpu.memory_space<vmem>> -> memref<128x128xf32, #tpu.memory_space<vmem>>
      tpu.enqueue_dma source(%dma_start3A_63 : memref<128x128xf32, #tpu.memory_space<vmem>>) target(%dma_start3A_60 : memref<128x128xf32, #tpu.memory_space<hbm>>) target_semaphore(%run_scoped3A : memref<!tpu.dma_semaphore, #tpu.memory_space<semaphore_mem>>)
      %dma_wait3A = arith.constant 0 : i32
      %dma_wait3A_64 = arith.constant 0 : i32
      %dma_wait3A_65 = tpu.memref_slice %arg10[%dma_wait3A, %dma_wait3A_64] : memref<128x128xf32, #tpu.memory_space<vmem>> -> memref<128x128xf32, #tpu.memory_space<vmem>>
      %dma_wait3A_66 = arith.constant 0 : i32
      %dma_wait3A_67 = tpu.memref_slice %arg7[%arg0, %add3A_40, %dma_wait3A_66] : memref<2x10112x128xf32, #tpu.memory_space<hbm>> -> memref<1x128x128xf32, #tpu.memory_space<hbm>>
      %dma_wait3A_68 = tpu.memref_squeeze %dma_wait3A_67 : memref<1x128x128xf32, #tpu.memory_space<hbm>> -> memref<128x128xf32, #tpu.memory_space<hbm>>
      %dma_wait3A_69 = arith.constant 0 : i32
      %dma_wait3A_70 = tpu.memref_slice %arg7[%arg0, %add3A_40, %dma_wait3A_69] : memref<2x10112x128xf32, #tpu.memory_space<hbm>> -> memref<1x128x128xf32, #tpu.memory_space<hbm>>
      %dma_wait3A_71 = tpu.memref_squeeze %dma_wait3A_70 : memref<1x128x128xf32, #tpu.memory_space<hbm>> -> memref<128x128xf32, #tpu.memory_space<hbm>>
      %dma_wait3A_72 = arith.constant 0 : i32
      %dma_wait3A_73 = arith.constant 0 : i32
      %dma_wait3A_74 = tpu.memref_slice %arg10[%dma_wait3A_72, %dma_wait3A_73] : memref<128x128xf32, #tpu.memory_space<vmem>> -> memref<128x128xf32, #tpu.memory_space<vmem>>
      tpu.wait_dma2 semaphore(%run_scoped3A : memref<!tpu.dma_semaphore, #tpu.memory_space<semaphore_mem>>) src(%dma_wait3A_74 : memref<128x128xf32, #tpu.memory_space<vmem>>) dst(%dma_wait3A_71 : memref<128x128xf32, #tpu.memory_space<hbm>>)
      tpu.yield
    }) : () -> ()
    %mul3A_41 = arith.constant 632 : i32
    %mul3A_42 = arith.muli %arg1, %mul3A_41 : i32
    %add3A_43 = arith.constant 256 : i32
    %add3A_44 = arith.addi %mul3A_42, %add3A_43 : i32
    "tpu.region"() ({
      %run_scoped3A = tpu.sem_alloc : memref<!tpu.dma_semaphore, #tpu.memory_space<semaphore_mem>>
      %dma_start3A = arith.constant 0 : i32
      %dma_start3A_53 = arith.constant 0 : i32
      %dma_start3A_54 = tpu.memref_slice %arg10[%dma_start3A, %dma_start3A_53] : memref<128x128xf32, #tpu.memory_space<vmem>> -> memref<128x128xf32, #tpu.memory_space<vmem>>
      %dma_start3A_55 = arith.constant 0 : i32
      %dma_start3A_56 = tpu.memref_slice %arg12[%add3A_44, %dma_start3A_55] : memref<10112x128xf32, #tpu.memory_space<vmem_shared>> -> memref<128x128xf32, #tpu.memory_space<vmem_shared>>
      %dma_start3A_57 = arith.constant 0 : i32
      %dma_start3A_58 = arith.constant 0 : i32
      %dma_start3A_59 = tpu.memref_slice %arg10[%dma_start3A_57, %dma_start3A_58] : memref<128x128xf32, #tpu.memory_space<vmem>> -> memref<128x128xf32, #tpu.memory_space<vmem>>
      %dma_start3A_60 = arith.constant 0 : i32
      %dma_start3A_61 = tpu.memref_slice %arg12[%add3A_44, %dma_start3A_60] : memref<10112x128xf32, #tpu.memory_space<vmem_shared>> -> memref<128x128xf32, #tpu.memory_space<vmem_shared>>
      tpu.enqueue_dma source(%dma_start3A_61 : memref<128x128xf32, #tpu.memory_space<vmem_shared>>) target(%dma_start3A_59 : memref<128x128xf32, #tpu.memory_space<vmem>>) target_semaphore(%run_scoped3A : memref<!tpu.dma_semaphore, #tpu.memory_space<semaphore_mem>>)
      %dma_wait3A = arith.constant 0 : i32
      %dma_wait3A_62 = arith.constant 0 : i32
      %dma_wait3A_63 = tpu.memref_slice %arg10[%dma_wait3A, %dma_wait3A_62] : memref<128x128xf32, #tpu.memory_space<vmem>> -> memref<128x128xf32, #tpu.memory_space<vmem>>
      %dma_wait3A_64 = arith.constant 0 : i32
      %dma_wait3A_65 = tpu.memref_slice %arg12[%add3A_44, %dma_wait3A_64] : memref<10112x128xf32, #tpu.memory_space<vmem_shared>> -> memref<128x128xf32, #tpu.memory_space<vmem_shared>>
      %dma_wait3A_66 = arith.constant 0 : i32
      %dma_wait3A_67 = arith.constant 0 : i32
      %dma_wait3A_68 = tpu.memref_slice %arg10[%dma_wait3A_66, %dma_wait3A_67] : memref<128x128xf32, #tpu.memory_space<vmem>> -> memref<128x128xf32, #tpu.memory_space<vmem>>
      %dma_wait3A_69 = arith.constant 0 : i32
      %dma_wait3A_70 = tpu.memref_slice %arg12[%add3A_44, %dma_wait3A_69] : memref<10112x128xf32, #tpu.memory_space<vmem_shared>> -> memref<128x128xf32, #tpu.memory_space<vmem_shared>>
      tpu.wait_dma2 semaphore(%run_scoped3A : memref<!tpu.dma_semaphore, #tpu.memory_space<semaphore_mem>>) src(%dma_wait3A_70 : memref<128x128xf32, #tpu.memory_space<vmem_shared>>) dst(%dma_wait3A_68 : memref<128x128xf32, #tpu.memory_space<vmem>>)
      tpu.yield
    }) : () -> ()
    "tpu.region"() ({
      %run_scoped3A = tpu.sem_alloc : memref<!tpu.dma_semaphore, #tpu.memory_space<semaphore_mem>>
      %dma_start3A = arith.constant 0 : i32
      %dma_start3A_53 = arith.constant 0 : i32
      %dma_start3A_54 = tpu.memref_slice %arg10[%dma_start3A, %dma_start3A_53] : memref<128x128xf32, #tpu.memory_space<vmem>> -> memref<128x128xf32, #tpu.memory_space<vmem>>
      %dma_start3A_55 = arith.constant 0 : i32
      %dma_start3A_56 = tpu.memref_slice %arg7[%arg0, %add3A_44, %dma_start3A_55] : memref<2x10112x128xf32, #tpu.memory_space<hbm>> -> memref<1x128x128xf32, #tpu.memory_space<hbm>>
      %dma_start3A_57 = tpu.memref_squeeze %dma_start3A_56 : memref<1x128x128xf32, #tpu.memory_space<hbm>> -> memref<128x128xf32, #tpu.memory_space<hbm>>
      %dma_start3A_58 = arith.constant 0 : i32
      %dma_start3A_59 = tpu.memref_slice %arg7[%arg0, %add3A_44, %dma_start3A_58] : memref<2x10112x128xf32, #tpu.memory_space<hbm>> -> memref<1x128x128xf32, #tpu.memory_space<hbm>>
      %dma_start3A_60 = tpu.memref_squeeze %dma_start3A_59 : memref<1x128x128xf32, #tpu.memory_space<hbm>> -> memref<128x128xf32, #tpu.memory_space<hbm>>
      %dma_start3A_61 = arith.constant 0 : i32
      %dma_start3A_62 = arith.constant 0 : i32
      %dma_start3A_63 = tpu.memref_slice %arg10[%dma_start3A_61, %dma_start3A_62] : memref<128x128xf32, #tpu.memory_space<vmem>> -> memref<128x128xf32, #tpu.memory_space<vmem>>
      tpu.enqueue_dma source(%dma_start3A_63 : memref<128x128xf32, #tpu.memory_space<vmem>>) target(%dma_start3A_60 : memref<128x128xf32, #tpu.memory_space<hbm>>) target_semaphore(%run_scoped3A : memref<!tpu.dma_semaphore, #tpu.memory_space<semaphore_mem>>)
      %dma_wait3A = arith.constant 0 : i32
      %dma_wait3A_64 = arith.constant 0 : i32
      %dma_wait3A_65 = tpu.memref_slice %arg10[%dma_wait3A, %dma_wait3A_64] : memref<128x128xf32, #tpu.memory_space<vmem>> -> memref<128x128xf32, #tpu.memory_space<vmem>>
      %dma_wait3A_66 = arith.constant 0 : i32
      %dma_wait3A_67 = tpu.memref_slice %arg7[%arg0, %add3A_44, %dma_wait3A_66] : memref<2x10112x128xf32, #tpu.memory_space<hbm>> -> memref<1x128x128xf32, #tpu.memory_space<hbm>>
      %dma_wait3A_68 = tpu.memref_squeeze %dma_wait3A_67 : memref<1x128x128xf32, #tpu.memory_space<hbm>> -> memref<128x128xf32, #tpu.memory_space<hbm>>
      %dma_wait3A_69 = arith.constant 0 : i32
      %dma_wait3A_70 = tpu.memref_slice %arg7[%arg0, %add3A_44, %dma_wait3A_69] : memref<2x10112x128xf32, #tpu.memory_space<hbm>> -> memref<1x128x128xf32, #tpu.memory_space<hbm>>
      %dma_wait3A_71 = tpu.memref_squeeze %dma_wait3A_70 : memref<1x128x128xf32, #tpu.memory_space<hbm>> -> memref<128x128xf32, #tpu.memory_space<hbm>>
      %dma_wait3A_72 = arith.constant 0 : i32
      %dma_wait3A_73 = arith.constant 0 : i32
      %dma_wait3A_74 = tpu.memref_slice %arg10[%dma_wait3A_72, %dma_wait3A_73] : memref<128x128xf32, #tpu.memory_space<vmem>> -> memref<128x128xf32, #tpu.memory_space<vmem>>
      tpu.wait_dma2 semaphore(%run_scoped3A : memref<!tpu.dma_semaphore, #tpu.memory_space<semaphore_mem>>) src(%dma_wait3A_74 : memref<128x128xf32, #tpu.memory_space<vmem>>) dst(%dma_wait3A_71 : memref<128x128xf32, #tpu.memory_space<hbm>>)
      tpu.yield
    }) : () -> ()
    %mul3A_45 = arith.constant 632 : i32
    %mul3A_46 = arith.muli %arg1, %mul3A_45 : i32
    %add3A_47 = arith.constant 384 : i32
    %add3A_48 = arith.addi %mul3A_46, %add3A_47 : i32
    "tpu.region"() ({
      %run_scoped3A = tpu.sem_alloc : memref<!tpu.dma_semaphore, #tpu.memory_space<semaphore_mem>>
      %dma_start3A = arith.constant 0 : i32
      %dma_start3A_53 = arith.constant 0 : i32
      %dma_start3A_54 = tpu.memref_slice %arg10[%dma_start3A, %dma_start3A_53] : memref<128x128xf32, #tpu.memory_space<vmem>> -> memref<128x128xf32, #tpu.memory_space<vmem>>
      %dma_start3A_55 = arith.constant 0 : i32
      %dma_start3A_56 = tpu.memref_slice %arg12[%add3A_48, %dma_start3A_55] : memref<10112x128xf32, #tpu.memory_space<vmem_shared>> -> memref<128x128xf32, #tpu.memory_space<vmem_shared>>
      %dma_start3A_57 = arith.constant 0 : i32
      %dma_start3A_58 = arith.constant 0 : i32
      %dma_start3A_59 = tpu.memref_slice %arg10[%dma_start3A_57, %dma_start3A_58] : memref<128x128xf32, #tpu.memory_space<vmem>> -> memref<128x128xf32, #tpu.memory_space<vmem>>
      %dma_start3A_60 = arith.constant 0 : i32
      %dma_start3A_61 = tpu.memref_slice %arg12[%add3A_48, %dma_start3A_60] : memref<10112x128xf32, #tpu.memory_space<vmem_shared>> -> memref<128x128xf32, #tpu.memory_space<vmem_shared>>
      tpu.enqueue_dma source(%dma_start3A_61 : memref<128x128xf32, #tpu.memory_space<vmem_shared>>) target(%dma_start3A_59 : memref<128x128xf32, #tpu.memory_space<vmem>>) target_semaphore(%run_scoped3A : memref<!tpu.dma_semaphore, #tpu.memory_space<semaphore_mem>>)
      %dma_wait3A = arith.constant 0 : i32
      %dma_wait3A_62 = arith.constant 0 : i32
      %dma_wait3A_63 = tpu.memref_slice %arg10[%dma_wait3A, %dma_wait3A_62] : memref<128x128xf32, #tpu.memory_space<vmem>> -> memref<128x128xf32, #tpu.memory_space<vmem>>
      %dma_wait3A_64 = arith.constant 0 : i32
      %dma_wait3A_65 = tpu.memref_slice %arg12[%add3A_48, %dma_wait3A_64] : memref<10112x128xf32, #tpu.memory_space<vmem_shared>> -> memref<128x128xf32, #tpu.memory_space<vmem_shared>>
      %dma_wait3A_66 = arith.constant 0 : i32
      %dma_wait3A_67 = arith.constant 0 : i32
      %dma_wait3A_68 = tpu.memref_slice %arg10[%dma_wait3A_66, %dma_wait3A_67] : memref<128x128xf32, #tpu.memory_space<vmem>> -> memref<128x128xf32, #tpu.memory_space<vmem>>
      %dma_wait3A_69 = arith.constant 0 : i32
      %dma_wait3A_70 = tpu.memref_slice %arg12[%add3A_48, %dma_wait3A_69] : memref<10112x128xf32, #tpu.memory_space<vmem_shared>> -> memref<128x128xf32, #tpu.memory_space<vmem_shared>>
      tpu.wait_dma2 semaphore(%run_scoped3A : memref<!tpu.dma_semaphore, #tpu.memory_space<semaphore_mem>>) src(%dma_wait3A_70 : memref<128x128xf32, #tpu.memory_space<vmem_shared>>) dst(%dma_wait3A_68 : memref<128x128xf32, #tpu.memory_space<vmem>>)
      tpu.yield
    }) : () -> ()
    "tpu.region"() ({
      %run_scoped3A = tpu.sem_alloc : memref<!tpu.dma_semaphore, #tpu.memory_space<semaphore_mem>>
      %dma_start3A = arith.constant 0 : i32
      %dma_start3A_53 = arith.constant 0 : i32
      %dma_start3A_54 = tpu.memref_slice %arg10[%dma_start3A, %dma_start3A_53] : memref<128x128xf32, #tpu.memory_space<vmem>> -> memref<128x128xf32, #tpu.memory_space<vmem>>
      %dma_start3A_55 = arith.constant 0 : i32
      %dma_start3A_56 = tpu.memref_slice %arg7[%arg0, %add3A_48, %dma_start3A_55] : memref<2x10112x128xf32, #tpu.memory_space<hbm>> -> memref<1x128x128xf32, #tpu.memory_space<hbm>>
      %dma_start3A_57 = tpu.memref_squeeze %dma_start3A_56 : memref<1x128x128xf32, #tpu.memory_space<hbm>> -> memref<128x128xf32, #tpu.memory_space<hbm>>
      %dma_start3A_58 = arith.constant 0 : i32
      %dma_start3A_59 = tpu.memref_slice %arg7[%arg0, %add3A_48, %dma_start3A_58] : memref<2x10112x128xf32, #tpu.memory_space<hbm>> -> memref<1x128x128xf32, #tpu.memory_space<hbm>>
      %dma_start3A_60 = tpu.memref_squeeze %dma_start3A_59 : memref<1x128x128xf32, #tpu.memory_space<hbm>> -> memref<128x128xf32, #tpu.memory_space<hbm>>
      %dma_start3A_61 = arith.constant 0 : i32
      %dma_start3A_62 = arith.constant 0 : i32
      %dma_start3A_63 = tpu.memref_slice %arg10[%dma_start3A_61, %dma_start3A_62] : memref<128x128xf32, #tpu.memory_space<vmem>> -> memref<128x128xf32, #tpu.memory_space<vmem>>
      tpu.enqueue_dma source(%dma_start3A_63 : memref<128x128xf32, #tpu.memory_space<vmem>>) target(%dma_start3A_60 : memref<128x128xf32, #tpu.memory_space<hbm>>) target_semaphore(%run_scoped3A : memref<!tpu.dma_semaphore, #tpu.memory_space<semaphore_mem>>)
      %dma_wait3A = arith.constant 0 : i32
      %dma_wait3A_64 = arith.constant 0 : i32
      %dma_wait3A_65 = tpu.memref_slice %arg10[%dma_wait3A, %dma_wait3A_64] : memref<128x128xf32, #tpu.memory_space<vmem>> -> memref<128x128xf32, #tpu.memory_space<vmem>>
      %dma_wait3A_66 = arith.constant 0 : i32
      %dma_wait3A_67 = tpu.memref_slice %arg7[%arg0, %add3A_48, %dma_wait3A_66] : memref<2x10112x128xf32, #tpu.memory_space<hbm>> -> memref<1x128x128xf32, #tpu.memory_space<hbm>>
      %dma_wait3A_68 = tpu.memref_squeeze %dma_wait3A_67 : memref<1x128x128xf32, #tpu.memory_space<hbm>> -> memref<128x128xf32, #tpu.memory_space<hbm>>
      %dma_wait3A_69 = arith.constant 0 : i32
      %dma_wait3A_70 = tpu.memref_slice %arg7[%arg0, %add3A_48, %dma_wait3A_69] : memref<2x10112x128xf32, #tpu.memory_space<hbm>> -> memref<1x128x128xf32, #tpu.memory_space<hbm>>
      %dma_wait3A_71 = tpu.memref_squeeze %dma_wait3A_70 : memref<1x128x128xf32, #tpu.memory_space<hbm>> -> memref<128x128xf32, #tpu.memory_space<hbm>>
      %dma_wait3A_72 = arith.constant 0 : i32
      %dma_wait3A_73 = arith.constant 0 : i32
      %dma_wait3A_74 = tpu.memref_slice %arg10[%dma_wait3A_72, %dma_wait3A_73] : memref<128x128xf32, #tpu.memory_space<vmem>> -> memref<128x128xf32, #tpu.memory_space<vmem>>
      tpu.wait_dma2 semaphore(%run_scoped3A : memref<!tpu.dma_semaphore, #tpu.memory_space<semaphore_mem>>) src(%dma_wait3A_74 : memref<128x128xf32, #tpu.memory_space<vmem>>) dst(%dma_wait3A_71 : memref<128x128xf32, #tpu.memory_space<hbm>>)
      tpu.yield
    }) : () -> ()
    %mul3A_49 = arith.constant 632 : i32
    %mul3A_50 = arith.muli %arg1, %mul3A_49 : i32
    %add3A_51 = arith.constant 512 : i32
    %add3A_52 = arith.addi %mul3A_50, %add3A_51 : i32
    "tpu.region"() ({
      %run_scoped3A = tpu.sem_alloc : memref<!tpu.dma_semaphore, #tpu.memory_space<semaphore_mem>>
      %dma_start3A = arith.constant 0 : i32
      %dma_start3A_53 = arith.constant 0 : i32
      %dma_start3A_54 = tpu.memref_slice %arg10[%dma_start3A, %dma_start3A_53] : memref<128x128xf32, #tpu.memory_space<vmem>> -> memref<120x128xf32, #tpu.memory_space<vmem>>
      %dma_start3A_55 = arith.constant 0 : i32
      %dma_start3A_56 = tpu.memref_slice %arg12[%add3A_52, %dma_start3A_55] : memref<10112x128xf32, #tpu.memory_space<vmem_shared>> -> memref<120x128xf32, #tpu.memory_space<vmem_shared>>
      %dma_start3A_57 = arith.constant 0 : i32
      %dma_start3A_58 = arith.constant 0 : i32
      %dma_start3A_59 = tpu.memref_slice %arg10[%dma_start3A_57, %dma_start3A_58] : memref<128x128xf32, #tpu.memory_space<vmem>> -> memref<120x128xf32, #tpu.memory_space<vmem>>
      %dma_start3A_60 = arith.constant 0 : i32
      %dma_start3A_61 = tpu.memref_slice %arg12[%add3A_52, %dma_start3A_60] : memref<10112x128xf32, #tpu.memory_space<vmem_shared>> -> memref<120x128xf32, #tpu.memory_space<vmem_shared>>
      tpu.enqueue_dma source(%dma_start3A_61 : memref<120x128xf32, #tpu.memory_space<vmem_shared>>) target(%dma_start3A_59 : memref<120x128xf32, #tpu.memory_space<vmem>>) target_semaphore(%run_scoped3A : memref<!tpu.dma_semaphore, #tpu.memory_space<semaphore_mem>>)
      %dma_wait3A = arith.constant 0 : i32
      %dma_wait3A_62 = arith.constant 0 : i32
      %dma_wait3A_63 = tpu.memref_slice %arg10[%dma_wait3A, %dma_wait3A_62] : memref<128x128xf32, #tpu.memory_space<vmem>> -> memref<120x128xf32, #tpu.memory_space<vmem>>
      %dma_wait3A_64 = arith.constant 0 : i32
      %dma_wait3A_65 = tpu.memref_slice %arg12[%add3A_52, %dma_wait3A_64] : memref<10112x128xf32, #tpu.memory_space<vmem_shared>> -> memref<120x128xf32, #tpu.memory_space<vmem_shared>>
      %dma_wait3A_66 = arith.constant 0 : i32
      %dma_wait3A_67 = arith.constant 0 : i32
      %dma_wait3A_68 = tpu.memref_slice %arg10[%dma_wait3A_66, %dma_wait3A_67] : memref<128x128xf32, #tpu.memory_space<vmem>> -> memref<120x128xf32, #tpu.memory_space<vmem>>
      %dma_wait3A_69 = arith.constant 0 : i32
      %dma_wait3A_70 = tpu.memref_slice %arg12[%add3A_52, %dma_wait3A_69] : memref<10112x128xf32, #tpu.memory_space<vmem_shared>> -> memref<120x128xf32, #tpu.memory_space<vmem_shared>>
      tpu.wait_dma2 semaphore(%run_scoped3A : memref<!tpu.dma_semaphore, #tpu.memory_space<semaphore_mem>>) src(%dma_wait3A_70 : memref<120x128xf32, #tpu.memory_space<vmem_shared>>) dst(%dma_wait3A_68 : memref<120x128xf32, #tpu.memory_space<vmem>>)
      tpu.yield
    }) : () -> ()
    "tpu.region"() ({
      %run_scoped3A = tpu.sem_alloc : memref<!tpu.dma_semaphore, #tpu.memory_space<semaphore_mem>>
      %dma_start3A = arith.constant 0 : i32
      %dma_start3A_53 = arith.constant 0 : i32
      %dma_start3A_54 = tpu.memref_slice %arg10[%dma_start3A, %dma_start3A_53] : memref<128x128xf32, #tpu.memory_space<vmem>> -> memref<120x128xf32, #tpu.memory_space<vmem>>
      %dma_start3A_55 = arith.constant 0 : i32
      %dma_start3A_56 = tpu.memref_slice %arg7[%arg0, %add3A_52, %dma_start3A_55] : memref<2x10112x128xf32, #tpu.memory_space<hbm>> -> memref<1x120x128xf32, #tpu.memory_space<hbm>>
      %dma_start3A_57 = tpu.memref_squeeze %dma_start3A_56 : memref<1x120x128xf32, #tpu.memory_space<hbm>> -> memref<120x128xf32, #tpu.memory_space<hbm>>
      %dma_start3A_58 = arith.constant 0 : i32
      %dma_start3A_59 = tpu.memref_slice %arg7[%arg0, %add3A_52, %dma_start3A_58] : memref<2x10112x128xf32, #tpu.memory_space<hbm>> -> memref<1x120x128xf32, #tpu.memory_space<hbm>>
      %dma_start3A_60 = tpu.memref_squeeze %dma_start3A_59 : memref<1x120x128xf32, #tpu.memory_space<hbm>> -> memref<120x128xf32, #tpu.memory_space<hbm>>
      %dma_start3A_61 = arith.constant 0 : i32
      %dma_start3A_62 = arith.constant 0 : i32
      %dma_start3A_63 = tpu.memref_slice %arg10[%dma_start3A_61, %dma_start3A_62] : memref<128x128xf32, #tpu.memory_space<vmem>> -> memref<120x128xf32, #tpu.memory_space<vmem>>
      tpu.enqueue_dma source(%dma_start3A_63 : memref<120x128xf32, #tpu.memory_space<vmem>>) target(%dma_start3A_60 : memref<120x128xf32, #tpu.memory_space<hbm>>) target_semaphore(%run_scoped3A : memref<!tpu.dma_semaphore, #tpu.memory_space<semaphore_mem>>)
      %dma_wait3A = arith.constant 0 : i32
      %dma_wait3A_64 = arith.constant 0 : i32
      %dma_wait3A_65 = tpu.memref_slice %arg10[%dma_wait3A, %dma_wait3A_64] : memref<128x128xf32, #tpu.memory_space<vmem>> -> memref<120x128xf32, #tpu.memory_space<vmem>>
      %dma_wait3A_66 = arith.constant 0 : i32
      %dma_wait3A_67 = tpu.memref_slice %arg7[%arg0, %add3A_52, %dma_wait3A_66] : memref<2x10112x128xf32, #tpu.memory_space<hbm>> -> memref<1x120x128xf32, #tpu.memory_space<hbm>>
      %dma_wait3A_68 = tpu.memref_squeeze %dma_wait3A_67 : memref<1x120x128xf32, #tpu.memory_space<hbm>> -> memref<120x128xf32, #tpu.memory_space<hbm>>
      %dma_wait3A_69 = arith.constant 0 : i32
      %dma_wait3A_70 = tpu.memref_slice %arg7[%arg0, %add3A_52, %dma_wait3A_69] : memref<2x10112x128xf32, #tpu.memory_space<hbm>> -> memref<1x120x128xf32, #tpu.memory_space<hbm>>
      %dma_wait3A_71 = tpu.memref_squeeze %dma_wait3A_70 : memref<1x120x128xf32, #tpu.memory_space<hbm>> -> memref<120x128xf32, #tpu.memory_space<hbm>>
      %dma_wait3A_72 = arith.constant 0 : i32
      %dma_wait3A_73 = arith.constant 0 : i32
      %dma_wait3A_74 = tpu.memref_slice %arg10[%dma_wait3A_72, %dma_wait3A_73] : memref<128x128xf32, #tpu.memory_space<vmem>> -> memref<120x128xf32, #tpu.memory_space<vmem>>
      tpu.wait_dma2 semaphore(%run_scoped3A : memref<!tpu.dma_semaphore, #tpu.memory_space<semaphore_mem>>) src(%dma_wait3A_74 : memref<120x128xf32, #tpu.memory_space<vmem>>) dst(%dma_wait3A_71 : memref<120x128xf32, #tpu.memory_space<hbm>>)
      tpu.yield
    }) : () -> ()
    return
  }
}

#map = affine_map<(d0, d1) -> (0, 0, 0)>
module attributes {stable_mosaic.version = 14 : i64} {
  func.func @deg_kernel(%arg0: i32, %arg1: i32, %arg2: memref<16x160x128xi32, #tpu.memory_space<hbm>>, %arg3: memref<16x160x128xi32, #tpu.memory_space<hbm>>, %arg4: memref<2x10112x128xf32, #tpu.memory_space<hbm>>, %arg5: memref<32x128xi32, #tpu.memory_space<vmem>>, %arg6: memref<128x128xf32, #tpu.memory_space<vmem>>, %arg7: memref<10112x128xf32, #tpu.memory_space<vmem_shared>>) attributes {dimension_semantics = [#tpu.dimension_semantics<core_parallel>, #tpu.dimension_semantics<subcore_parallel>], iteration_bounds = array<i64: 2, 16>, scalar_prefetch = 0 : i64, scratch_operands = 3 : i64, tpu.core_type = #tpu.core_type<sc_vector_subcore>, window_params = [{transform_indices = #map}, {transform_indices = #map}, {transform_indices = #map}]} {
    %broadcast_in_dim3A = arith.constant 0.000000e+00 : f32
    %broadcast_in_dim3A_0 = vector.broadcast %broadcast_in_dim3A : f32 to vector<16xf32>
    %scan3A = arith.constant 0 : i32
    %scan3A_1 = arith.constant 0 : i32
    %scan3A_2 = arith.constant 1024 : i32
    %scan3A_3 = arith.addi %scan3A_1, %scan3A_2 : i32
    %scan3A_4 = arith.constant 1 : i32
    %scan3A_5 = scf.for %scan3A_62 = %scan3A_1 to %scan3A_3 step %scan3A_4 iter_args(%scan3A_63 = %scan3A) -> (i32)  : i32 {
      %jit3A = arith.constant 8 : i32
      %div3A = arith.divsi %scan3A_62, %jit3A : i32
      %sign3A = arith.constant 0 : i32
      %sign3A_64 = arith.cmpi sgt, %scan3A_62, %sign3A : i32
      %sign3A_65 = arith.extui %sign3A_64 : i1 to i32
      %sign3A_66 = arith.constant 0 : i32
      %sign3A_67 = arith.cmpi slt, %scan3A_62, %sign3A_66 : i32
      %sign3A_68 = arith.extui %sign3A_67 : i1 to i32
      %sign3A_69 = arith.subi %sign3A_65, %sign3A_68 : i32
      %sign3A_70 = arith.constant 0 : i32
      %sign3A_71 = arith.cmpi sgt, %jit3A, %sign3A_70 : i32
      %sign3A_72 = arith.extui %sign3A_71 : i1 to i32
      %sign3A_73 = arith.constant 0 : i32
      %sign3A_74 = arith.cmpi slt, %jit3A, %sign3A_73 : i32
      %sign3A_75 = arith.extui %sign3A_74 : i1 to i32
      %sign3A_76 = arith.subi %sign3A_72, %sign3A_75 : i32
      %ne3A = arith.cmpi ne, %sign3A_69, %sign3A_76 : i32
      %rem3A = arith.remsi %scan3A_62, %jit3A : i32
      %ne3A_77 = arith.constant 0 : i32
      %ne3A_78 = arith.cmpi ne, %rem3A, %ne3A_77 : i32
      %and3A = arith.andi %ne3A, %ne3A_78 : i1
      %sub3A = arith.constant 1 : i32
      %sub3A_79 = arith.subi %div3A, %sub3A : i32
      %select_n3A = arith.select %and3A, %sub3A_79, %div3A : i32
      %jit3A_80 = arith.constant 8 : i32
      %eq3A_81 = arith.constant 0 : i32
      %eq3A_82 = arith.cmpi eq, %jit3A_80, %eq3A_81 : i32
      %jit3A_83 = arith.constant 1 : i32
      %select_n3A_84 = arith.select %eq3A_82, %jit3A_83, %jit3A_80 : i32
      %rem3A_85 = arith.remsi %scan3A_62, %select_n3A_84 : i32
      %ne3A_86 = arith.constant 0 : i32
      %ne3A_87 = arith.cmpi ne, %rem3A_85, %ne3A_86 : i32
      %lt3A = arith.constant 0 : i32
      %lt3A_88 = arith.cmpi slt, %rem3A_85, %lt3A : i32
      %lt3A_89 = arith.constant 0 : i32
      %lt3A_90 = arith.cmpi slt, %select_n3A_84, %lt3A_89 : i32
      %ne3A_91 = arith.xori %lt3A_88, %lt3A_90 : i1
      %and3A_92 = arith.andi %ne3A_91, %ne3A_87 : i1
      %add3A_93 = arith.addi %rem3A_85, %select_n3A_84 : i32
      %select_n3A_94 = arith.select %and3A_92, %add3A_93, %rem3A_85 : i32
      %mul3A_95 = arith.constant 16 : i32
      %mul3A_96 = arith.muli %select_n3A_94, %mul3A_95 : i32
      %swap3A = arith.index_cast %select_n3A : i32 to index
      %swap3A_97 = arith.index_cast %mul3A_96 : i32 to index
      %swap3A_98 = tpu.vector_load %arg6[%swap3A, %swap3A_97] {strides = array<i32>} : memref<128x128xf32, #tpu.memory_space<vmem>>, vector<1x16xf32>,
      %swap3A_99 = vector.shape_cast %swap3A_98 : vector<1x16xf32> to vector<16xf32>
      %swap3A_100 = vector.shape_cast %broadcast_in_dim3A_0 : vector<16xf32> to vector<1x16xf32>
      tpu.vector_store %arg6[%swap3A, %swap3A_97], %swap3A_100 {strides = array<i32>} : memref<128x128xf32, #tpu.memory_space<vmem>>, vector<1x16xf32>,
      %scan3A_101 = arith.constant 0 : i32
      scf.yield %scan3A_101 : i32
    }
    %scan3A_6 = arith.constant 1024 : i32
    %mul3A = arith.constant 632 : i32
    %mul3A_7 = arith.muli %arg1, %mul3A : i32
    %add3A = arith.constant 0 : i32
    %add3A_8 = arith.addi %mul3A_7, %add3A : i32
    "tpu.region"() ({
      %run_scoped3A = tpu.sem_alloc : memref<!tpu.dma_semaphore, #tpu.memory_space<semaphore_mem>>
      %dma_start3A = arith.constant 0 : i32
      %dma_start3A_62 = tpu.memref_slice %arg7[%add3A_8, %dma_start3A] : memref<10112x128xf32, #tpu.memory_space<vmem_shared>> -> memref<128x128xf32, #tpu.memory_space<vmem_shared>>
      %dma_start3A_63 = arith.constant 0 : i32
      %dma_start3A_64 = tpu.memref_slice %arg7[%add3A_8, %dma_start3A_63] : memref<10112x128xf32, #tpu.memory_space<vmem_shared>> -> memref<128x128xf32, #tpu.memory_space<vmem_shared>>
      tpu.enqueue_dma source(%arg6 : memref<128x128xf32, #tpu.memory_space<vmem>>) target(%dma_start3A_64 : memref<128x128xf32, #tpu.memory_space<vmem_shared>>) target_semaphore(%run_scoped3A : memref<!tpu.dma_semaphore, #tpu.memory_space<semaphore_mem>>)
      %dma_wait3A = arith.constant 0 : i32
      %dma_wait3A_65 = tpu.memref_slice %arg7[%add3A_8, %dma_wait3A] : memref<10112x128xf32, #tpu.memory_space<vmem_shared>> -> memref<128x128xf32, #tpu.memory_space<vmem_shared>>
      %dma_wait3A_66 = arith.constant 0 : i32
      %dma_wait3A_67 = tpu.memref_slice %arg7[%add3A_8, %dma_wait3A_66] : memref<10112x128xf32, #tpu.memory_space<vmem_shared>> -> memref<128x128xf32, #tpu.memory_space<vmem_shared>>
      tpu.wait_dma2 semaphore(%run_scoped3A : memref<!tpu.dma_semaphore, #tpu.memory_space<semaphore_mem>>) src(%arg6 : memref<128x128xf32, #tpu.memory_space<vmem>>) dst(%dma_wait3A_67 : memref<128x128xf32, #tpu.memory_space<vmem_shared>>)
      tpu.yield
    }) : () -> ()
    %mul3A_9 = arith.constant 632 : i32
    %mul3A_10 = arith.muli %arg1, %mul3A_9 : i32
    %add3A_11 = arith.constant 128 : i32
    %add3A_12 = arith.addi %mul3A_10, %add3A_11 : i32
    "tpu.region"() ({
      %run_scoped3A = tpu.sem_alloc : memref<!tpu.dma_semaphore, #tpu.memory_space<semaphore_mem>>
      %dma_start3A = arith.constant 0 : i32
      %dma_start3A_62 = tpu.memref_slice %arg7[%add3A_12, %dma_start3A] : memref<10112x128xf32, #tpu.memory_space<vmem_shared>> -> memref<128x128xf32, #tpu.memory_space<vmem_shared>>
      %dma_start3A_63 = arith.constant 0 : i32
      %dma_start3A_64 = tpu.memref_slice %arg7[%add3A_12, %dma_start3A_63] : memref<10112x128xf32, #tpu.memory_space<vmem_shared>> -> memref<128x128xf32, #tpu.memory_space<vmem_shared>>
      tpu.enqueue_dma source(%arg6 : memref<128x128xf32, #tpu.memory_space<vmem>>) target(%dma_start3A_64 : memref<128x128xf32, #tpu.memory_space<vmem_shared>>) target_semaphore(%run_scoped3A : memref<!tpu.dma_semaphore, #tpu.memory_space<semaphore_mem>>)
      %dma_wait3A = arith.constant 0 : i32
      %dma_wait3A_65 = tpu.memref_slice %arg7[%add3A_12, %dma_wait3A] : memref<10112x128xf32, #tpu.memory_space<vmem_shared>> -> memref<128x128xf32, #tpu.memory_space<vmem_shared>>
      %dma_wait3A_66 = arith.constant 0 : i32
      %dma_wait3A_67 = tpu.memref_slice %arg7[%add3A_12, %dma_wait3A_66] : memref<10112x128xf32, #tpu.memory_space<vmem_shared>> -> memref<128x128xf32, #tpu.memory_space<vmem_shared>>
      tpu.wait_dma2 semaphore(%run_scoped3A : memref<!tpu.dma_semaphore, #tpu.memory_space<semaphore_mem>>) src(%arg6 : memref<128x128xf32, #tpu.memory_space<vmem>>) dst(%dma_wait3A_67 : memref<128x128xf32, #tpu.memory_space<vmem_shared>>)
      tpu.yield
    }) : () -> ()
    %mul3A_13 = arith.constant 632 : i32
    %mul3A_14 = arith.muli %arg1, %mul3A_13 : i32
    %add3A_15 = arith.constant 256 : i32
    %add3A_16 = arith.addi %mul3A_14, %add3A_15 : i32
    "tpu.region"() ({
      %run_scoped3A = tpu.sem_alloc : memref<!tpu.dma_semaphore, #tpu.memory_space<semaphore_mem>>
      %dma_start3A = arith.constant 0 : i32
      %dma_start3A_62 = tpu.memref_slice %arg7[%add3A_16, %dma_start3A] : memref<10112x128xf32, #tpu.memory_space<vmem_shared>> -> memref<128x128xf32, #tpu.memory_space<vmem_shared>>
      %dma_start3A_63 = arith.constant 0 : i32
      %dma_start3A_64 = tpu.memref_slice %arg7[%add3A_16, %dma_start3A_63] : memref<10112x128xf32, #tpu.memory_space<vmem_shared>> -> memref<128x128xf32, #tpu.memory_space<vmem_shared>>
      tpu.enqueue_dma source(%arg6 : memref<128x128xf32, #tpu.memory_space<vmem>>) target(%dma_start3A_64 : memref<128x128xf32, #tpu.memory_space<vmem_shared>>) target_semaphore(%run_scoped3A : memref<!tpu.dma_semaphore, #tpu.memory_space<semaphore_mem>>)
      %dma_wait3A = arith.constant 0 : i32
      %dma_wait3A_65 = tpu.memref_slice %arg7[%add3A_16, %dma_wait3A] : memref<10112x128xf32, #tpu.memory_space<vmem_shared>> -> memref<128x128xf32, #tpu.memory_space<vmem_shared>>
      %dma_wait3A_66 = arith.constant 0 : i32
      %dma_wait3A_67 = tpu.memref_slice %arg7[%add3A_16, %dma_wait3A_66] : memref<10112x128xf32, #tpu.memory_space<vmem_shared>> -> memref<128x128xf32, #tpu.memory_space<vmem_shared>>
      tpu.wait_dma2 semaphore(%run_scoped3A : memref<!tpu.dma_semaphore, #tpu.memory_space<semaphore_mem>>) src(%arg6 : memref<128x128xf32, #tpu.memory_space<vmem>>) dst(%dma_wait3A_67 : memref<128x128xf32, #tpu.memory_space<vmem_shared>>)
      tpu.yield
    }) : () -> ()
    %mul3A_17 = arith.constant 632 : i32
    %mul3A_18 = arith.muli %arg1, %mul3A_17 : i32
    %add3A_19 = arith.constant 384 : i32
    %add3A_20 = arith.addi %mul3A_18, %add3A_19 : i32
    "tpu.region"() ({
      %run_scoped3A = tpu.sem_alloc : memref<!tpu.dma_semaphore, #tpu.memory_space<semaphore_mem>>
      %dma_start3A = arith.constant 0 : i32
      %dma_start3A_62 = tpu.memref_slice %arg7[%add3A_20, %dma_start3A] : memref<10112x128xf32, #tpu.memory_space<vmem_shared>> -> memref<128x128xf32, #tpu.memory_space<vmem_shared>>
      %dma_start3A_63 = arith.constant 0 : i32
      %dma_start3A_64 = tpu.memref_slice %arg7[%add3A_20, %dma_start3A_63] : memref<10112x128xf32, #tpu.memory_space<vmem_shared>> -> memref<128x128xf32, #tpu.memory_space<vmem_shared>>
      tpu.enqueue_dma source(%arg6 : memref<128x128xf32, #tpu.memory_space<vmem>>) target(%dma_start3A_64 : memref<128x128xf32, #tpu.memory_space<vmem_shared>>) target_semaphore(%run_scoped3A : memref<!tpu.dma_semaphore, #tpu.memory_space<semaphore_mem>>)
      %dma_wait3A = arith.constant 0 : i32
      %dma_wait3A_65 = tpu.memref_slice %arg7[%add3A_20, %dma_wait3A] : memref<10112x128xf32, #tpu.memory_space<vmem_shared>> -> memref<128x128xf32, #tpu.memory_space<vmem_shared>>
      %dma_wait3A_66 = arith.constant 0 : i32
      %dma_wait3A_67 = tpu.memref_slice %arg7[%add3A_20, %dma_wait3A_66] : memref<10112x128xf32, #tpu.memory_space<vmem_shared>> -> memref<128x128xf32, #tpu.memory_space<vmem_shared>>
      tpu.wait_dma2 semaphore(%run_scoped3A : memref<!tpu.dma_semaphore, #tpu.memory_space<semaphore_mem>>) src(%arg6 : memref<128x128xf32, #tpu.memory_space<vmem>>) dst(%dma_wait3A_67 : memref<128x128xf32, #tpu.memory_space<vmem_shared>>)
      tpu.yield
    }) : () -> ()
    %mul3A_21 = arith.constant 632 : i32
    %mul3A_22 = arith.muli %arg1, %mul3A_21 : i32
    %add3A_23 = arith.constant 512 : i32
    %add3A_24 = arith.addi %mul3A_22, %add3A_23 : i32
    "tpu.region"() ({
      %run_scoped3A = tpu.sem_alloc : memref<!tpu.dma_semaphore, #tpu.memory_space<semaphore_mem>>
      %dma_start3A = arith.constant 0 : i32
      %dma_start3A_62 = arith.constant 0 : i32
      %dma_start3A_63 = tpu.memref_slice %arg6[%dma_start3A, %dma_start3A_62] : memref<128x128xf32, #tpu.memory_space<vmem>> -> memref<120x128xf32, #tpu.memory_space<vmem>>
      %dma_start3A_64 = arith.constant 0 : i32
      %dma_start3A_65 = tpu.memref_slice %arg7[%add3A_24, %dma_start3A_64] : memref<10112x128xf32, #tpu.memory_space<vmem_shared>> -> memref<120x128xf32, #tpu.memory_space<vmem_shared>>
      %dma_start3A_66 = arith.constant 0 : i32
      %dma_start3A_67 = tpu.memref_slice %arg7[%add3A_24, %dma_start3A_66] : memref<10112x128xf32, #tpu.memory_space<vmem_shared>> -> memref<120x128xf32, #tpu.memory_space<vmem_shared>>
      %dma_start3A_68 = arith.constant 0 : i32
      %dma_start3A_69 = arith.constant 0 : i32
      %dma_start3A_70 = tpu.memref_slice %arg6[%dma_start3A_68, %dma_start3A_69] : memref<128x128xf32, #tpu.memory_space<vmem>> -> memref<120x128xf32, #tpu.memory_space<vmem>>
      tpu.enqueue_dma source(%dma_start3A_70 : memref<120x128xf32, #tpu.memory_space<vmem>>) target(%dma_start3A_67 : memref<120x128xf32, #tpu.memory_space<vmem_shared>>) target_semaphore(%run_scoped3A : memref<!tpu.dma_semaphore, #tpu.memory_space<semaphore_mem>>)
      %dma_wait3A = arith.constant 0 : i32
      %dma_wait3A_71 = arith.constant 0 : i32
      %dma_wait3A_72 = tpu.memref_slice %arg6[%dma_wait3A, %dma_wait3A_71] : memref<128x128xf32, #tpu.memory_space<vmem>> -> memref<120x128xf32, #tpu.memory_space<vmem>>
      %dma_wait3A_73 = arith.constant 0 : i32
      %dma_wait3A_74 = tpu.memref_slice %arg7[%add3A_24, %dma_wait3A_73] : memref<10112x128xf32, #tpu.memory_space<vmem_shared>> -> memref<120x128xf32, #tpu.memory_space<vmem_shared>>
      %dma_wait3A_75 = arith.constant 0 : i32
      %dma_wait3A_76 = tpu.memref_slice %arg7[%add3A_24, %dma_wait3A_75] : memref<10112x128xf32, #tpu.memory_space<vmem_shared>> -> memref<120x128xf32, #tpu.memory_space<vmem_shared>>
      %dma_wait3A_77 = arith.constant 0 : i32
      %dma_wait3A_78 = arith.constant 0 : i32
      %dma_wait3A_79 = tpu.memref_slice %arg6[%dma_wait3A_77, %dma_wait3A_78] : memref<128x128xf32, #tpu.memory_space<vmem>> -> memref<120x128xf32, #tpu.memory_space<vmem>>
      tpu.wait_dma2 semaphore(%run_scoped3A : memref<!tpu.dma_semaphore, #tpu.memory_space<semaphore_mem>>) src(%dma_wait3A_79 : memref<120x128xf32, #tpu.memory_space<vmem>>) dst(%dma_wait3A_76 : memref<120x128xf32, #tpu.memory_space<vmem_shared>>)
      tpu.yield
    }) : () -> ()
    %broadcast_in_dim3A_25 = arith.constant 1.000000e+00 : f32
    %broadcast_in_dim3A_26 = vector.broadcast %broadcast_in_dim3A_25 : f32 to vector<16xf32>
    %scan3A_27 = arith.constant 0 : i32
    %scan3A_28 = arith.constant 0 : i32
    %scan3A_29 = arith.constant 1024 : i32
    %scan3A_30 = arith.addi %scan3A_28, %scan3A_29 : i32
    %scan3A_31 = arith.constant 1 : i32
    %scan3A_32 = scf.for %scan3A_62 = %scan3A_28 to %scan3A_30 step %scan3A_31 iter_args(%scan3A_63 = %scan3A_27) -> (i32)  : i32 {
      %jit3A = arith.constant 8 : i32
      %div3A = arith.divsi %scan3A_62, %jit3A : i32
      %sign3A = arith.constant 0 : i32
      %sign3A_64 = arith.cmpi sgt, %scan3A_62, %sign3A : i32
      %sign3A_65 = arith.extui %sign3A_64 : i1 to i32
      %sign3A_66 = arith.constant 0 : i32
      %sign3A_67 = arith.cmpi slt, %scan3A_62, %sign3A_66 : i32
      %sign3A_68 = arith.extui %sign3A_67 : i1 to i32
      %sign3A_69 = arith.subi %sign3A_65, %sign3A_68 : i32
      %sign3A_70 = arith.constant 0 : i32
      %sign3A_71 = arith.cmpi sgt, %jit3A, %sign3A_70 : i32
      %sign3A_72 = arith.extui %sign3A_71 : i1 to i32
      %sign3A_73 = arith.constant 0 : i32
      %sign3A_74 = arith.cmpi slt, %jit3A, %sign3A_73 : i32
      %sign3A_75 = arith.extui %sign3A_74 : i1 to i32
      %sign3A_76 = arith.subi %sign3A_72, %sign3A_75 : i32
      %ne3A = arith.cmpi ne, %sign3A_69, %sign3A_76 : i32
      %rem3A = arith.remsi %scan3A_62, %jit3A : i32
      %ne3A_77 = arith.constant 0 : i32
      %ne3A_78 = arith.cmpi ne, %rem3A, %ne3A_77 : i32
      %and3A = arith.andi %ne3A, %ne3A_78 : i1
      %sub3A = arith.constant 1 : i32
      %sub3A_79 = arith.subi %div3A, %sub3A : i32
      %select_n3A = arith.select %and3A, %sub3A_79, %div3A : i32
      %jit3A_80 = arith.constant 8 : i32
      %eq3A_81 = arith.constant 0 : i32
      %eq3A_82 = arith.cmpi eq, %jit3A_80, %eq3A_81 : i32
      %jit3A_83 = arith.constant 1 : i32
      %select_n3A_84 = arith.select %eq3A_82, %jit3A_83, %jit3A_80 : i32
      %rem3A_85 = arith.remsi %scan3A_62, %select_n3A_84 : i32
      %ne3A_86 = arith.constant 0 : i32
      %ne3A_87 = arith.cmpi ne, %rem3A_85, %ne3A_86 : i32
      %lt3A = arith.constant 0 : i32
      %lt3A_88 = arith.cmpi slt, %rem3A_85, %lt3A : i32
      %lt3A_89 = arith.constant 0 : i32
      %lt3A_90 = arith.cmpi slt, %select_n3A_84, %lt3A_89 : i32
      %ne3A_91 = arith.xori %lt3A_88, %lt3A_90 : i1
      %and3A_92 = arith.andi %ne3A_91, %ne3A_87 : i1
      %add3A_93 = arith.addi %rem3A_85, %select_n3A_84 : i32
      %select_n3A_94 = arith.select %and3A_92, %add3A_93, %rem3A_85 : i32
      %mul3A_95 = arith.constant 16 : i32
      %mul3A_96 = arith.muli %select_n3A_94, %mul3A_95 : i32
      %swap3A = arith.index_cast %select_n3A : i32 to index
      %swap3A_97 = arith.index_cast %mul3A_96 : i32 to index
      %swap3A_98 = tpu.vector_load %arg6[%swap3A, %swap3A_97] {strides = array<i32>} : memref<128x128xf32, #tpu.memory_space<vmem>>, vector<1x16xf32>,
      %swap3A_99 = vector.shape_cast %swap3A_98 : vector<1x16xf32> to vector<16xf32>
      %swap3A_100 = vector.shape_cast %broadcast_in_dim3A_26 : vector<16xf32> to vector<1x16xf32>
      tpu.vector_store %arg6[%swap3A, %swap3A_97], %swap3A_100 {strides = array<i32>} : memref<128x128xf32, #tpu.memory_space<vmem>>, vector<1x16xf32>,
      %scan3A_101 = arith.constant 0 : i32
      scf.yield %scan3A_101 : i32
    }
    %scan3A_33 = arith.constant 1024 : i32
    %barrier3A = arith.constant 0 : index
    tpu.barrier barrier_id(%barrier3A)
    %eq3A = arith.constant 0 : i32
    %eq3A_34 = arith.cmpi eq, %arg0, %eq3A : i32
    %convert_element_type3A = arith.extui %eq3A_34 : i1 to i32
    %cond3A = arith.constant 0 : i32
    %cond3A_35 = arith.cmpi ne, %convert_element_type3A, %cond3A : i32
    scf.if %cond3A_35 {
      %scan3A_62 = arith.constant 0 : i32
      %scan3A_63 = arith.constant 0 : i32
      %scan3A_64 = arith.constant 5 : i32
      %scan3A_65 = arith.addi %scan3A_63, %scan3A_64 : i32
      %scan3A_66 = arith.constant 1 : i32
      %scan3A_67 = scf.for %scan3A_69 = %scan3A_63 to %scan3A_65 step %scan3A_66 iter_args(%scan3A_70 = %scan3A_62) -> (i32)  : i32 {
        %mul3A_71 = arith.constant 32 : i32
        %mul3A_72 = arith.muli %scan3A_69, %mul3A_71 : i32
        "tpu.region"() ({
          %run_scoped3A = tpu.sem_alloc : memref<!tpu.dma_semaphore, #tpu.memory_space<semaphore_mem>>
          %dma_start3A = arith.constant 0 : i32
          %dma_start3A_81 = tpu.memref_slice %arg2[%arg1, %mul3A_72, %dma_start3A] : memref<16x160x128xi32, #tpu.memory_space<hbm>> -> memref<1x32x128xi32, #tpu.memory_space<hbm>>
          %dma_start3A_82 = tpu.memref_squeeze %dma_start3A_81 : memref<1x32x128xi32, #tpu.memory_space<hbm>> -> memref<32x128xi32, #tpu.memory_space<hbm>>
          %dma_start3A_83 = arith.constant 0 : i32
          %dma_start3A_84 = tpu.memref_slice %arg2[%arg1, %mul3A_72, %dma_start3A_83] : memref<16x160x128xi32, #tpu.memory_space<hbm>> -> memref<1x32x128xi32, #tpu.memory_space<hbm>>
          %dma_start3A_85 = tpu.memref_squeeze %dma_start3A_84 : memref<1x32x128xi32, #tpu.memory_space<hbm>> -> memref<32x128xi32, #tpu.memory_space<hbm>>
          tpu.enqueue_dma source(%dma_start3A_85 : memref<32x128xi32, #tpu.memory_space<hbm>>) target(%arg5 : memref<32x128xi32, #tpu.memory_space<vmem>>) target_semaphore(%run_scoped3A : memref<!tpu.dma_semaphore, #tpu.memory_space<semaphore_mem>>)
          %dma_wait3A = arith.constant 0 : i32
          %dma_wait3A_86 = tpu.memref_slice %arg2[%arg1, %mul3A_72, %dma_wait3A] : memref<16x160x128xi32, #tpu.memory_space<hbm>> -> memref<1x32x128xi32, #tpu.memory_space<hbm>>
          %dma_wait3A_87 = tpu.memref_squeeze %dma_wait3A_86 : memref<1x32x128xi32, #tpu.memory_space<hbm>> -> memref<32x128xi32, #tpu.memory_space<hbm>>
          %dma_wait3A_88 = arith.constant 0 : i32
          %dma_wait3A_89 = tpu.memref_slice %arg2[%arg1, %mul3A_72, %dma_wait3A_88] : memref<16x160x128xi32, #tpu.memory_space<hbm>> -> memref<1x32x128xi32, #tpu.memory_space<hbm>>
          %dma_wait3A_90 = tpu.memref_squeeze %dma_wait3A_89 : memref<1x32x128xi32, #tpu.memory_space<hbm>> -> memref<32x128xi32, #tpu.memory_space<hbm>>
          tpu.wait_dma2 semaphore(%run_scoped3A : memref<!tpu.dma_semaphore, #tpu.memory_space<semaphore_mem>>) src(%dma_wait3A_90 : memref<32x128xi32, #tpu.memory_space<hbm>>) dst(%arg5 : memref<32x128xi32, #tpu.memory_space<vmem>>)
          tpu.yield
        }) : () -> ()
        %scan3A_73 = arith.constant 0 : i32
        %scan3A_74 = arith.constant 0 : i32
        %scan3A_75 = arith.constant 32 : i32
        %scan3A_76 = arith.addi %scan3A_74, %scan3A_75 : i32
        %scan3A_77 = arith.constant 1 : i32
        %scan3A_78 = scf.for %scan3A_81 = %scan3A_74 to %scan3A_76 step %scan3A_77 iter_args(%scan3A_82 = %scan3A_73) -> (i32)  : i32 {
          "tpu.region"() ({
            %run_scoped3A = tpu.sem_alloc : memref<!tpu.dma_semaphore, #tpu.memory_space<semaphore_mem>>
            %dma_start3A = arith.constant 0 : i32
            %dma_start3A_84 = tpu.memref_slice %arg5[%scan3A_81, %dma_start3A] : memref<32x128xi32, #tpu.memory_space<vmem>> -> memref<1x128xi32, #tpu.memory_space<vmem>>
            %dma_start3A_85 = tpu.memref_squeeze %dma_start3A_84 : memref<1x128xi32, #tpu.memory_space<vmem>> -> memref<128xi32, #tpu.memory_space<vmem>>
            %dma_start3A_86 = arith.constant 0 : i32
            %dma_start3A_87 = arith.constant 0 : i32
            %dma_start3A_88 = tpu.memref_slice %arg7[%dma_start3A_86, %dma_start3A_87] : memref<10112x128xf32, #tpu.memory_space<vmem_shared>> -> memref<10112x128xf32, #tpu.memory_space<vmem_shared>>
            tpu.enqueue_indirect_dma source(%arg6 : memref<128x128xf32, #tpu.memory_space<vmem>>) target(%dma_start3A_88 : memref<10112x128xf32, #tpu.memory_space<vmem_shared>>) offsets(%dma_start3A_85 : memref<128xi32, #tpu.memory_space<vmem>>) semaphore(%run_scoped3A : memref<!tpu.dma_semaphore, #tpu.memory_space<semaphore_mem>>) {add = true}
            %dma_wait3A = arith.constant 0 : i32
            %dma_wait3A_89 = tpu.memref_slice %arg5[%scan3A_81, %dma_wait3A] : memref<32x128xi32, #tpu.memory_space<vmem>> -> memref<1x128xi32, #tpu.memory_space<vmem>>
            %dma_wait3A_90 = tpu.memref_squeeze %dma_wait3A_89 : memref<1x128xi32, #tpu.memory_space<vmem>> -> memref<128xi32, #tpu.memory_space<vmem>>
            %dma_wait3A_91 = arith.constant 0 : i32
            %dma_wait3A_92 = arith.constant 0 : i32
            %dma_wait3A_93 = tpu.memref_slice %arg7[%dma_wait3A_91, %dma_wait3A_92] : memref<10112x128xf32, #tpu.memory_space<vmem_shared>> -> memref<10112x128xf32, #tpu.memory_space<vmem_shared>>
            tpu.wait_indirect_dma semaphore(%run_scoped3A : memref<!tpu.dma_semaphore, #tpu.memory_space<semaphore_mem>>) src(%arg6 : memref<128x128xf32, #tpu.memory_space<vmem>>) dst(%dma_wait3A_93 : memref<10112x128xf32, #tpu.memory_space<vmem_shared>>)
            tpu.yield
          }) : () -> ()
          %scan3A_83 = arith.constant 0 : i32
          scf.yield %scan3A_83 : i32
        }
        %scan3A_79 = arith.constant 32 : i32
        %scan3A_80 = arith.constant 0 : i32
        scf.yield %scan3A_80 : i32
      }
      %scan3A_68 = arith.constant 5 : i32
    } else {
    }
    %eq3A_36 = arith.constant 1 : i32
    %eq3A_37 = arith.cmpi eq, %arg0, %eq3A_36 : i32
    %convert_element_type3A_38 = arith.extui %eq3A_37 : i1 to i32
    %cond3A_39 = arith.constant 0 : i32
    %cond3A_40 = arith.cmpi ne, %convert_element_type3A_38, %cond3A_39 : i32
    scf.if %cond3A_40 {
      %scan3A_62 = arith.constant 0 : i32
      %scan3A_63 = arith.constant 0 : i32
      %scan3A_64 = arith.constant 5 : i32
      %scan3A_65 = arith.addi %scan3A_63, %scan3A_64 : i32
      %scan3A_66 = arith.constant 1 : i32
      %scan3A_67 = scf.for %scan3A_69 = %scan3A_63 to %scan3A_65 step %scan3A_66 iter_args(%scan3A_70 = %scan3A_62) -> (i32)  : i32 {
        %mul3A_71 = arith.constant 32 : i32
        %mul3A_72 = arith.muli %scan3A_69, %mul3A_71 : i32
        "tpu.region"() ({
          %run_scoped3A = tpu.sem_alloc : memref<!tpu.dma_semaphore, #tpu.memory_space<semaphore_mem>>
          %dma_start3A = arith.constant 0 : i32
          %dma_start3A_81 = tpu.memref_slice %arg3[%arg1, %mul3A_72, %dma_start3A] : memref<16x160x128xi32, #tpu.memory_space<hbm>> -> memref<1x32x128xi32, #tpu.memory_space<hbm>>
          %dma_start3A_82 = tpu.memref_squeeze %dma_start3A_81 : memref<1x32x128xi32, #tpu.memory_space<hbm>> -> memref<32x128xi32, #tpu.memory_space<hbm>>
          %dma_start3A_83 = arith.constant 0 : i32
          %dma_start3A_84 = tpu.memref_slice %arg3[%arg1, %mul3A_72, %dma_start3A_83] : memref<16x160x128xi32, #tpu.memory_space<hbm>> -> memref<1x32x128xi32, #tpu.memory_space<hbm>>
          %dma_start3A_85 = tpu.memref_squeeze %dma_start3A_84 : memref<1x32x128xi32, #tpu.memory_space<hbm>> -> memref<32x128xi32, #tpu.memory_space<hbm>>
          tpu.enqueue_dma source(%dma_start3A_85 : memref<32x128xi32, #tpu.memory_space<hbm>>) target(%arg5 : memref<32x128xi32, #tpu.memory_space<vmem>>) target_semaphore(%run_scoped3A : memref<!tpu.dma_semaphore, #tpu.memory_space<semaphore_mem>>)
          %dma_wait3A = arith.constant 0 : i32
          %dma_wait3A_86 = tpu.memref_slice %arg3[%arg1, %mul3A_72, %dma_wait3A] : memref<16x160x128xi32, #tpu.memory_space<hbm>> -> memref<1x32x128xi32, #tpu.memory_space<hbm>>
          %dma_wait3A_87 = tpu.memref_squeeze %dma_wait3A_86 : memref<1x32x128xi32, #tpu.memory_space<hbm>> -> memref<32x128xi32, #tpu.memory_space<hbm>>
          %dma_wait3A_88 = arith.constant 0 : i32
          %dma_wait3A_89 = tpu.memref_slice %arg3[%arg1, %mul3A_72, %dma_wait3A_88] : memref<16x160x128xi32, #tpu.memory_space<hbm>> -> memref<1x32x128xi32, #tpu.memory_space<hbm>>
          %dma_wait3A_90 = tpu.memref_squeeze %dma_wait3A_89 : memref<1x32x128xi32, #tpu.memory_space<hbm>> -> memref<32x128xi32, #tpu.memory_space<hbm>>
          tpu.wait_dma2 semaphore(%run_scoped3A : memref<!tpu.dma_semaphore, #tpu.memory_space<semaphore_mem>>) src(%dma_wait3A_90 : memref<32x128xi32, #tpu.memory_space<hbm>>) dst(%arg5 : memref<32x128xi32, #tpu.memory_space<vmem>>)
          tpu.yield
        }) : () -> ()
        %scan3A_73 = arith.constant 0 : i32
        %scan3A_74 = arith.constant 0 : i32
        %scan3A_75 = arith.constant 32 : i32
        %scan3A_76 = arith.addi %scan3A_74, %scan3A_75 : i32
        %scan3A_77 = arith.constant 1 : i32
        %scan3A_78 = scf.for %scan3A_81 = %scan3A_74 to %scan3A_76 step %scan3A_77 iter_args(%scan3A_82 = %scan3A_73) -> (i32)  : i32 {
          "tpu.region"() ({
            %run_scoped3A = tpu.sem_alloc : memref<!tpu.dma_semaphore, #tpu.memory_space<semaphore_mem>>
            %dma_start3A = arith.constant 0 : i32
            %dma_start3A_84 = tpu.memref_slice %arg5[%scan3A_81, %dma_start3A] : memref<32x128xi32, #tpu.memory_space<vmem>> -> memref<1x128xi32, #tpu.memory_space<vmem>>
            %dma_start3A_85 = tpu.memref_squeeze %dma_start3A_84 : memref<1x128xi32, #tpu.memory_space<vmem>> -> memref<128xi32, #tpu.memory_space<vmem>>
            %dma_start3A_86 = arith.constant 0 : i32
            %dma_start3A_87 = arith.constant 0 : i32
            %dma_start3A_88 = tpu.memref_slice %arg7[%dma_start3A_86, %dma_start3A_87] : memref<10112x128xf32, #tpu.memory_space<vmem_shared>> -> memref<10112x128xf32, #tpu.memory_space<vmem_shared>>
            tpu.enqueue_indirect_dma source(%arg6 : memref<128x128xf32, #tpu.memory_space<vmem>>) target(%dma_start3A_88 : memref<10112x128xf32, #tpu.memory_space<vmem_shared>>) offsets(%dma_start3A_85 : memref<128xi32, #tpu.memory_space<vmem>>) semaphore(%run_scoped3A : memref<!tpu.dma_semaphore, #tpu.memory_space<semaphore_mem>>) {add = true}
            %dma_wait3A = arith.constant 0 : i32
            %dma_wait3A_89 = tpu.memref_slice %arg5[%scan3A_81, %dma_wait3A] : memref<32x128xi32, #tpu.memory_space<vmem>> -> memref<1x128xi32, #tpu.memory_space<vmem>>
            %dma_wait3A_90 = tpu.memref_squeeze %dma_wait3A_89 : memref<1x128xi32, #tpu.memory_space<vmem>> -> memref<128xi32, #tpu.memory_space<vmem>>
            %dma_wait3A_91 = arith.constant 0 : i32
            %dma_wait3A_92 = arith.constant 0 : i32
            %dma_wait3A_93 = tpu.memref_slice %arg7[%dma_wait3A_91, %dma_wait3A_92] : memref<10112x128xf32, #tpu.memory_space<vmem_shared>> -> memref<10112x128xf32, #tpu.memory_space<vmem_shared>>
            tpu.wait_indirect_dma semaphore(%run_scoped3A : memref<!tpu.dma_semaphore, #tpu.memory_space<semaphore_mem>>) src(%arg6 : memref<128x128xf32, #tpu.memory_space<vmem>>) dst(%dma_wait3A_93 : memref<10112x128xf32, #tpu.memory_space<vmem_shared>>)
            tpu.yield
          }) : () -> ()
          %scan3A_83 = arith.constant 0 : i32
          scf.yield %scan3A_83 : i32
        }
        %scan3A_79 = arith.constant 32 : i32
        %scan3A_80 = arith.constant 0 : i32
        scf.yield %scan3A_80 : i32
      }
      %scan3A_68 = arith.constant 5 : i32
    } else {
    }
    %barrier3A_41 = arith.constant 0 : index
    tpu.barrier barrier_id(%barrier3A_41)
    %mul3A_42 = arith.constant 632 : i32
    %mul3A_43 = arith.muli %arg1, %mul3A_42 : i32
    %add3A_44 = arith.constant 0 : i32
    %add3A_45 = arith.addi %mul3A_43, %add3A_44 : i32
    "tpu.region"() ({
      %run_scoped3A = tpu.sem_alloc : memref<!tpu.dma_semaphore, #tpu.memory_space<semaphore_mem>>
      %dma_start3A = arith.constant 0 : i32
      %dma_start3A_62 = arith.constant 0 : i32
      %dma_start3A_63 = tpu.memref_slice %arg6[%dma_start3A, %dma_start3A_62] : memref<128x128xf32, #tpu.memory_space<vmem>> -> memref<128x128xf32, #tpu.memory_space<vmem>>
      %dma_start3A_64 = arith.constant 0 : i32
      %dma_start3A_65 = tpu.memref_slice %arg7[%add3A_45, %dma_start3A_64] : memref<10112x128xf32, #tpu.memory_space<vmem_shared>> -> memref<128x128xf32, #tpu.memory_space<vmem_shared>>
      %dma_start3A_66 = arith.constant 0 : i32
      %dma_start3A_67 = arith.constant 0 : i32
      %dma_start3A_68 = tpu.memref_slice %arg6[%dma_start3A_66, %dma_start3A_67] : memref<128x128xf32, #tpu.memory_space<vmem>> -> memref<128x128xf32, #tpu.memory_space<vmem>>
      %dma_start3A_69 = arith.constant 0 : i32
      %dma_start3A_70 = tpu.memref_slice %arg7[%add3A_45, %dma_start3A_69] : memref<10112x128xf32, #tpu.memory_space<vmem_shared>> -> memref<128x128xf32, #tpu.memory_space<vmem_shared>>
      tpu.enqueue_dma source(%dma_start3A_70 : memref<128x128xf32, #tpu.memory_space<vmem_shared>>) target(%dma_start3A_68 : memref<128x128xf32, #tpu.memory_space<vmem>>) target_semaphore(%run_scoped3A : memref<!tpu.dma_semaphore, #tpu.memory_space<semaphore_mem>>)
      %dma_wait3A = arith.constant 0 : i32
      %dma_wait3A_71 = arith.constant 0 : i32
      %dma_wait3A_72 = tpu.memref_slice %arg6[%dma_wait3A, %dma_wait3A_71] : memref<128x128xf32, #tpu.memory_space<vmem>> -> memref<128x128xf32, #tpu.memory_space<vmem>>
      %dma_wait3A_73 = arith.constant 0 : i32
      %dma_wait3A_74 = tpu.memref_slice %arg7[%add3A_45, %dma_wait3A_73] : memref<10112x128xf32, #tpu.memory_space<vmem_shared>> -> memref<128x128xf32, #tpu.memory_space<vmem_shared>>
      %dma_wait3A_75 = arith.constant 0 : i32
      %dma_wait3A_76 = arith.constant 0 : i32
      %dma_wait3A_77 = tpu.memref_slice %arg6[%dma_wait3A_75, %dma_wait3A_76] : memref<128x128xf32, #tpu.memory_space<vmem>> -> memref<128x128xf32, #tpu.memory_space<vmem>>
      %dma_wait3A_78 = arith.constant 0 : i32
      %dma_wait3A_79 = tpu.memref_slice %arg7[%add3A_45, %dma_wait3A_78] : memref<10112x128xf32, #tpu.memory_space<vmem_shared>> -> memref<128x128xf32, #tpu.memory_space<vmem_shared>>
      tpu.wait_dma2 semaphore(%run_scoped3A : memref<!tpu.dma_semaphore, #tpu.memory_space<semaphore_mem>>) src(%dma_wait3A_79 : memref<128x128xf32, #tpu.memory_space<vmem_shared>>) dst(%dma_wait3A_77 : memref<128x128xf32, #tpu.memory_space<vmem>>)
      tpu.yield
    }) : () -> ()
    "tpu.region"() ({
      %run_scoped3A = tpu.sem_alloc : memref<!tpu.dma_semaphore, #tpu.memory_space<semaphore_mem>>
      %dma_start3A = arith.constant 0 : i32
      %dma_start3A_62 = arith.constant 0 : i32
      %dma_start3A_63 = tpu.memref_slice %arg6[%dma_start3A, %dma_start3A_62] : memref<128x128xf32, #tpu.memory_space<vmem>> -> memref<128x128xf32, #tpu.memory_space<vmem>>
      %dma_start3A_64 = arith.constant 0 : i32
      %dma_start3A_65 = tpu.memref_slice %arg4[%arg0, %add3A_45, %dma_start3A_64] : memref<2x10112x128xf32, #tpu.memory_space<hbm>> -> memref<1x128x128xf32, #tpu.memory_space<hbm>>
      %dma_start3A_66 = tpu.memref_squeeze %dma_start3A_65 : memref<1x128x128xf32, #tpu.memory_space<hbm>> -> memref<128x128xf32, #tpu.memory_space<hbm>>
      %dma_start3A_67 = arith.constant 0 : i32
      %dma_start3A_68 = tpu.memref_slice %arg4[%arg0, %add3A_45, %dma_start3A_67] : memref<2x10112x128xf32, #tpu.memory_space<hbm>> -> memref<1x128x128xf32, #tpu.memory_space<hbm>>
      %dma_start3A_69 = tpu.memref_squeeze %dma_start3A_68 : memref<1x128x128xf32, #tpu.memory_space<hbm>> -> memref<128x128xf32, #tpu.memory_space<hbm>>
      %dma_start3A_70 = arith.constant 0 : i32
      %dma_start3A_71 = arith.constant 0 : i32
      %dma_start3A_72 = tpu.memref_slice %arg6[%dma_start3A_70, %dma_start3A_71] : memref<128x128xf32, #tpu.memory_space<vmem>> -> memref<128x128xf32, #tpu.memory_space<vmem>>
      tpu.enqueue_dma source(%dma_start3A_72 : memref<128x128xf32, #tpu.memory_space<vmem>>) target(%dma_start3A_69 : memref<128x128xf32, #tpu.memory_space<hbm>>) target_semaphore(%run_scoped3A : memref<!tpu.dma_semaphore, #tpu.memory_space<semaphore_mem>>)
      %dma_wait3A = arith.constant 0 : i32
      %dma_wait3A_73 = arith.constant 0 : i32
      %dma_wait3A_74 = tpu.memref_slice %arg6[%dma_wait3A, %dma_wait3A_73] : memref<128x128xf32, #tpu.memory_space<vmem>> -> memref<128x128xf32, #tpu.memory_space<vmem>>
      %dma_wait3A_75 = arith.constant 0 : i32
      %dma_wait3A_76 = tpu.memref_slice %arg4[%arg0, %add3A_45, %dma_wait3A_75] : memref<2x10112x128xf32, #tpu.memory_space<hbm>> -> memref<1x128x128xf32, #tpu.memory_space<hbm>>
      %dma_wait3A_77 = tpu.memref_squeeze %dma_wait3A_76 : memref<1x128x128xf32, #tpu.memory_space<hbm>> -> memref<128x128xf32, #tpu.memory_space<hbm>>
      %dma_wait3A_78 = arith.constant 0 : i32
      %dma_wait3A_79 = tpu.memref_slice %arg4[%arg0, %add3A_45, %dma_wait3A_78] : memref<2x10112x128xf32, #tpu.memory_space<hbm>> -> memref<1x128x128xf32, #tpu.memory_space<hbm>>
      %dma_wait3A_80 = tpu.memref_squeeze %dma_wait3A_79 : memref<1x128x128xf32, #tpu.memory_space<hbm>> -> memref<128x128xf32, #tpu.memory_space<hbm>>
      %dma_wait3A_81 = arith.constant 0 : i32
      %dma_wait3A_82 = arith.constant 0 : i32
      %dma_wait3A_83 = tpu.memref_slice %arg6[%dma_wait3A_81, %dma_wait3A_82] : memref<128x128xf32, #tpu.memory_space<vmem>> -> memref<128x128xf32, #tpu.memory_space<vmem>>
      tpu.wait_dma2 semaphore(%run_scoped3A : memref<!tpu.dma_semaphore, #tpu.memory_space<semaphore_mem>>) src(%dma_wait3A_83 : memref<128x128xf32, #tpu.memory_space<vmem>>) dst(%dma_wait3A_80 : memref<128x128xf32, #tpu.memory_space<hbm>>)
      tpu.yield
    }) : () -> ()
    %mul3A_46 = arith.constant 632 : i32
    %mul3A_47 = arith.muli %arg1, %mul3A_46 : i32
    %add3A_48 = arith.constant 128 : i32
    %add3A_49 = arith.addi %mul3A_47, %add3A_48 : i32
    "tpu.region"() ({
      %run_scoped3A = tpu.sem_alloc : memref<!tpu.dma_semaphore, #tpu.memory_space<semaphore_mem>>
      %dma_start3A = arith.constant 0 : i32
      %dma_start3A_62 = arith.constant 0 : i32
      %dma_start3A_63 = tpu.memref_slice %arg6[%dma_start3A, %dma_start3A_62] : memref<128x128xf32, #tpu.memory_space<vmem>> -> memref<128x128xf32, #tpu.memory_space<vmem>>
      %dma_start3A_64 = arith.constant 0 : i32
      %dma_start3A_65 = tpu.memref_slice %arg7[%add3A_49, %dma_start3A_64] : memref<10112x128xf32, #tpu.memory_space<vmem_shared>> -> memref<128x128xf32, #tpu.memory_space<vmem_shared>>
      %dma_start3A_66 = arith.constant 0 : i32
      %dma_start3A_67 = arith.constant 0 : i32
      %dma_start3A_68 = tpu.memref_slice %arg6[%dma_start3A_66, %dma_start3A_67] : memref<128x128xf32, #tpu.memory_space<vmem>> -> memref<128x128xf32, #tpu.memory_space<vmem>>
      %dma_start3A_69 = arith.constant 0 : i32
      %dma_start3A_70 = tpu.memref_slice %arg7[%add3A_49, %dma_start3A_69] : memref<10112x128xf32, #tpu.memory_space<vmem_shared>> -> memref<128x128xf32, #tpu.memory_space<vmem_shared>>
      tpu.enqueue_dma source(%dma_start3A_70 : memref<128x128xf32, #tpu.memory_space<vmem_shared>>) target(%dma_start3A_68 : memref<128x128xf32, #tpu.memory_space<vmem>>) target_semaphore(%run_scoped3A : memref<!tpu.dma_semaphore, #tpu.memory_space<semaphore_mem>>)
      %dma_wait3A = arith.constant 0 : i32
      %dma_wait3A_71 = arith.constant 0 : i32
      %dma_wait3A_72 = tpu.memref_slice %arg6[%dma_wait3A, %dma_wait3A_71] : memref<128x128xf32, #tpu.memory_space<vmem>> -> memref<128x128xf32, #tpu.memory_space<vmem>>
      %dma_wait3A_73 = arith.constant 0 : i32
      %dma_wait3A_74 = tpu.memref_slice %arg7[%add3A_49, %dma_wait3A_73] : memref<10112x128xf32, #tpu.memory_space<vmem_shared>> -> memref<128x128xf32, #tpu.memory_space<vmem_shared>>
      %dma_wait3A_75 = arith.constant 0 : i32
      %dma_wait3A_76 = arith.constant 0 : i32
      %dma_wait3A_77 = tpu.memref_slice %arg6[%dma_wait3A_75, %dma_wait3A_76] : memref<128x128xf32, #tpu.memory_space<vmem>> -> memref<128x128xf32, #tpu.memory_space<vmem>>
      %dma_wait3A_78 = arith.constant 0 : i32
      %dma_wait3A_79 = tpu.memref_slice %arg7[%add3A_49, %dma_wait3A_78] : memref<10112x128xf32, #tpu.memory_space<vmem_shared>> -> memref<128x128xf32, #tpu.memory_space<vmem_shared>>
      tpu.wait_dma2 semaphore(%run_scoped3A : memref<!tpu.dma_semaphore, #tpu.memory_space<semaphore_mem>>) src(%dma_wait3A_79 : memref<128x128xf32, #tpu.memory_space<vmem_shared>>) dst(%dma_wait3A_77 : memref<128x128xf32, #tpu.memory_space<vmem>>)
      tpu.yield
    }) : () -> ()
    "tpu.region"() ({
      %run_scoped3A = tpu.sem_alloc : memref<!tpu.dma_semaphore, #tpu.memory_space<semaphore_mem>>
      %dma_start3A = arith.constant 0 : i32
      %dma_start3A_62 = arith.constant 0 : i32
      %dma_start3A_63 = tpu.memref_slice %arg6[%dma_start3A, %dma_start3A_62] : memref<128x128xf32, #tpu.memory_space<vmem>> -> memref<128x128xf32, #tpu.memory_space<vmem>>
      %dma_start3A_64 = arith.constant 0 : i32
      %dma_start3A_65 = tpu.memref_slice %arg4[%arg0, %add3A_49, %dma_start3A_64] : memref<2x10112x128xf32, #tpu.memory_space<hbm>> -> memref<1x128x128xf32, #tpu.memory_space<hbm>>
      %dma_start3A_66 = tpu.memref_squeeze %dma_start3A_65 : memref<1x128x128xf32, #tpu.memory_space<hbm>> -> memref<128x128xf32, #tpu.memory_space<hbm>>
      %dma_start3A_67 = arith.constant 0 : i32
      %dma_start3A_68 = tpu.memref_slice %arg4[%arg0, %add3A_49, %dma_start3A_67] : memref<2x10112x128xf32, #tpu.memory_space<hbm>> -> memref<1x128x128xf32, #tpu.memory_space<hbm>>
      %dma_start3A_69 = tpu.memref_squeeze %dma_start3A_68 : memref<1x128x128xf32, #tpu.memory_space<hbm>> -> memref<128x128xf32, #tpu.memory_space<hbm>>
      %dma_start3A_70 = arith.constant 0 : i32
      %dma_start3A_71 = arith.constant 0 : i32
      %dma_start3A_72 = tpu.memref_slice %arg6[%dma_start3A_70, %dma_start3A_71] : memref<128x128xf32, #tpu.memory_space<vmem>> -> memref<128x128xf32, #tpu.memory_space<vmem>>
      tpu.enqueue_dma source(%dma_start3A_72 : memref<128x128xf32, #tpu.memory_space<vmem>>) target(%dma_start3A_69 : memref<128x128xf32, #tpu.memory_space<hbm>>) target_semaphore(%run_scoped3A : memref<!tpu.dma_semaphore, #tpu.memory_space<semaphore_mem>>)
      %dma_wait3A = arith.constant 0 : i32
      %dma_wait3A_73 = arith.constant 0 : i32
      %dma_wait3A_74 = tpu.memref_slice %arg6[%dma_wait3A, %dma_wait3A_73] : memref<128x128xf32, #tpu.memory_space<vmem>> -> memref<128x128xf32, #tpu.memory_space<vmem>>
      %dma_wait3A_75 = arith.constant 0 : i32
      %dma_wait3A_76 = tpu.memref_slice %arg4[%arg0, %add3A_49, %dma_wait3A_75] : memref<2x10112x128xf32, #tpu.memory_space<hbm>> -> memref<1x128x128xf32, #tpu.memory_space<hbm>>
      %dma_wait3A_77 = tpu.memref_squeeze %dma_wait3A_76 : memref<1x128x128xf32, #tpu.memory_space<hbm>> -> memref<128x128xf32, #tpu.memory_space<hbm>>
      %dma_wait3A_78 = arith.constant 0 : i32
      %dma_wait3A_79 = tpu.memref_slice %arg4[%arg0, %add3A_49, %dma_wait3A_78] : memref<2x10112x128xf32, #tpu.memory_space<hbm>> -> memref<1x128x128xf32, #tpu.memory_space<hbm>>
      %dma_wait3A_80 = tpu.memref_squeeze %dma_wait3A_79 : memref<1x128x128xf32, #tpu.memory_space<hbm>> -> memref<128x128xf32, #tpu.memory_space<hbm>>
      %dma_wait3A_81 = arith.constant 0 : i32
      %dma_wait3A_82 = arith.constant 0 : i32
      %dma_wait3A_83 = tpu.memref_slice %arg6[%dma_wait3A_81, %dma_wait3A_82] : memref<128x128xf32, #tpu.memory_space<vmem>> -> memref<128x128xf32, #tpu.memory_space<vmem>>
      tpu.wait_dma2 semaphore(%run_scoped3A : memref<!tpu.dma_semaphore, #tpu.memory_space<semaphore_mem>>) src(%dma_wait3A_83 : memref<128x128xf32, #tpu.memory_space<vmem>>) dst(%dma_wait3A_80 : memref<128x128xf32, #tpu.memory_space<hbm>>)
      tpu.yield
    }) : () -> ()
    %mul3A_50 = arith.constant 632 : i32
    %mul3A_51 = arith.muli %arg1, %mul3A_50 : i32
    %add3A_52 = arith.constant 256 : i32
    %add3A_53 = arith.addi %mul3A_51, %add3A_52 : i32
    "tpu.region"() ({
      %run_scoped3A = tpu.sem_alloc : memref<!tpu.dma_semaphore, #tpu.memory_space<semaphore_mem>>
      %dma_start3A = arith.constant 0 : i32
      %dma_start3A_62 = arith.constant 0 : i32
      %dma_start3A_63 = tpu.memref_slice %arg6[%dma_start3A, %dma_start3A_62] : memref<128x128xf32, #tpu.memory_space<vmem>> -> memref<128x128xf32, #tpu.memory_space<vmem>>
      %dma_start3A_64 = arith.constant 0 : i32
      %dma_start3A_65 = tpu.memref_slice %arg7[%add3A_53, %dma_start3A_64] : memref<10112x128xf32, #tpu.memory_space<vmem_shared>> -> memref<128x128xf32, #tpu.memory_space<vmem_shared>>
      %dma_start3A_66 = arith.constant 0 : i32
      %dma_start3A_67 = arith.constant 0 : i32
      %dma_start3A_68 = tpu.memref_slice %arg6[%dma_start3A_66, %dma_start3A_67] : memref<128x128xf32, #tpu.memory_space<vmem>> -> memref<128x128xf32, #tpu.memory_space<vmem>>
      %dma_start3A_69 = arith.constant 0 : i32
      %dma_start3A_70 = tpu.memref_slice %arg7[%add3A_53, %dma_start3A_69] : memref<10112x128xf32, #tpu.memory_space<vmem_shared>> -> memref<128x128xf32, #tpu.memory_space<vmem_shared>>
      tpu.enqueue_dma source(%dma_start3A_70 : memref<128x128xf32, #tpu.memory_space<vmem_shared>>) target(%dma_start3A_68 : memref<128x128xf32, #tpu.memory_space<vmem>>) target_semaphore(%run_scoped3A : memref<!tpu.dma_semaphore, #tpu.memory_space<semaphore_mem>>)
      %dma_wait3A = arith.constant 0 : i32
      %dma_wait3A_71 = arith.constant 0 : i32
      %dma_wait3A_72 = tpu.memref_slice %arg6[%dma_wait3A, %dma_wait3A_71] : memref<128x128xf32, #tpu.memory_space<vmem>> -> memref<128x128xf32, #tpu.memory_space<vmem>>
      %dma_wait3A_73 = arith.constant 0 : i32
      %dma_wait3A_74 = tpu.memref_slice %arg7[%add3A_53, %dma_wait3A_73] : memref<10112x128xf32, #tpu.memory_space<vmem_shared>> -> memref<128x128xf32, #tpu.memory_space<vmem_shared>>
      %dma_wait3A_75 = arith.constant 0 : i32
      %dma_wait3A_76 = arith.constant 0 : i32
      %dma_wait3A_77 = tpu.memref_slice %arg6[%dma_wait3A_75, %dma_wait3A_76] : memref<128x128xf32, #tpu.memory_space<vmem>> -> memref<128x128xf32, #tpu.memory_space<vmem>>
      %dma_wait3A_78 = arith.constant 0 : i32
      %dma_wait3A_79 = tpu.memref_slice %arg7[%add3A_53, %dma_wait3A_78] : memref<10112x128xf32, #tpu.memory_space<vmem_shared>> -> memref<128x128xf32, #tpu.memory_space<vmem_shared>>
      tpu.wait_dma2 semaphore(%run_scoped3A : memref<!tpu.dma_semaphore, #tpu.memory_space<semaphore_mem>>) src(%dma_wait3A_79 : memref<128x128xf32, #tpu.memory_space<vmem_shared>>) dst(%dma_wait3A_77 : memref<128x128xf32, #tpu.memory_space<vmem>>)
      tpu.yield
    }) : () -> ()
    "tpu.region"() ({
      %run_scoped3A = tpu.sem_alloc : memref<!tpu.dma_semaphore, #tpu.memory_space<semaphore_mem>>
      %dma_start3A = arith.constant 0 : i32
      %dma_start3A_62 = arith.constant 0 : i32
      %dma_start3A_63 = tpu.memref_slice %arg6[%dma_start3A, %dma_start3A_62] : memref<128x128xf32, #tpu.memory_space<vmem>> -> memref<128x128xf32, #tpu.memory_space<vmem>>
      %dma_start3A_64 = arith.constant 0 : i32
      %dma_start3A_65 = tpu.memref_slice %arg4[%arg0, %add3A_53, %dma_start3A_64] : memref<2x10112x128xf32, #tpu.memory_space<hbm>> -> memref<1x128x128xf32, #tpu.memory_space<hbm>>
      %dma_start3A_66 = tpu.memref_squeeze %dma_start3A_65 : memref<1x128x128xf32, #tpu.memory_space<hbm>> -> memref<128x128xf32, #tpu.memory_space<hbm>>
      %dma_start3A_67 = arith.constant 0 : i32
      %dma_start3A_68 = tpu.memref_slice %arg4[%arg0, %add3A_53, %dma_start3A_67] : memref<2x10112x128xf32, #tpu.memory_space<hbm>> -> memref<1x128x128xf32, #tpu.memory_space<hbm>>
      %dma_start3A_69 = tpu.memref_squeeze %dma_start3A_68 : memref<1x128x128xf32, #tpu.memory_space<hbm>> -> memref<128x128xf32, #tpu.memory_space<hbm>>
      %dma_start3A_70 = arith.constant 0 : i32
      %dma_start3A_71 = arith.constant 0 : i32
      %dma_start3A_72 = tpu.memref_slice %arg6[%dma_start3A_70, %dma_start3A_71] : memref<128x128xf32, #tpu.memory_space<vmem>> -> memref<128x128xf32, #tpu.memory_space<vmem>>
      tpu.enqueue_dma source(%dma_start3A_72 : memref<128x128xf32, #tpu.memory_space<vmem>>) target(%dma_start3A_69 : memref<128x128xf32, #tpu.memory_space<hbm>>) target_semaphore(%run_scoped3A : memref<!tpu.dma_semaphore, #tpu.memory_space<semaphore_mem>>)
      %dma_wait3A = arith.constant 0 : i32
      %dma_wait3A_73 = arith.constant 0 : i32
      %dma_wait3A_74 = tpu.memref_slice %arg6[%dma_wait3A, %dma_wait3A_73] : memref<128x128xf32, #tpu.memory_space<vmem>> -> memref<128x128xf32, #tpu.memory_space<vmem>>
      %dma_wait3A_75 = arith.constant 0 : i32
      %dma_wait3A_76 = tpu.memref_slice %arg4[%arg0, %add3A_53, %dma_wait3A_75] : memref<2x10112x128xf32, #tpu.memory_space<hbm>> -> memref<1x128x128xf32, #tpu.memory_space<hbm>>
      %dma_wait3A_77 = tpu.memref_squeeze %dma_wait3A_76 : memref<1x128x128xf32, #tpu.memory_space<hbm>> -> memref<128x128xf32, #tpu.memory_space<hbm>>
      %dma_wait3A_78 = arith.constant 0 : i32
      %dma_wait3A_79 = tpu.memref_slice %arg4[%arg0, %add3A_53, %dma_wait3A_78] : memref<2x10112x128xf32, #tpu.memory_space<hbm>> -> memref<1x128x128xf32, #tpu.memory_space<hbm>>
      %dma_wait3A_80 = tpu.memref_squeeze %dma_wait3A_79 : memref<1x128x128xf32, #tpu.memory_space<hbm>> -> memref<128x128xf32, #tpu.memory_space<hbm>>
      %dma_wait3A_81 = arith.constant 0 : i32
      %dma_wait3A_82 = arith.constant 0 : i32
      %dma_wait3A_83 = tpu.memref_slice %arg6[%dma_wait3A_81, %dma_wait3A_82] : memref<128x128xf32, #tpu.memory_space<vmem>> -> memref<128x128xf32, #tpu.memory_space<vmem>>
      tpu.wait_dma2 semaphore(%run_scoped3A : memref<!tpu.dma_semaphore, #tpu.memory_space<semaphore_mem>>) src(%dma_wait3A_83 : memref<128x128xf32, #tpu.memory_space<vmem>>) dst(%dma_wait3A_80 : memref<128x128xf32, #tpu.memory_space<hbm>>)
      tpu.yield
    }) : () -> ()
    %mul3A_54 = arith.constant 632 : i32
    %mul3A_55 = arith.muli %arg1, %mul3A_54 : i32
    %add3A_56 = arith.constant 384 : i32
    %add3A_57 = arith.addi %mul3A_55, %add3A_56 : i32
    "tpu.region"() ({
      %run_scoped3A = tpu.sem_alloc : memref<!tpu.dma_semaphore, #tpu.memory_space<semaphore_mem>>
      %dma_start3A = arith.constant 0 : i32
      %dma_start3A_62 = arith.constant 0 : i32
      %dma_start3A_63 = tpu.memref_slice %arg6[%dma_start3A, %dma_start3A_62] : memref<128x128xf32, #tpu.memory_space<vmem>> -> memref<128x128xf32, #tpu.memory_space<vmem>>
      %dma_start3A_64 = arith.constant 0 : i32
      %dma_start3A_65 = tpu.memref_slice %arg7[%add3A_57, %dma_start3A_64] : memref<10112x128xf32, #tpu.memory_space<vmem_shared>> -> memref<128x128xf32, #tpu.memory_space<vmem_shared>>
      %dma_start3A_66 = arith.constant 0 : i32
      %dma_start3A_67 = arith.constant 0 : i32
      %dma_start3A_68 = tpu.memref_slice %arg6[%dma_start3A_66, %dma_start3A_67] : memref<128x128xf32, #tpu.memory_space<vmem>> -> memref<128x128xf32, #tpu.memory_space<vmem>>
      %dma_start3A_69 = arith.constant 0 : i32
      %dma_start3A_70 = tpu.memref_slice %arg7[%add3A_57, %dma_start3A_69] : memref<10112x128xf32, #tpu.memory_space<vmem_shared>> -> memref<128x128xf32, #tpu.memory_space<vmem_shared>>
      tpu.enqueue_dma source(%dma_start3A_70 : memref<128x128xf32, #tpu.memory_space<vmem_shared>>) target(%dma_start3A_68 : memref<128x128xf32, #tpu.memory_space<vmem>>) target_semaphore(%run_scoped3A : memref<!tpu.dma_semaphore, #tpu.memory_space<semaphore_mem>>)
      %dma_wait3A = arith.constant 0 : i32
      %dma_wait3A_71 = arith.constant 0 : i32
      %dma_wait3A_72 = tpu.memref_slice %arg6[%dma_wait3A, %dma_wait3A_71] : memref<128x128xf32, #tpu.memory_space<vmem>> -> memref<128x128xf32, #tpu.memory_space<vmem>>
      %dma_wait3A_73 = arith.constant 0 : i32
      %dma_wait3A_74 = tpu.memref_slice %arg7[%add3A_57, %dma_wait3A_73] : memref<10112x128xf32, #tpu.memory_space<vmem_shared>> -> memref<128x128xf32, #tpu.memory_space<vmem_shared>>
      %dma_wait3A_75 = arith.constant 0 : i32
      %dma_wait3A_76 = arith.constant 0 : i32
      %dma_wait3A_77 = tpu.memref_slice %arg6[%dma_wait3A_75, %dma_wait3A_76] : memref<128x128xf32, #tpu.memory_space<vmem>> -> memref<128x128xf32, #tpu.memory_space<vmem>>
      %dma_wait3A_78 = arith.constant 0 : i32
      %dma_wait3A_79 = tpu.memref_slice %arg7[%add3A_57, %dma_wait3A_78] : memref<10112x128xf32, #tpu.memory_space<vmem_shared>> -> memref<128x128xf32, #tpu.memory_space<vmem_shared>>
      tpu.wait_dma2 semaphore(%run_scoped3A : memref<!tpu.dma_semaphore, #tpu.memory_space<semaphore_mem>>) src(%dma_wait3A_79 : memref<128x128xf32, #tpu.memory_space<vmem_shared>>) dst(%dma_wait3A_77 : memref<128x128xf32, #tpu.memory_space<vmem>>)
      tpu.yield
    }) : () -> ()
    "tpu.region"() ({
      %run_scoped3A = tpu.sem_alloc : memref<!tpu.dma_semaphore, #tpu.memory_space<semaphore_mem>>
      %dma_start3A = arith.constant 0 : i32
      %dma_start3A_62 = arith.constant 0 : i32
      %dma_start3A_63 = tpu.memref_slice %arg6[%dma_start3A, %dma_start3A_62] : memref<128x128xf32, #tpu.memory_space<vmem>> -> memref<128x128xf32, #tpu.memory_space<vmem>>
      %dma_start3A_64 = arith.constant 0 : i32
      %dma_start3A_65 = tpu.memref_slice %arg4[%arg0, %add3A_57, %dma_start3A_64] : memref<2x10112x128xf32, #tpu.memory_space<hbm>> -> memref<1x128x128xf32, #tpu.memory_space<hbm>>
      %dma_start3A_66 = tpu.memref_squeeze %dma_start3A_65 : memref<1x128x128xf32, #tpu.memory_space<hbm>> -> memref<128x128xf32, #tpu.memory_space<hbm>>
      %dma_start3A_67 = arith.constant 0 : i32
      %dma_start3A_68 = tpu.memref_slice %arg4[%arg0, %add3A_57, %dma_start3A_67] : memref<2x10112x128xf32, #tpu.memory_space<hbm>> -> memref<1x128x128xf32, #tpu.memory_space<hbm>>
      %dma_start3A_69 = tpu.memref_squeeze %dma_start3A_68 : memref<1x128x128xf32, #tpu.memory_space<hbm>> -> memref<128x128xf32, #tpu.memory_space<hbm>>
      %dma_start3A_70 = arith.constant 0 : i32
      %dma_start3A_71 = arith.constant 0 : i32
      %dma_start3A_72 = tpu.memref_slice %arg6[%dma_start3A_70, %dma_start3A_71] : memref<128x128xf32, #tpu.memory_space<vmem>> -> memref<128x128xf32, #tpu.memory_space<vmem>>
      tpu.enqueue_dma source(%dma_start3A_72 : memref<128x128xf32, #tpu.memory_space<vmem>>) target(%dma_start3A_69 : memref<128x128xf32, #tpu.memory_space<hbm>>) target_semaphore(%run_scoped3A : memref<!tpu.dma_semaphore, #tpu.memory_space<semaphore_mem>>)
      %dma_wait3A = arith.constant 0 : i32
      %dma_wait3A_73 = arith.constant 0 : i32
      %dma_wait3A_74 = tpu.memref_slice %arg6[%dma_wait3A, %dma_wait3A_73] : memref<128x128xf32, #tpu.memory_space<vmem>> -> memref<128x128xf32, #tpu.memory_space<vmem>>
      %dma_wait3A_75 = arith.constant 0 : i32
      %dma_wait3A_76 = tpu.memref_slice %arg4[%arg0, %add3A_57, %dma_wait3A_75] : memref<2x10112x128xf32, #tpu.memory_space<hbm>> -> memref<1x128x128xf32, #tpu.memory_space<hbm>>
      %dma_wait3A_77 = tpu.memref_squeeze %dma_wait3A_76 : memref<1x128x128xf32, #tpu.memory_space<hbm>> -> memref<128x128xf32, #tpu.memory_space<hbm>>
      %dma_wait3A_78 = arith.constant 0 : i32
      %dma_wait3A_79 = tpu.memref_slice %arg4[%arg0, %add3A_57, %dma_wait3A_78] : memref<2x10112x128xf32, #tpu.memory_space<hbm>> -> memref<1x128x128xf32, #tpu.memory_space<hbm>>
      %dma_wait3A_80 = tpu.memref_squeeze %dma_wait3A_79 : memref<1x128x128xf32, #tpu.memory_space<hbm>> -> memref<128x128xf32, #tpu.memory_space<hbm>>
      %dma_wait3A_81 = arith.constant 0 : i32
      %dma_wait3A_82 = arith.constant 0 : i32
      %dma_wait3A_83 = tpu.memref_slice %arg6[%dma_wait3A_81, %dma_wait3A_82] : memref<128x128xf32, #tpu.memory_space<vmem>> -> memref<128x128xf32, #tpu.memory_space<vmem>>
      tpu.wait_dma2 semaphore(%run_scoped3A : memref<!tpu.dma_semaphore, #tpu.memory_space<semaphore_mem>>) src(%dma_wait3A_83 : memref<128x128xf32, #tpu.memory_space<vmem>>) dst(%dma_wait3A_80 : memref<128x128xf32, #tpu.memory_space<hbm>>)
      tpu.yield
    }) : () -> ()
    %mul3A_58 = arith.constant 632 : i32
    %mul3A_59 = arith.muli %arg1, %mul3A_58 : i32
    %add3A_60 = arith.constant 512 : i32
    %add3A_61 = arith.addi %mul3A_59, %add3A_60 : i32
    "tpu.region"() ({
      %run_scoped3A = tpu.sem_alloc : memref<!tpu.dma_semaphore, #tpu.memory_space<semaphore_mem>>
      %dma_start3A = arith.constant 0 : i32
      %dma_start3A_62 = arith.constant 0 : i32
      %dma_start3A_63 = tpu.memref_slice %arg6[%dma_start3A, %dma_start3A_62] : memref<128x128xf32, #tpu.memory_space<vmem>> -> memref<120x128xf32, #tpu.memory_space<vmem>>
      %dma_start3A_64 = arith.constant 0 : i32
      %dma_start3A_65 = tpu.memref_slice %arg7[%add3A_61, %dma_start3A_64] : memref<10112x128xf32, #tpu.memory_space<vmem_shared>> -> memref<120x128xf32, #tpu.memory_space<vmem_shared>>
      %dma_start3A_66 = arith.constant 0 : i32
      %dma_start3A_67 = arith.constant 0 : i32
      %dma_start3A_68 = tpu.memref_slice %arg6[%dma_start3A_66, %dma_start3A_67] : memref<128x128xf32, #tpu.memory_space<vmem>> -> memref<120x128xf32, #tpu.memory_space<vmem>>
      %dma_start3A_69 = arith.constant 0 : i32
      %dma_start3A_70 = tpu.memref_slice %arg7[%add3A_61, %dma_start3A_69] : memref<10112x128xf32, #tpu.memory_space<vmem_shared>> -> memref<120x128xf32, #tpu.memory_space<vmem_shared>>
      tpu.enqueue_dma source(%dma_start3A_70 : memref<120x128xf32, #tpu.memory_space<vmem_shared>>) target(%dma_start3A_68 : memref<120x128xf32, #tpu.memory_space<vmem>>) target_semaphore(%run_scoped3A : memref<!tpu.dma_semaphore, #tpu.memory_space<semaphore_mem>>)
      %dma_wait3A = arith.constant 0 : i32
      %dma_wait3A_71 = arith.constant 0 : i32
      %dma_wait3A_72 = tpu.memref_slice %arg6[%dma_wait3A, %dma_wait3A_71] : memref<128x128xf32, #tpu.memory_space<vmem>> -> memref<120x128xf32, #tpu.memory_space<vmem>>
      %dma_wait3A_73 = arith.constant 0 : i32
      %dma_wait3A_74 = tpu.memref_slice %arg7[%add3A_61, %dma_wait3A_73] : memref<10112x128xf32, #tpu.memory_space<vmem_shared>> -> memref<120x128xf32, #tpu.memory_space<vmem_shared>>
      %dma_wait3A_75 = arith.constant 0 : i32
      %dma_wait3A_76 = arith.constant 0 : i32
      %dma_wait3A_77 = tpu.memref_slice %arg6[%dma_wait3A_75, %dma_wait3A_76] : memref<128x128xf32, #tpu.memory_space<vmem>> -> memref<120x128xf32, #tpu.memory_space<vmem>>
      %dma_wait3A_78 = arith.constant 0 : i32
      %dma_wait3A_79 = tpu.memref_slice %arg7[%add3A_61, %dma_wait3A_78] : memref<10112x128xf32, #tpu.memory_space<vmem_shared>> -> memref<120x128xf32, #tpu.memory_space<vmem_shared>>
      tpu.wait_dma2 semaphore(%run_scoped3A : memref<!tpu.dma_semaphore, #tpu.memory_space<semaphore_mem>>) src(%dma_wait3A_79 : memref<120x128xf32, #tpu.memory_space<vmem_shared>>) dst(%dma_wait3A_77 : memref<120x128xf32, #tpu.memory_space<vmem>>)
      tpu.yield
    }) : () -> ()
    "tpu.region"() ({
      %run_scoped3A = tpu.sem_alloc : memref<!tpu.dma_semaphore, #tpu.memory_space<semaphore_mem>>
      %dma_start3A = arith.constant 0 : i32
      %dma_start3A_62 = arith.constant 0 : i32
      %dma_start3A_63 = tpu.memref_slice %arg6[%dma_start3A, %dma_start3A_62] : memref<128x128xf32, #tpu.memory_space<vmem>> -> memref<120x128xf32, #tpu.memory_space<vmem>>
      %dma_start3A_64 = arith.constant 0 : i32
      %dma_start3A_65 = tpu.memref_slice %arg4[%arg0, %add3A_61, %dma_start3A_64] : memref<2x10112x128xf32, #tpu.memory_space<hbm>> -> memref<1x120x128xf32, #tpu.memory_space<hbm>>
      %dma_start3A_66 = tpu.memref_squeeze %dma_start3A_65 : memref<1x120x128xf32, #tpu.memory_space<hbm>> -> memref<120x128xf32, #tpu.memory_space<hbm>>
      %dma_start3A_67 = arith.constant 0 : i32
      %dma_start3A_68 = tpu.memref_slice %arg4[%arg0, %add3A_61, %dma_start3A_67] : memref<2x10112x128xf32, #tpu.memory_space<hbm>> -> memref<1x120x128xf32, #tpu.memory_space<hbm>>
      %dma_start3A_69 = tpu.memref_squeeze %dma_start3A_68 : memref<1x120x128xf32, #tpu.memory_space<hbm>> -> memref<120x128xf32, #tpu.memory_space<hbm>>
      %dma_start3A_70 = arith.constant 0 : i32
      %dma_start3A_71 = arith.constant 0 : i32
      %dma_start3A_72 = tpu.memref_slice %arg6[%dma_start3A_70, %dma_start3A_71] : memref<128x128xf32, #tpu.memory_space<vmem>> -> memref<120x128xf32, #tpu.memory_space<vmem>>
      tpu.enqueue_dma source(%dma_start3A_72 : memref<120x128xf32, #tpu.memory_space<vmem>>) target(%dma_start3A_69 : memref<120x128xf32, #tpu.memory_space<hbm>>) target_semaphore(%run_scoped3A : memref<!tpu.dma_semaphore, #tpu.memory_space<semaphore_mem>>)
      %dma_wait3A = arith.constant 0 : i32
      %dma_wait3A_73 = arith.constant 0 : i32
      %dma_wait3A_74 = tpu.memref_slice %arg6[%dma_wait3A, %dma_wait3A_73] : memref<128x128xf32, #tpu.memory_space<vmem>> -> memref<120x128xf32, #tpu.memory_space<vmem>>
      %dma_wait3A_75 = arith.constant 0 : i32
      %dma_wait3A_76 = tpu.memref_slice %arg4[%arg0, %add3A_61, %dma_wait3A_75] : memref<2x10112x128xf32, #tpu.memory_space<hbm>> -> memref<1x120x128xf32, #tpu.memory_space<hbm>>
      %dma_wait3A_77 = tpu.memref_squeeze %dma_wait3A_76 : memref<1x120x128xf32, #tpu.memory_space<hbm>> -> memref<120x128xf32, #tpu.memory_space<hbm>>
      %dma_wait3A_78 = arith.constant 0 : i32
      %dma_wait3A_79 = tpu.memref_slice %arg4[%arg0, %add3A_61, %dma_wait3A_78] : memref<2x10112x128xf32, #tpu.memory_space<hbm>> -> memref<1x120x128xf32, #tpu.memory_space<hbm>>
      %dma_wait3A_80 = tpu.memref_squeeze %dma_wait3A_79 : memref<1x120x128xf32, #tpu.memory_space<hbm>> -> memref<120x128xf32, #tpu.memory_space<hbm>>
      %dma_wait3A_81 = arith.constant 0 : i32
      %dma_wait3A_82 = arith.constant 0 : i32
      %dma_wait3A_83 = tpu.memref_slice %arg6[%dma_wait3A_81, %dma_wait3A_82] : memref<128x128xf32, #tpu.memory_space<vmem>> -> memref<120x128xf32, #tpu.memory_space<vmem>>
      tpu.wait_dma2 semaphore(%run_scoped3A : memref<!tpu.dma_semaphore, #tpu.memory_space<semaphore_mem>>) src(%dma_wait3A_83 : memref<120x128xf32, #tpu.memory_space<vmem>>) dst(%dma_wait3A_80 : memref<120x128xf32, #tpu.memory_space<hbm>>)
      tpu.yield
    }) : () -> ()
    return
  }
}

module attributes {stable_mosaic.version = 14 : i64} {
  func.func @_mm1_body(%arg0: i32, %arg1: memref<400x768xf32, #tpu.memory_space<vmem>>, %arg2: memref<768x128xf32, #tpu.memory_space<vmem>>, %arg3: memref<400x128xf32, #tpu.memory_space<vmem>>) attributes {dimension_semantics = [#tpu.dimension_semantics<arbitrary>], iteration_bounds = array<i64: 25>, scalar_prefetch = 0 : i64, scratch_operands = 0 : i64, tpu.core_type = #tpu.core_type<tc>, window_params = [{transform_indices = @transform_0, window_bounds = array<i64: 400, 768>}, {pipeline_mode = #tpu.pipeline_mode<synchronous>, transform_indices = @transform_1, window_bounds = array<i64: 768, 128>}, {transform_indices = @transform_2, window_bounds = array<i64: 400, 128>}]} {
    %get3A = arith.constant 0 : index
    %get3A_0 = arith.constant 0 : index
    %get3A_1 = vector.load %arg1[%get3A, %get3A_0] : memref<400x768xf32, #tpu.memory_space<vmem>>, vector<400x768xf32>
    %get3A_2 = arith.constant 0 : index
    %get3A_3 = arith.constant 0 : index
    %get3A_4 = vector.load %arg2[%get3A_2, %get3A_3] : memref<768x128xf32, #tpu.memory_space<vmem>>, vector<768x128xf32>
    %dot_general3A = arith.constant dense<0.000000e+00> : vector<400x128xf32>
    %dot_general3A_5 = tpu.matmul %get3A_1, %get3A_4, %dot_general3A {dimension_numbers = #tpu.dot_dimension_numbers<[1], [0], [0], [1], [0, 0, 1, 1], [], []>, precision = #tpu.contract_precision<fp32>, transpose_lhs_hint = false} : vector<400x768xf32>, vector<768x128xf32>, vector<400x128xf32> -> vector<400x128xf32>
    %swap3A = arith.constant 0 : index
    %swap3A_6 = arith.constant 0 : index
    %swap3A_7 = vector.load %arg3[%swap3A, %swap3A_6] : memref<400x128xf32, #tpu.memory_space<vmem>>, vector<400x128xf32>
    tpu.vector_store %arg3[%swap3A, %swap3A_6], %dot_general3A_5 {strides = array<i32>} : memref<400x128xf32, #tpu.memory_space<vmem>>, vector<400x128xf32>,
    return
  }
  func.func @transform_0(%arg0: i32) -> (i32, i32) {
    %c0_i32 = arith.constant 0 : i32
    %c0_i32_0 = arith.constant 0 : i32
    return %arg0, %c0_i32 : i32, i32
  }
  func.func @transform_1(%arg0: i32) -> (i32, i32) {
    %c0_i32 = arith.constant 0 : i32
    %c0_i32_0 = arith.constant 0 : i32
    %c0_i32_1 = arith.constant 0 : i32
    return %c0_i32, %c0_i32_0 : i32, i32
  }
  func.func @transform_2(%arg0: i32) -> (i32, i32) {
    %c0_i32 = arith.constant 0 : i32
    %c0_i32_0 = arith.constant 0 : i32
    return %arg0, %c0_i32 : i32, i32
  }
}

module attributes {stable_mosaic.version = 14 : i64} {
  func.func @_scale_body(%arg0: i32, %arg1: memref<2x400x128xf32, #tpu.memory_space<vmem>>, %arg2: memref<400x128xf32, #tpu.memory_space<vmem>>, %arg3: memref<400x128xf32, #tpu.memory_space<vmem>>, %arg4: memref<400x128xf32, #tpu.memory_space<vmem>>) attributes {dimension_semantics = [#tpu.dimension_semantics<arbitrary>], iteration_bounds = array<i64: 25>, scalar_prefetch = 0 : i64, scratch_operands = 0 : i64, tpu.core_type = #tpu.core_type<tc>, window_params = [{transform_indices = @transform_0, window_bounds = array<i64: 2, 400, 128>}, {transform_indices = @transform_1, window_bounds = array<i64: 400, 128>}, {transform_indices = @transform_2, window_bounds = array<i64: 400, 128>}, {transform_indices = @transform_3, window_bounds = array<i64: 400, 128>}]} {
    %get3A = arith.constant 0 : index
    %get3A_0 = arith.constant 0 : index
    %get3A_1 = arith.constant 0 : index
    %get3A_2 = vector.load %arg1[%get3A, %get3A_0, %get3A_1] : memref<2x400x128xf32, #tpu.memory_space<vmem>>, vector<1x400x1xf32>
    %get3A_3 = vector.shape_cast %get3A_2 : vector<1x400x1xf32> to vector<400x1xf32>
    %get3A_4 = arith.constant 1 : index
    %get3A_5 = arith.constant 0 : index
    %get3A_6 = arith.constant 0 : index
    %get3A_7 = vector.load %arg1[%get3A_4, %get3A_5, %get3A_6] : memref<2x400x128xf32, #tpu.memory_space<vmem>>, vector<1x400x1xf32>
    %get3A_8 = vector.shape_cast %get3A_7 : vector<1x400x1xf32> to vector<400x1xf32>
    %add3A = arith.addf %get3A_3, %get3A_8 : vector<400x1xf32>
    %add3A_9 = arith.constant 1.000000e+00 : f32
    %add3A_10 = vector.broadcast %add3A_9 : f32 to vector<400x1xf32>
    %add3A_11 = arith.addf %add3A, %add3A_10 : vector<400x1xf32>
    %rsqrt3A = math.rsqrt %add3A_11 : vector<400x1xf32>
    %broadcast_in_dim3A = vector.shape_cast %rsqrt3A : vector<400x1xf32> to vector<400x1xf32>
    %broadcast_in_dim3A_12 = vector.broadcast %broadcast_in_dim3A : vector<400x1xf32> to vector<400x128xf32>
    %swap3A = arith.constant 0 : index
    %swap3A_13 = arith.constant 0 : index
    %swap3A_14 = vector.load %arg3[%swap3A, %swap3A_13] : memref<400x128xf32, #tpu.memory_space<vmem>>, vector<400x128xf32>
    tpu.vector_store %arg3[%swap3A, %swap3A_13], %broadcast_in_dim3A_12 {strides = array<i32>} : memref<400x128xf32, #tpu.memory_space<vmem>>, vector<400x128xf32>,
    %get3A_15 = arith.constant 0 : index
    %get3A_16 = arith.constant 0 : index
    %get3A_17 = vector.load %arg2[%get3A_15, %get3A_16] : memref<400x128xf32, #tpu.memory_space<vmem>>, vector<400x128xf32>
    %mul3A = arith.mulf %get3A_17, %broadcast_in_dim3A_12 : vector<400x128xf32>
    %swap3A_18 = arith.constant 0 : index
    %swap3A_19 = arith.constant 0 : index
    %swap3A_20 = vector.load %arg4[%swap3A_18, %swap3A_19] : memref<400x128xf32, #tpu.memory_space<vmem>>, vector<400x128xf32>
    tpu.vector_store %arg4[%swap3A_18, %swap3A_19], %mul3A {strides = array<i32>} : memref<400x128xf32, #tpu.memory_space<vmem>>, vector<400x128xf32>,
    return
  }
  func.func @transform_0(%arg0: i32) -> (i32, i32, i32) {
    %c0_i32 = arith.constant 0 : i32
    %c0_i32_0 = arith.constant 0 : i32
    %c0_i32_1 = arith.constant 0 : i32
    return %c0_i32, %arg0, %c0_i32_0 : i32, i32, i32
  }
  func.func @transform_1(%arg0: i32) -> (i32, i32) {
    %c0_i32 = arith.constant 0 : i32
    %c0_i32_0 = arith.constant 0 : i32
    return %arg0, %c0_i32 : i32, i32
  }
  func.func @transform_2(%arg0: i32) -> (i32, i32) {
    %c0_i32 = arith.constant 0 : i32
    %c0_i32_0 = arith.constant 0 : i32
    return %arg0, %c0_i32 : i32, i32
  }
  func.func @transform_3(%arg0: i32) -> (i32, i32) {
    %c0_i32 = arith.constant 0 : i32
    %c0_i32_0 = arith.constant 0 : i32
    return %arg0, %c0_i32 : i32, i32
  }
}

module attributes {stable_mosaic.version = 14 : i64} {
  func.func @_mid_body(%arg0: i32, %arg1: memref<2x400x128xf32, #tpu.memory_space<vmem>>, %arg2: memref<400x128xf32, #tpu.memory_space<vmem>>, %arg3: memref<400x128xf32, #tpu.memory_space<vmem>>, %arg4: memref<1x128xf32, #tpu.memory_space<vmem>>, %arg5: memref<128x128xf32, #tpu.memory_space<vmem>>, %arg6: memref<400x128xf32, #tpu.memory_space<vmem>>) attributes {dimension_semantics = [#tpu.dimension_semantics<arbitrary>], iteration_bounds = array<i64: 25>, scalar_prefetch = 0 : i64, scratch_operands = 0 : i64, tpu.core_type = #tpu.core_type<tc>, window_params = [{transform_indices = @transform_0, window_bounds = array<i64: 2, 400, 128>}, {transform_indices = @transform_1, window_bounds = array<i64: 400, 128>}, {transform_indices = @transform_2, window_bounds = array<i64: 400, 128>}, {pipeline_mode = #tpu.pipeline_mode<synchronous>, transform_indices = @transform_3, window_bounds = array<i64: 1, 128>}, {pipeline_mode = #tpu.pipeline_mode<synchronous>, transform_indices = @transform_4, window_bounds = array<i64: 128, 128>}, {transform_indices = @transform_5, window_bounds = array<i64: 400, 128>}]} {
    %get3A = arith.constant 0 : index
    %get3A_0 = arith.constant 0 : index
    %get3A_1 = vector.load %arg3[%get3A, %get3A_0] : memref<400x128xf32, #tpu.memory_space<vmem>>, vector<400x128xf32>
    %get3A_2 = arith.constant 0 : index
    %get3A_3 = arith.constant 0 : index
    %get3A_4 = arith.constant 0 : index
    %get3A_5 = vector.load %arg1[%get3A_2, %get3A_3, %get3A_4] : memref<2x400x128xf32, #tpu.memory_space<vmem>>, vector<1x400x128xf32>
    %get3A_6 = vector.shape_cast %get3A_5 : vector<1x400x128xf32> to vector<400x128xf32>
    %get3A_7 = arith.constant 1 : index
    %get3A_8 = arith.constant 0 : index
    %get3A_9 = arith.constant 0 : index
    %get3A_10 = vector.load %arg1[%get3A_7, %get3A_8, %get3A_9] : memref<2x400x128xf32, #tpu.memory_space<vmem>>, vector<1x400x128xf32>
    %get3A_11 = vector.shape_cast %get3A_10 : vector<1x400x128xf32> to vector<400x128xf32>
    %add3A = arith.addf %get3A_6, %get3A_11 : vector<400x128xf32>
    %get3A_12 = arith.constant 0 : index
    %get3A_13 = arith.constant 0 : index
    %get3A_14 = vector.load %arg2[%get3A_12, %get3A_13] : memref<400x128xf32, #tpu.memory_space<vmem>>, vector<400x128xf32>
    %add3A_15 = arith.addf %add3A, %get3A_14 : vector<400x128xf32>
    %mul3A = arith.mulf %get3A_1, %add3A_15 : vector<400x128xf32>
    %get3A_16 = arith.constant 0 : index
    %get3A_17 = arith.constant 0 : index
    %get3A_18 = vector.load %arg4[%get3A_16, %get3A_17] : memref<1x128xf32, #tpu.memory_space<vmem>>, vector<1x128xf32>
    %add3A_19 = vector.broadcast %get3A_18 : vector<1x128xf32> to vector<400x128xf32>
    %add3A_20 = arith.addf %mul3A, %add3A_19 : vector<400x128xf32>
    %max3A = arith.constant 0.000000e+00 : f32
    %max3A_21 = vector.broadcast %max3A : f32 to vector<400x128xf32>
    %max3A_22 = arith.maximumf %add3A_20, %max3A_21 : vector<400x128xf32>
    %get3A_23 = arith.constant 0 : index
    %get3A_24 = arith.constant 0 : index
    %get3A_25 = vector.load %arg3[%get3A_23, %get3A_24] : memref<400x128xf32, #tpu.memory_space<vmem>>, vector<400x128xf32>
    %get3A_26 = arith.constant 0 : index
    %get3A_27 = arith.constant 0 : index
    %get3A_28 = vector.load %arg5[%get3A_26, %get3A_27] : memref<128x128xf32, #tpu.memory_space<vmem>>, vector<128x128xf32>
    %dot_general3A = arith.constant dense<0.000000e+00> : vector<400x128xf32>
    %dot_general3A_29 = tpu.matmul %max3A_22, %get3A_28, %dot_general3A {dimension_numbers = #tpu.dot_dimension_numbers<[1], [0], [0], [1], [0, 0, 1, 1], [], []>, precision = #tpu.contract_precision<fp32>, transpose_lhs_hint = false} : vector<400x128xf32>, vector<128x128xf32>, vector<400x128xf32> -> vector<400x128xf32>
    %mul3A_30 = arith.mulf %get3A_25, %dot_general3A_29 : vector<400x128xf32>
    %swap3A = arith.constant 0 : index
    %swap3A_31 = arith.constant 0 : index
    %swap3A_32 = vector.load %arg6[%swap3A, %swap3A_31] : memref<400x128xf32, #tpu.memory_space<vmem>>, vector<400x128xf32>
    tpu.vector_store %arg6[%swap3A, %swap3A_31], %mul3A_30 {strides = array<i32>} : memref<400x128xf32, #tpu.memory_space<vmem>>, vector<400x128xf32>,
    return
  }
  func.func @transform_0(%arg0: i32) -> (i32, i32, i32) {
    %c0_i32 = arith.constant 0 : i32
    %c0_i32_0 = arith.constant 0 : i32
    %c0_i32_1 = arith.constant 0 : i32
    return %c0_i32, %arg0, %c0_i32_0 : i32, i32, i32
  }
  func.func @transform_1(%arg0: i32) -> (i32, i32) {
    %c0_i32 = arith.constant 0 : i32
    %c0_i32_0 = arith.constant 0 : i32
    return %arg0, %c0_i32 : i32, i32
  }
  func.func @transform_2(%arg0: i32) -> (i32, i32) {
    %c0_i32 = arith.constant 0 : i32
    %c0_i32_0 = arith.constant 0 : i32
    return %arg0, %c0_i32 : i32, i32
  }
  func.func @transform_3(%arg0: i32) -> (i32, i32) {
    %c0_i32 = arith.constant 0 : i32
    %c0_i32_0 = arith.constant 0 : i32
    %c0_i32_1 = arith.constant 0 : i32
    return %c0_i32, %c0_i32_0 : i32, i32
  }
  func.func @transform_4(%arg0: i32) -> (i32, i32) {
    %c0_i32 = arith.constant 0 : i32
    %c0_i32_0 = arith.constant 0 : i32
    %c0_i32_1 = arith.constant 0 : i32
    return %c0_i32, %c0_i32_0 : i32, i32
  }
  func.func @transform_5(%arg0: i32) -> (i32, i32) {
    %c0_i32 = arith.constant 0 : i32
    %c0_i32_0 = arith.constant 0 : i32
    return %arg0, %c0_i32 : i32, i32
  }
}

module attributes {stable_mosaic.version = 14 : i64} {
  func.func @_fin_body(%arg0: i32, %arg1: memref<2x400x128xf32, #tpu.memory_space<vmem>>, %arg2: memref<400x128xf32, #tpu.memory_space<vmem>>, %arg3: memref<400x128xf32, #tpu.memory_space<vmem>>, %arg4: memref<1x128xf32, #tpu.memory_space<vmem>>, %arg5: memref<128x128xf32, #tpu.memory_space<vmem>>, %arg6: memref<1x128xf32, #tpu.memory_space<vmem>>, %arg7: memref<400x128xf32, #tpu.memory_space<vmem>>) attributes {dimension_semantics = [#tpu.dimension_semantics<arbitrary>], iteration_bounds = array<i64: 25>, scalar_prefetch = 0 : i64, scratch_operands = 0 : i64, tpu.core_type = #tpu.core_type<tc>, window_params = [{transform_indices = @transform_0, window_bounds = array<i64: 2, 400, 128>}, {transform_indices = @transform_1, window_bounds = array<i64: 400, 128>}, {transform_indices = @transform_2, window_bounds = array<i64: 400, 128>}, {pipeline_mode = #tpu.pipeline_mode<synchronous>, transform_indices = @transform_3, window_bounds = array<i64: 1, 128>}, {pipeline_mode = #tpu.pipeline_mode<synchronous>, transform_indices = @transform_4, window_bounds = array<i64: 128, 128>}, {pipeline_mode = #tpu.pipeline_mode<synchronous>, transform_indices = @transform_5, window_bounds = array<i64: 1, 128>}, {transform_indices = @transform_6, window_bounds = array<i64: 400, 128>}]} {
    %get3A = arith.constant 0 : index
    %get3A_0 = arith.constant 0 : index
    %get3A_1 = vector.load %arg3[%get3A, %get3A_0] : memref<400x128xf32, #tpu.memory_space<vmem>>, vector<400x128xf32>
    %get3A_2 = arith.constant 0 : index
    %get3A_3 = arith.constant 0 : index
    %get3A_4 = arith.constant 0 : index
    %get3A_5 = vector.load %arg1[%get3A_2, %get3A_3, %get3A_4] : memref<2x400x128xf32, #tpu.memory_space<vmem>>, vector<1x400x128xf32>
    %get3A_6 = vector.shape_cast %get3A_5 : vector<1x400x128xf32> to vector<400x128xf32>
    %get3A_7 = arith.constant 1 : index
    %get3A_8 = arith.constant 0 : index
    %get3A_9 = arith.constant 0 : index
    %get3A_10 = vector.load %arg1[%get3A_7, %get3A_8, %get3A_9] : memref<2x400x128xf32, #tpu.memory_space<vmem>>, vector<1x400x128xf32>
    %get3A_11 = vector.shape_cast %get3A_10 : vector<1x400x128xf32> to vector<400x128xf32>
    %add3A = arith.addf %get3A_6, %get3A_11 : vector<400x128xf32>
    %get3A_12 = arith.constant 0 : index
    %get3A_13 = arith.constant 0 : index
    %get3A_14 = vector.load %arg2[%get3A_12, %get3A_13] : memref<400x128xf32, #tpu.memory_space<vmem>>, vector<400x128xf32>
    %add3A_15 = arith.addf %add3A, %get3A_14 : vector<400x128xf32>
    %mul3A = arith.mulf %get3A_1, %add3A_15 : vector<400x128xf32>
    %get3A_16 = arith.constant 0 : index
    %get3A_17 = arith.constant 0 : index
    %get3A_18 = vector.load %arg4[%get3A_16, %get3A_17] : memref<1x128xf32, #tpu.memory_space<vmem>>, vector<1x128xf32>
    %add3A_19 = vector.broadcast %get3A_18 : vector<1x128xf32> to vector<400x128xf32>
    %add3A_20 = arith.addf %mul3A, %add3A_19 : vector<400x128xf32>
    %max3A = arith.constant 0.000000e+00 : f32
    %max3A_21 = vector.broadcast %max3A : f32 to vector<400x128xf32>
    %max3A_22 = arith.maximumf %add3A_20, %max3A_21 : vector<400x128xf32>
    %get3A_23 = arith.constant 0 : index
    %get3A_24 = arith.constant 0 : index
    %get3A_25 = vector.load %arg5[%get3A_23, %get3A_24] : memref<128x128xf32, #tpu.memory_space<vmem>>, vector<128x128xf32>
    %dot_general3A = arith.constant dense<0.000000e+00> : vector<400x128xf32>
    %dot_general3A_26 = tpu.matmul %max3A_22, %get3A_25, %dot_general3A {dimension_numbers = #tpu.dot_dimension_numbers<[1], [0], [0], [1], [0, 0, 1, 1], [], []>, precision = #tpu.contract_precision<fp32>, transpose_lhs_hint = false} : vector<400x128xf32>, vector<128x128xf32>, vector<400x128xf32> -> vector<400x128xf32>
    %get3A_27 = arith.constant 0 : index
    %get3A_28 = arith.constant 0 : index
    %get3A_29 = vector.load %arg6[%get3A_27, %get3A_28] : memref<1x128xf32, #tpu.memory_space<vmem>>, vector<1x128xf32>
    %add3A_30 = vector.broadcast %get3A_29 : vector<1x128xf32> to vector<400x128xf32>
    %add3A_31 = arith.addf %dot_general3A_26, %add3A_30 : vector<400x128xf32>
    %swap3A = arith.constant 0 : index
    %swap3A_32 = arith.constant 0 : index
    %swap3A_33 = vector.load %arg7[%swap3A, %swap3A_32] : memref<400x128xf32, #tpu.memory_space<vmem>>, vector<400x128xf32>
    tpu.vector_store %arg7[%swap3A, %swap3A_32], %add3A_31 {strides = array<i32>} : memref<400x128xf32, #tpu.memory_space<vmem>>, vector<400x128xf32>,
    return
  }
  func.func @transform_0(%arg0: i32) -> (i32, i32, i32) {
    %c0_i32 = arith.constant 0 : i32
    %c0_i32_0 = arith.constant 0 : i32
    %c0_i32_1 = arith.constant 0 : i32
    return %c0_i32, %arg0, %c0_i32_0 : i32, i32, i32
  }
  func.func @transform_1(%arg0: i32) -> (i32, i32) {
    %c0_i32 = arith.constant 0 : i32
    %c0_i32_0 = arith.constant 0 : i32
    return %arg0, %c0_i32 : i32, i32
  }
  func.func @transform_2(%arg0: i32) -> (i32, i32) {
    %c0_i32 = arith.constant 0 : i32
    %c0_i32_0 = arith.constant 0 : i32
    return %arg0, %c0_i32 : i32, i32
  }
  func.func @transform_3(%arg0: i32) -> (i32, i32) {
    %c0_i32 = arith.constant 0 : i32
    %c0_i32_0 = arith.constant 0 : i32
    %c0_i32_1 = arith.constant 0 : i32
    return %c0_i32, %c0_i32_0 : i32, i32
  }
  func.func @transform_4(%arg0: i32) -> (i32, i32) {
    %c0_i32 = arith.constant 0 : i32
    %c0_i32_0 = arith.constant 0 : i32
    %c0_i32_1 = arith.constant 0 : i32
    return %c0_i32, %c0_i32_0 : i32, i32
  }
  func.func @transform_5(%arg0: i32) -> (i32, i32) {
    %c0_i32 = arith.constant 0 : i32
    %c0_i32_0 = arith.constant 0 : i32
    %c0_i32_1 = arith.constant 0 : i32
    return %c0_i32, %c0_i32_0 : i32, i32
  }
  func.func @transform_6(%arg0: i32) -> (i32, i32) {
    %c0_i32 = arith.constant 0 : i32
    %c0_i32_0 = arith.constant 0 : i32
    return %arg0, %c0_i32 : i32, i32
  }
}

</mosaic_0001>

<sc_bundles>
// kernel: kernel.12.cloned.1.call-start
scs
__scs_entry_jumppad:
0x0: {  	(pc) =	sbr.rel $0x88, $3  }
0x1: {  	(tag) =	ssettag $0x0;
	lr =	simm.s32 $0x1  }
0x2: {  	[smem:$0x3F99] =	sst lr;
	_ =	strace $0xD0000000  }
0x3: {  	_ = 	snop  }
0x4: {  	_ = 	snop  }
0x5: {  	_ = 	snop  }
0x6: {  	_ = 	snop  }
0x7: {  	_ = 	snop  }
__scs_overlays_trampoline_lowered:
0x8: {  	[smem:$0x3FA8] =	sst s0  }
0x9: {  	[smem:$0x3FA9] =	sst s1  }
0xa: {  	[smem:$0x3FAA] =	sst s2  }
0xb: {  	[smem:$0x3FAB] =	sst s3  }
0xc: {  	[smem:$0x3FAC] =	sst s4  }
0xd: {  	[smem:$0x3FAD] =	sst s5  }
0xe: {  	[smem:$0x3FAE] =	sst s6  }
0xf: {  	[smem:$0x3FAF] =	sst s7  }
0x10: {  	[smem:$0x3FB0] =	sst s8  }
0x11: {  	[smem:$0x3FB1] =	sst s9;
	s0 =	simm.s32 @!p0 $0x0  }
0x12: {  	s1 =	sld [smem:$0x3F97];
	s0 =	simm.s32 @p0 $0x1  }
0x13: {  	[smem:$0x3FB2] =	sst s0;
	s0 =	simm.s32 @!p1 $0x0  }
0x14: {  	s2 =	sld [smem:$0x3F96];
	s0 =	simm.s32 @p1 $0x1  }
0x15: {  	[smem:$0x3FB3] =	sst s0;
	s0 =	simm.s32 @!p2 $0x0  }
0x16: {  	s3 =	sld [smem:$0x3FDB];
	s0 =	simm.s32 @p2 $0x1  }
0x17: {  	s4 =	simm.s32 $0x1BF5;
	[smem:$0x3FB5] =	sst s0  }
0x18: {  	s0 =	sld [smem:$0x3F98];
	_ =	swait.ge [sflag:s4], $0x0  }
0x19: {  	s7 =	sld [smem:$0x3F99]  }
0x1a: {  	s8 =	sadd.s32 $0xFFFFE003, lr  }
0x1b: {  	s9 =	sadd.s32 $0xFFFFFEF7, lr;
	s5 =	simm.s32 $0xFFFFFFFF;
	p2 =	slt.u32 s8, $0xFFFFF086  }
0x1c: {  	p1 =	slt.u32 s9, $0xF7A;
	s5 =	simm.s32 @!p2 $0x0  }
0x1d: {  	s5 =	simm.s32 @p1 $0x1;
	p0 =	seq.s32 s7, s2  }
0x1e: {  	s7 =	smul.u32 @!p0 $0xF7A, s2;
	p2 =	seq.s32 @!p0 s5, $0x0  }
0x1f: {  	s9 =	smul.u32 $0xF7A, s1;
	s8 =	simm.s32 @!p0 $0x1BF5;
	p2 =	por !p2, p0  }
0x20: {  	[sflag:s8] =	ssyncset.s32 @!p0 $0xFFFFF086;
	s6 =	sadd.s32 @!p0 s3, s7;
	s7 =	simm.s32 @!p0 $0x108  }
0x21: {  	s3 =	sadd.s32 s3, s9;
	s6 =	sadd.s32 @!p0 $0x88, s6;
	s7 =	simm.s32 @p2 $0x1082  }
0x22: {  	[simem:s7], [sflag:s8] =	dma.local @!p0 [hbm:s6], $0xF7A  }
0x23: {  	s9 =	sor.u32 $0xD0000000, s2;
	s6 =	simm.s32 $0x108;
	_ =	swait.ge @!p0 [sflag:s8], $0x0  }
0x24: {  	s3 =	sadd.s32 $0x88, s3;
	s6 =	simm.s32 @!p1 $0x1082;
	[sflag:s4] =	ssyncset.s32 $0xFFFFF086  }
0x25: {  	[simem:s6], [sflag:s4] =	dma.local [hbm:s3], $0xF7A  }
0x26: {  	[smem:$0x3F99] =	sst s1;
	(tag) =	ssettag s2;
	_ =	strace s9  }
0x27: {  	s1 =	sld [smem:$0x3FA9]  }
0x28: {  	s2 =	sld [smem:$0x3FAA]  }
0x29: {  	s4 =	sld [smem:$0x3FAC]  }
0x2a: {  	p0 =	seq.s32 s5, $0x0;
	s5 =	sld [smem:$0x3FAD]  }
0x2b: {  	s6 =	sld [smem:$0x3FAE]  }
0x2c: {  	s7 =	sld [smem:$0x3FAF]  }
0x2d: {  	s3 =	simm.s32 $0x108;
	s8 =	sld [smem:$0x3FB0]  }
0x2e: {  	s3 =	simm.s32 @!p0 $0x1082;
	s9 =	sld [smem:$0x3FB1]  }
0x2f: {  	lr =	sadd.s32 s0, s3;
	s0 =	sld [smem:$0x3FA8]  }
0x30: {  	s3 =	sld [smem:$0x3FAB]  }
0x31: {  	[smem:$0x3FB4] =	sst s10  }
0x32: {  	s10 =	sld [smem:$0x3FB2];
	_ =	sdelay $0x3  }
0x33: {  	p0 =	seq.s32 s10, $0x1;
	s10 =	sld [smem:$0x3FB4];
	_ =	sdelay $0x3  }
0x34: {  	[smem:$0x3FB4] =	sst s10  }
0x35: {  	s10 =	sld [smem:$0x3FB3];
	_ =	sdelay $0x3  }
0x36: {  	p1 =	seq.s32 s10, $0x1;
	s10 =	sld [smem:$0x3FB4];
	_ =	sdelay $0x3  }
0x37: {  	[smem:$0x3FB4] =	sst s10  }
0x38: {  	s10 =	sld [smem:$0x3FB5]  }
0x39: {  	_ = 	snop;
	(pc) =	sbr.ind lr, $3  }
0x3a: {  	_ = 	snop  }
0x3b: {  	_ = 	snop  }
0x3c: {  	p2 =	seq.s32 s10, $0x1;
	s10 =	sld [smem:$0x3FB4]  }
0x3d: {  	_ =	shalt  }
0x3e: {  	_ =	shalt  }
0x3f: {  	_ =	shalt  }
0x40: {  	_ =	shalt  }
0x41: {  	_ =	shalt  }
0x42: {  	_ =	shalt  }
0x43: {  	_ =	shalt  }
0x44: {  	_ =	shalt  }
0x45: {  	_ =	shalt  }
0x46: {  	_ =	shalt  }
0x47: {  	_ =	shalt  }
0x48: {  	_ =	shalt  }
0x49: {  	_ =	shalt  }
0x4a: {  	_ =	shalt  }
0x4b: {  	_ =	shalt  }
0x4c: {  	_ =	shalt  }
0x4d: {  	_ =	shalt  }
0x4e: {  	_ =	shalt  }
0x4f: {  	_ =	shalt  }
0x50: {  	_ =	shalt  }
0x51: {  	_ =	shalt  }
0x52: {  	_ =	shalt  }
0x53: {  	_ =	shalt  }
0x54: {  	_ =	shalt  }
0x55: {  	_ =	shalt  }
0x56: {  	_ =	shalt  }
0x57: {  	_ =	shalt  }
0x58: {  	_ =	shalt  }
0x59: {  	_ =	shalt  }
0x5a: {  	_ =	shalt  }
0x5b: {  	_ =	shalt  }
0x5c: {  	_ =	shalt  }
0x5d: {  	_ =	shalt  }
0x5e: {  	_ =	shalt  }
0x5f: {  	_ =	shalt  }
0x60: {  	_ =	shalt  }
0x61: {  	_ =	shalt  }
0x62: {  	_ =	shalt  }
0x63: {  	_ =	shalt  }
0x64: {  	_ =	shalt  }
0x65: {  	_ =	shalt  }
0x66: {  	_ =	shalt  }
0x67: {  	_ =	shalt  }
0x68: {  	_ =	shalt  }
0x69: {  	_ =	shalt  }
0x6a: {  	_ =	shalt  }
0x6b: {  	_ =	shalt  }
0x6c: {  	_ =	shalt  }
0x6d: {  	_ =	shalt  }
0x6e: {  	_ =	shalt  }
0x6f: {  	_ =	shalt  }
0x70: {  	_ =	shalt  }
0x71: {  	_ =	shalt  }
0x72: {  	_ =	shalt  }
0x73: {  	_ =	shalt  }
0x74: {  	_ =	shalt  }
0x75: {  	_ =	shalt  }
0x76: {  	_ =	shalt  }
0x77: {  	_ =	shalt  }
0x78: {  	_ =	shalt  }
0x79: {  	_ =	shalt  }
0x7a: {  	_ =	shalt  }
0x7b: {  	_ =	shalt  }
0x7c: {  	_ =	shalt  }
0x7d: {  	_ =	shalt  }
0x7e: {  	_ =	shalt  }
0x7f: {  	_ =	shalt  }
0x80: {  	_ =	shalt  }
0x81: {  	_ =	shalt  }
0x82: {  	_ =	shalt  }
0x83: {  	_ =	shalt  }
0x84: {  	_ =	shalt  }
0x85: {  	_ =	shalt  }
0x86: {  	_ =	shalt  }
0x87: {  	_ =	shalt  }
.Lfunc_end0:
.L_simem_size_0:
called_computation.1_lowered:
.L_overlay_start_0:
0x88: {  	s2 =	sld [smem:$0x3FD9]  }
0x89: {  	s3 =	sld [smem:$0x3FFE];
	_ =	sdelay $0x1  }
0x8a: {  	s1 =	srdreg.scid  }
0x8b: {  	s0 =	sand.u32 $0x1, s1  }
0x8c: {  	s17 =	sshll.u32 s0, $0xA;
	s2 =	sadd.s32 s3, s2  }
0x8d: {  	s2 =	sadd.s32 s2, s17  }
0x8e: {  	[smem:$0x3FC0] =	sst s2  }
0x8f: {  	_ = 	snop  }
0x90: {  	s2 =	sld [smem:$0x3FD0];
	(tm) =	ssettm $0x1  }
0x91: {  	s18 =	sld [smem:$0x3FFB];
	_ =	sdelay $0x3  }
0x92: {  	_ =	strace s18  }
0x93: {  	s3 =	sld [smem:$0x3FFC];
	_ =	sdelay $0x3  }
0x94: {  	_ =	strace s3  }
0x95: {  	s3 =	sld [smem:$0x3FFD];
	_ =	sdelay $0x3  }
0x96: {  	_ =	strace s3  }
0x97: {  	_ =	strace $0x8FFFFFFF  }
0x98: {  	s19 =	sld [smem:$0x3FDB];
	_ =	sdelay $0x1  }
0x99: {  	s4 =	simm.s32 $_scs_section_size  }
0x9a: {  	s5 =	simm.s32 $_size__tile_overlayer_lowered;
	s6 =	simm.s32 $_tile_overlayer_lowered  }
0x9b: {  	s22 =	simm.s32 $0x1BFF;
	s21 =	sshll.u32 s6, $0x1;
	s3 =	sadd.s32 s4, s19  }
0x9c: {  	s7 =	simm.s32 $0x0;
	s20 =	sshll.u32 s5, $0x1;
	s5 =	sadd.s32 s21, s3  }
0x9d: {  	[timem:s7], [sflag:s22] =	dma.local [hbm:s5], s20  }
0x9e: {  	_ =	swait.ge [sflag:s22], s20  }
0x9f: {  	s4 =	ssub.s32 $0x0, s20;
	[sflag:s22] =	ssyncset.done $0x0  }
0xa0: {  	[sflag:s22] =	ssyncadd.s32 s4;
	_ =	sdelay $0x1  }
0xa1: {  	s23 =	simm.s32 $0x1B8B  }
0xa2: {  	_ =	swait.ge [sflag:s23], $0x1  }
0xa3: {  	[sflag:s23] =	ssyncset.done $0x0  }
0xa4: {  	s25 =	simm.s32 $0x1B8E;
	s24 =	sld [smem:$0x3FFE];
	[sflag:s23] =	ssyncadd.s32 $0xFFFFFFFF  }
0xa5: {  	s26 =	simm.s32 $execute0_lowered;
	[smem:$0x3FD2] =	sst s25  }
0xa6: {  	s5 =	sshll.u32 s26, $0x1;
	_ =	strace $0x80000049;
	[dreg:$0x1] =	wrdreg $0xFFFFFFFF  }
0xa7: {  	s28 =	simm.s32 $_size_execute0_lowered;
	s3 =	sadd.s32 s3, s5;
	[dreg:$0x0] =	wrdreg $0x0  }
0xa8: {  	s5 =	sshll.u32 s28, $0x1;
	[dreg:$0x2] =	wrdreg s3  }
0xa9: {  	[dreg:$0x3] =	wrdreg s5  }
0xaa: {  	[dreg:$0x4] =	wrdreg $0xC0  }
0xab: {  	_ =	task [dreg:s7], $0x5FFFF  }
0xac: {  	[dreg:$0x1] =	wrdreg $0xFFFFFFFF  }
0xad: {  	[dreg:$0x0] =	wrdreg $0x60  }
0xae: {  	[dreg:$0x2] =	wrdreg s24  }
0xaf: {  	[dreg:$0x3] =	wrdreg s2  }
0xb0: {  	[dreg:$0x4] =	wrdreg $0xA0000  }
0xb1: {  	[dreg:$0x5] =	wrdreg $0x9  }
0xb2: {  	_ =	task.clear_ibuf [dreg:s7], $0x6FFFF;
	_ =	strace $0x90000049  }
0xb3: {  	s29 =	simm.s32 $0x9;
	_ =	strace $0x8000004B  }
0xb4: {  	_ =	swait.ge [sflag:s29], $0x1  }
0xb5: {  	[sflag:s29] =	ssyncadd.s32 $0xFFFFFFFF  }
0xb6: {  	_ =	strace $0x9000004B  }
0xb7: {  	_ =	sfence  }
0xb8: {  	s30 =	sld [smem:$0x0];
	_ =	sdelay $0x2  }
0xb9: {  	s31 =	sshll.u32 s1, $0xD;
	s1 =	sshrl.u32 s1, $0x2  }
0xba: {  	s3 =	sand.u32 $0x4000, s31;
	s1 =	sadd.s32 s1, s30  }
0xbb: {  	s0 =	sor.u32 s3, s0;
	s1 =	sshll.u32 s1, $0x11  }
0xbc: {  	s0 =	sor.u32 s1, s0  }
0xbd: {  	s0 =	sadd.s32 $0x8F2B, s0  }
0xbe: {  	[sflag:s0] =	ssyncadd.remote.s32 $0x1  }
0xbf: {  	_ =	sfence.sel $0xFFFF  }
0xc0: {  	[dreg:$0x0] =	wrdreg $0xFFFFFFFF;
	(pc) =	sbr.abs _section_cstart, $3  }
0xc1: {  	[dreg:$0x1] =	wrdreg $0xFFFFFFFF  }
0xc2: {  	_ =	task.clear_ibuf [dreg:s7], $0x2FFFF;
	_ =	strace $0x9FFFFFFF  }
0xc3: {  	(tm) =	ssettm $0x7FFFFFFF  }
tec
execute0_lowered:
.L_overlay_start_1:
0x0: {  	(tag) =	ssettag $0x1  }
0x1: {  	s0 =	rddreg [dreg:$0x0]  }
0x2: {  	s3 =	rddreg [dreg:$0x1]  }
0x3: {  	s1 =	rddreg [dreg:$0x2]  }
0x4: {  	s2 =	simm.s32 $0x0;
	s6 =	srdreg.scid;
	s22 =	stileid.u32  }
0x5: {  	s28 =	simm.s32 $0x2;
	s29 =	simm.s32 $0xF80;
	s30 =	simm.s32 $0x1F00  }
0x6: {  	s31 =	simm.s32 $0x1F80;
	[smem:$0x7FF] =	sst s2;
	s4 =	sadd.s32 $0x2800, s0  }
0x7: {  	s5 =	sadd.s32 $0x79800, s0;
	s12 =	sand.u32 $0x1, s6;
	s8 =	smul.u32 $0x4F000, s22  }
0x8: {  	s6 =	sadd.s32 $0x67800, s0;
	s13 =	sshll.u32 s22, $0x9;
	s14 =	smul.u32 $0x13C00, s22  }
0x9: {  	_ =	strace $0x8000004A;
	s7 =	ssub.s32 $0x2, s12;
	s15 =	sadd.s32 s13, s0  }
0xa: {  	s0 =	sadd.s32 $0x8B800, s0;
	s21 =	smul.u32 $0x13C000, s12;
	p0 =	seq.s32 s12, $0x1  }
0xb: {  	s12 =	smul.u32 $0x9000, s22;
	s3 =	sadd.s32 s3, s13;
	s9 =	sshrl.u32 s7, $0x1  }
0xc: {  	s24 =	sshrl.u32 s8, $0x2;
	s16 =	sadd.s32 $0x4000, s14;
	s17 =	sadd.s32 $0x8000, s14  }
0xd: {  	s18 =	sadd.s32 $0xC000, s14;
	s19 =	sadd.s32 $0x10000, s14;
	[dreg:$0x4] =	wrdreg s3  }
0xe: {  	s20 =	ssub.s32 s7, s9;
	s7 =	sadd.s32 s24, s1;
	s8 =	sadd.s32 s16, s1  }
0xf: {  	s9 =	sadd.s32 s17, s1;
	s10 =	sadd.s32 s18, s1;
	s11 =	sadd.s32 s19, s1  }
0x10: {  	s14 =	sadd.s32 s14, s21;
	s16 =	sadd.s32 s21, s16;
	s23 =	sadd.s32 s21, s17  }
0x11: {  	s24 =	sadd.s32 s21, s18;
	s25 =	sshrl.u32 s14, $0x3;
	s26 =	sshrl.u32 s16, $0x3  }
0x12: {  	s16 =	sadd.s32 $0x65800, s15;
	s13 =	sshrl.u32 s24, $0x3;
	s20 =	smax.u32 s20, $0x1  }
0x13: {  	s24 =	simm.s32 $0x80;
	[dreg:$0x5] =	wrdreg s16;
	s3 =	sadd.s32 s0, s25  }
0x14: {  	s22 =	sadd.s32 s0, s26;
	s25 =	sadd.s32 s21, s19;
	s26 =	sadd.s32 s0, s13  }
.Ltmp0:
0x15: {  	s21 =	simm.s32 $0x2000;
	[dreg:$0x6] =	wrdreg s3;
	(pc) =	sbr.rel .LBB2_1-.Ltmp0, $4  }
0x16: {  	[dreg:$0x7] =	wrdreg s22;
	s3 =	sshrl.u32 s23, $0x3;
	s14 =	sshrl.u32 s25, $0x3  }
0x17: {  	[dreg:$0x9] =	wrdreg s26;
	s22 =	simm.s32 $0x3;
	s23 =	simm.s32 $0x1000  }
0x18: {  	s25 =	simm.s32 $0x6000;
	s26 =	simm.s32 $0x1;
	s3 =	sadd.s32 s0, s3  }
0x19: {  	v0 =	vimm.f32 $0.0e+00;
	s19 =	sadd.s32 s0, s14;
	s0 =	simm.s32 $0x0;
	[dreg:$0x8] =	wrdreg s3  }
.LBB2_10:
0x1a: {  	[bflag:$0x0] =	sbarrier.arrive $0xFFFF  }
0x1b: {  	[tilespmem:s21], [sflag:$0x3] =	stream.linear.gather [spmem:s7], $0x4000, $0x38;
	[tilespmem:$0x1DC00] =	vst v63  }
0x1c: {  	_ =	swait.ge [sflag:s22], $0x4000  }
0x1d: {  	[sflag:s22] =	ssyncset.done $0x0  }
0x1e: {  	s3 =	rddreg [dreg:$0x6];
	[sflag:s22] =	ssyncadd.s32 $0xFFFFC000  }
0x1f: {  	[hbm4b:s3+s2] =	stream.linear.scatter [tilespmem:s21], [sflag:$0x3], $0x4000, $0x38;
	[tilespmem:$0x1DC00] =	vst v63  }
0x20: {  	_ =	swait.ge [sflag:s22], $0x4000  }
0x21: {  	[sflag:s22] =	ssyncset.done $0x0  }
0x22: {  	[sflag:s22] =	ssyncadd.s32 $0xFFFFC000  }
0x23: {  	[tilespmem:s21], [sflag:$0x3] =	stream.linear.gather [spmem:s8], $0x4000, $0x38;
	[tilespmem:$0x1DC00] =	vst v63  }
0x24: {  	_ =	swait.ge [sflag:s22], $0x4000  }
0x25: {  	[sflag:s22] =	ssyncset.done $0x0  }
0x26: {  	s16 =	rddreg [dreg:$0x7];
	[sflag:s22] =	ssyncadd.s32 $0xFFFFC000  }
0x27: {  	[hbm4b:s16+s2] =	stream.linear.scatter [tilespmem:s21], [sflag:$0x3], $0x4000, $0x38;
	[tilespmem:$0x1DC00] =	vst v63  }
0x28: {  	_ =	swait.ge [sflag:s22], $0x4000  }
0x29: {  	[sflag:s22] =	ssyncset.done $0x0  }
0x2a: {  	[sflag:s22] =	ssyncadd.s32 $0xFFFFC000  }
0x2b: {  	[tilespmem:s21], [sflag:$0x3] =	stream.linear.gather [spmem:s9], $0x4000, $0x38;
	[tilespmem:$0x1DC00] =	vst v63  }
0x2c: {  	_ =	swait.ge [sflag:s22], $0x4000  }
0x2d: {  	[sflag:s22] =	ssyncset.done $0x0  }
0x2e: {  	s17 =	rddreg [dreg:$0x8];
	[sflag:s22] =	ssyncadd.s32 $0xFFFFC000  }
0x2f: {  	[hbm4b:s17+s2] =	stream.linear.scatter [tilespmem:s21], [sflag:$0x3], $0x4000, $0x38;
	[tilespmem:$0x1DC00] =	vst v63  }
0x30: {  	_ =	swait.ge [sflag:s22], $0x4000  }
0x31: {  	[sflag:s22] =	ssyncset.done $0x0  }
0x32: {  	[sflag:s22] =	ssyncadd.s32 $0xFFFFC000  }
0x33: {  	[tilespmem:s21], [sflag:$0x3] =	stream.linear.gather [spmem:s10], $0x4000, $0x38;
	[tilespmem:$0x1DC00] =	vst v63  }
0x34: {  	_ =	swait.ge [sflag:s22], $0x4000  }
0x35: {  	[sflag:s22] =	ssyncset.done $0x0  }
0x36: {  	s18 =	rddreg [dreg:$0x9];
	[sflag:s22] =	ssyncadd.s32 $0xFFFFC000  }
0x37: {  	[hbm4b:s18+s2] =	stream.linear.scatter [tilespmem:s21], [sflag:$0x3], $0x4000, $0x38;
	[tilespmem:$0x1DC00] =	vst v63  }
0x38: {  	_ =	swait.ge [sflag:s22], $0x4000  }
0x39: {  	[sflag:s22] =	ssyncset.done $0x0  }
0x3a: {  	[sflag:s22] =	ssyncadd.s32 $0xFFFFC000  }
0x3b: {  	[tilespmem:s21], [sflag:$0x3] =	stream.linear.gather [spmem:s11], $0x3C00, $0x38;
	[tilespmem:$0x1DC00] =	vst v63  }
0x3c: {  	s0 =	sadd.s32 $0x1, s0;
	_ =	swait.ge [sflag:s22], $0x3C00  }
0x3d: {  	p1 =	sne.s32 s0, s20;
	[sflag:s22] =	ssyncset.done $0x0  }
.Ltmp1:
0x3e: {  	[sflag:s22] =	ssyncadd.s32 $0xFFFFC400;
	(pc) =	sbr.rel @!p1 .LBB2_11-.Ltmp1, $4  }
0x3f: {  	[hbm4b:s19+s2] =	stream.linear.scatter [tilespmem:s21], [sflag:$0x3], $0x3C00, $0x38;
	[tilespmem:$0x1DC00] =	vst v63  }
0x40: {  	_ =	swait.ge [sflag:s22], $0x3C00  }
0x41: {  	[sflag:s22] =	ssyncset.done $0x0  }
0x42: {  	[sflag:s22] =	ssyncadd.s32 $0xFFFFC400  }
.LBB2_1:
0x43: {  	s3 =	sand.u32 $0xFE00, s2  }
0x44: {  	s13 =	sand.u32 $0x70, s2;
	s14 =	sshrl.u32 s3, $0x2  }
0x45: {  	s3 =	simm.s32 $0x40;
	s14 =	sor.u32 s13, s14;
	s13 =	simm.s32 $0x0  }
.LBB2_2:
0x46: {  	p1 =	sne.s32 s3, $0xFFC0  }
0x47: {  	[tilespmem:s14+$0x2000] =	vst v0;
	s13 =	sadd.s32 $0x10, s13;
	s14 =	smov.u32 s3;
	s3 =	sadd.s32 $0x40, s3  }
.Ltmp2:
0x48: {  	(pc) =	sbr.rel @p1 .LBB2_2-.Ltmp2, $4  }
0x49: {  	_ = 	snop  }
0x4a: {  	s14 =	sand.u32 $0xFE00, s14  }
0x4b: {  	s15 =	sand.u32 $0x70, s13;
	s14 =	sshrl.u32 s14, $0x2  }
0x4c: {  	s14 =	sor.u32 s15, s14  }
0x4d: {  	[tilespmem:s14+$0x2000] =	vst v0  }
0x4e: {  	[spmem:s7] =	stream.linear.scatter [tilespmem:s21], [sflag:$0x3], $0x4000, $0x38;
	[tilespmem:$0x1DC00] =	vst v63  }
0x4f: {  	_ =	swait.ge [sflag:s22], $0x4000  }
0x50: {  	[sflag:s22] =	ssyncset.done $0x0  }
0x51: {  	[sflag:s22] =	ssyncadd.s32 $0xFFFFC000  }
0x52: {  	[spmem:s8] =	stream.linear.scatter [tilespmem:s21], [sflag:$0x3], $0x4000, $0x38;
	[tilespmem:$0x1DC00] =	vst v63  }
0x53: {  	_ =	swait.ge [sflag:s22], $0x4000  }
0x54: {  	[sflag:s22] =	ssyncset.done $0x0  }
0x55: {  	[sflag:s22] =	ssyncadd.s32 $0xFFFFC000  }
0x56: {  	[spmem:s9] =	stream.linear.scatter [tilespmem:s21], [sflag:$0x3], $0x4000, $0x38;
	[tilespmem:$0x1DC00] =	vst v63  }
0x57: {  	_ =	swait.ge [sflag:s22], $0x4000  }
0x58: {  	[sflag:s22] =	ssyncset.done $0x0  }
0x59: {  	[sflag:s22] =	ssyncadd.s32 $0xFFFFC000  }
0x5a: {  	[spmem:s10] =	stream.linear.scatter [tilespmem:s21], [sflag:$0x3], $0x4000, $0x38;
	[tilespmem:$0x1DC00] =	vst v63  }
0x5b: {  	_ =	swait.ge [sflag:s22], $0x4000  }
0x5c: {  	[sflag:s22] =	ssyncset.done $0x0  }
0x5d: {  	[sflag:s22] =	ssyncadd.s32 $0xFFFFC000  }
0x5e: {  	[spmem:s11] =	stream.linear.scatter [tilespmem:s21], [sflag:$0x3], $0x3C00, $0x38;
	[tilespmem:$0x1DC00] =	vst v63  }
.Ltmp3:
0x5f: {  	_ =	swait.ge [sflag:s22], $0x3C00;
	(pc) =	sbr.rel @!p0 .LBB2_4-.Ltmp3, $4  }
0x60: {  	[sflag:s22] =	ssyncset.done $0x0  }
0x61: {  	[sflag:s22] =	ssyncadd.s32 $0xFFFFC400  }
0x62: {  	[bflag:$0x0] =	sbarrier.arrive $0xFFFF  }
0x63: {  	s3 =	simm.s32 $0x0;
	s13 =	simm.s32 $0x0  }
0x64: {  	s3 =	simm.s32 $0x0;
	s13 =	rddreg [dreg:$0x4]  }
0x65: {  	[tilespmem:s3], [sflag:$0x3] =	stream.linear.gather [hbm4b:s13+s3], $0x1000, $0x38;
	[tilespmem:$0x1DC00] =	vst v63  }
0x66: {  	_ =	swait.ge [sflag:s22], $0x1000  }
0x67: {  	[sflag:s22] =	ssyncset.done $0x0  }
0x68: {  	s14 =	rddreg [dreg:$0x5];
	[sflag:s22] =	ssyncadd.s32 $0xFFFFF000  }
0x69: {  	[tilespmem:s23], [sflag:$0x3] =	stream.linear.gather [hbm4b:s14+s3], $0x1000, $0x38;
	[tilespmem:$0x1DC00] =	vst v63  }
0x6a: {  	_ =	swait.ge [sflag:s22], $0x1000  }
0x6b: {  	[sflag:s22] =	ssyncset.done $0x0  }
0x6c: {  	[sflag:s22] =	ssyncadd.s32 $0xFFFFF000  }
0x6d: {  	[tilespmem:s21], [sflag:$0x1] =	stream.indirect.gather [hbm4b:s4+s24], $0x80, s3, s24, $0xb8;
	[tilespmem:$0x1DC00] =	vst v63  }
0x6e: {  	s15 =	simm.s32 $0x80  }
0x6f: {  	[tilespmem:s25], [sflag:$0x2] =	stream.indirect.gather [hbm4b:s4+s24], $0x80, s15, s24, $0xb8;
	[tilespmem:$0x1DC00] =	vst v63  }
0x70: {  	_ =	swait.ge [sflag:s26], $0x4000  }
0x71: {  	[sflag:s26] =	ssyncset.done $0x0  }
0x72: {  	s16 =	simm.s32 $0x1000;
	[sflag:s26] =	ssyncadd.s32 $0xFFFFC000  }
0x73: {  	[spmem:s1] =	stream.indirect.scatter.add.f32 [tilespmem:s21], [sflag:$0x3], $0x80, s16, s24, $0xb8;
	[tilespmem:$0x1DC00] =	vst v63  }
0x74: {  	_ =	swait.ge [sflag:s22], $0x4000  }
0x75: {  	[sflag:s22] =	ssyncset.done $0x0  }
0x76: {  	s17 =	simm.s32 $0x100;
	[sflag:s22] =	ssyncadd.s32 $0xFFFFC000  }
0x77: {  	[tilespmem:s21], [sflag:$0x1] =	stream.indirect.gather [hbm4b:s4+s24], $0x80, s17, s24, $0xb8;
	[tilespmem:$0x1DC00] =	vst v63  }
0x78: {  	_ =	swait.ge [sflag:s28], $0x4000  }
0x79: {  	[sflag:s28] =	ssyncset.done $0x0  }
0x7a: {  	s18 =	simm.s32 $0x1080;
	[sflag:s28] =	ssyncadd.s32 $0xFFFFC000  }
0x7b: {  	[spmem:s1] =	stream.indirect.scatter.add.f32 [tilespmem:s25], [sflag:$0x3], $0x80, s18, s24, $0xb8;
	[tilespmem:$0x1DC00] =	vst v63  }
0x7c: {  	_ =	swait.ge [sflag:s22], $0x4000  }
0x7d: {  	s13 =	simm.s32 $0x800;
	s3 =	simm.s32 $0x100;
	[sflag:s22] =	ssyncset.done $0x0  }
.LBB2_8:
0x7e: {  	s14 =	sadd.s32 $0x80, s3  }
0x7f: {  	[sflag:s22] =	ssyncadd.s32 $0xFFFFC000;
	s15 =	smov.u32 s13;
	s16 =	sadd.s32 $0x400, s13  }
0x80: {  	[tilespmem:s25], [sflag:$0x2] =	stream.indirect.gather [hbm4b:s4+s24], $0x80, s14, s24, $0xb8;
	[tilespmem:$0x1DC00] =	vst v63  }
0x81: {  	p1 =	sne.s32 s13, $0x3800;
	_ =	swait.ge [sflag:s26], $0x4000  }
0x82: {  	[sflag:s26] =	ssyncset.done $0x0  }
0x83: {  	s13 =	sadd.s32 $0x1000, s3;
	[sflag:s26] =	ssyncadd.s32 $0xFFFFC000  }
0x84: {  	[spmem:s1] =	stream.indirect.scatter.add.f32 [tilespmem:s21], [sflag:$0x3], $0x80, s13, s24, $0xb8;
	[tilespmem:$0x1DC00] =	vst v63  }
0x85: {  	_ =	swait.ge [sflag:s22], $0x4000  }
0x86: {  	[sflag:s22] =	ssyncset.done $0x0  }
0x87: {  	s13 =	sadd.s32 $0x100, s3;
	[sflag:s22] =	ssyncadd.s32 $0xFFFFC000  }
0x88: {  	[tilespmem:s21], [sflag:$0x1] =	stream.indirect.gather [hbm4b:s4+s24], $0x80, s13, s24, $0xb8;
	[tilespmem:$0x1DC00] =	vst v63  }
0x89: {  	_ =	swait.ge [sflag:s28], $0x4000  }
.Ltmp4:
0x8a: {  	[sflag:s28] =	ssyncset.done $0x0;
	(pc) =	sbr.rel @p1 .LBB2_8-.Ltmp4, $4  }
0x8b: {  	s3 =	sadd.s32 $0x1080, s3;
	[sflag:s28] =	ssyncadd.s32 $0xFFFFC000  }
0x8c: {  	[spmem:s1] =	stream.indirect.scatter.add.f32 [tilespmem:s25], [sflag:$0x3], $0x80, s3, s24, $0xb8;
	[tilespmem:$0x1DC00] =	vst v63  }
0x8d: {  	_ =	swait.ge [sflag:s22], $0x4000  }
0x8e: {  	s13 =	smov.u32 s16;
	s3 =	sshra.s32 s15, $0x2;
	[sflag:s22] =	ssyncset.done $0x0  }
0x8f: {  	s13 =	sadd.s32 $0x80, s3;
	[sflag:s22] =	ssyncadd.s32 $0xFFFFC000  }
0x90: {  	[tilespmem:s25], [sflag:$0x2] =	stream.indirect.gather [hbm4b:s4+s24], $0x80, s13, s24, $0xb8;
	[tilespmem:$0x1DC00] =	vst v63  }
0x91: {  	_ =	swait.ge [sflag:s26], $0x4000  }
0x92: {  	[sflag:s26] =	ssyncset.done $0x0  }
0x93: {  	s16 =	sadd.s32 $0x1000, s3;
	[sflag:s26] =	ssyncadd.s32 $0xFFFFC000  }
0x94: {  	[spmem:s1] =	stream.indirect.scatter.add.f32 [tilespmem:s21], [sflag:$0x3], $0x80, s16, s24, $0xb8;
	[tilespmem:$0x1DC00] =	vst v63  }
0x95: {  	_ =	swait.ge [sflag:s22], $0x4000  }
0x96: {  	[sflag:s22] =	ssyncset.done $0x0  }
0x97: {  	s17 =	sadd.s32 $0x100, s3;
	[sflag:s22] =	ssyncadd.s32 $0xFFFFC000  }
0x98: {  	[tilespmem:s21], [sflag:$0x1] =	stream.indirect.gather [hbm4b:s4+s24], $0x80, s17, s24, $0xb8;
	[tilespmem:$0x1DC00] =	vst v63  }
0x99: {  	_ =	swait.ge [sflag:s28], $0x4000  }
0x9a: {  	[sflag:s28] =	ssyncset.done $0x0  }
0x9b: {  	s18 =	sadd.s32 $0x1080, s3;
	[sflag:s28] =	ssyncadd.s32 $0xFFFFC000  }
0x9c: {  	[spmem:s1] =	stream.indirect.scatter.add.f32 [tilespmem:s25], [sflag:$0x3], $0x80, s18, s24, $0xb8;
	[tilespmem:$0x1DC00] =	vst v63  }
0x9d: {  	_ =	swait.ge [sflag:s22], $0x4000  }
0x9e: {  	[sflag:s22] =	ssyncset.done $0x0  }
0x9f: {  	[sflag:s22] =	ssyncadd.s32 $0xFFFFC000  }
0xa0: {  	[tilespmem:s25], [sflag:$0x2] =	stream.indirect.gather [hbm4b:s4+s24], $0x80, s29, s24, $0xb8;
	[tilespmem:$0x1DC00] =	vst v63  }
0xa1: {  	_ =	swait.ge [sflag:s26], $0x4000  }
0xa2: {  	[sflag:s26] =	ssyncset.done $0x0  }
0xa3: {  	[sflag:s26] =	ssyncadd.s32 $0xFFFFC000  }
0xa4: {  	[spmem:s1] =	stream.indirect.scatter.add.f32 [tilespmem:s21], [sflag:$0x3], $0x80, s30, s24, $0xb8;
	[tilespmem:$0x1DC00] =	vst v63  }
0xa5: {  	_ =	swait.ge [sflag:s22], $0x4000  }
0xa6: {  	[sflag:s22] =	ssyncset.done $0x0  }
0xa7: {  	[sflag:s22] =	ssyncadd.s32 $0xFFFFC000  }
0xa8: {  	_ =	swait.ge [sflag:s28], $0x4000  }
0xa9: {  	[sflag:s28] =	ssyncset.done $0x0  }
.Ltmp5:
0xaa: {  	[sflag:s28] =	ssyncadd.s32 $0xFFFFC000;
	(pc) =	sbr.rel .LBB2_10-.Ltmp5, $4  }
0xab: {  	[spmem:s1] =	stream.indirect.scatter.add.f32 [tilespmem:s25], [sflag:$0x3], $0x80, s31, s24, $0xb8;
	[tilespmem:$0x1DC00] =	vst v63  }
0xac: {  	_ =	swait.ge [sflag:s22], $0x4000  }
0xad: {  	[sflag:s22] =	ssyncset.done $0x0  }
0xae: {  	[sflag:s22] =	ssyncadd.s32 $0xFFFFC000  }
.LBB2_4:
0xaf: {  	s14 =	sshll.u32 s13, $0xC  }
0xb0: {  	s14 =	sadd.s32 s12, s14  }
0xb1: {  	s14 =	sshrl.u32 s14, $0x3  }
0xb2: {  	s15 =	sadd.s32 s5, s14  }
0xb3: {  	[tilespmem:s3], [sflag:$0x3] =	stream.linear.gather [hbm4b:s15+s3], $0x1000, $0x38;
	[tilespmem:$0x1DC00] =	vst v63  }
0xb4: {  	_ =	swait.ge [sflag:s22], $0x1000  }
0xb5: {  	[sflag:s22] =	ssyncset.done $0x0  }
0xb6: {  	s14 =	sadd.s32 s6, s14;
	[sflag:s22] =	ssyncadd.s32 $0xFFFFF000  }
0xb7: {  	[tilespmem:s23], [sflag:$0x3] =	stream.linear.gather [hbm4b:s14+s3], $0x1000, $0x38;
	[tilespmem:$0x1DC00] =	vst v63  }
0xb8: {  	_ =	swait.ge [sflag:s22], $0x1000  }
0xb9: {  	[sflag:s22] =	ssyncset.done $0x0  }
0xba: {  	[sflag:s22] =	ssyncadd.s32 $0xFFFFF000  }
0xbb: {  	[tilespmem:s21], [sflag:$0x1] =	stream.indirect.gather [hbm4b:s4+s24], $0x80, s3, s24, $0xb8;
	[tilespmem:$0x1DC00] =	vst v63  }
0xbc: {  	s15 =	simm.s32 $0x80  }
0xbd: {  	[tilespmem:s25], [sflag:$0x2] =	stream.indirect.gather [hbm4b:s4+s24], $0x80, s15, s24, $0xb8;
	[tilespmem:$0x1DC00] =	vst v63  }
0xbe: {  	_ =	swait.ge [sflag:s26], $0x4000  }
0xbf: {  	[sflag:s26] =	ssyncset.done $0x0  }
0xc0: {  	s16 =	simm.s32 $0x1000;
	[sflag:s26] =	ssyncadd.s32 $0xFFFFC000  }
0xc1: {  	[spmem:s1] =	stream.indirect.scatter.add.f32 [tilespmem:s21], [sflag:$0x3], $0x80, s16, s24, $0xb8;
	[tilespmem:$0x1DC00] =	vst v63  }
0xc2: {  	_ =	swait.ge [sflag:s22], $0x4000  }
0xc3: {  	[sflag:s22] =	ssyncset.done $0x0  }
0xc4: {  	s17 =	simm.s32 $0x100;
	[sflag:s22] =	ssyncadd.s32 $0xFFFFC000  }
0xc5: {  	[tilespmem:s21], [sflag:$0x1] =	stream.indirect.gather [hbm4b:s4+s24], $0x80, s17, s24, $0xb8;
	[tilespmem:$0x1DC00] =	vst v63  }
0xc6: {  	_ =	swait.ge [sflag:s28], $0x4000  }
0xc7: {  	[sflag:s28] =	ssyncset.done $0x0  }
0xc8: {  	s18 =	simm.s32 $0x1080;
	[sflag:s28] =	ssyncadd.s32 $0xFFFFC000  }
0xc9: {  	[spmem:s1] =	stream.indirect.scatter.add.f32 [tilespmem:s25], [sflag:$0x3], $0x80, s18, s24, $0xb8;
	[tilespmem:$0x1DC00] =	vst v63  }
0xca: {  	_ =	swait.ge [sflag:s22], $0x4000  }
0xcb: {  	s14 =	simm.s32 $0x100;
	s15 =	simm.s32 $0x800;
	[sflag:s22] =	ssyncset.done $0x0  }
.LBB2_5:
0xcc: {  	s16 =	sadd.s32 $0x80, s14  }
0xcd: {  	[sflag:s22] =	ssyncadd.s32 $0xFFFFC000;
	s17 =	smov.u32 s15;
	s18 =	sadd.s32 $0x400, s15  }
0xce: {  	[tilespmem:s25], [sflag:$0x2] =	stream.indirect.gather [hbm4b:s4+s24], $0x80, s16, s24, $0xb8;
	[tilespmem:$0x1DC00] =	vst v63  }
0xcf: {  	p1 =	sne.s32 s15, $0x3800;
	_ =	swait.ge [sflag:s26], $0x4000  }
0xd0: {  	[sflag:s26] =	ssyncset.done $0x0  }
0xd1: {  	s15 =	sadd.s32 $0x1000, s14;
	[sflag:s26] =	ssyncadd.s32 $0xFFFFC000  }
0xd2: {  	[spmem:s1] =	stream.indirect.scatter.add.f32 [tilespmem:s21], [sflag:$0x3], $0x80, s15, s24, $0xb8;
	[tilespmem:$0x1DC00] =	vst v63  }
0xd3: {  	_ =	swait.ge [sflag:s22], $0x4000  }
0xd4: {  	[sflag:s22] =	ssyncset.done $0x0  }
0xd5: {  	s15 =	sadd.s32 $0x100, s14;
	[sflag:s22] =	ssyncadd.s32 $0xFFFFC000  }
0xd6: {  	[tilespmem:s21], [sflag:$0x1] =	stream.indirect.gather [hbm4b:s4+s24], $0x80, s15, s24, $0xb8;
	[tilespmem:$0x1DC00] =	vst v63  }
0xd7: {  	_ =	swait.ge [sflag:s28], $0x4000  }
.Ltmp6:
0xd8: {  	[sflag:s28] =	ssyncset.done $0x0;
	(pc) =	sbr.rel @p1 .LBB2_5-.Ltmp6, $4  }
0xd9: {  	s14 =	sadd.s32 $0x1080, s14;
	[sflag:s28] =	ssyncadd.s32 $0xFFFFC000  }
0xda: {  	[spmem:s1] =	stream.indirect.scatter.add.f32 [tilespmem:s25], [sflag:$0x3], $0x80, s14, s24, $0xb8;
	[tilespmem:$0x1DC00] =	vst v63  }
0xdb: {  	_ =	swait.ge [sflag:s22], $0x4000  }
0xdc: {  	s15 =	smov.u32 s18;
	s14 =	sshra.s32 s17, $0x2;
	[sflag:s22] =	ssyncset.done $0x0  }
0xdd: {  	s15 =	sadd.s32 $0x80, s14;
	[sflag:s22] =	ssyncadd.s32 $0xFFFFC000  }
0xde: {  	[tilespmem:s25], [sflag:$0x2] =	stream.indirect.gather [hbm4b:s4+s24], $0x80, s15, s24, $0xb8;
	[tilespmem:$0x1DC00] =	vst v63  }
0xdf: {  	_ =	swait.ge [sflag:s26], $0x4000  }
0xe0: {  	[sflag:s26] =	ssyncset.done $0x0  }
0xe1: {  	s16 =	sadd.s32 $0x1000, s14;
	[sflag:s26] =	ssyncadd.s32 $0xFFFFC000  }
0xe2: {  	[spmem:s1] =	stream.indirect.scatter.add.f32 [tilespmem:s21], [sflag:$0x3], $0x80, s16, s24, $0xb8;
	[tilespmem:$0x1DC00] =	vst v63  }
0xe3: {  	_ =	swait.ge [sflag:s22], $0x4000  }
0xe4: {  	[sflag:s22] =	ssyncset.done $0x0  }
0xe5: {  	s17 =	sadd.s32 $0x100, s14;
	[sflag:s22] =	ssyncadd.s32 $0xFFFFC000  }
0xe6: {  	[tilespmem:s21], [sflag:$0x1] =	stream.indirect.gather [hbm4b:s4+s24], $0x80, s17, s24, $0xb8;
	[tilespmem:$0x1DC00] =	vst v63  }
0xe7: {  	_ =	swait.ge [sflag:s28], $0x4000  }
0xe8: {  	[sflag:s28] =	ssyncset.done $0x0  }
0xe9: {  	s18 =	sadd.s32 $0x1080, s14;
	[sflag:s28] =	ssyncadd.s32 $0xFFFFC000  }
0xea: {  	[spmem:s1] =	stream.indirect.scatter.add.f32 [tilespmem:s25], [sflag:$0x3], $0x80, s18, s24, $0xb8;
	[tilespmem:$0x1DC00] =	vst v63  }
0xeb: {  	_ =	swait.ge [sflag:s22], $0x4000  }
0xec: {  	[sflag:s22] =	ssyncset.done $0x0  }
0xed: {  	[sflag:s22] =	ssyncadd.s32 $0xFFFFC000  }
0xee: {  	[tilespmem:s25], [sflag:$0x2] =	stream.indirect.gather [hbm4b:s4+s24], $0x80, s29, s24, $0xb8;
	[tilespmem:$0x1DC00] =	vst v63  }
0xef: {  	_ =	swait.ge [sflag:s26], $0x4000  }
0xf0: {  	[sflag:s26] =	ssyncset.done $0x0  }
0xf1: {  	[sflag:s26] =	ssyncadd.s32 $0xFFFFC000  }
0xf2: {  	[spmem:s1] =	stream.indirect.scatter.add.f32 [tilespmem:s21], [sflag:$0x3], $0x80, s30, s24, $0xb8;
	[tilespmem:$0x1DC00] =	vst v63  }
0xf3: {  	_ =	swait.ge [sflag:s22], $0x4000  }
0xf4: {  	[sflag:s22] =	ssyncset.done $0x0  }
0xf5: {  	[sflag:s22] =	ssyncadd.s32 $0xFFFFC000  }
0xf6: {  	_ =	swait.ge [sflag:s28], $0x4000  }
0xf7: {  	s13 =	sadd.s32 $0x1, s13;
	[sflag:s28] =	ssyncset.done $0x0  }
0xf8: {  	p1 =	seq.s32 s13, $0x9;
	[sflag:s28] =	ssyncadd.s32 $0xFFFFC000  }
0xf9: {  	[spmem:s1] =	stream.indirect.scatter.add.f32 [tilespmem:s25], [sflag:$0x3], $0x80, s31, s24, $0xb8;
	[tilespmem:$0x1DC00] =	vst v63  }
.Ltmp7:
0xfa: {  	_ = 	snop;
	(pc) =	sbr.rel @!p1 .LBB2_4-.Ltmp7, $4  }
.Ltmp8:
0xfb: {  	_ = 	snop;
	(pc) =	sbr.rel @p1 .LBB2_10-.Ltmp8, $4  }
0xfc: {  	_ =	swait.ge [sflag:s22], $0x4000  }
0xfd: {  	[sflag:s22] =	ssyncset.done $0x0  }
0xfe: {  	[sflag:s22] =	ssyncadd.s32 $0xFFFFC000  }
0xff: {  	_ = 	snop  }
.LBB2_11:
0x100: {  	_ =	sfence.sel $0x180000  }
0x101: {  	[bflag:$0x0] =	sbarrier.arrive $0xFFFF  }
0x102: {  	_ =	strace $0x9000004A  }
0x103: {  	s0 =	stileid.u32;
	[bflag:$0x2] =	sbarrier.arrive $0xFFFF  }
0x104: {  	p0 =	sne.s32 s0, $0x0;
	s0 =	rddreg [dreg:$0x3]  }
0x105: {  	s0 =	sadd.s32 @!p0 $0x100000, s0  }
0x106: {  	[sflag:s0] =	ssyncadd.tile.s32 @!p0 $0x1;
	_ =	shalt  }
.Lfunc_end2:
_tile_overlayer_lowered:
.L_overlay_start_2:
0x107: {  	(tag) =	ssettag $0x2  }
0x108: {  	s0 =	rddreg [dreg:$0x0];
	s2 =	stileid.u32  }
0x109: {  	s1 =	rddreg [dreg:$0x1];
	p0 =	sne.s32 s2, $0x0  }
0x10a: {  	s3 =	rddreg [dreg:$0x2];
	[bflag:$0x3] =	sbarrier.arrive $0xFFFF;
	s2 =	simm.s32 @!p0 $0x1C03  }
0x10b: {  	[timem:s3], [sflag:s2] =	dma.local @!p0 [hbm:s0], s1  }
0x10c: {  	s0 =	simm.s32 @!p0 $0x3  }
0x10d: {  	_ =	swait.ge @!p0 [sflag:s0], s1  }
0x10e: {  	s1 =	ssub.s32 @!p0 $0x0, s1;
	[sflag:s0] =	ssyncset.done @!p0 $0x0  }
0x10f: {  	[sflag:s0] =	ssyncadd.s32 @!p0 s1  }
0x110: {  	[bflag:$0x3] =	sbarrier.arrive $0xFFFF  }
0x111: {  	_ =	shalt  }

// kernel: kernel.15.cloned.1.call-start
scs
__scs_entry_jumppad:
0x0: {  	(pc) =	sbr.rel $0x88, $3  }
0x1: {  	(tag) =	ssettag $0x0;
	lr =	simm.s32 $0x1  }
0x2: {  	[smem:$0x3F99] =	sst lr;
	_ =	strace $0xD0000000  }
0x3: {  	_ = 	snop  }
0x4: {  	_ = 	snop  }
0x5: {  	_ = 	snop  }
0x6: {  	_ = 	snop  }
0x7: {  	_ = 	snop  }
__scs_overlays_trampoline_lowered:
0x8: {  	[smem:$0x3FA8] =	sst s0  }
0x9: {  	[smem:$0x3FA9] =	sst s1  }
0xa: {  	[smem:$0x3FAA] =	sst s2  }
0xb: {  	[smem:$0x3FAB] =	sst s3  }
0xc: {  	[smem:$0x3FAC] =	sst s4  }
0xd: {  	[smem:$0x3FAD] =	sst s5  }
0xe: {  	[smem:$0x3FAE] =	sst s6  }
0xf: {  	[smem:$0x3FAF] =	sst s7  }
0x10: {  	[smem:$0x3FB0] =	sst s8  }
0x11: {  	[smem:$0x3FB1] =	sst s9;
	s0 =	simm.s32 @!p0 $0x0  }
0x12: {  	s1 =	sld [smem:$0x3F97];
	s0 =	simm.s32 @p0 $0x1  }
0x13: {  	[smem:$0x3FB2] =	sst s0;
	s0 =	simm.s32 @!p1 $0x0  }
0x14: {  	s2 =	sld [smem:$0x3F96];
	s0 =	simm.s32 @p1 $0x1  }
0x15: {  	[smem:$0x3FB3] =	sst s0;
	s0 =	simm.s32 @!p2 $0x0  }
0x16: {  	s3 =	sld [smem:$0x3FDB];
	s0 =	simm.s32 @p2 $0x1  }
0x17: {  	s4 =	simm.s32 $0x1BF5;
	[smem:$0x3FB5] =	sst s0  }
0x18: {  	s0 =	sld [smem:$0x3F98];
	_ =	swait.ge [sflag:s4], $0x0  }
0x19: {  	s7 =	sld [smem:$0x3F99]  }
0x1a: {  	s8 =	sadd.s32 $0xFFFFE003, lr  }
0x1b: {  	s9 =	sadd.s32 $0xFFFFFEF7, lr;
	s5 =	simm.s32 $0xFFFFFFFF;
	p2 =	slt.u32 s8, $0xFFFFF086  }
0x1c: {  	p1 =	slt.u32 s9, $0xF7A;
	s5 =	simm.s32 @!p2 $0x0  }
0x1d: {  	s5 =	simm.s32 @p1 $0x1;
	p0 =	seq.s32 s7, s2  }
0x1e: {  	s7 =	smul.u32 @!p0 $0xF7A, s2;
	p2 =	seq.s32 @!p0 s5, $0x0  }
0x1f: {  	s9 =	smul.u32 $0xF7A, s1;
	s8 =	simm.s32 @!p0 $0x1BF5;
	p2 =	por !p2, p0  }
0x20: {  	[sflag:s8] =	ssyncset.s32 @!p0 $0xFFFFF086;
	s6 =	sadd.s32 @!p0 s3, s7;
	s7 =	simm.s32 @!p0 $0x108  }
0x21: {  	s3 =	sadd.s32 s3, s9;
	s6 =	sadd.s32 @!p0 $0x88, s6;
	s7 =	simm.s32 @p2 $0x1082  }
0x22: {  	[simem:s7], [sflag:s8] =	dma.local @!p0 [hbm:s6], $0xF7A  }
0x23: {  	s9 =	sor.u32 $0xD0000000, s2;
	s6 =	simm.s32 $0x108;
	_ =	swait.ge @!p0 [sflag:s8], $0x0  }
0x24: {  	s3 =	sadd.s32 $0x88, s3;
	s6 =	simm.s32 @!p1 $0x1082;
	[sflag:s4] =	ssyncset.s32 $0xFFFFF086  }
0x25: {  	[simem:s6], [sflag:s4] =	dma.local [hbm:s3], $0xF7A  }
0x26: {  	[smem:$0x3F99] =	sst s1;
	(tag) =	ssettag s2;
	_ =	strace s9  }
0x27: {  	s1 =	sld [smem:$0x3FA9]  }
0x28: {  	s2 =	sld [smem:$0x3FAA]  }
0x29: {  	s4 =	sld [smem:$0x3FAC]  }
0x2a: {  	p0 =	seq.s32 s5, $0x0;
	s5 =	sld [smem:$0x3FAD]  }
0x2b: {  	s6 =	sld [smem:$0x3FAE]  }
0x2c: {  	s7 =	sld [smem:$0x3FAF]  }
0x2d: {  	s3 =	simm.s32 $0x108;
	s8 =	sld [smem:$0x3FB0]  }
0x2e: {  	s3 =	simm.s32 @!p0 $0x1082;
	s9 =	sld [smem:$0x3FB1]  }
0x2f: {  	lr =	sadd.s32 s0, s3;
	s0 =	sld [smem:$0x3FA8]  }
0x30: {  	s3 =	sld [smem:$0x3FAB]  }
0x31: {  	[smem:$0x3FB4] =	sst s10  }
0x32: {  	s10 =	sld [smem:$0x3FB2];
	_ =	sdelay $0x3  }
0x33: {  	p0 =	seq.s32 s10, $0x1;
	s10 =	sld [smem:$0x3FB4];
	_ =	sdelay $0x3  }
0x34: {  	[smem:$0x3FB4] =	sst s10  }
0x35: {  	s10 =	sld [smem:$0x3FB3];
	_ =	sdelay $0x3  }
0x36: {  	p1 =	seq.s32 s10, $0x1;
	s10 =	sld [smem:$0x3FB4];
	_ =	sdelay $0x3  }
0x37: {  	[smem:$0x3FB4] =	sst s10  }
0x38: {  	s10 =	sld [smem:$0x3FB5]  }
0x39: {  	_ = 	snop;
	(pc) =	sbr.ind lr, $3  }
0x3a: {  	_ = 	snop  }
0x3b: {  	_ = 	snop  }
0x3c: {  	p2 =	seq.s32 s10, $0x1;
	s10 =	sld [smem:$0x3FB4]  }
0x3d: {  	_ =	shalt  }
0x3e: {  	_ =	shalt  }
0x3f: {  	_ =	shalt  }
0x40: {  	_ =	shalt  }
0x41: {  	_ =	shalt  }
0x42: {  	_ =	shalt  }
0x43: {  	_ =	shalt  }
0x44: {  	_ =	shalt  }
0x45: {  	_ =	shalt  }
0x46: {  	_ =	shalt  }
0x47: {  	_ =	shalt  }
0x48: {  	_ =	shalt  }
0x49: {  	_ =	shalt  }
0x4a: {  	_ =	shalt  }
0x4b: {  	_ =	shalt  }
0x4c: {  	_ =	shalt  }
0x4d: {  	_ =	shalt  }
0x4e: {  	_ =	shalt  }
0x4f: {  	_ =	shalt  }
0x50: {  	_ =	shalt  }
0x51: {  	_ =	shalt  }
0x52: {  	_ =	shalt  }
0x53: {  	_ =	shalt  }
0x54: {  	_ =	shalt  }
0x55: {  	_ =	shalt  }
0x56: {  	_ =	shalt  }
0x57: {  	_ =	shalt  }
0x58: {  	_ =	shalt  }
0x59: {  	_ =	shalt  }
0x5a: {  	_ =	shalt  }
0x5b: {  	_ =	shalt  }
0x5c: {  	_ =	shalt  }
0x5d: {  	_ =	shalt  }
0x5e: {  	_ =	shalt  }
0x5f: {  	_ =	shalt  }
0x60: {  	_ =	shalt  }
0x61: {  	_ =	shalt  }
0x62: {  	_ =	shalt  }
0x63: {  	_ =	shalt  }
0x64: {  	_ =	shalt  }
0x65: {  	_ =	shalt  }
0x66: {  	_ =	shalt  }
0x67: {  	_ =	shalt  }
0x68: {  	_ =	shalt  }
0x69: {  	_ =	shalt  }
0x6a: {  	_ =	shalt  }
0x6b: {  	_ =	shalt  }
0x6c: {  	_ =	shalt  }
0x6d: {  	_ =	shalt  }
0x6e: {  	_ =	shalt  }
0x6f: {  	_ =	shalt  }
0x70: {  	_ =	shalt  }
0x71: {  	_ =	shalt  }
0x72: {  	_ =	shalt  }
0x73: {  	_ =	shalt  }
0x74: {  	_ =	shalt  }
0x75: {  	_ =	shalt  }
0x76: {  	_ =	shalt  }
0x77: {  	_ =	shalt  }
0x78: {  	_ =	shalt  }
0x79: {  	_ =	shalt  }
0x7a: {  	_ =	shalt  }
0x7b: {  	_ =	shalt  }
0x7c: {  	_ =	shalt  }
0x7d: {  	_ =	shalt  }
0x7e: {  	_ =	shalt  }
0x7f: {  	_ =	shalt  }
0x80: {  	_ =	shalt  }
0x81: {  	_ =	shalt  }
0x82: {  	_ =	shalt  }
0x83: {  	_ =	shalt  }
0x84: {  	_ =	shalt  }
0x85: {  	_ =	shalt  }
0x86: {  	_ =	shalt  }
0x87: {  	_ =	shalt  }
.Lfunc_end0:
.L_simem_size_0:
called_computation.2_lowered:
.L_overlay_start_0:
0x88: {  	s2 =	sld [smem:$0x3FD9]  }
0x89: {  	s3 =	sld [smem:$0x3FFE];
	_ =	sdelay $0x1  }
0x8a: {  	s1 =	srdreg.scid  }
0x8b: {  	s0 =	sand.u32 $0x1, s1  }
0x8c: {  	s17 =	sshll.u32 s0, $0xA;
	s2 =	sadd.s32 s3, s2  }
0x8d: {  	s2 =	sadd.s32 s2, s17  }
0x8e: {  	[smem:$0x3FC0] =	sst s2  }
0x8f: {  	_ = 	snop  }
0x90: {  	s2 =	sld [smem:$0x3FD0];
	(tm) =	ssettm $0x1  }
0x91: {  	s18 =	sld [smem:$0x3FFB];
	_ =	sdelay $0x3  }
0x92: {  	_ =	strace s18  }
0x93: {  	s3 =	sld [smem:$0x3FFC];
	_ =	sdelay $0x3  }
0x94: {  	_ =	strace s3  }
0x95: {  	s3 =	sld [smem:$0x3FFD];
	_ =	sdelay $0x3  }
0x96: {  	_ =	strace s3  }
0x97: {  	_ =	strace $0x8FFFFFFF  }
0x98: {  	s19 =	sld [smem:$0x3FDB];
	_ =	sdelay $0x1  }
0x99: {  	s4 =	simm.s32 $_scs_section_size  }
0x9a: {  	s5 =	simm.s32 $_size__tile_overlayer_lowered;
	s6 =	simm.s32 $_tile_overlayer_lowered  }
0x9b: {  	s22 =	simm.s32 $0x1BFF;
	s21 =	sshll.u32 s6, $0x1;
	s3 =	sadd.s32 s4, s19  }
0x9c: {  	s7 =	simm.s32 $0x0;
	s20 =	sshll.u32 s5, $0x1;
	s5 =	sadd.s32 s21, s3  }
0x9d: {  	[timem:s7], [sflag:s22] =	dma.local [hbm:s5], s20  }
0x9e: {  	_ =	swait.ge [sflag:s22], s20  }
0x9f: {  	s4 =	ssub.s32 $0x0, s20;
	[sflag:s22] =	ssyncset.done $0x0  }
0xa0: {  	[sflag:s22] =	ssyncadd.s32 s4;
	_ =	sdelay $0x1  }
0xa1: {  	s23 =	simm.s32 $0x1B8B  }
0xa2: {  	_ =	swait.ge [sflag:s23], $0x1  }
0xa3: {  	[sflag:s23] =	ssyncset.done $0x0  }
0xa4: {  	s25 =	simm.s32 $0x1B8E;
	s24 =	sld [smem:$0x3FFE];
	[sflag:s23] =	ssyncadd.s32 $0xFFFFFFFF  }
0xa5: {  	s26 =	simm.s32 $execute0_lowered;
	[smem:$0x3FD2] =	sst s25  }
0xa6: {  	s5 =	sshll.u32 s26, $0x1;
	_ =	strace $0x8000004C;
	[dreg:$0x1] =	wrdreg $0xFFFFFFFF  }
0xa7: {  	s28 =	simm.s32 $_size_execute0_lowered;
	s3 =	sadd.s32 s3, s5;
	[dreg:$0x0] =	wrdreg $0x0  }
0xa8: {  	s5 =	sshll.u32 s28, $0x1;
	[dreg:$0x2] =	wrdreg s3  }
0xa9: {  	[dreg:$0x3] =	wrdreg s5  }
0xaa: {  	[dreg:$0x4] =	wrdreg $0xC0  }
0xab: {  	_ =	task [dreg:s7], $0x5FFFF  }
0xac: {  	[dreg:$0x1] =	wrdreg $0xFFFFFFFF  }
0xad: {  	[dreg:$0x0] =	wrdreg $0x60  }
0xae: {  	[dreg:$0x2] =	wrdreg s24  }
0xaf: {  	[dreg:$0x3] =	wrdreg s2  }
0xb0: {  	[dreg:$0x4] =	wrdreg $0xA0000  }
0xb1: {  	[dreg:$0x5] =	wrdreg $0x9  }
0xb2: {  	_ =	task.clear_ibuf [dreg:s7], $0x6FFFF;
	_ =	strace $0x9000004C  }
0xb3: {  	s29 =	simm.s32 $0x9;
	_ =	strace $0x8000004E  }
0xb4: {  	_ =	swait.ge [sflag:s29], $0x1  }
0xb5: {  	[sflag:s29] =	ssyncadd.s32 $0xFFFFFFFF  }
0xb6: {  	_ =	strace $0x9000004E  }
0xb7: {  	_ =	sfence  }
0xb8: {  	s30 =	sld [smem:$0x0];
	_ =	sdelay $0x2  }
0xb9: {  	s31 =	sshll.u32 s1, $0xD;
	s1 =	sshrl.u32 s1, $0x2  }
0xba: {  	s3 =	sand.u32 $0x4000, s31;
	s1 =	sadd.s32 s1, s30  }
0xbb: {  	s0 =	sor.u32 s3, s0;
	s1 =	sshll.u32 s1, $0x11  }
0xbc: {  	s0 =	sor.u32 s1, s0  }
0xbd: {  	s0 =	sadd.s32 $0x8F2B, s0  }
0xbe: {  	[sflag:s0] =	ssyncadd.remote.s32 $0x1  }
0xbf: {  	_ =	sfence.sel $0xFFFF  }
0xc0: {  	[dreg:$0x0] =	wrdreg $0xFFFFFFFF;
	(pc) =	sbr.abs _section_cstart, $3  }
0xc1: {  	[dreg:$0x1] =	wrdreg $0xFFFFFFFF  }
0xc2: {  	_ =	task.clear_ibuf [dreg:s7], $0x2FFFF;
	_ =	strace $0x9FFFFFFF  }
0xc3: {  	(tm) =	ssettm $0x7FFFFFFF  }
tec
execute0_lowered:
.L_overlay_start_1:
0x0: {  	(tag) =	ssettag $0x1  }
0x1: {  	s0 =	rddreg [dreg:$0x0]  }
0x2: {  	s3 =	rddreg [dreg:$0x1]  }
0x3: {  	s1 =	rddreg [dreg:$0x2]  }
0x4: {  	s2 =	simm.s32 $0x0;
	s6 =	srdreg.scid;
	s22 =	stileid.u32  }
0x5: {  	s28 =	simm.s32 $0x2;
	s29 =	simm.s32 $0xF80;
	s30 =	simm.s32 $0x1F00  }
0x6: {  	s31 =	simm.s32 $0x1F80;
	[smem:$0x7FF] =	sst s2;
	s4 =	sadd.s32 $0x2800, s0  }
0x7: {  	s5 =	sadd.s32 $0x79800, s0;
	s12 =	sand.u32 $0x1, s6;
	s8 =	smul.u32 $0x4F000, s22  }
0x8: {  	s6 =	sadd.s32 $0x67800, s0;
	s13 =	sshll.u32 s22, $0x9;
	s14 =	smul.u32 $0x13C00, s22  }
0x9: {  	_ =	strace $0x8000004D;
	s7 =	ssub.s32 $0x2, s12;
	s15 =	sadd.s32 s13, s0  }
0xa: {  	s0 =	sadd.s32 $0x8B800, s0;
	s21 =	smul.u32 $0x13C000, s12;
	p0 =	seq.s32 s12, $0x1  }
0xb: {  	s12 =	smul.u32 $0x9000, s22;
	s3 =	sadd.s32 s3, s13;
	s9 =	sshrl.u32 s7, $0x1  }
0xc: {  	s24 =	sshrl.u32 s8, $0x2;
	s16 =	sadd.s32 $0x4000, s14;
	s17 =	sadd.s32 $0x8000, s14  }
0xd: {  	s18 =	sadd.s32 $0xC000, s14;
	s19 =	sadd.s32 $0x10000, s14;
	[dreg:$0x4] =	wrdreg s3  }
0xe: {  	s20 =	ssub.s32 s7, s9;
	s7 =	sadd.s32 s24, s1;
	s8 =	sadd.s32 s16, s1  }
0xf: {  	s9 =	sadd.s32 s17, s1;
	s10 =	sadd.s32 s18, s1;
	s11 =	sadd.s32 s19, s1  }
0x10: {  	s14 =	sadd.s32 s14, s21;
	s16 =	sadd.s32 s21, s16;
	s23 =	sadd.s32 s21, s17  }
0x11: {  	s24 =	sadd.s32 s21, s18;
	s25 =	sshrl.u32 s14, $0x3;
	s26 =	sshrl.u32 s16, $0x3  }
0x12: {  	s16 =	sadd.s32 $0x65800, s15;
	s13 =	sshrl.u32 s24, $0x3;
	s20 =	smax.u32 s20, $0x1  }
0x13: {  	s24 =	simm.s32 $0x80;
	[dreg:$0x5] =	wrdreg s16;
	s3 =	sadd.s32 s0, s25  }
0x14: {  	s22 =	sadd.s32 s0, s26;
	s25 =	sadd.s32 s21, s19;
	s26 =	sadd.s32 s0, s13  }
.Ltmp0:
0x15: {  	s21 =	simm.s32 $0x2000;
	[dreg:$0x6] =	wrdreg s3;
	(pc) =	sbr.rel .LBB2_1-.Ltmp0, $4  }
0x16: {  	[dreg:$0x7] =	wrdreg s22;
	s3 =	sshrl.u32 s23, $0x3;
	s14 =	sshrl.u32 s25, $0x3  }
0x17: {  	[dreg:$0x9] =	wrdreg s26;
	s22 =	simm.s32 $0x3;
	s23 =	simm.s32 $0x1000  }
0x18: {  	s25 =	simm.s32 $0x6000;
	s26 =	simm.s32 $0x1;
	s3 =	sadd.s32 s0, s3  }
0x19: {  	v0 =	vimm.f32 $0.0e+00;
	s19 =	sadd.s32 s0, s14;
	s0 =	simm.s32 $0x0;
	[dreg:$0x8] =	wrdreg s3  }
.LBB2_10:
0x1a: {  	[bflag:$0x0] =	sbarrier.arrive $0xFFFF  }
0x1b: {  	[tilespmem:s21], [sflag:$0x3] =	stream.linear.gather [spmem:s7], $0x4000, $0x38;
	[tilespmem:$0x1DC00] =	vst v63  }
0x1c: {  	_ =	swait.ge [sflag:s22], $0x4000  }
0x1d: {  	[sflag:s22] =	ssyncset.done $0x0  }
0x1e: {  	s3 =	rddreg [dreg:$0x6];
	[sflag:s22] =	ssyncadd.s32 $0xFFFFC000  }
0x1f: {  	[hbm4b:s3+s2] =	stream.linear.scatter [tilespmem:s21], [sflag:$0x3], $0x4000, $0x38;
	[tilespmem:$0x1DC00] =	vst v63  }
0x20: {  	_ =	swait.ge [sflag:s22], $0x4000  }
0x21: {  	[sflag:s22] =	ssyncset.done $0x0  }
0x22: {  	[sflag:s22] =	ssyncadd.s32 $0xFFFFC000  }
0x23: {  	[tilespmem:s21], [sflag:$0x3] =	stream.linear.gather [spmem:s8], $0x4000, $0x38;
	[tilespmem:$0x1DC00] =	vst v63  }
0x24: {  	_ =	swait.ge [sflag:s22], $0x4000  }
0x25: {  	[sflag:s22] =	ssyncset.done $0x0  }
0x26: {  	s16 =	rddreg [dreg:$0x7];
	[sflag:s22] =	ssyncadd.s32 $0xFFFFC000  }
0x27: {  	[hbm4b:s16+s2] =	stream.linear.scatter [tilespmem:s21], [sflag:$0x3], $0x4000, $0x38;
	[tilespmem:$0x1DC00] =	vst v63  }
0x28: {  	_ =	swait.ge [sflag:s22], $0x4000  }
0x29: {  	[sflag:s22] =	ssyncset.done $0x0  }
0x2a: {  	[sflag:s22] =	ssyncadd.s32 $0xFFFFC000  }
0x2b: {  	[tilespmem:s21], [sflag:$0x3] =	stream.linear.gather [spmem:s9], $0x4000, $0x38;
	[tilespmem:$0x1DC00] =	vst v63  }
0x2c: {  	_ =	swait.ge [sflag:s22], $0x4000  }
0x2d: {  	[sflag:s22] =	ssyncset.done $0x0  }
0x2e: {  	s17 =	rddreg [dreg:$0x8];
	[sflag:s22] =	ssyncadd.s32 $0xFFFFC000  }
0x2f: {  	[hbm4b:s17+s2] =	stream.linear.scatter [tilespmem:s21], [sflag:$0x3], $0x4000, $0x38;
	[tilespmem:$0x1DC00] =	vst v63  }
0x30: {  	_ =	swait.ge [sflag:s22], $0x4000  }
0x31: {  	[sflag:s22] =	ssyncset.done $0x0  }
0x32: {  	[sflag:s22] =	ssyncadd.s32 $0xFFFFC000  }
0x33: {  	[tilespmem:s21], [sflag:$0x3] =	stream.linear.gather [spmem:s10], $0x4000, $0x38;
	[tilespmem:$0x1DC00] =	vst v63  }
0x34: {  	_ =	swait.ge [sflag:s22], $0x4000  }
0x35: {  	[sflag:s22] =	ssyncset.done $0x0  }
0x36: {  	s18 =	rddreg [dreg:$0x9];
	[sflag:s22] =	ssyncadd.s32 $0xFFFFC000  }
0x37: {  	[hbm4b:s18+s2] =	stream.linear.scatter [tilespmem:s21], [sflag:$0x3], $0x4000, $0x38;
	[tilespmem:$0x1DC00] =	vst v63  }
0x38: {  	_ =	swait.ge [sflag:s22], $0x4000  }
0x39: {  	[sflag:s22] =	ssyncset.done $0x0  }
0x3a: {  	[sflag:s22] =	ssyncadd.s32 $0xFFFFC000  }
0x3b: {  	[tilespmem:s21], [sflag:$0x3] =	stream.linear.gather [spmem:s11], $0x3C00, $0x38;
	[tilespmem:$0x1DC00] =	vst v63  }
0x3c: {  	s0 =	sadd.s32 $0x1, s0;
	_ =	swait.ge [sflag:s22], $0x3C00  }
0x3d: {  	p1 =	sne.s32 s0, s20;
	[sflag:s22] =	ssyncset.done $0x0  }
.Ltmp1:
0x3e: {  	[sflag:s22] =	ssyncadd.s32 $0xFFFFC400;
	(pc) =	sbr.rel @!p1 .LBB2_11-.Ltmp1, $4  }
0x3f: {  	[hbm4b:s19+s2] =	stream.linear.scatter [tilespmem:s21], [sflag:$0x3], $0x3C00, $0x38;
	[tilespmem:$0x1DC00] =	vst v63  }
0x40: {  	_ =	swait.ge [sflag:s22], $0x3C00  }
0x41: {  	[sflag:s22] =	ssyncset.done $0x0  }
0x42: {  	[sflag:s22] =	ssyncadd.s32 $0xFFFFC400  }
.LBB2_1:
0x43: {  	s3 =	sand.u32 $0xFE00, s2  }
0x44: {  	s13 =	sand.u32 $0x70, s2;
	s14 =	sshrl.u32 s3, $0x2  }
0x45: {  	s3 =	simm.s32 $0x40;
	s14 =	sor.u32 s13, s14;
	s13 =	simm.s32 $0x0  }
.LBB2_2:
0x46: {  	p1 =	sne.s32 s3, $0xFFC0  }
0x47: {  	[tilespmem:s14+$0x2000] =	vst v0;
	s13 =	sadd.s32 $0x10, s13;
	s14 =	smov.u32 s3;
	s3 =	sadd.s32 $0x40, s3  }
.Ltmp2:
0x48: {  	(pc) =	sbr.rel @p1 .LBB2_2-.Ltmp2, $4  }
0x49: {  	_ = 	snop  }
0x4a: {  	s14 =	sand.u32 $0xFE00, s14  }
0x4b: {  	s15 =	sand.u32 $0x70, s13;
	s14 =	sshrl.u32 s14, $0x2  }
0x4c: {  	s14 =	sor.u32 s15, s14  }
0x4d: {  	[tilespmem:s14+$0x2000] =	vst v0  }
0x4e: {  	[spmem:s7] =	stream.linear.scatter [tilespmem:s21], [sflag:$0x3], $0x4000, $0x38;
	[tilespmem:$0x1DC00] =	vst v63  }
0x4f: {  	_ =	swait.ge [sflag:s22], $0x4000  }
0x50: {  	[sflag:s22] =	ssyncset.done $0x0  }
0x51: {  	[sflag:s22] =	ssyncadd.s32 $0xFFFFC000  }
0x52: {  	[spmem:s8] =	stream.linear.scatter [tilespmem:s21], [sflag:$0x3], $0x4000, $0x38;
	[tilespmem:$0x1DC00] =	vst v63  }
0x53: {  	_ =	swait.ge [sflag:s22], $0x4000  }
0x54: {  	[sflag:s22] =	ssyncset.done $0x0  }
0x55: {  	[sflag:s22] =	ssyncadd.s32 $0xFFFFC000  }
0x56: {  	[spmem:s9] =	stream.linear.scatter [tilespmem:s21], [sflag:$0x3], $0x4000, $0x38;
	[tilespmem:$0x1DC00] =	vst v63  }
0x57: {  	_ =	swait.ge [sflag:s22], $0x4000  }
0x58: {  	[sflag:s22] =	ssyncset.done $0x0  }
0x59: {  	[sflag:s22] =	ssyncadd.s32 $0xFFFFC000  }
0x5a: {  	[spmem:s10] =	stream.linear.scatter [tilespmem:s21], [sflag:$0x3], $0x4000, $0x38;
	[tilespmem:$0x1DC00] =	vst v63  }
0x5b: {  	_ =	swait.ge [sflag:s22], $0x4000  }
0x5c: {  	[sflag:s22] =	ssyncset.done $0x0  }
0x5d: {  	[sflag:s22] =	ssyncadd.s32 $0xFFFFC000  }
0x5e: {  	[spmem:s11] =	stream.linear.scatter [tilespmem:s21], [sflag:$0x3], $0x3C00, $0x38;
	[tilespmem:$0x1DC00] =	vst v63  }
.Ltmp3:
0x5f: {  	_ =	swait.ge [sflag:s22], $0x3C00;
	(pc) =	sbr.rel @!p0 .LBB2_4-.Ltmp3, $4  }
0x60: {  	[sflag:s22] =	ssyncset.done $0x0  }
0x61: {  	[sflag:s22] =	ssyncadd.s32 $0xFFFFC400  }
0x62: {  	[bflag:$0x0] =	sbarrier.arrive $0xFFFF  }
0x63: {  	s3 =	simm.s32 $0x0;
	s13 =	simm.s32 $0x0  }
0x64: {  	s3 =	simm.s32 $0x0;
	s13 =	rddreg [dreg:$0x4]  }
0x65: {  	[tilespmem:s3], [sflag:$0x3] =	stream.linear.gather [hbm4b:s13+s3], $0x1000, $0x38;
	[tilespmem:$0x1DC00] =	vst v63  }
0x66: {  	_ =	swait.ge [sflag:s22], $0x1000  }
0x67: {  	[sflag:s22] =	ssyncset.done $0x0  }
0x68: {  	s14 =	rddreg [dreg:$0x5];
	[sflag:s22] =	ssyncadd.s32 $0xFFFFF000  }
0x69: {  	[tilespmem:s23], [sflag:$0x3] =	stream.linear.gather [hbm4b:s14+s3], $0x1000, $0x38;
	[tilespmem:$0x1DC00] =	vst v63  }
0x6a: {  	_ =	swait.ge [sflag:s22], $0x1000  }
0x6b: {  	[sflag:s22] =	ssyncset.done $0x0  }
0x6c: {  	[sflag:s22] =	ssyncadd.s32 $0xFFFFF000  }
0x6d: {  	[tilespmem:s21], [sflag:$0x1] =	stream.indirect.gather [hbm4b:s4+s24], $0x80, s3, s24, $0xb8;
	[tilespmem:$0x1DC00] =	vst v63  }
0x6e: {  	s15 =	simm.s32 $0x80  }
0x6f: {  	[tilespmem:s25], [sflag:$0x2] =	stream.indirect.gather [hbm4b:s4+s24], $0x80, s15, s24, $0xb8;
	[tilespmem:$0x1DC00] =	vst v63  }
0x70: {  	_ =	swait.ge [sflag:s26], $0x4000  }
0x71: {  	[sflag:s26] =	ssyncset.done $0x0  }
0x72: {  	s16 =	simm.s32 $0x1000;
	[sflag:s26] =	ssyncadd.s32 $0xFFFFC000  }
0x73: {  	[spmem:s1] =	stream.indirect.scatter.add.f32 [tilespmem:s21], [sflag:$0x3], $0x80, s16, s24, $0xb8;
	[tilespmem:$0x1DC00] =	vst v63  }
0x74: {  	_ =	swait.ge [sflag:s22], $0x4000  }
0x75: {  	[sflag:s22] =	ssyncset.done $0x0  }
0x76: {  	s17 =	simm.s32 $0x100;
	[sflag:s22] =	ssyncadd.s32 $0xFFFFC000  }
0x77: {  	[tilespmem:s21], [sflag:$0x1] =	stream.indirect.gather [hbm4b:s4+s24], $0x80, s17, s24, $0xb8;
	[tilespmem:$0x1DC00] =	vst v63  }
0x78: {  	_ =	swait.ge [sflag:s28], $0x4000  }
0x79: {  	[sflag:s28] =	ssyncset.done $0x0  }
0x7a: {  	s18 =	simm.s32 $0x1080;
	[sflag:s28] =	ssyncadd.s32 $0xFFFFC000  }
0x7b: {  	[spmem:s1] =	stream.indirect.scatter.add.f32 [tilespmem:s25], [sflag:$0x3], $0x80, s18, s24, $0xb8;
	[tilespmem:$0x1DC00] =	vst v63  }
0x7c: {  	_ =	swait.ge [sflag:s22], $0x4000  }
0x7d: {  	s13 =	simm.s32 $0x800;
	s3 =	simm.s32 $0x100;
	[sflag:s22] =	ssyncset.done $0x0  }
.LBB2_8:
0x7e: {  	s14 =	sadd.s32 $0x80, s3  }
0x7f: {  	[sflag:s22] =	ssyncadd.s32 $0xFFFFC000;
	s15 =	smov.u32 s13;
	s16 =	sadd.s32 $0x400, s13  }
0x80: {  	[tilespmem:s25], [sflag:$0x2] =	stream.indirect.gather [hbm4b:s4+s24], $0x80, s14, s24, $0xb8;
	[tilespmem:$0x1DC00] =	vst v63  }
0x81: {  	p1 =	sne.s32 s13, $0x3800;
	_ =	swait.ge [sflag:s26], $0x4000  }
0x82: {  	[sflag:s26] =	ssyncset.done $0x0  }
0x83: {  	s13 =	sadd.s32 $0x1000, s3;
	[sflag:s26] =	ssyncadd.s32 $0xFFFFC000  }
0x84: {  	[spmem:s1] =	stream.indirect.scatter.add.f32 [tilespmem:s21], [sflag:$0x3], $0x80, s13, s24, $0xb8;
	[tilespmem:$0x1DC00] =	vst v63  }
0x85: {  	_ =	swait.ge [sflag:s22], $0x4000  }
0x86: {  	[sflag:s22] =	ssyncset.done $0x0  }
0x87: {  	s13 =	sadd.s32 $0x100, s3;
	[sflag:s22] =	ssyncadd.s32 $0xFFFFC000  }
0x88: {  	[tilespmem:s21], [sflag:$0x1] =	stream.indirect.gather [hbm4b:s4+s24], $0x80, s13, s24, $0xb8;
	[tilespmem:$0x1DC00] =	vst v63  }
0x89: {  	_ =	swait.ge [sflag:s28], $0x4000  }
.Ltmp4:
0x8a: {  	[sflag:s28] =	ssyncset.done $0x0;
	(pc) =	sbr.rel @p1 .LBB2_8-.Ltmp4, $4  }
0x8b: {  	s3 =	sadd.s32 $0x1080, s3;
	[sflag:s28] =	ssyncadd.s32 $0xFFFFC000  }
0x8c: {  	[spmem:s1] =	stream.indirect.scatter.add.f32 [tilespmem:s25], [sflag:$0x3], $0x80, s3, s24, $0xb8;
	[tilespmem:$0x1DC00] =	vst v63  }
0x8d: {  	_ =	swait.ge [sflag:s22], $0x4000  }
0x8e: {  	s13 =	smov.u32 s16;
	s3 =	sshra.s32 s15, $0x2;
	[sflag:s22] =	ssyncset.done $0x0  }
0x8f: {  	s13 =	sadd.s32 $0x80, s3;
	[sflag:s22] =	ssyncadd.s32 $0xFFFFC000  }
0x90: {  	[tilespmem:s25], [sflag:$0x2] =	stream.indirect.gather [hbm4b:s4+s24], $0x80, s13, s24, $0xb8;
	[tilespmem:$0x1DC00] =	vst v63  }
0x91: {  	_ =	swait.ge [sflag:s26], $0x4000  }
0x92: {  	[sflag:s26] =	ssyncset.done $0x0  }
0x93: {  	s16 =	sadd.s32 $0x1000, s3;
	[sflag:s26] =	ssyncadd.s32 $0xFFFFC000  }
0x94: {  	[spmem:s1] =	stream.indirect.scatter.add.f32 [tilespmem:s21], [sflag:$0x3], $0x80, s16, s24, $0xb8;
	[tilespmem:$0x1DC00] =	vst v63  }
0x95: {  	_ =	swait.ge [sflag:s22], $0x4000  }
0x96: {  	[sflag:s22] =	ssyncset.done $0x0  }
0x97: {  	s17 =	sadd.s32 $0x100, s3;
	[sflag:s22] =	ssyncadd.s32 $0xFFFFC000  }
0x98: {  	[tilespmem:s21], [sflag:$0x1] =	stream.indirect.gather [hbm4b:s4+s24], $0x80, s17, s24, $0xb8;
	[tilespmem:$0x1DC00] =	vst v63  }
0x99: {  	_ =	swait.ge [sflag:s28], $0x4000  }
0x9a: {  	[sflag:s28] =	ssyncset.done $0x0  }
0x9b: {  	s18 =	sadd.s32 $0x1080, s3;
	[sflag:s28] =	ssyncadd.s32 $0xFFFFC000  }
0x9c: {  	[spmem:s1] =	stream.indirect.scatter.add.f32 [tilespmem:s25], [sflag:$0x3], $0x80, s18, s24, $0xb8;
	[tilespmem:$0x1DC00] =	vst v63  }
0x9d: {  	_ =	swait.ge [sflag:s22], $0x4000  }
0x9e: {  	[sflag:s22] =	ssyncset.done $0x0  }
0x9f: {  	[sflag:s22] =	ssyncadd.s32 $0xFFFFC000  }
0xa0: {  	[tilespmem:s25], [sflag:$0x2] =	stream.indirect.gather [hbm4b:s4+s24], $0x80, s29, s24, $0xb8;
	[tilespmem:$0x1DC00] =	vst v63  }
0xa1: {  	_ =	swait.ge [sflag:s26], $0x4000  }
0xa2: {  	[sflag:s26] =	ssyncset.done $0x0  }
0xa3: {  	[sflag:s26] =	ssyncadd.s32 $0xFFFFC000  }
0xa4: {  	[spmem:s1] =	stream.indirect.scatter.add.f32 [tilespmem:s21], [sflag:$0x3], $0x80, s30, s24, $0xb8;
	[tilespmem:$0x1DC00] =	vst v63  }
0xa5: {  	_ =	swait.ge [sflag:s22], $0x4000  }
0xa6: {  	[sflag:s22] =	ssyncset.done $0x0  }
0xa7: {  	[sflag:s22] =	ssyncadd.s32 $0xFFFFC000  }
0xa8: {  	_ =	swait.ge [sflag:s28], $0x4000  }
0xa9: {  	[sflag:s28] =	ssyncset.done $0x0  }
.Ltmp5:
0xaa: {  	[sflag:s28] =	ssyncadd.s32 $0xFFFFC000;
	(pc) =	sbr.rel .LBB2_10-.Ltmp5, $4  }
0xab: {  	[spmem:s1] =	stream.indirect.scatter.add.f32 [tilespmem:s25], [sflag:$0x3], $0x80, s31, s24, $0xb8;
	[tilespmem:$0x1DC00] =	vst v63  }
0xac: {  	_ =	swait.ge [sflag:s22], $0x4000  }
0xad: {  	[sflag:s22] =	ssyncset.done $0x0  }
0xae: {  	[sflag:s22] =	ssyncadd.s32 $0xFFFFC000  }
.LBB2_4:
0xaf: {  	s14 =	sshll.u32 s13, $0xC  }
0xb0: {  	s14 =	sadd.s32 s12, s14  }
0xb1: {  	s14 =	sshrl.u32 s14, $0x3  }
0xb2: {  	s15 =	sadd.s32 s5, s14  }
0xb3: {  	[tilespmem:s3], [sflag:$0x3] =	stream.linear.gather [hbm4b:s15+s3], $0x1000, $0x38;
	[tilespmem:$0x1DC00] =	vst v63  }
0xb4: {  	_ =	swait.ge [sflag:s22], $0x1000  }
0xb5: {  	[sflag:s22] =	ssyncset.done $0x0  }
0xb6: {  	s14 =	sadd.s32 s6, s14;
	[sflag:s22] =	ssyncadd.s32 $0xFFFFF000  }
0xb7: {  	[tilespmem:s23], [sflag:$0x3] =	stream.linear.gather [hbm4b:s14+s3], $0x1000, $0x38;
	[tilespmem:$0x1DC00] =	vst v63  }
0xb8: {  	_ =	swait.ge [sflag:s22], $0x1000  }
0xb9: {  	[sflag:s22] =	ssyncset.done $0x0  }
0xba: {  	[sflag:s22] =	ssyncadd.s32 $0xFFFFF000  }
0xbb: {  	[tilespmem:s21], [sflag:$0x1] =	stream.indirect.gather [hbm4b:s4+s24], $0x80, s3, s24, $0xb8;
	[tilespmem:$0x1DC00] =	vst v63  }
0xbc: {  	s15 =	simm.s32 $0x80  }
0xbd: {  	[tilespmem:s25], [sflag:$0x2] =	stream.indirect.gather [hbm4b:s4+s24], $0x80, s15, s24, $0xb8;
	[tilespmem:$0x1DC00] =	vst v63  }
0xbe: {  	_ =	swait.ge [sflag:s26], $0x4000  }
0xbf: {  	[sflag:s26] =	ssyncset.done $0x0  }
0xc0: {  	s16 =	simm.s32 $0x1000;
	[sflag:s26] =	ssyncadd.s32 $0xFFFFC000  }
0xc1: {  	[spmem:s1] =	stream.indirect.scatter.add.f32 [tilespmem:s21], [sflag:$0x3], $0x80, s16, s24, $0xb8;
	[tilespmem:$0x1DC00] =	vst v63  }
0xc2: {  	_ =	swait.ge [sflag:s22], $0x4000  }
0xc3: {  	[sflag:s22] =	ssyncset.done $0x0  }
0xc4: {  	s17 =	simm.s32 $0x100;
	[sflag:s22] =	ssyncadd.s32 $0xFFFFC000  }
0xc5: {  	[tilespmem:s21], [sflag:$0x1] =	stream.indirect.gather [hbm4b:s4+s24], $0x80, s17, s24, $0xb8;
	[tilespmem:$0x1DC00] =	vst v63  }
0xc6: {  	_ =	swait.ge [sflag:s28], $0x4000  }
0xc7: {  	[sflag:s28] =	ssyncset.done $0x0  }
0xc8: {  	s18 =	simm.s32 $0x1080;
	[sflag:s28] =	ssyncadd.s32 $0xFFFFC000  }
0xc9: {  	[spmem:s1] =	stream.indirect.scatter.add.f32 [tilespmem:s25], [sflag:$0x3], $0x80, s18, s24, $0xb8;
	[tilespmem:$0x1DC00] =	vst v63  }
0xca: {  	_ =	swait.ge [sflag:s22], $0x4000  }
0xcb: {  	s14 =	simm.s32 $0x100;
	s15 =	simm.s32 $0x800;
	[sflag:s22] =	ssyncset.done $0x0  }
.LBB2_5:
0xcc: {  	s16 =	sadd.s32 $0x80, s14  }
0xcd: {  	[sflag:s22] =	ssyncadd.s32 $0xFFFFC000;
	s17 =	smov.u32 s15;
	s18 =	sadd.s32 $0x400, s15  }
0xce: {  	[tilespmem:s25], [sflag:$0x2] =	stream.indirect.gather [hbm4b:s4+s24], $0x80, s16, s24, $0xb8;
	[tilespmem:$0x1DC00] =	vst v63  }
0xcf: {  	p1 =	sne.s32 s15, $0x3800;
	_ =	swait.ge [sflag:s26], $0x4000  }
0xd0: {  	[sflag:s26] =	ssyncset.done $0x0  }
0xd1: {  	s15 =	sadd.s32 $0x1000, s14;
	[sflag:s26] =	ssyncadd.s32 $0xFFFFC000  }
0xd2: {  	[spmem:s1] =	stream.indirect.scatter.add.f32 [tilespmem:s21], [sflag:$0x3], $0x80, s15, s24, $0xb8;
	[tilespmem:$0x1DC00] =	vst v63  }
0xd3: {  	_ =	swait.ge [sflag:s22], $0x4000  }
0xd4: {  	[sflag:s22] =	ssyncset.done $0x0  }
0xd5: {  	s15 =	sadd.s32 $0x100, s14;
	[sflag:s22] =	ssyncadd.s32 $0xFFFFC000  }
0xd6: {  	[tilespmem:s21], [sflag:$0x1] =	stream.indirect.gather [hbm4b:s4+s24], $0x80, s15, s24, $0xb8;
	[tilespmem:$0x1DC00] =	vst v63  }
0xd7: {  	_ =	swait.ge [sflag:s28], $0x4000  }
.Ltmp6:
0xd8: {  	[sflag:s28] =	ssyncset.done $0x0;
	(pc) =	sbr.rel @p1 .LBB2_5-.Ltmp6, $4  }
0xd9: {  	s14 =	sadd.s32 $0x1080, s14;
	[sflag:s28] =	ssyncadd.s32 $0xFFFFC000  }
0xda: {  	[spmem:s1] =	stream.indirect.scatter.add.f32 [tilespmem:s25], [sflag:$0x3], $0x80, s14, s24, $0xb8;
	[tilespmem:$0x1DC00] =	vst v63  }
0xdb: {  	_ =	swait.ge [sflag:s22], $0x4000  }
0xdc: {  	s15 =	smov.u32 s18;
	s14 =	sshra.s32 s17, $0x2;
	[sflag:s22] =	ssyncset.done $0x0  }
0xdd: {  	s15 =	sadd.s32 $0x80, s14;
	[sflag:s22] =	ssyncadd.s32 $0xFFFFC000  }
0xde: {  	[tilespmem:s25], [sflag:$0x2] =	stream.indirect.gather [hbm4b:s4+s24], $0x80, s15, s24, $0xb8;
	[tilespmem:$0x1DC00] =	vst v63  }
0xdf: {  	_ =	swait.ge [sflag:s26], $0x4000  }
0xe0: {  	[sflag:s26] =	ssyncset.done $0x0  }
0xe1: {  	s16 =	sadd.s32 $0x1000, s14;
	[sflag:s26] =	ssyncadd.s32 $0xFFFFC000  }
0xe2: {  	[spmem:s1] =	stream.indirect.scatter.add.f32 [tilespmem:s21], [sflag:$0x3], $0x80, s16, s24, $0xb8;
	[tilespmem:$0x1DC00] =	vst v63  }
0xe3: {  	_ =	swait.ge [sflag:s22], $0x4000  }
0xe4: {  	[sflag:s22] =	ssyncset.done $0x0  }
0xe5: {  	s17 =	sadd.s32 $0x100, s14;
	[sflag:s22] =	ssyncadd.s32 $0xFFFFC000  }
0xe6: {  	[tilespmem:s21], [sflag:$0x1] =	stream.indirect.gather [hbm4b:s4+s24], $0x80, s17, s24, $0xb8;
	[tilespmem:$0x1DC00] =	vst v63  }
0xe7: {  	_ =	swait.ge [sflag:s28], $0x4000  }
0xe8: {  	[sflag:s28] =	ssyncset.done $0x0  }
0xe9: {  	s18 =	sadd.s32 $0x1080, s14;
	[sflag:s28] =	ssyncadd.s32 $0xFFFFC000  }
0xea: {  	[spmem:s1] =	stream.indirect.scatter.add.f32 [tilespmem:s25], [sflag:$0x3], $0x80, s18, s24, $0xb8;
	[tilespmem:$0x1DC00] =	vst v63  }
0xeb: {  	_ =	swait.ge [sflag:s22], $0x4000  }
0xec: {  	[sflag:s22] =	ssyncset.done $0x0  }
0xed: {  	[sflag:s22] =	ssyncadd.s32 $0xFFFFC000  }
0xee: {  	[tilespmem:s25], [sflag:$0x2] =	stream.indirect.gather [hbm4b:s4+s24], $0x80, s29, s24, $0xb8;
	[tilespmem:$0x1DC00] =	vst v63  }
0xef: {  	_ =	swait.ge [sflag:s26], $0x4000  }
0xf0: {  	[sflag:s26] =	ssyncset.done $0x0  }
0xf1: {  	[sflag:s26] =	ssyncadd.s32 $0xFFFFC000  }
0xf2: {  	[spmem:s1] =	stream.indirect.scatter.add.f32 [tilespmem:s21], [sflag:$0x3], $0x80, s30, s24, $0xb8;
	[tilespmem:$0x1DC00] =	vst v63  }
0xf3: {  	_ =	swait.ge [sflag:s22], $0x4000  }
0xf4: {  	[sflag:s22] =	ssyncset.done $0x0  }
0xf5: {  	[sflag:s22] =	ssyncadd.s32 $0xFFFFC000  }
0xf6: {  	_ =	swait.ge [sflag:s28], $0x4000  }
0xf7: {  	s13 =	sadd.s32 $0x1, s13;
	[sflag:s28] =	ssyncset.done $0x0  }
0xf8: {  	p1 =	seq.s32 s13, $0x9;
	[sflag:s28] =	ssyncadd.s32 $0xFFFFC000  }
0xf9: {  	[spmem:s1] =	stream.indirect.scatter.add.f32 [tilespmem:s25], [sflag:$0x3], $0x80, s31, s24, $0xb8;
	[tilespmem:$0x1DC00] =	vst v63  }
.Ltmp7:
0xfa: {  	_ = 	snop;
	(pc) =	sbr.rel @!p1 .LBB2_4-.Ltmp7, $4  }
.Ltmp8:
0xfb: {  	_ = 	snop;
	(pc) =	sbr.rel @p1 .LBB2_10-.Ltmp8, $4  }
0xfc: {  	_ =	swait.ge [sflag:s22], $0x4000  }
0xfd: {  	[sflag:s22] =	ssyncset.done $0x0  }
0xfe: {  	[sflag:s22] =	ssyncadd.s32 $0xFFFFC000  }
0xff: {  	_ = 	snop  }
.LBB2_11:
0x100: {  	_ =	sfence.sel $0x180000  }
0x101: {  	[bflag:$0x0] =	sbarrier.arrive $0xFFFF  }
0x102: {  	_ =	strace $0x9000004D  }
0x103: {  	s0 =	stileid.u32;
	[bflag:$0x2] =	sbarrier.arrive $0xFFFF  }
0x104: {  	p0 =	sne.s32 s0, $0x0;
	s0 =	rddreg [dreg:$0x3]  }
0x105: {  	s0 =	sadd.s32 @!p0 $0x100000, s0  }
0x106: {  	[sflag:s0] =	ssyncadd.tile.s32 @!p0 $0x1;
	_ =	shalt  }
.Lfunc_end2:
_tile_overlayer_lowered:
.L_overlay_start_2:
0x107: {  	(tag) =	ssettag $0x2  }
0x108: {  	s0 =	rddreg [dreg:$0x0];
	s2 =	stileid.u32  }
0x109: {  	s1 =	rddreg [dreg:$0x1];
	p0 =	sne.s32 s2, $0x0  }
0x10a: {  	s3 =	rddreg [dreg:$0x2];
	[bflag:$0x3] =	sbarrier.arrive $0xFFFF;
	s2 =	simm.s32 @!p0 $0x1C03  }
0x10b: {  	[timem:s3], [sflag:s2] =	dma.local @!p0 [hbm:s0], s1  }
0x10c: {  	s0 =	simm.s32 @!p0 $0x3  }
0x10d: {  	_ =	swait.ge @!p0 [sflag:s0], s1  }
0x10e: {  	s1 =	ssub.s32 @!p0 $0x0, s1;
	[sflag:s0] =	ssyncset.done @!p0 $0x0  }
0x10f: {  	[sflag:s0] =	ssyncadd.s32 @!p0 s1  }
0x110: {  	[bflag:$0x3] =	sbarrier.arrive $0xFFFF  }
0x111: {  	_ =	shalt  }

// kernel: kernel.9.cloned.1.call-start
scs
__scs_entry_jumppad:
0x0: {  	(pc) =	sbr.rel $0x88, $3  }
0x1: {  	(tag) =	ssettag $0x0;
	lr =	simm.s32 $0x1  }
0x2: {  	[smem:$0x3F99] =	sst lr;
	_ =	strace $0xD0000000  }
0x3: {  	_ = 	snop  }
0x4: {  	_ = 	snop  }
0x5: {  	_ = 	snop  }
0x6: {  	_ = 	snop  }
0x7: {  	_ = 	snop  }
__scs_overlays_trampoline_lowered:
0x8: {  	[smem:$0x3FA8] =	sst s0  }
0x9: {  	[smem:$0x3FA9] =	sst s1  }
0xa: {  	[smem:$0x3FAA] =	sst s2  }
0xb: {  	[smem:$0x3FAB] =	sst s3  }
0xc: {  	[smem:$0x3FAC] =	sst s4  }
0xd: {  	[smem:$0x3FAD] =	sst s5  }
0xe: {  	[smem:$0x3FAE] =	sst s6  }
0xf: {  	[smem:$0x3FAF] =	sst s7  }
0x10: {  	[smem:$0x3FB0] =	sst s8  }
0x11: {  	[smem:$0x3FB1] =	sst s9;
	s0 =	simm.s32 @!p0 $0x0  }
0x12: {  	s1 =	sld [smem:$0x3F97];
	s0 =	simm.s32 @p0 $0x1  }
0x13: {  	[smem:$0x3FB2] =	sst s0;
	s0 =	simm.s32 @!p1 $0x0  }
0x14: {  	s2 =	sld [smem:$0x3F96];
	s0 =	simm.s32 @p1 $0x1  }
0x15: {  	[smem:$0x3FB3] =	sst s0;
	s0 =	simm.s32 @!p2 $0x0  }
0x16: {  	s3 =	sld [smem:$0x3FDB];
	s0 =	simm.s32 @p2 $0x1  }
0x17: {  	s4 =	simm.s32 $0x1BF5;
	[smem:$0x3FB5] =	sst s0  }
0x18: {  	s0 =	sld [smem:$0x3F98];
	_ =	swait.ge [sflag:s4], $0x0  }
0x19: {  	s7 =	sld [smem:$0x3F99]  }
0x1a: {  	s8 =	sadd.s32 $0xFFFFE003, lr  }
0x1b: {  	s9 =	sadd.s32 $0xFFFFFEF7, lr;
	s5 =	simm.s32 $0xFFFFFFFF;
	p2 =	slt.u32 s8, $0xFFFFF086  }
0x1c: {  	p1 =	slt.u32 s9, $0xF7A;
	s5 =	simm.s32 @!p2 $0x0  }
0x1d: {  	s5 =	simm.s32 @p1 $0x1;
	p0 =	seq.s32 s7, s2  }
0x1e: {  	s7 =	smul.u32 @!p0 $0xF7A, s2;
	p2 =	seq.s32 @!p0 s5, $0x0  }
0x1f: {  	s9 =	smul.u32 $0xF7A, s1;
	s8 =	simm.s32 @!p0 $0x1BF5;
	p2 =	por !p2, p0  }
0x20: {  	[sflag:s8] =	ssyncset.s32 @!p0 $0xFFFFF086;
	s6 =	sadd.s32 @!p0 s3, s7;
	s7 =	simm.s32 @!p0 $0x108  }
0x21: {  	s3 =	sadd.s32 s3, s9;
	s6 =	sadd.s32 @!p0 $0x88, s6;
	s7 =	simm.s32 @p2 $0x1082  }
0x22: {  	[simem:s7], [sflag:s8] =	dma.local @!p0 [hbm:s6], $0xF7A  }
0x23: {  	s9 =	sor.u32 $0xD0000000, s2;
	s6 =	simm.s32 $0x108;
	_ =	swait.ge @!p0 [sflag:s8], $0x0  }
0x24: {  	s3 =	sadd.s32 $0x88, s3;
	s6 =	simm.s32 @!p1 $0x1082;
	[sflag:s4] =	ssyncset.s32 $0xFFFFF086  }
0x25: {  	[simem:s6], [sflag:s4] =	dma.local [hbm:s3], $0xF7A  }
0x26: {  	[smem:$0x3F99] =	sst s1;
	(tag) =	ssettag s2;
	_ =	strace s9  }
0x27: {  	s1 =	sld [smem:$0x3FA9]  }
0x28: {  	s2 =	sld [smem:$0x3FAA]  }
0x29: {  	s4 =	sld [smem:$0x3FAC]  }
0x2a: {  	p0 =	seq.s32 s5, $0x0;
	s5 =	sld [smem:$0x3FAD]  }
0x2b: {  	s6 =	sld [smem:$0x3FAE]  }
0x2c: {  	s7 =	sld [smem:$0x3FAF]  }
0x2d: {  	s3 =	simm.s32 $0x108;
	s8 =	sld [smem:$0x3FB0]  }
0x2e: {  	s3 =	simm.s32 @!p0 $0x1082;
	s9 =	sld [smem:$0x3FB1]  }
0x2f: {  	lr =	sadd.s32 s0, s3;
	s0 =	sld [smem:$0x3FA8]  }
0x30: {  	s3 =	sld [smem:$0x3FAB]  }
0x31: {  	[smem:$0x3FB4] =	sst s10  }
0x32: {  	s10 =	sld [smem:$0x3FB2];
	_ =	sdelay $0x3  }
0x33: {  	p0 =	seq.s32 s10, $0x1;
	s10 =	sld [smem:$0x3FB4];
	_ =	sdelay $0x3  }
0x34: {  	[smem:$0x3FB4] =	sst s10  }
0x35: {  	s10 =	sld [smem:$0x3FB3];
	_ =	sdelay $0x3  }
0x36: {  	p1 =	seq.s32 s10, $0x1;
	s10 =	sld [smem:$0x3FB4];
	_ =	sdelay $0x3  }
0x37: {  	[smem:$0x3FB4] =	sst s10  }
0x38: {  	s10 =	sld [smem:$0x3FB5]  }
0x39: {  	_ = 	snop;
	(pc) =	sbr.ind lr, $3  }
0x3a: {  	_ = 	snop  }
0x3b: {  	_ = 	snop  }
0x3c: {  	p2 =	seq.s32 s10, $0x1;
	s10 =	sld [smem:$0x3FB4]  }
0x3d: {  	_ =	shalt  }
0x3e: {  	_ =	shalt  }
0x3f: {  	_ =	shalt  }
0x40: {  	_ =	shalt  }
0x41: {  	_ =	shalt  }
0x42: {  	_ =	shalt  }
0x43: {  	_ =	shalt  }
0x44: {  	_ =	shalt  }
0x45: {  	_ =	shalt  }
0x46: {  	_ =	shalt  }
0x47: {  	_ =	shalt  }
0x48: {  	_ =	shalt  }
0x49: {  	_ =	shalt  }
0x4a: {  	_ =	shalt  }
0x4b: {  	_ =	shalt  }
0x4c: {  	_ =	shalt  }
0x4d: {  	_ =	shalt  }
0x4e: {  	_ =	shalt  }
0x4f: {  	_ =	shalt  }
0x50: {  	_ =	shalt  }
0x51: {  	_ =	shalt  }
0x52: {  	_ =	shalt  }
0x53: {  	_ =	shalt  }
0x54: {  	_ =	shalt  }
0x55: {  	_ =	shalt  }
0x56: {  	_ =	shalt  }
0x57: {  	_ =	shalt  }
0x58: {  	_ =	shalt  }
0x59: {  	_ =	shalt  }
0x5a: {  	_ =	shalt  }
0x5b: {  	_ =	shalt  }
0x5c: {  	_ =	shalt  }
0x5d: {  	_ =	shalt  }
0x5e: {  	_ =	shalt  }
0x5f: {  	_ =	shalt  }
0x60: {  	_ =	shalt  }
0x61: {  	_ =	shalt  }
0x62: {  	_ =	shalt  }
0x63: {  	_ =	shalt  }
0x64: {  	_ =	shalt  }
0x65: {  	_ =	shalt  }
0x66: {  	_ =	shalt  }
0x67: {  	_ =	shalt  }
0x68: {  	_ =	shalt  }
0x69: {  	_ =	shalt  }
0x6a: {  	_ =	shalt  }
0x6b: {  	_ =	shalt  }
0x6c: {  	_ =	shalt  }
0x6d: {  	_ =	shalt  }
0x6e: {  	_ =	shalt  }
0x6f: {  	_ =	shalt  }
0x70: {  	_ =	shalt  }
0x71: {  	_ =	shalt  }
0x72: {  	_ =	shalt  }
0x73: {  	_ =	shalt  }
0x74: {  	_ =	shalt  }
0x75: {  	_ =	shalt  }
0x76: {  	_ =	shalt  }
0x77: {  	_ =	shalt  }
0x78: {  	_ =	shalt  }
0x79: {  	_ =	shalt  }
0x7a: {  	_ =	shalt  }
0x7b: {  	_ =	shalt  }
0x7c: {  	_ =	shalt  }
0x7d: {  	_ =	shalt  }
0x7e: {  	_ =	shalt  }
0x7f: {  	_ =	shalt  }
0x80: {  	_ =	shalt  }
0x81: {  	_ =	shalt  }
0x82: {  	_ =	shalt  }
0x83: {  	_ =	shalt  }
0x84: {  	_ =	shalt  }
0x85: {  	_ =	shalt  }
0x86: {  	_ =	shalt  }
0x87: {  	_ =	shalt  }
.Lfunc_end0:
.L_simem_size_0:
called_computation_lowered:
.L_overlay_start_0:
0x88: {  	s2 =	sld [smem:$0x3FD9]  }
0x89: {  	s3 =	sld [smem:$0x3FFE];
	_ =	sdelay $0x1  }
0x8a: {  	s1 =	srdreg.scid  }
0x8b: {  	s0 =	sand.u32 $0x1, s1  }
0x8c: {  	s16 =	sshll.u32 s0, $0xA;
	s2 =	sadd.s32 s3, s2  }
0x8d: {  	s2 =	sadd.s32 s2, s16  }
0x8e: {  	[smem:$0x3FC0] =	sst s2  }
0x8f: {  	_ = 	snop  }
0x90: {  	(tm) =	ssettm $0x1  }
0x91: {  	s17 =	sld [smem:$0x3FFB];
	_ =	sdelay $0x3  }
0x92: {  	_ =	strace s17  }
0x93: {  	s2 =	sld [smem:$0x3FFC];
	_ =	sdelay $0x3  }
0x94: {  	_ =	strace s2  }
0x95: {  	s2 =	sld [smem:$0x3FFD];
	_ =	sdelay $0x3  }
0x96: {  	_ =	strace s2  }
0x97: {  	_ =	strace $0x8FFFFFFF  }
0x98: {  	s18 =	sld [smem:$0x3FDB];
	_ =	sdelay $0x1  }
0x99: {  	s19 =	simm.s32 $_scs_section_size  }
0x9a: {  	s4 =	simm.s32 $_size__tile_overlayer_lowered;
	s5 =	simm.s32 $_tile_overlayer_lowered  }
0x9b: {  	s22 =	simm.s32 $0x1BFF;
	s21 =	sshll.u32 s5, $0x1;
	s2 =	sadd.s32 s19, s18  }
0x9c: {  	s6 =	simm.s32 $0x0;
	s20 =	sshll.u32 s4, $0x1;
	s4 =	sadd.s32 s21, s2  }
0x9d: {  	[timem:s6], [sflag:s22] =	dma.local [hbm:s4], s20  }
0x9e: {  	_ =	swait.ge [sflag:s22], s20  }
0x9f: {  	s3 =	ssub.s32 $0x0, s20;
	[sflag:s22] =	ssyncset.done $0x0  }
0xa0: {  	[sflag:s22] =	ssyncadd.s32 s3;
	_ =	sdelay $0x1  }
0xa1: {  	s23 =	simm.s32 $0x1B8B  }
0xa2: {  	_ =	swait.ge [sflag:s23], $0x1  }
0xa3: {  	[sflag:s23] =	ssyncset.done $0x0  }
0xa4: {  	s25 =	simm.s32 $0x1B8E;
	s24 =	sld [smem:$0x3FFE];
	[sflag:s23] =	ssyncadd.s32 $0xFFFFFFFF  }
0xa5: {  	s26 =	simm.s32 $execute0_lowered;
	[smem:$0x3FD2] =	sst s25  }
0xa6: {  	s4 =	sshll.u32 s26, $0x1;
	_ =	strace $0x80000046;
	[dreg:$0x1] =	wrdreg $0xFFFFFFFF  }
0xa7: {  	s28 =	simm.s32 $_size_execute0_lowered;
	s2 =	sadd.s32 s2, s4;
	[dreg:$0x0] =	wrdreg $0x0  }
0xa8: {  	s4 =	sshll.u32 s28, $0x1;
	[dreg:$0x2] =	wrdreg s2  }
0xa9: {  	[dreg:$0x3] =	wrdreg s4  }
0xaa: {  	[dreg:$0x4] =	wrdreg $0xC0  }
0xab: {  	_ =	task [dreg:s6], $0x5FFFF  }
0xac: {  	[dreg:$0x1] =	wrdreg $0xFFFFFFFF  }
0xad: {  	[dreg:$0x0] =	wrdreg $0x60  }
0xae: {  	[dreg:$0x2] =	wrdreg s24  }
0xaf: {  	[dreg:$0x3] =	wrdreg $0x50000  }
0xb0: {  	[dreg:$0x4] =	wrdreg $0x9  }
0xb1: {  	_ =	task.clear_ibuf [dreg:s6], $0x5FFFF;
	_ =	strace $0x90000046  }
0xb2: {  	s29 =	simm.s32 $0x9;
	_ =	strace $0x80000048  }
0xb3: {  	_ =	swait.ge [sflag:s29], $0x1  }
0xb4: {  	[sflag:s29] =	ssyncadd.s32 $0xFFFFFFFF  }
0xb5: {  	_ =	strace $0x90000048  }
0xb6: {  	_ =	sfence  }
0xb7: {  	s30 =	sld [smem:$0x0];
	_ =	sdelay $0x2  }
0xb8: {  	s31 =	sshll.u32 s1, $0xD;
	s1 =	sshrl.u32 s1, $0x2  }
0xb9: {  	s3 =	sand.u32 $0x4000, s31;
	s1 =	sadd.s32 s1, s30  }
0xba: {  	s0 =	sor.u32 s3, s0;
	s1 =	sshll.u32 s1, $0x11  }
0xbb: {  	s0 =	sor.u32 s1, s0  }
0xbc: {  	s0 =	sadd.s32 $0x8F2B, s0  }
0xbd: {  	[sflag:s0] =	ssyncadd.remote.s32 $0x1  }
0xbe: {  	_ =	sfence.sel $0xFFFF  }
0xbf: {  	[dreg:$0x0] =	wrdreg $0xFFFFFFFF;
	(pc) =	sbr.abs _section_cstart, $3  }
0xc0: {  	[dreg:$0x1] =	wrdreg $0xFFFFFFFF  }
0xc1: {  	_ =	task.clear_ibuf [dreg:s6], $0x2FFFF;
	_ =	strace $0x9FFFFFFF  }
0xc2: {  	(tm) =	ssettm $0x7FFFFFFF  }
0xc3: {  	_ =	shalt  }
tec
execute0_lowered:
.L_overlay_start_1:
0x0: {  	(tag) =	ssettag $0x1  }
0x1: {  	s0 =	rddreg [dreg:$0x0]  }
0x2: {  	s1 =	rddreg [dreg:$0x1]  }
0x3: {  	s3 =	simm.s32 $0x0;
	s4 =	srdreg.scid;
	s2 =	stileid.u32  }
0x4: {  	s28 =	simm.s32 $0x80;
	s29 =	simm.s32 $0x0;
	[smem:$0x7FF] =	sst s3  }
0x5: {  	s9 =	sand.u32 $0x1, s4;
	s5 =	smul.u32 $0x4F000, s2;
	s19 =	sadd.s32 $0x2800, s0  }
0x6: {  	s10 =	smul.u32 $0x13C00, s2;
	s24 =	sadd.s32 $0xC800, s0;
	s0 =	sadd.s32 $0x16800, s0  }
0x7: {  	s17 =	smul.u32 $0x5000, s2;
	_ =	strace $0x80000047;
	s4 =	ssub.s32 $0x2, s9  }
0x8: {  	s16 =	smul.u32 $0x13C000, s9;
	p0 =	seq.s32 s9, $0x1;
	s6 =	sshrl.u32 s4, $0x1  }
0x9: {  	s21 =	sshrl.u32 s5, $0x2;
	s11 =	sadd.s32 $0x4000, s10;
	s12 =	sadd.s32 $0x8000, s10  }
0xa: {  	s13 =	sadd.s32 $0xC000, s10;
	s15 =	sadd.s32 $0x10000, s10;
	s20 =	sshrl.u32 s17, $0x3  }
0xb: {  	s14 =	ssub.s32 s4, s6;
	s4 =	sadd.s32 s21, s1;
	s5 =	sadd.s32 s11, s1  }
0xc: {  	s6 =	sadd.s32 s12, s1;
	s7 =	sadd.s32 s13, s1;
	s8 =	sadd.s32 s15, s1  }
0xd: {  	s22 =	sadd.s32 s10, s16;
	s23 =	sadd.s32 s16, s11;
	s25 =	sadd.s32 s16, s12  }
0xe: {  	s26 =	sadd.s32 s16, s13;
	s30 =	sadd.s32 s16, s15;
	s31 =	sadd.s32 $0x200, s20  }
0xf: {  	s15 =	sadd.s32 s19, s20;
	s9 =	sshrl.u32 s22, $0x3;
	s10 =	sshrl.u32 s23, $0x3  }
0x10: {  	s11 =	sshrl.u32 s25, $0x3;
	s12 =	sshrl.u32 s26, $0x3;
	s13 =	sshrl.u32 s30, $0x3  }
0x11: {  	s14 =	smax.u32 s14, $0x1;
	s16 =	sadd.s32 s19, s31;
	s22 =	sadd.s32 $0x400, s20  }
0x12: {  	s23 =	sadd.s32 $0x600, s20;
	s25 =	sadd.s32 $0x800, s20;
	s20 =	sadd.s32 s24, s20  }
.Ltmp0:
0x13: {  	s21 =	sadd.s32 s24, s31;
	s26 =	simm.s32 $0x1;
	(pc) =	sbr.rel .LBB2_1-.Ltmp0, $4  }
0x14: {  	s9 =	sadd.s32 s0, s9;
	s10 =	sadd.s32 s0, s10;
	s11 =	sadd.s32 s0, s11  }
0x15: {  	s12 =	sadd.s32 s0, s12;
	s13 =	sadd.s32 s0, s13;
	s17 =	sadd.s32 s19, s22  }
0x16: {  	s18 =	sadd.s32 s19, s23;
	s19 =	sadd.s32 s19, s25;
	s22 =	sadd.s32 s24, s22  }
0x17: {  	v0 =	vimm.f32 $0.0e+00;
	v1 =	vimm.f32 $1.000000000e+00;
	s23 =	sadd.s32 s24, s23;
	s24 =	sadd.s32 s24, s25;
	s25 =	simm.s32 $0x1000  }
.LBB2_16:
0x18: {  	[sflag:s26] =	ssyncadd.s32 $0xFFFFC000  }
.LBB2_28:
0x19: {  	[bflag:$0x0] =	sbarrier.arrive $0xFFFF  }
0x1a: {  	[tilespmem:s25], [sflag:$0x1] =	stream.linear.gather [spmem:s4], $0x4000, $0x38;
	[tilespmem:$0x18C00] =	vst v63  }
0x1b: {  	_ =	swait.ge [sflag:s26], $0x4000  }
0x1c: {  	[sflag:s26] =	ssyncset.done $0x0  }
0x1d: {  	[sflag:s26] =	ssyncadd.s32 $0xFFFFC000  }
0x1e: {  	[hbm4b:s9+s3] =	stream.linear.scatter [tilespmem:s25], [sflag:$0x1], $0x4000, $0x38;
	[tilespmem:$0x18C00] =	vst v63  }
0x1f: {  	_ =	swait.ge [sflag:s26], $0x4000  }
0x20: {  	[sflag:s26] =	ssyncset.done $0x0  }
0x21: {  	[sflag:s26] =	ssyncadd.s32 $0xFFFFC000  }
0x22: {  	[tilespmem:s25], [sflag:$0x1] =	stream.linear.gather [spmem:s5], $0x4000, $0x38;
	[tilespmem:$0x18C00] =	vst v63  }
0x23: {  	_ =	swait.ge [sflag:s26], $0x4000  }
0x24: {  	[sflag:s26] =	ssyncset.done $0x0  }
0x25: {  	[sflag:s26] =	ssyncadd.s32 $0xFFFFC000  }
0x26: {  	[hbm4b:s10+s3] =	stream.linear.scatter [tilespmem:s25], [sflag:$0x1], $0x4000, $0x38;
	[tilespmem:$0x18C00] =	vst v63  }
0x27: {  	_ =	swait.ge [sflag:s26], $0x4000  }
0x28: {  	[sflag:s26] =	ssyncset.done $0x0  }
0x29: {  	[sflag:s26] =	ssyncadd.s32 $0xFFFFC000  }
0x2a: {  	[tilespmem:s25], [sflag:$0x1] =	stream.linear.gather [spmem:s6], $0x4000, $0x38;
	[tilespmem:$0x18C00] =	vst v63  }
0x2b: {  	_ =	swait.ge [sflag:s26], $0x4000  }
0x2c: {  	[sflag:s26] =	ssyncset.done $0x0  }
0x2d: {  	[sflag:s26] =	ssyncadd.s32 $0xFFFFC000  }
0x2e: {  	[hbm4b:s11+s3] =	stream.linear.scatter [tilespmem:s25], [sflag:$0x1], $0x4000, $0x38;
	[tilespmem:$0x18C00] =	vst v63  }
0x2f: {  	_ =	swait.ge [sflag:s26], $0x4000  }
0x30: {  	[sflag:s26] =	ssyncset.done $0x0  }
0x31: {  	[sflag:s26] =	ssyncadd.s32 $0xFFFFC000  }
0x32: {  	[tilespmem:s25], [sflag:$0x1] =	stream.linear.gather [spmem:s7], $0x4000, $0x38;
	[tilespmem:$0x18C00] =	vst v63  }
0x33: {  	_ =	swait.ge [sflag:s26], $0x4000  }
0x34: {  	[sflag:s26] =	ssyncset.done $0x0  }
0x35: {  	[sflag:s26] =	ssyncadd.s32 $0xFFFFC000  }
0x36: {  	[hbm4b:s12+s3] =	stream.linear.scatter [tilespmem:s25], [sflag:$0x1], $0x4000, $0x38;
	[tilespmem:$0x18C00] =	vst v63  }
0x37: {  	_ =	swait.ge [sflag:s26], $0x4000  }
0x38: {  	[sflag:s26] =	ssyncset.done $0x0  }
0x39: {  	[sflag:s26] =	ssyncadd.s32 $0xFFFFC000  }
0x3a: {  	[tilespmem:s25], [sflag:$0x1] =	stream.linear.gather [spmem:s8], $0x3C00, $0x38;
	[tilespmem:$0x18C00] =	vst v63  }
0x3b: {  	s29 =	sadd.s32 $0x1, s29;
	_ =	swait.ge [sflag:s26], $0x3C00  }
0x3c: {  	p1 =	sne.s32 s29, s14;
	[sflag:s26] =	ssyncset.done $0x0  }
.Ltmp1:
0x3d: {  	[sflag:s26] =	ssyncadd.s32 $0xFFFFC400;
	(pc) =	sbr.rel @!p1 .LBB2_29-.Ltmp1, $4  }
0x3e: {  	[hbm4b:s13+s3] =	stream.linear.scatter [tilespmem:s25], [sflag:$0x1], $0x3C00, $0x38;
	[tilespmem:$0x18C00] =	vst v63  }
0x3f: {  	_ =	swait.ge [sflag:s26], $0x3C00  }
0x40: {  	[sflag:s26] =	ssyncset.done $0x0  }
0x41: {  	[sflag:s26] =	ssyncadd.s32 $0xFFFFC400  }
.LBB2_1:
0x42: {  	s0 =	sand.u32 $0xFE00, s3  }
0x43: {  	s31 =	sand.u32 $0x70, s3;
	s0 =	sshrl.u32 s0, $0x2  }
0x44: {  	s30 =	simm.s32 $0x40;
	s0 =	sor.u32 s31, s0;
	s31 =	simm.s32 $0x0  }
.LBB2_2:
0x45: {  	p1 =	sne.s32 s30, $0xFFC0  }
0x46: {  	[tilespmem:s0+$0x1000] =	vst v0;
	s31 =	sadd.s32 $0x10, s31;
	s0 =	smov.u32 s30;
	s30 =	sadd.s32 $0x40, s30  }
.Ltmp2:
0x47: {  	(pc) =	sbr.rel @p1 .LBB2_2-.Ltmp2, $4  }
0x48: {  	_ = 	snop  }
0x49: {  	s0 =	sand.u32 $0xFE00, s0  }
0x4a: {  	s2 =	sand.u32 $0x70, s31;
	s0 =	sshrl.u32 s0, $0x2  }
0x4b: {  	s0 =	sor.u32 s2, s0  }
0x4c: {  	[tilespmem:s0+$0x1000] =	vst v0  }
0x4d: {  	[spmem:s4] =	stream.linear.scatter [tilespmem:s25], [sflag:$0x1], $0x4000, $0x38;
	[tilespmem:$0x18C00] =	vst v63  }
0x4e: {  	_ =	swait.ge [sflag:s26], $0x4000  }
0x4f: {  	[sflag:s26] =	ssyncset.done $0x0  }
0x50: {  	[sflag:s26] =	ssyncadd.s32 $0xFFFFC000  }
0x51: {  	[spmem:s5] =	stream.linear.scatter [tilespmem:s25], [sflag:$0x1], $0x4000, $0x38;
	[tilespmem:$0x18C00] =	vst v63  }
0x52: {  	_ =	swait.ge [sflag:s26], $0x4000  }
0x53: {  	[sflag:s26] =	ssyncset.done $0x0  }
0x54: {  	[sflag:s26] =	ssyncadd.s32 $0xFFFFC000  }
0x55: {  	[spmem:s6] =	stream.linear.scatter [tilespmem:s25], [sflag:$0x1], $0x4000, $0x38;
	[tilespmem:$0x18C00] =	vst v63  }
0x56: {  	_ =	swait.ge [sflag:s26], $0x4000  }
0x57: {  	[sflag:s26] =	ssyncset.done $0x0  }
0x58: {  	[sflag:s26] =	ssyncadd.s32 $0xFFFFC000  }
0x59: {  	[spmem:s7] =	stream.linear.scatter [tilespmem:s25], [sflag:$0x1], $0x4000, $0x38;
	[tilespmem:$0x18C00] =	vst v63  }
0x5a: {  	_ =	swait.ge [sflag:s26], $0x4000  }
0x5b: {  	[sflag:s26] =	ssyncset.done $0x0  }
0x5c: {  	s30 =	simm.s32 $0x0;
	[sflag:s26] =	ssyncadd.s32 $0xFFFFC000  }
0x5d: {  	[spmem:s8] =	stream.linear.scatter [tilespmem:s25], [sflag:$0x1], $0x3C00, $0x38;
	[tilespmem:$0x18C00] =	vst v63  }
0x5e: {  	s0 =	sand.u32 $0xFE00, s30;
	_ =	swait.ge [sflag:s26], $0x3C00  }
0x5f: {  	s2 =	sand.u32 $0x70, s30;
	s0 =	sshrl.u32 s0, $0x2;
	[sflag:s26] =	ssyncset.done $0x0  }
0x60: {  	s31 =	simm.s32 $0x40;
	s0 =	sor.u32 s2, s0;
	[sflag:s26] =	ssyncadd.s32 $0xFFFFC400  }
.LBB2_4:
0x61: {  	p1 =	sne.s32 s31, $0xFFC0  }
0x62: {  	[tilespmem:s0+$0x1000] =	vst v1;
	s30 =	sadd.s32 $0x10, s30;
	s0 =	smov.u32 s31;
	s31 =	sadd.s32 $0x40, s31  }
.Ltmp3:
0x63: {  	(pc) =	sbr.rel @p1 .LBB2_4-.Ltmp3, $4  }
0x64: {  	_ = 	snop  }
0x65: {  	s0 =	sand.u32 $0xFE00, s0  }
0x66: {  	s2 =	sand.u32 $0x70, s30;
	s0 =	sshrl.u32 s0, $0x2  }
0x67: {  	s0 =	sor.u32 s2, s0  }
.Ltmp4:
0x68: {  	(pc) =	sbr.rel @!p0 .LBB2_6-.Ltmp4, $4  }
0x69: {  	_ = 	snop  }
0x6a: {  	[tilespmem:s0+$0x1000] =	vst v1  }
0x6b: {  	[bflag:$0x0] =	sbarrier.arrive $0xFFFF  }
0x6c: {  	s0 =	simm.s32 $0x0  }
0x6d: {  	[tilespmem:s0], [sflag:$0x1] =	stream.linear.gather [hbm4b:s20+s0], $0x1000, $0x38;
	[tilespmem:$0x18C00] =	vst v63  }
0x6e: {  	_ =	swait.ge [sflag:s26], $0x1000  }
0x6f: {  	[sflag:s26] =	ssyncset.done $0x0  }
0x70: {  	s31 =	simm.s32 $0x0;
	[sflag:s26] =	ssyncadd.s32 $0xFFFFF000  }
0x71: {  	[spmem:s1] =	stream.indirect.scatter.add.f32 [tilespmem:s25], [sflag:$0x1], $0x80, s31, s28, $0xb8;
	[tilespmem:$0x18C00] =	vst v63  }
0x72: {  	_ =	swait.ge [sflag:s26], $0x4000  }
0x73: {  	s30 =	simm.s32 $0x200;
	[sflag:s26] =	ssyncset.done $0x0  }
.LBB2_18:
0x74: {  	s0 =	sshra.s32 s30, $0x2;
	[sflag:s26] =	ssyncadd.s32 $0xFFFFC000;
	p1 =	sne.s32 s30, $0x3E00  }
0x75: {  	[spmem:s1] =	stream.indirect.scatter.add.f32 [tilespmem:s25], [sflag:$0x1], $0x80, s0, s28, $0xb8;
	[tilespmem:$0x18C00] =	vst v63  }
.Ltmp5:
0x76: {  	_ = 	snop;
	(pc) =	sbr.rel @p1 .LBB2_18-.Ltmp5, $4  }
0x77: {  	_ = 	snop  }
0x78: {  	s30 =	sadd.s32 $0x200, s30  }
0x79: {  	_ =	swait.ge [sflag:s26], $0x4000  }
0x7a: {  	[sflag:s26] =	ssyncset.done $0x0  }
0x7b: {  	[sflag:s26] =	ssyncadd.s32 $0xFFFFC000;
	s0 =	simm.s32 $0x0  }
0x7c: {  	[tilespmem:s0], [sflag:$0x1] =	stream.linear.gather [hbm4b:s21+s0], $0x1000, $0x38;
	[tilespmem:$0x18C00] =	vst v63  }
0x7d: {  	_ =	swait.ge [sflag:s26], $0x1000  }
0x7e: {  	[sflag:s26] =	ssyncset.done $0x0  }
0x7f: {  	s31 =	simm.s32 $0x0;
	[sflag:s26] =	ssyncadd.s32 $0xFFFFF000  }
0x80: {  	[spmem:s1] =	stream.indirect.scatter.add.f32 [tilespmem:s25], [sflag:$0x1], $0x80, s31, s28, $0xb8;
	[tilespmem:$0x18C00] =	vst v63  }
0x81: {  	_ =	swait.ge [sflag:s26], $0x4000  }
0x82: {  	s30 =	simm.s32 $0x200;
	[sflag:s26] =	ssyncset.done $0x0  }
.LBB2_20:
0x83: {  	s0 =	sshra.s32 s30, $0x2;
	[sflag:s26] =	ssyncadd.s32 $0xFFFFC000;
	p1 =	sne.s32 s30, $0x3E00  }
0x84: {  	[spmem:s1] =	stream.indirect.scatter.add.f32 [tilespmem:s25], [sflag:$0x1], $0x80, s0, s28, $0xb8;
	[tilespmem:$0x18C00] =	vst v63  }
.Ltmp6:
0x85: {  	_ = 	snop;
	(pc) =	sbr.rel @p1 .LBB2_20-.Ltmp6, $4  }
0x86: {  	_ = 	snop  }
0x87: {  	s30 =	sadd.s32 $0x200, s30  }
0x88: {  	_ =	swait.ge [sflag:s26], $0x4000  }
0x89: {  	[sflag:s26] =	ssyncset.done $0x0  }
0x8a: {  	[sflag:s26] =	ssyncadd.s32 $0xFFFFC000;
	s0 =	simm.s32 $0x0  }
0x8b: {  	[tilespmem:s0], [sflag:$0x1] =	stream.linear.gather [hbm4b:s22+s0], $0x1000, $0x38;
	[tilespmem:$0x18C00] =	vst v63  }
0x8c: {  	_ =	swait.ge [sflag:s26], $0x1000  }
0x8d: {  	[sflag:s26] =	ssyncset.done $0x0  }
0x8e: {  	s31 =	simm.s32 $0x0;
	[sflag:s26] =	ssyncadd.s32 $0xFFFFF000  }
0x8f: {  	[spmem:s1] =	stream.indirect.scatter.add.f32 [tilespmem:s25], [sflag:$0x1], $0x80, s31, s28, $0xb8;
	[tilespmem:$0x18C00] =	vst v63  }
0x90: {  	_ =	swait.ge [sflag:s26], $0x4000  }
0x91: {  	s30 =	simm.s32 $0x200;
	[sflag:s26] =	ssyncset.done $0x0  }
.LBB2_22:
0x92: {  	s0 =	sshra.s32 s30, $0x2;
	[sflag:s26] =	ssyncadd.s32 $0xFFFFC000;
	p1 =	sne.s32 s30, $0x3E00  }
0x93: {  	[spmem:s1] =	stream.indirect.scatter.add.f32 [tilespmem:s25], [sflag:$0x1], $0x80, s0, s28, $0xb8;
	[tilespmem:$0x18C00] =	vst v63  }
.Ltmp7:
0x94: {  	_ = 	snop;
	(pc) =	sbr.rel @p1 .LBB2_22-.Ltmp7, $4  }
0x95: {  	_ = 	snop  }
0x96: {  	s30 =	sadd.s32 $0x200, s30  }
0x97: {  	_ =	swait.ge [sflag:s26], $0x4000  }
0x98: {  	[sflag:s26] =	ssyncset.done $0x0  }
0x99: {  	[sflag:s26] =	ssyncadd.s32 $0xFFFFC000;
	s0 =	simm.s32 $0x0  }
0x9a: {  	[tilespmem:s0], [sflag:$0x1] =	stream.linear.gather [hbm4b:s23+s0], $0x1000, $0x38;
	[tilespmem:$0x18C00] =	vst v63  }
0x9b: {  	_ =	swait.ge [sflag:s26], $0x1000  }
0x9c: {  	[sflag:s26] =	ssyncset.done $0x0  }
0x9d: {  	s31 =	simm.s32 $0x0;
	[sflag:s26] =	ssyncadd.s32 $0xFFFFF000  }
0x9e: {  	[spmem:s1] =	stream.indirect.scatter.add.f32 [tilespmem:s25], [sflag:$0x1], $0x80, s31, s28, $0xb8;
	[tilespmem:$0x18C00] =	vst v63  }
0x9f: {  	_ =	swait.ge [sflag:s26], $0x4000  }
0xa0: {  	s30 =	simm.s32 $0x200;
	[sflag:s26] =	ssyncset.done $0x0  }
.LBB2_24:
0xa1: {  	s0 =	sshra.s32 s30, $0x2;
	[sflag:s26] =	ssyncadd.s32 $0xFFFFC000;
	p1 =	sne.s32 s30, $0x3E00  }
0xa2: {  	[spmem:s1] =	stream.indirect.scatter.add.f32 [tilespmem:s25], [sflag:$0x1], $0x80, s0, s28, $0xb8;
	[tilespmem:$0x18C00] =	vst v63  }
.Ltmp8:
0xa3: {  	_ = 	snop;
	(pc) =	sbr.rel @p1 .LBB2_24-.Ltmp8, $4  }
0xa4: {  	_ = 	snop  }
0xa5: {  	s30 =	sadd.s32 $0x200, s30  }
0xa6: {  	_ =	swait.ge [sflag:s26], $0x4000  }
0xa7: {  	[sflag:s26] =	ssyncset.done $0x0  }
0xa8: {  	[sflag:s26] =	ssyncadd.s32 $0xFFFFC000;
	s0 =	simm.s32 $0x0  }
0xa9: {  	[tilespmem:s0], [sflag:$0x1] =	stream.linear.gather [hbm4b:s24+s0], $0x1000, $0x38;
	[tilespmem:$0x18C00] =	vst v63  }
0xaa: {  	_ =	swait.ge [sflag:s26], $0x1000  }
0xab: {  	[sflag:s26] =	ssyncset.done $0x0  }
0xac: {  	s31 =	simm.s32 $0x0;
	[sflag:s26] =	ssyncadd.s32 $0xFFFFF000  }
0xad: {  	[spmem:s1] =	stream.indirect.scatter.add.f32 [tilespmem:s25], [sflag:$0x1], $0x80, s31, s28, $0xb8;
	[tilespmem:$0x18C00] =	vst v63  }
0xae: {  	_ =	swait.ge [sflag:s26], $0x4000  }
0xaf: {  	s30 =	simm.s32 $0x200;
	[sflag:s26] =	ssyncset.done $0x0  }
.LBB2_26:
0xb0: {  	s0 =	sshra.s32 s30, $0x2;
	[sflag:s26] =	ssyncadd.s32 $0xFFFFC000;
	p1 =	sne.s32 s30, $0x3E00  }
0xb1: {  	[spmem:s1] =	stream.indirect.scatter.add.f32 [tilespmem:s25], [sflag:$0x1], $0x80, s0, s28, $0xb8;
	[tilespmem:$0x18C00] =	vst v63  }
.Ltmp9:
0xb2: {  	_ = 	snop;
	(pc) =	sbr.rel @p1 .LBB2_26-.Ltmp9, $4  }
0xb3: {  	_ = 	snop  }
0xb4: {  	s30 =	sadd.s32 $0x200, s30  }
0xb5: {  	_ =	swait.ge [sflag:s26], $0x4000  }
0xb6: {  	[sflag:s26] =	ssyncset.done $0x0  }
.Ltmp10:
0xb7: {  	(pc) =	sbr.rel .LBB2_28-.Ltmp10, $2  }
0xb8: {  	_ =	sdelay $0x2  }
0xb9: {  	[sflag:s26] =	ssyncadd.s32 $0xFFFFC000  }
.LBB2_6:
0xba: {  	[tilespmem:s0], [sflag:$0x1] =	stream.linear.gather [hbm4b:s15+s0], $0x1000, $0x38;
	[tilespmem:$0x18C00] =	vst v63  }
0xbb: {  	_ =	swait.ge [sflag:s26], $0x1000  }
0xbc: {  	[sflag:s26] =	ssyncset.done $0x0  }
0xbd: {  	s31 =	simm.s32 $0x0;
	[sflag:s26] =	ssyncadd.s32 $0xFFFFF000  }
0xbe: {  	[spmem:s1] =	stream.indirect.scatter.add.f32 [tilespmem:s25], [sflag:$0x1], $0x80, s31, s28, $0xb8;
	[tilespmem:$0x18C00] =	vst v63  }
0xbf: {  	_ =	swait.ge [sflag:s26], $0x4000  }
0xc0: {  	s30 =	simm.s32 $0x200;
	[sflag:s26] =	ssyncset.done $0x0  }
.LBB2_7:
0xc1: {  	s0 =	sshra.s32 s30, $0x2;
	[sflag:s26] =	ssyncadd.s32 $0xFFFFC000;
	p1 =	sne.s32 s30, $0x3E00  }
0xc2: {  	[spmem:s1] =	stream.indirect.scatter.add.f32 [tilespmem:s25], [sflag:$0x1], $0x80, s0, s28, $0xb8;
	[tilespmem:$0x18C00] =	vst v63  }
.Ltmp11:
0xc3: {  	_ = 	snop;
	(pc) =	sbr.rel @p1 .LBB2_7-.Ltmp11, $4  }
0xc4: {  	_ = 	snop  }
0xc5: {  	s30 =	sadd.s32 $0x200, s30  }
0xc6: {  	_ =	swait.ge [sflag:s26], $0x4000  }
0xc7: {  	[sflag:s26] =	ssyncset.done $0x0  }
0xc8: {  	[sflag:s26] =	ssyncadd.s32 $0xFFFFC000;
	s0 =	simm.s32 $0x0  }
0xc9: {  	[tilespmem:s0], [sflag:$0x1] =	stream.linear.gather [hbm4b:s16+s0], $0x1000, $0x38;
	[tilespmem:$0x18C00] =	vst v63  }
0xca: {  	_ =	swait.ge [sflag:s26], $0x1000  }
0xcb: {  	[sflag:s26] =	ssyncset.done $0x0  }
0xcc: {  	s31 =	simm.s32 $0x0;
	[sflag:s26] =	ssyncadd.s32 $0xFFFFF000  }
0xcd: {  	[spmem:s1] =	stream.indirect.scatter.add.f32 [tilespmem:s25], [sflag:$0x1], $0x80, s31, s28, $0xb8;
	[tilespmem:$0x18C00] =	vst v63  }
0xce: {  	_ =	swait.ge [sflag:s26], $0x4000  }
0xcf: {  	s30 =	simm.s32 $0x200;
	[sflag:s26] =	ssyncset.done $0x0  }
.LBB2_9:
0xd0: {  	s0 =	sshra.s32 s30, $0x2;
	[sflag:s26] =	ssyncadd.s32 $0xFFFFC000;
	p1 =	sne.s32 s30, $0x3E00  }
0xd1: {  	[spmem:s1] =	stream.indirect.scatter.add.f32 [tilespmem:s25], [sflag:$0x1], $0x80, s0, s28, $0xb8;
	[tilespmem:$0x18C00] =	vst v63  }
.Ltmp12:
0xd2: {  	_ = 	snop;
	(pc) =	sbr.rel @p1 .LBB2_9-.Ltmp12, $4  }
0xd3: {  	_ = 	snop  }
0xd4: {  	s30 =	sadd.s32 $0x200, s30  }
0xd5: {  	_ =	swait.ge [sflag:s26], $0x4000  }
0xd6: {  	[sflag:s26] =	ssyncset.done $0x0  }
0xd7: {  	[sflag:s26] =	ssyncadd.s32 $0xFFFFC000;
	s0 =	simm.s32 $0x0  }
0xd8: {  	[tilespmem:s0], [sflag:$0x1] =	stream.linear.gather [hbm4b:s17+s0], $0x1000, $0x38;
	[tilespmem:$0x18C00] =	vst v63  }
0xd9: {  	_ =	swait.ge [sflag:s26], $0x1000  }
0xda: {  	[sflag:s26] =	ssyncset.done $0x0  }
0xdb: {  	s31 =	simm.s32 $0x0;
	[sflag:s26] =	ssyncadd.s32 $0xFFFFF000  }
0xdc: {  	[spmem:s1] =	stream.indirect.scatter.add.f32 [tilespmem:s25], [sflag:$0x1], $0x80, s31, s28, $0xb8;
	[tilespmem:$0x18C00] =	vst v63  }
0xdd: {  	_ =	swait.ge [sflag:s26], $0x4000  }
0xde: {  	s30 =	simm.s32 $0x200;
	[sflag:s26] =	ssyncset.done $0x0  }
.LBB2_11:
0xdf: {  	s0 =	sshra.s32 s30, $0x2;
	[sflag:s26] =	ssyncadd.s32 $0xFFFFC000;
	p1 =	sne.s32 s30, $0x3E00  }
0xe0: {  	[spmem:s1] =	stream.indirect.scatter.add.f32 [tilespmem:s25], [sflag:$0x1], $0x80, s0, s28, $0xb8;
	[tilespmem:$0x18C00] =	vst v63  }
.Ltmp13:
0xe1: {  	_ = 	snop;
	(pc) =	sbr.rel @p1 .LBB2_11-.Ltmp13, $4  }
0xe2: {  	_ = 	snop  }
0xe3: {  	s30 =	sadd.s32 $0x200, s30  }
0xe4: {  	_ =	swait.ge [sflag:s26], $0x4000  }
0xe5: {  	[sflag:s26] =	ssyncset.done $0x0  }
0xe6: {  	[sflag:s26] =	ssyncadd.s32 $0xFFFFC000;
	s0 =	simm.s32 $0x0  }
0xe7: {  	[tilespmem:s0], [sflag:$0x1] =	stream.linear.gather [hbm4b:s18+s0], $0x1000, $0x38;
	[tilespmem:$0x18C00] =	vst v63  }
0xe8: {  	_ =	swait.ge [sflag:s26], $0x1000  }
0xe9: {  	[sflag:s26] =	ssyncset.done $0x0  }
0xea: {  	s31 =	simm.s32 $0x0;
	[sflag:s26] =	ssyncadd.s32 $0xFFFFF000  }
0xeb: {  	[spmem:s1] =	stream.indirect.scatter.add.f32 [tilespmem:s25], [sflag:$0x1], $0x80, s31, s28, $0xb8;
	[tilespmem:$0x18C00] =	vst v63  }
0xec: {  	_ =	swait.ge [sflag:s26], $0x4000  }
0xed: {  	s30 =	simm.s32 $0x200;
	[sflag:s26] =	ssyncset.done $0x0  }
.LBB2_13:
0xee: {  	s0 =	sshra.s32 s30, $0x2;
	[sflag:s26] =	ssyncadd.s32 $0xFFFFC000;
	p1 =	sne.s32 s30, $0x3E00  }
0xef: {  	[spmem:s1] =	stream.indirect.scatter.add.f32 [tilespmem:s25], [sflag:$0x1], $0x80, s0, s28, $0xb8;
	[tilespmem:$0x18C00] =	vst v63  }
.Ltmp14:
0xf0: {  	_ = 	snop;
	(pc) =	sbr.rel @p1 .LBB2_13-.Ltmp14, $4  }
0xf1: {  	_ = 	snop  }
0xf2: {  	s30 =	sadd.s32 $0x200, s30  }
0xf3: {  	_ =	swait.ge [sflag:s26], $0x4000  }
0xf4: {  	[sflag:s26] =	ssyncset.done $0x0  }
0xf5: {  	[sflag:s26] =	ssyncadd.s32 $0xFFFFC000;
	s0 =	simm.s32 $0x0  }
0xf6: {  	[tilespmem:s0], [sflag:$0x1] =	stream.linear.gather [hbm4b:s19+s0], $0x1000, $0x38;
	[tilespmem:$0x18C00] =	vst v63  }
0xf7: {  	_ =	swait.ge [sflag:s26], $0x1000  }
0xf8: {  	[sflag:s26] =	ssyncset.done $0x0  }
0xf9: {  	s31 =	simm.s32 $0x0;
	[sflag:s26] =	ssyncadd.s32 $0xFFFFF000  }
0xfa: {  	[spmem:s1] =	stream.indirect.scatter.add.f32 [tilespmem:s25], [sflag:$0x1], $0x80, s31, s28, $0xb8;
	[tilespmem:$0x18C00] =	vst v63  }
0xfb: {  	_ =	swait.ge [sflag:s26], $0x4000  }
0xfc: {  	s30 =	simm.s32 $0x200;
	[sflag:s26] =	ssyncset.done $0x0  }
.LBB2_15:
0xfd: {  	s0 =	sshra.s32 s30, $0x2;
	[sflag:s26] =	ssyncadd.s32 $0xFFFFC000;
	p1 =	seq.s32 s30, $0x3E00  }
0xfe: {  	[spmem:s1] =	stream.indirect.scatter.add.f32 [tilespmem:s25], [sflag:$0x1], $0x80, s0, s28, $0xb8;
	[tilespmem:$0x18C00] =	vst v63  }
.Ltmp15:
0xff: {  	_ = 	snop;
	(pc) =	sbr.rel @!p1 .LBB2_15-.Ltmp15, $4  }
0x100: {  	_ = 	snop  }
0x101: {  	s30 =	sadd.s32 $0x200, s30  }
0x102: {  	_ =	swait.ge [sflag:s26], $0x4000  }
0x103: {  	[sflag:s26] =	ssyncset.done $0x0  }
.Ltmp16:
0x104: {  	_ = 	snop;
	(pc) =	sbr.rel .LBB2_16-.Ltmp16, $1  }
0x105: {  	_ =	sdelay $0x3  }
.LBB2_29:
0x106: {  	_ =	sfence.sel $0x180000  }
0x107: {  	[bflag:$0x0] =	sbarrier.arrive $0xFFFF  }
0x108: {  	_ =	strace $0x90000047  }
0x109: {  	s0 =	stileid.u32;
	[bflag:$0x2] =	sbarrier.arrive $0xFFFF  }
0x10a: {  	p0 =	sne.s32 s0, $0x0;
	s0 =	rddreg [dreg:$0x2]  }
0x10b: {  	s0 =	sadd.s32 @!p0 $0x100000, s0  }
0x10c: {  	[sflag:s0] =	ssyncadd.tile.s32 @!p0 $0x1;
	_ =	shalt  }
.Lfunc_end2:
_tile_overlayer_lowered:
.L_overlay_start_2:
0x10d: {  	(tag) =	ssettag $0x2  }
0x10e: {  	s0 =	rddreg [dreg:$0x0];
	s2 =	stileid.u32  }
0x10f: {  	s1 =	rddreg [dreg:$0x1];
	p0 =	sne.s32 s2, $0x0  }
0x110: {  	s3 =	rddreg [dreg:$0x2];
	[bflag:$0x3] =	sbarrier.arrive $0xFFFF;
	s2 =	simm.s32 @!p0 $0x1C01  }
0x111: {  	[timem:s3], [sflag:s2] =	dma.local @!p0 [hbm:s0], s1  }
0x112: {  	s0 =	simm.s32 @!p0 $0x1  }
0x113: {  	_ =	swait.ge @!p0 [sflag:s0], s1  }
0x114: {  	s1 =	ssub.s32 @!p0 $0x0, s1;
	[sflag:s0] =	ssyncset.done @!p0 $0x0  }
0x115: {  	[sflag:s0] =	ssyncadd.s32 @!p0 s1  }
0x116: {  	[bflag:$0x3] =	sbarrier.arrive $0xFFFF  }
0x117: {  	_ =	shalt  }

</sc_bundles>
